<compile_context>
chip_gen: v7x
topology: tpu7x:2x2x1
jax: 0.10.2.dev20260603
libtpu: 0.0.44.dev20260713+nightly
codegen_flags: <defaults>
</compile_context>

<pallas_src>
import functools

import jax
import jax.numpy as jnp
from jax import lax
from jax.experimental import pallas as pl
from jax.experimental.pallas import tpu as pltpu
from jax.experimental.pallas import tpu_sc as plsc

EMB = 32
BATCH = 16384
CTX = 20

NC = 2
NS = 16
NW = NC * NS
BW = BATCH // NW
C = 64
RC = C * CTX
NCHUNK = BW // C


def _cbow_body(x_hbm, table_hbm, out_hbm, idx_v, rows_v, out_v, sems):
    wid = lax.axis_index("s") * NC + lax.axis_index("c")
    inv = jnp.float32(1.0 / CTX)
    pltpu.sync_copy(x_hbm.at[pl.ds(wid * BW * CTX, BW * CTX)], idx_v)

    def fire(c):
        buf = c % 2
        return pltpu.async_copy(
            table_hbm.at[idx_v.at[pl.ds(c * RC, RC)]],
            rows_v.at[buf],
            sems.at[buf],
        )

    def reduce_store(c):
        buf = c % 2

        def body(i, carry):
            acc0 = jnp.zeros((16,), jnp.float32)
            acc1 = jnp.zeros((16,), jnp.float32)
            for j in range(CTX):
                r = i * CTX + j
                acc0 = acc0 + rows_v[buf, r, pl.ds(0, 16)]
                acc1 = acc1 + rows_v[buf, r, pl.ds(16, 16)]
            out_v[i, pl.ds(0, 16)] = acc0 * inv
            out_v[i, pl.ds(16, 16)] = acc1 * inv
            return carry

        lax.fori_loop(0, C, body, 0)
        pltpu.sync_copy(out_v, out_hbm.at[pl.ds(wid * BW + c * C, C)])

    pending = fire(0)
    for c in range(NCHUNK):
        nxt = fire(c + 1) if c + 1 < NCHUNK else None
        pending.wait()
        reduce_store(c)
        pending = nxt


def kernel(x, table):
    x1d = x.astype(jnp.int32).reshape(BATCH * CTX)
    mesh = plsc.VectorSubcoreMesh(core_axis_name="c", subcore_axis_name="s")
    f = functools.partial(
        pl.kernel,
        mesh=mesh,
        compiler_params=pltpu.CompilerParams(use_tc_tiling_on_sc=False),
        out_type=jax.ShapeDtypeStruct((BATCH, EMB), jnp.float32),
        scratch_types=[
            pltpu.VMEM((BW * CTX,), jnp.int32),
            pltpu.VMEM((2, RC, EMB), jnp.float32),
            pltpu.VMEM((C, EMB), jnp.float32),
            pltpu.SemaphoreType.DMA((2,)),
        ],
    )(_cbow_body)
    return f(x1d, table)

# --- scband reference (transcript-rebuilt; emitter-appended) ---
"""Pipeline reference for scband-cbow-11793980195375 (READ-ONLY COPY).

The authoritative reference and input builder live on the scoring server;
editing this copy changes nothing except your own understanding.
"""

import jax, jax.numpy as jnp
import numpy as np

V_DIM = 1000000
EMB_DIM = 32
BATCH = 16384
CTX = 20

def setup_inputs(seed: int = 0) -> dict:
    key = jax.random.key(seed)
    k1, k2 = jax.random.split(key)
    x = jax.random.randint(k1, (BATCH, CTX), 0, V_DIM, dtype=jnp.int64 if jax.config.jax_enable_x64 else jnp.int32)
    table = jax.random.normal(k2, (V_DIM, EMB_DIM), dtype=jnp.float32)
    return {"x": x, "table": table}

def reference(x, table):
    # o = self.embeddings(x)
    o = jnp.take(table, x, axis=0)          # [B, CTX, EMB]
    # o = torch.mean(o, dim=1)
    o = jnp.mean(o, axis=1)                  # [B, EMB]
    return o

if __name__ == "__main__":
    import jax
    _d = setup_inputs()
    print(jax.jit(kernel)(*tuple(_d.values())))

</pallas_src>

<mosaic_0001>
#map = affine_map<(d0, d1) -> (0)>
#map1 = affine_map<(d0, d1) -> (0, 0)>
module attributes {stable_mosaic.version = 14 : i64} {
  func.func @_cbow_body(%arg0: i32, %arg1: i32, %arg2: memref<327680xi32, #tpu.memory_space<hbm>>, %arg3: memref<1000000x32xf32, #tpu.memory_space<hbm>>, %arg4: memref<16384x32xf32, #tpu.memory_space<hbm>>, %arg5: memref<10240xi32, #tpu.memory_space<vmem>>, %arg6: memref<2x1280x32xf32, #tpu.memory_space<vmem>>, %arg7: memref<64x32xf32, #tpu.memory_space<vmem>>, %arg8: memref<2x!tpu.dma_semaphore, #tpu.memory_space<semaphore_mem>>) attributes {dimension_semantics = [#tpu.dimension_semantics<core_parallel>, #tpu.dimension_semantics<subcore_parallel>], iteration_bounds = array<i64: 2, 16>, scalar_prefetch = 0 : i64, scratch_operands = 4 : i64, tpu.core_type = #tpu.core_type<sc_vector_subcore>, window_params = [{transform_indices = #map}, {transform_indices = #map1}, {transform_indices = #map1}]} {
    %mul3A = arith.constant 2 : i32
    %mul3A_0 = arith.muli %arg1, %mul3A : i32
    %add3A = arith.addi %mul3A_0, %arg0 : i32
    %mul3A_1 = arith.constant 512 : i32
    %mul3A_2 = arith.muli %add3A, %mul3A_1 : i32
    %mul3A_3 = arith.constant 20 : i32
    %mul3A_4 = arith.muli %mul3A_2, %mul3A_3 : i32
    "tpu.region"() ({
      %run_scoped3A = tpu.sem_alloc : memref<!tpu.dma_semaphore, #tpu.memory_space<semaphore_mem>>
      %dma_start3A_298 = tpu.memref_slice %arg2[%mul3A_4] : memref<327680xi32, #tpu.memory_space<hbm>> -> memref<10240xi32, #tpu.memory_space<hbm>>
      %dma_start3A_299 = tpu.memref_slice %arg2[%mul3A_4] : memref<327680xi32, #tpu.memory_space<hbm>> -> memref<10240xi32, #tpu.memory_space<hbm>>
      tpu.enqueue_dma source(%dma_start3A_299 : memref<10240xi32, #tpu.memory_space<hbm>>) target(%arg5 : memref<10240xi32, #tpu.memory_space<vmem>>) target_semaphore(%run_scoped3A : memref<!tpu.dma_semaphore, #tpu.memory_space<semaphore_mem>>)
      %dma_wait3A_300 = tpu.memref_slice %arg2[%mul3A_4] : memref<327680xi32, #tpu.memory_space<hbm>> -> memref<10240xi32, #tpu.memory_space<hbm>>
      %dma_wait3A_301 = tpu.memref_slice %arg2[%mul3A_4] : memref<327680xi32, #tpu.memory_space<hbm>> -> memref<10240xi32, #tpu.memory_space<hbm>>
      tpu.wait_dma2 semaphore(%run_scoped3A : memref<!tpu.dma_semaphore, #tpu.memory_space<semaphore_mem>>) src(%dma_wait3A_301 : memref<10240xi32, #tpu.memory_space<hbm>>) dst(%arg5 : memref<10240xi32, #tpu.memory_space<vmem>>)
      tpu.yield
    }) : () -> ()
    %dma_start3A = arith.constant 0 : i32
    %dma_start3A_5 = arith.constant 0 : i32
    %dma_start3A_6 = arith.constant 0 : i32
    %dma_start3A_7 = arith.constant 0 : i32
    %dma_start3A_8 = tpu.memref_slice %arg6[%dma_start3A, %dma_start3A_6, %dma_start3A_7] : memref<2x1280x32xf32, #tpu.memory_space<vmem>> -> memref<1x1280x32xf32, #tpu.memory_space<vmem>>
    %dma_start3A_9 = tpu.memref_squeeze %dma_start3A_8 : memref<1x1280x32xf32, #tpu.memory_space<vmem>> -> memref<1280x32xf32, #tpu.memory_space<vmem>>
    %dma_start3A_10 = arith.constant 0 : i32
    %dma_start3A_11 = tpu.memref_slice %arg5[%dma_start3A_10] : memref<10240xi32, #tpu.memory_space<vmem>> -> memref<1280xi32, #tpu.memory_space<vmem>>
    %dma_start3A_12 = arith.constant 0 : i32
    %dma_start3A_13 = arith.constant 0 : i32
    %dma_start3A_14 = tpu.memref_slice %arg3[%dma_start3A_12, %dma_start3A_13] : memref<1000000x32xf32, #tpu.memory_space<hbm>> -> memref<1000000x32xf32, #tpu.memory_space<hbm>>
    %dma_start3A_15 = tpu.memref_slice %arg8[%dma_start3A_5] : memref<2x!tpu.dma_semaphore, #tpu.memory_space<semaphore_mem>> -> memref<1x!tpu.dma_semaphore, #tpu.memory_space<semaphore_mem>>
    %dma_start3A_16 = tpu.memref_squeeze %dma_start3A_15 : memref<1x!tpu.dma_semaphore, #tpu.memory_space<semaphore_mem>> -> memref<!tpu.dma_semaphore, #tpu.memory_space<semaphore_mem>>
    tpu.enqueue_indirect_dma source(%dma_start3A_14 : memref<1000000x32xf32, #tpu.memory_space<hbm>>) target(%dma_start3A_9 : memref<1280x32xf32, #tpu.memory_space<vmem>>) offsets(%dma_start3A_11 : memref<1280xi32, #tpu.memory_space<vmem>>) semaphore(%dma_start3A_16 : memref<!tpu.dma_semaphore, #tpu.memory_space<semaphore_mem>>)
    %dma_start3A_17 = arith.constant 1 : i32
    %dma_start3A_18 = arith.constant 1 : i32
    %dma_start3A_19 = arith.constant 0 : i32
    %dma_start3A_20 = arith.constant 0 : i32
    %dma_start3A_21 = tpu.memref_slice %arg6[%dma_start3A_17, %dma_start3A_19, %dma_start3A_20] : memref<2x1280x32xf32, #tpu.memory_space<vmem>> -> memref<1x1280x32xf32, #tpu.memory_space<vmem>>
    %dma_start3A_22 = tpu.memref_squeeze %dma_start3A_21 : memref<1x1280x32xf32, #tpu.memory_space<vmem>> -> memref<1280x32xf32, #tpu.memory_space<vmem>>
    %dma_start3A_23 = arith.constant 1280 : i32
    %dma_start3A_24 = tpu.memref_slice %arg5[%dma_start3A_23] : memref<10240xi32, #tpu.memory_space<vmem>> -> memref<1280xi32, #tpu.memory_space<vmem>>
    %dma_start3A_25 = arith.constant 0 : i32
    %dma_start3A_26 = arith.constant 0 : i32
    %dma_start3A_27 = tpu.memref_slice %arg3[%dma_start3A_25, %dma_start3A_26] : memref<1000000x32xf32, #tpu.memory_space<hbm>> -> memref<1000000x32xf32, #tpu.memory_space<hbm>>
    %dma_start3A_28 = tpu.memref_slice %arg8[%dma_start3A_18] : memref<2x!tpu.dma_semaphore, #tpu.memory_space<semaphore_mem>> -> memref<1x!tpu.dma_semaphore, #tpu.memory_space<semaphore_mem>>
    %dma_start3A_29 = tpu.memref_squeeze %dma_start3A_28 : memref<1x!tpu.dma_semaphore, #tpu.memory_space<semaphore_mem>> -> memref<!tpu.dma_semaphore, #tpu.memory_space<semaphore_mem>>
    tpu.enqueue_indirect_dma source(%dma_start3A_27 : memref<1000000x32xf32, #tpu.memory_space<hbm>>) target(%dma_start3A_22 : memref<1280x32xf32, #tpu.memory_space<vmem>>) offsets(%dma_start3A_24 : memref<1280xi32, #tpu.memory_space<vmem>>) semaphore(%dma_start3A_29 : memref<!tpu.dma_semaphore, #tpu.memory_space<semaphore_mem>>)
    %dma_wait3A = arith.constant 0 : i32
    %dma_wait3A_30 = arith.constant 0 : i32
    %dma_wait3A_31 = arith.constant 0 : i32
    %dma_wait3A_32 = arith.constant 0 : i32
    %dma_wait3A_33 = tpu.memref_slice %arg6[%dma_wait3A, %dma_wait3A_31, %dma_wait3A_32] : memref<2x1280x32xf32, #tpu.memory_space<vmem>> -> memref<1x1280x32xf32, #tpu.memory_space<vmem>>
    %dma_wait3A_34 = tpu.memref_squeeze %dma_wait3A_33 : memref<1x1280x32xf32, #tpu.memory_space<vmem>> -> memref<1280x32xf32, #tpu.memory_space<vmem>>
    %dma_wait3A_35 = arith.constant 0 : i32
    %dma_wait3A_36 = tpu.memref_slice %arg5[%dma_wait3A_35] : memref<10240xi32, #tpu.memory_space<vmem>> -> memref<1280xi32, #tpu.memory_space<vmem>>
    %dma_wait3A_37 = arith.constant 0 : i32
    %dma_wait3A_38 = arith.constant 0 : i32
    %dma_wait3A_39 = tpu.memref_slice %arg3[%dma_wait3A_37, %dma_wait3A_38] : memref<1000000x32xf32, #tpu.memory_space<hbm>> -> memref<1000000x32xf32, #tpu.memory_space<hbm>>
    %dma_wait3A_40 = tpu.memref_slice %arg8[%dma_wait3A_30] : memref<2x!tpu.dma_semaphore, #tpu.memory_space<semaphore_mem>> -> memref<1x!tpu.dma_semaphore, #tpu.memory_space<semaphore_mem>>
    %dma_wait3A_41 = tpu.memref_squeeze %dma_wait3A_40 : memref<1x!tpu.dma_semaphore, #tpu.memory_space<semaphore_mem>> -> memref<!tpu.dma_semaphore, #tpu.memory_space<semaphore_mem>>
    tpu.wait_indirect_dma semaphore(%dma_wait3A_41 : memref<!tpu.dma_semaphore, #tpu.memory_space<semaphore_mem>>) src(%dma_wait3A_39 : memref<1000000x32xf32, #tpu.memory_space<hbm>>) dst(%dma_wait3A_34 : memref<1280x32xf32, #tpu.memory_space<vmem>>)
    %scan3A = arith.constant 0 : i32
    %scan3A_42 = arith.constant 5.000000e-02 : f32
    %scan3A_43 = arith.constant 0 : i32
    %scan3A_44 = arith.constant 64 : i32
    %scan3A_45 = arith.addi %scan3A_43, %scan3A_44 : i32
    %scan3A_46 = arith.constant 1 : i32
    scf.for %scan3A_298 = %scan3A_43 to %scan3A_45 step %scan3A_46  : i32 {
      %broadcast_in_dim3A = arith.constant 0.000000e+00 : f32
      %broadcast_in_dim3A_299 = vector.broadcast %broadcast_in_dim3A : f32 to vector<16xf32>
      %broadcast_in_dim3A_300 = arith.constant 0.000000e+00 : f32
      %broadcast_in_dim3A_301 = vector.broadcast %broadcast_in_dim3A_300 : f32 to vector<16xf32>
      %mul3A_302 = arith.constant 20 : i32
      %mul3A_303 = arith.muli %scan3A_298, %mul3A_302 : i32
      %add3A_304 = arith.constant 0 : i32
      %add3A_305 = arith.addi %mul3A_303, %add3A_304 : i32
      %get3A = arith.constant 0 : i32
      %get3A_306 = arith.index_cast %get3A : i32 to index
      %get3A_307 = arith.index_cast %add3A_305 : i32 to index
      %get3A_308 = arith.constant 0 : index
      %get3A_309 = tpu.vector_load %arg6[%get3A_306, %get3A_307, %get3A_308] {strides = array<i32>} : memref<2x1280x32xf32, #tpu.memory_space<vmem>>, vector<1x1x16xf32>,
      %get3A_310 = vector.shape_cast %get3A_309 : vector<1x1x16xf32> to vector<16xf32>
      %add3A_311 = arith.addf %broadcast_in_dim3A_299, %get3A_310 : vector<16xf32>
      %get3A_312 = arith.constant 0 : i32
      %get3A_313 = arith.index_cast %get3A_312 : i32 to index
      %get3A_314 = arith.index_cast %add3A_305 : i32 to index
      %get3A_315 = arith.constant 16 : index
      %get3A_316 = tpu.vector_load %arg6[%get3A_313, %get3A_314, %get3A_315] {strides = array<i32>} : memref<2x1280x32xf32, #tpu.memory_space<vmem>>, vector<1x1x16xf32>,
      %get3A_317 = vector.shape_cast %get3A_316 : vector<1x1x16xf32> to vector<16xf32>
      %add3A_318 = arith.addf %broadcast_in_dim3A_301, %get3A_317 : vector<16xf32>
      %mul3A_319 = arith.constant 20 : i32
      %mul3A_320 = arith.muli %scan3A_298, %mul3A_319 : i32
      %add3A_321 = arith.constant 1 : i32
      %add3A_322 = arith.addi %mul3A_320, %add3A_321 : i32
      %get3A_323 = arith.constant 0 : i32
      %get3A_324 = arith.index_cast %get3A_323 : i32 to index
      %get3A_325 = arith.index_cast %add3A_322 : i32 to index
      %get3A_326 = arith.constant 0 : index
      %get3A_327 = tpu.vector_load %arg6[%get3A_324, %get3A_325, %get3A_326] {strides = array<i32>} : memref<2x1280x32xf32, #tpu.memory_space<vmem>>, vector<1x1x16xf32>,
      %get3A_328 = vector.shape_cast %get3A_327 : vector<1x1x16xf32> to vector<16xf32>
      %add3A_329 = arith.addf %add3A_311, %get3A_328 : vector<16xf32>
      %get3A_330 = arith.constant 0 : i32
      %get3A_331 = arith.index_cast %get3A_330 : i32 to index
      %get3A_332 = arith.index_cast %add3A_322 : i32 to index
      %get3A_333 = arith.constant 16 : index
      %get3A_334 = tpu.vector_load %arg6[%get3A_331, %get3A_332, %get3A_333] {strides = array<i32>} : memref<2x1280x32xf32, #tpu.memory_space<vmem>>, vector<1x1x16xf32>,
      %get3A_335 = vector.shape_cast %get3A_334 : vector<1x1x16xf32> to vector<16xf32>
      %add3A_336 = arith.addf %add3A_318, %get3A_335 : vector<16xf32>
      %mul3A_337 = arith.constant 20 : i32
      %mul3A_338 = arith.muli %scan3A_298, %mul3A_337 : i32
      %add3A_339 = arith.constant 2 : i32
      %add3A_340 = arith.addi %mul3A_338, %add3A_339 : i32
      %get3A_341 = arith.constant 0 : i32
      %get3A_342 = arith.index_cast %get3A_341 : i32 to index
      %get3A_343 = arith.index_cast %add3A_340 : i32 to index
      %get3A_344 = arith.constant 0 : index
      %get3A_345 = tpu.vector_load %arg6[%get3A_342, %get3A_343, %get3A_344] {strides = array<i32>} : memref<2x1280x32xf32, #tpu.memory_space<vmem>>, vector<1x1x16xf32>,
      %get3A_346 = vector.shape_cast %get3A_345 : vector<1x1x16xf32> to vector<16xf32>
      %add3A_347 = arith.addf %add3A_329, %get3A_346 : vector<16xf32>
      %get3A_348 = arith.constant 0 : i32
      %get3A_349 = arith.index_cast %get3A_348 : i32 to index
      %get3A_350 = arith.index_cast %add3A_340 : i32 to index
      %get3A_351 = arith.constant 16 : index
      %get3A_352 = tpu.vector_load %arg6[%get3A_349, %get3A_350, %get3A_351] {strides = array<i32>} : memref<2x1280x32xf32, #tpu.memory_space<vmem>>, vector<1x1x16xf32>,
      %get3A_353 = vector.shape_cast %get3A_352 : vector<1x1x16xf32> to vector<16xf32>
      %add3A_354 = arith.addf %add3A_336, %get3A_353 : vector<16xf32>
      %mul3A_355 = arith.constant 20 : i32
      %mul3A_356 = arith.muli %scan3A_298, %mul3A_355 : i32
      %add3A_357 = arith.constant 3 : i32
      %add3A_358 = arith.addi %mul3A_356, %add3A_357 : i32
      %get3A_359 = arith.constant 0 : i32
      %get3A_360 = arith.index_cast %get3A_359 : i32 to index
      %get3A_361 = arith.index_cast %add3A_358 : i32 to index
      %get3A_362 = arith.constant 0 : index
      %get3A_363 = tpu.vector_load %arg6[%get3A_360, %get3A_361, %get3A_362] {strides = array<i32>} : memref<2x1280x32xf32, #tpu.memory_space<vmem>>, vector<1x1x16xf32>,
      %get3A_364 = vector.shape_cast %get3A_363 : vector<1x1x16xf32> to vector<16xf32>
      %add3A_365 = arith.addf %add3A_347, %get3A_364 : vector<16xf32>
      %get3A_366 = arith.constant 0 : i32
      %get3A_367 = arith.index_cast %get3A_366 : i32 to index
      %get3A_368 = arith.index_cast %add3A_358 : i32 to index
      %get3A_369 = arith.constant 16 : index
      %get3A_370 = tpu.vector_load %arg6[%get3A_367, %get3A_368, %get3A_369] {strides = array<i32>} : memref<2x1280x32xf32, #tpu.memory_space<vmem>>, vector<1x1x16xf32>,
      %get3A_371 = vector.shape_cast %get3A_370 : vector<1x1x16xf32> to vector<16xf32>
      %add3A_372 = arith.addf %add3A_354, %get3A_371 : vector<16xf32>
      %mul3A_373 = arith.constant 20 : i32
      %mul3A_374 = arith.muli %scan3A_298, %mul3A_373 : i32
      %add3A_375 = arith.constant 4 : i32
      %add3A_376 = arith.addi %mul3A_374, %add3A_375 : i32
      %get3A_377 = arith.constant 0 : i32
      %get3A_378 = arith.index_cast %get3A_377 : i32 to index
      %get3A_379 = arith.index_cast %add3A_376 : i32 to index
      %get3A_380 = arith.constant 0 : index
      %get3A_381 = tpu.vector_load %arg6[%get3A_378, %get3A_379, %get3A_380] {strides = array<i32>} : memref<2x1280x32xf32, #tpu.memory_space<vmem>>, vector<1x1x16xf32>,
      %get3A_382 = vector.shape_cast %get3A_381 : vector<1x1x16xf32> to vector<16xf32>
      %add3A_383 = arith.addf %add3A_365, %get3A_382 : vector<16xf32>
      %get3A_384 = arith.constant 0 : i32
      %get3A_385 = arith.index_cast %get3A_384 : i32 to index
      %get3A_386 = arith.index_cast %add3A_376 : i32 to index
      %get3A_387 = arith.constant 16 : index
      %get3A_388 = tpu.vector_load %arg6[%get3A_385, %get3A_386, %get3A_387] {strides = array<i32>} : memref<2x1280x32xf32, #tpu.memory_space<vmem>>, vector<1x1x16xf32>,
      %get3A_389 = vector.shape_cast %get3A_388 : vector<1x1x16xf32> to vector<16xf32>
      %add3A_390 = arith.addf %add3A_372, %get3A_389 : vector<16xf32>
      %mul3A_391 = arith.constant 20 : i32
      %mul3A_392 = arith.muli %scan3A_298, %mul3A_391 : i32
      %add3A_393 = arith.constant 5 : i32
      %add3A_394 = arith.addi %mul3A_392, %add3A_393 : i32
      %get3A_395 = arith.constant 0 : i32
      %get3A_396 = arith.index_cast %get3A_395 : i32 to index
      %get3A_397 = arith.index_cast %add3A_394 : i32 to index
      %get3A_398 = arith.constant 0 : index
      %get3A_399 = tpu.vector_load %arg6[%get3A_396, %get3A_397, %get3A_398] {strides = array<i32>} : memref<2x1280x32xf32, #tpu.memory_space<vmem>>, vector<1x1x16xf32>,
      %get3A_400 = vector.shape_cast %get3A_399 : vector<1x1x16xf32> to vector<16xf32>
      %add3A_401 = arith.addf %add3A_383, %get3A_400 : vector<16xf32>
      %get3A_402 = arith.constant 0 : i32
      %get3A_403 = arith.index_cast %get3A_402 : i32 to index
      %get3A_404 = arith.index_cast %add3A_394 : i32 to index
      %get3A_405 = arith.constant 16 : index
      %get3A_406 = tpu.vector_load %arg6[%get3A_403, %get3A_404, %get3A_405] {strides = array<i32>} : memref<2x1280x32xf32, #tpu.memory_space<vmem>>, vector<1x1x16xf32>,
      %get3A_407 = vector.shape_cast %get3A_406 : vector<1x1x16xf32> to vector<16xf32>
      %add3A_408 = arith.addf %add3A_390, %get3A_407 : vector<16xf32>
      %mul3A_409 = arith.constant 20 : i32
      %mul3A_410 = arith.muli %scan3A_298, %mul3A_409 : i32
      %add3A_411 = arith.constant 6 : i32
      %add3A_412 = arith.addi %mul3A_410, %add3A_411 : i32
      %get3A_413 = arith.constant 0 : i32
      %get3A_414 = arith.index_cast %get3A_413 : i32 to index
      %get3A_415 = arith.index_cast %add3A_412 : i32 to index
      %get3A_416 = arith.constant 0 : index
      %get3A_417 = tpu.vector_load %arg6[%get3A_414, %get3A_415, %get3A_416] {strides = array<i32>} : memref<2x1280x32xf32, #tpu.memory_space<vmem>>, vector<1x1x16xf32>,
      %get3A_418 = vector.shape_cast %get3A_417 : vector<1x1x16xf32> to vector<16xf32>
      %add3A_419 = arith.addf %add3A_401, %get3A_418 : vector<16xf32>
      %get3A_420 = arith.constant 0 : i32
      %get3A_421 = arith.index_cast %get3A_420 : i32 to index
      %get3A_422 = arith.index_cast %add3A_412 : i32 to index
      %get3A_423 = arith.constant 16 : index
      %get3A_424 = tpu.vector_load %arg6[%get3A_421, %get3A_422, %get3A_423] {strides = array<i32>} : memref<2x1280x32xf32, #tpu.memory_space<vmem>>, vector<1x1x16xf32>,
      %get3A_425 = vector.shape_cast %get3A_424 : vector<1x1x16xf32> to vector<16xf32>
      %add3A_426 = arith.addf %add3A_408, %get3A_425 : vector<16xf32>
      %mul3A_427 = arith.constant 20 : i32
      %mul3A_428 = arith.muli %scan3A_298, %mul3A_427 : i32
      %add3A_429 = arith.constant 7 : i32
      %add3A_430 = arith.addi %mul3A_428, %add3A_429 : i32
      %get3A_431 = arith.constant 0 : i32
      %get3A_432 = arith.index_cast %get3A_431 : i32 to index
      %get3A_433 = arith.index_cast %add3A_430 : i32 to index
      %get3A_434 = arith.constant 0 : index
      %get3A_435 = tpu.vector_load %arg6[%get3A_432, %get3A_433, %get3A_434] {strides = array<i32>} : memref<2x1280x32xf32, #tpu.memory_space<vmem>>, vector<1x1x16xf32>,
      %get3A_436 = vector.shape_cast %get3A_435 : vector<1x1x16xf32> to vector<16xf32>
      %add3A_437 = arith.addf %add3A_419, %get3A_436 : vector<16xf32>
      %get3A_438 = arith.constant 0 : i32
      %get3A_439 = arith.index_cast %get3A_438 : i32 to index
      %get3A_440 = arith.index_cast %add3A_430 : i32 to index
      %get3A_441 = arith.constant 16 : index
      %get3A_442 = tpu.vector_load %arg6[%get3A_439, %get3A_440, %get3A_441] {strides = array<i32>} : memref<2x1280x32xf32, #tpu.memory_space<vmem>>, vector<1x1x16xf32>,
      %get3A_443 = vector.shape_cast %get3A_442 : vector<1x1x16xf32> to vector<16xf32>
      %add3A_444 = arith.addf %add3A_426, %get3A_443 : vector<16xf32>
      %mul3A_445 = arith.constant 20 : i32
      %mul3A_446 = arith.muli %scan3A_298, %mul3A_445 : i32
      %add3A_447 = arith.constant 8 : i32
      %add3A_448 = arith.addi %mul3A_446, %add3A_447 : i32
      %get3A_449 = arith.constant 0 : i32
      %get3A_450 = arith.index_cast %get3A_449 : i32 to index
      %get3A_451 = arith.index_cast %add3A_448 : i32 to index
      %get3A_452 = arith.constant 0 : index
      %get3A_453 = tpu.vector_load %arg6[%get3A_450, %get3A_451, %get3A_452] {strides = array<i32>} : memref<2x1280x32xf32, #tpu.memory_space<vmem>>, vector<1x1x16xf32>,
      %get3A_454 = vector.shape_cast %get3A_453 : vector<1x1x16xf32> to vector<16xf32>
      %add3A_455 = arith.addf %add3A_437, %get3A_454 : vector<16xf32>
      %get3A_456 = arith.constant 0 : i32
      %get3A_457 = arith.index_cast %get3A_456 : i32 to index
      %get3A_458 = arith.index_cast %add3A_448 : i32 to index
      %get3A_459 = arith.constant 16 : index
      %get3A_460 = tpu.vector_load %arg6[%get3A_457, %get3A_458, %get3A_459] {strides = array<i32>} : memref<2x1280x32xf32, #tpu.memory_space<vmem>>, vector<1x1x16xf32>,
      %get3A_461 = vector.shape_cast %get3A_460 : vector<1x1x16xf32> to vector<16xf32>
      %add3A_462 = arith.addf %add3A_444, %get3A_461 : vector<16xf32>
      %mul3A_463 = arith.constant 20 : i32
      %mul3A_464 = arith.muli %scan3A_298, %mul3A_463 : i32
      %add3A_465 = arith.constant 9 : i32
      %add3A_466 = arith.addi %mul3A_464, %add3A_465 : i32
      %get3A_467 = arith.constant 0 : i32
      %get3A_468 = arith.index_cast %get3A_467 : i32 to index
      %get3A_469 = arith.index_cast %add3A_466 : i32 to index
      %get3A_470 = arith.constant 0 : index
      %get3A_471 = tpu.vector_load %arg6[%get3A_468, %get3A_469, %get3A_470] {strides = array<i32>} : memref<2x1280x32xf32, #tpu.memory_space<vmem>>, vector<1x1x16xf32>,
      %get3A_472 = vector.shape_cast %get3A_471 : vector<1x1x16xf32> to vector<16xf32>
      %add3A_473 = arith.addf %add3A_455, %get3A_472 : vector<16xf32>
      %get3A_474 = arith.constant 0 : i32
      %get3A_475 = arith.index_cast %get3A_474 : i32 to index
      %get3A_476 = arith.index_cast %add3A_466 : i32 to index
      %get3A_477 = arith.constant 16 : index
      %get3A_478 = tpu.vector_load %arg6[%get3A_475, %get3A_476, %get3A_477] {strides = array<i32>} : memref<2x1280x32xf32, #tpu.memory_space<vmem>>, vector<1x1x16xf32>,
      %get3A_479 = vector.shape_cast %get3A_478 : vector<1x1x16xf32> to vector<16xf32>
      %add3A_480 = arith.addf %add3A_462, %get3A_479 : vector<16xf32>
      %mul3A_481 = arith.constant 20 : i32
      %mul3A_482 = arith.muli %scan3A_298, %mul3A_481 : i32
      %add3A_483 = arith.constant 10 : i32
      %add3A_484 = arith.addi %mul3A_482, %add3A_483 : i32
      %get3A_485 = arith.constant 0 : i32
      %get3A_486 = arith.index_cast %get3A_485 : i32 to index
      %get3A_487 = arith.index_cast %add3A_484 : i32 to index
      %get3A_488 = arith.constant 0 : index
      %get3A_489 = tpu.vector_load %arg6[%get3A_486, %get3A_487, %get3A_488] {strides = array<i32>} : memref<2x1280x32xf32, #tpu.memory_space<vmem>>, vector<1x1x16xf32>,
      %get3A_490 = vector.shape_cast %get3A_489 : vector<1x1x16xf32> to vector<16xf32>
      %add3A_491 = arith.addf %add3A_473, %get3A_490 : vector<16xf32>
      %get3A_492 = arith.constant 0 : i32
      %get3A_493 = arith.index_cast %get3A_492 : i32 to index
      %get3A_494 = arith.index_cast %add3A_484 : i32 to index
      %get3A_495 = arith.constant 16 : index
      %get3A_496 = tpu.vector_load %arg6[%get3A_493, %get3A_494, %get3A_495] {strides = array<i32>} : memref<2x1280x32xf32, #tpu.memory_space<vmem>>, vector<1x1x16xf32>,
      %get3A_497 = vector.shape_cast %get3A_496 : vector<1x1x16xf32> to vector<16xf32>
      %add3A_498 = arith.addf %add3A_480, %get3A_497 : vector<16xf32>
      %mul3A_499 = arith.constant 20 : i32
      %mul3A_500 = arith.muli %scan3A_298, %mul3A_499 : i32
      %add3A_501 = arith.constant 11 : i32
      %add3A_502 = arith.addi %mul3A_500, %add3A_501 : i32
      %get3A_503 = arith.constant 0 : i32
      %get3A_504 = arith.index_cast %get3A_503 : i32 to index
      %get3A_505 = arith.index_cast %add3A_502 : i32 to index
      %get3A_506 = arith.constant 0 : index
      %get3A_507 = tpu.vector_load %arg6[%get3A_504, %get3A_505, %get3A_506] {strides = array<i32>} : memref<2x1280x32xf32, #tpu.memory_space<vmem>>, vector<1x1x16xf32>,
      %get3A_508 = vector.shape_cast %get3A_507 : vector<1x1x16xf32> to vector<16xf32>
      %add3A_509 = arith.addf %add3A_491, %get3A_508 : vector<16xf32>
      %get3A_510 = arith.constant 0 : i32
      %get3A_511 = arith.index_cast %get3A_510 : i32 to index
      %get3A_512 = arith.index_cast %add3A_502 : i32 to index
      %get3A_513 = arith.constant 16 : index
      %get3A_514 = tpu.vector_load %arg6[%get3A_511, %get3A_512, %get3A_513] {strides = array<i32>} : memref<2x1280x32xf32, #tpu.memory_space<vmem>>, vector<1x1x16xf32>,
      %get3A_515 = vector.shape_cast %get3A_514 : vector<1x1x16xf32> to vector<16xf32>
      %add3A_516 = arith.addf %add3A_498, %get3A_515 : vector<16xf32>
      %mul3A_517 = arith.constant 20 : i32
      %mul3A_518 = arith.muli %scan3A_298, %mul3A_517 : i32
      %add3A_519 = arith.constant 12 : i32
      %add3A_520 = arith.addi %mul3A_518, %add3A_519 : i32
      %get3A_521 = arith.constant 0 : i32
      %get3A_522 = arith.index_cast %get3A_521 : i32 to index
      %get3A_523 = arith.index_cast %add3A_520 : i32 to index
      %get3A_524 = arith.constant 0 : index
      %get3A_525 = tpu.vector_load %arg6[%get3A_522, %get3A_523, %get3A_524] {strides = array<i32>} : memref<2x1280x32xf32, #tpu.memory_space<vmem>>, vector<1x1x16xf32>,
      %get3A_526 = vector.shape_cast %get3A_525 : vector<1x1x16xf32> to vector<16xf32>
      %add3A_527 = arith.addf %add3A_509, %get3A_526 : vector<16xf32>
      %get3A_528 = arith.constant 0 : i32
      %get3A_529 = arith.index_cast %get3A_528 : i32 to index
      %get3A_530 = arith.index_cast %add3A_520 : i32 to index
      %get3A_531 = arith.constant 16 : index
      %get3A_532 = tpu.vector_load %arg6[%get3A_529, %get3A_530, %get3A_531] {strides = array<i32>} : memref<2x1280x32xf32, #tpu.memory_space<vmem>>, vector<1x1x16xf32>,
      %get3A_533 = vector.shape_cast %get3A_532 : vector<1x1x16xf32> to vector<16xf32>
      %add3A_534 = arith.addf %add3A_516, %get3A_533 : vector<16xf32>
      %mul3A_535 = arith.constant 20 : i32
      %mul3A_536 = arith.muli %scan3A_298, %mul3A_535 : i32
      %add3A_537 = arith.constant 13 : i32
      %add3A_538 = arith.addi %mul3A_536, %add3A_537 : i32
      %get3A_539 = arith.constant 0 : i32
      %get3A_540 = arith.index_cast %get3A_539 : i32 to index
      %get3A_541 = arith.index_cast %add3A_538 : i32 to index
      %get3A_542 = arith.constant 0 : index
      %get3A_543 = tpu.vector_load %arg6[%get3A_540, %get3A_541, %get3A_542] {strides = array<i32>} : memref<2x1280x32xf32, #tpu.memory_space<vmem>>, vector<1x1x16xf32>,
      %get3A_544 = vector.shape_cast %get3A_543 : vector<1x1x16xf32> to vector<16xf32>
      %add3A_545 = arith.addf %add3A_527, %get3A_544 : vector<16xf32>
      %get3A_546 = arith.constant 0 : i32
      %get3A_547 = arith.index_cast %get3A_546 : i32 to index
      %get3A_548 = arith.index_cast %add3A_538 : i32 to index
      %get3A_549 = arith.constant 16 : index
      %get3A_550 = tpu.vector_load %arg6[%get3A_547, %get3A_548, %get3A_549] {strides = array<i32>} : memref<2x1280x32xf32, #tpu.memory_space<vmem>>, vector<1x1x16xf32>,
      %get3A_551 = vector.shape_cast %get3A_550 : vector<1x1x16xf32> to vector<16xf32>
      %add3A_552 = arith.addf %add3A_534, %get3A_551 : vector<16xf32>
      %mul3A_553 = arith.constant 20 : i32
      %mul3A_554 = arith.muli %scan3A_298, %mul3A_553 : i32
      %add3A_555 = arith.constant 14 : i32
      %add3A_556 = arith.addi %mul3A_554, %add3A_555 : i32
      %get3A_557 = arith.constant 0 : i32
      %get3A_558 = arith.index_cast %get3A_557 : i32 to index
      %get3A_559 = arith.index_cast %add3A_556 : i32 to index
      %get3A_560 = arith.constant 0 : index
      %get3A_561 = tpu.vector_load %arg6[%get3A_558, %get3A_559, %get3A_560] {strides = array<i32>} : memref<2x1280x32xf32, #tpu.memory_space<vmem>>, vector<1x1x16xf32>,
      %get3A_562 = vector.shape_cast %get3A_561 : vector<1x1x16xf32> to vector<16xf32>
      %add3A_563 = arith.addf %add3A_545, %get3A_562 : vector<16xf32>
      %get3A_564 = arith.constant 0 : i32
      %get3A_565 = arith.index_cast %get3A_564 : i32 to index
      %get3A_566 = arith.index_cast %add3A_556 : i32 to index
      %get3A_567 = arith.constant 16 : index
      %get3A_568 = tpu.vector_load %arg6[%get3A_565, %get3A_566, %get3A_567] {strides = array<i32>} : memref<2x1280x32xf32, #tpu.memory_space<vmem>>, vector<1x1x16xf32>,
      %get3A_569 = vector.shape_cast %get3A_568 : vector<1x1x16xf32> to vector<16xf32>
      %add3A_570 = arith.addf %add3A_552, %get3A_569 : vector<16xf32>
      %mul3A_571 = arith.constant 20 : i32
      %mul3A_572 = arith.muli %scan3A_298, %mul3A_571 : i32
      %add3A_573 = arith.constant 15 : i32
      %add3A_574 = arith.addi %mul3A_572, %add3A_573 : i32
      %get3A_575 = arith.constant 0 : i32
      %get3A_576 = arith.index_cast %get3A_575 : i32 to index
      %get3A_577 = arith.index_cast %add3A_574 : i32 to index
      %get3A_578 = arith.constant 0 : index
      %get3A_579 = tpu.vector_load %arg6[%get3A_576, %get3A_577, %get3A_578] {strides = array<i32>} : memref<2x1280x32xf32, #tpu.memory_space<vmem>>, vector<1x1x16xf32>,
      %get3A_580 = vector.shape_cast %get3A_579 : vector<1x1x16xf32> to vector<16xf32>
      %add3A_581 = arith.addf %add3A_563, %get3A_580 : vector<16xf32>
      %get3A_582 = arith.constant 0 : i32
      %get3A_583 = arith.index_cast %get3A_582 : i32 to index
      %get3A_584 = arith.index_cast %add3A_574 : i32 to index
      %get3A_585 = arith.constant 16 : index
      %get3A_586 = tpu.vector_load %arg6[%get3A_583, %get3A_584, %get3A_585] {strides = array<i32>} : memref<2x1280x32xf32, #tpu.memory_space<vmem>>, vector<1x1x16xf32>,
      %get3A_587 = vector.shape_cast %get3A_586 : vector<1x1x16xf32> to vector<16xf32>
      %add3A_588 = arith.addf %add3A_570, %get3A_587 : vector<16xf32>
      %mul3A_589 = arith.constant 20 : i32
      %mul3A_590 = arith.muli %scan3A_298, %mul3A_589 : i32
      %add3A_591 = arith.constant 16 : i32
      %add3A_592 = arith.addi %mul3A_590, %add3A_591 : i32
      %get3A_593 = arith.constant 0 : i32
      %get3A_594 = arith.index_cast %get3A_593 : i32 to index
      %get3A_595 = arith.index_cast %add3A_592 : i32 to index
      %get3A_596 = arith.constant 0 : index
      %get3A_597 = tpu.vector_load %arg6[%get3A_594, %get3A_595, %get3A_596] {strides = array<i32>} : memref<2x1280x32xf32, #tpu.memory_space<vmem>>, vector<1x1x16xf32>,
      %get3A_598 = vector.shape_cast %get3A_597 : vector<1x1x16xf32> to vector<16xf32>
      %add3A_599 = arith.addf %add3A_581, %get3A_598 : vector<16xf32>
      %get3A_600 = arith.constant 0 : i32
      %get3A_601 = arith.index_cast %get3A_600 : i32 to index
      %get3A_602 = arith.index_cast %add3A_592 : i32 to index
      %get3A_603 = arith.constant 16 : index
      %get3A_604 = tpu.vector_load %arg6[%get3A_601, %get3A_602, %get3A_603] {strides = array<i32>} : memref<2x1280x32xf32, #tpu.memory_space<vmem>>, vector<1x1x16xf32>,
      %get3A_605 = vector.shape_cast %get3A_604 : vector<1x1x16xf32> to vector<16xf32>
      %add3A_606 = arith.addf %add3A_588, %get3A_605 : vector<16xf32>
      %mul3A_607 = arith.constant 20 : i32
      %mul3A_608 = arith.muli %scan3A_298, %mul3A_607 : i32
      %add3A_609 = arith.constant 17 : i32
      %add3A_610 = arith.addi %mul3A_608, %add3A_609 : i32
      %get3A_611 = arith.constant 0 : i32
      %get3A_612 = arith.index_cast %get3A_611 : i32 to index
      %get3A_613 = arith.index_cast %add3A_610 : i32 to index
      %get3A_614 = arith.constant 0 : index
      %get3A_615 = tpu.vector_load %arg6[%get3A_612, %get3A_613, %get3A_614] {strides = array<i32>} : memref<2x1280x32xf32, #tpu.memory_space<vmem>>, vector<1x1x16xf32>,
      %get3A_616 = vector.shape_cast %get3A_615 : vector<1x1x16xf32> to vector<16xf32>
      %add3A_617 = arith.addf %add3A_599, %get3A_616 : vector<16xf32>
      %get3A_618 = arith.constant 0 : i32
      %get3A_619 = arith.index_cast %get3A_618 : i32 to index
      %get3A_620 = arith.index_cast %add3A_610 : i32 to index
      %get3A_621 = arith.constant 16 : index
      %get3A_622 = tpu.vector_load %arg6[%get3A_619, %get3A_620, %get3A_621] {strides = array<i32>} : memref<2x1280x32xf32, #tpu.memory_space<vmem>>, vector<1x1x16xf32>,
      %get3A_623 = vector.shape_cast %get3A_622 : vector<1x1x16xf32> to vector<16xf32>
      %add3A_624 = arith.addf %add3A_606, %get3A_623 : vector<16xf32>
      %mul3A_625 = arith.constant 20 : i32
      %mul3A_626 = arith.muli %scan3A_298, %mul3A_625 : i32
      %add3A_627 = arith.constant 18 : i32
      %add3A_628 = arith.addi %mul3A_626, %add3A_627 : i32
      %get3A_629 = arith.constant 0 : i32
      %get3A_630 = arith.index_cast %get3A_629 : i32 to index
      %get3A_631 = arith.index_cast %add3A_628 : i32 to index
      %get3A_632 = arith.constant 0 : index
      %get3A_633 = tpu.vector_load %arg6[%get3A_630, %get3A_631, %get3A_632] {strides = array<i32>} : memref<2x1280x32xf32, #tpu.memory_space<vmem>>, vector<1x1x16xf32>,
      %get3A_634 = vector.shape_cast %get3A_633 : vector<1x1x16xf32> to vector<16xf32>
      %add3A_635 = arith.addf %add3A_617, %get3A_634 : vector<16xf32>
      %get3A_636 = arith.constant 0 : i32
      %get3A_637 = arith.index_cast %get3A_636 : i32 to index
      %get3A_638 = arith.index_cast %add3A_628 : i32 to index
      %get3A_639 = arith.constant 16 : index
      %get3A_640 = tpu.vector_load %arg6[%get3A_637, %get3A_638, %get3A_639] {strides = array<i32>} : memref<2x1280x32xf32, #tpu.memory_space<vmem>>, vector<1x1x16xf32>,
      %get3A_641 = vector.shape_cast %get3A_640 : vector<1x1x16xf32> to vector<16xf32>
      %add3A_642 = arith.addf %add3A_624, %get3A_641 : vector<16xf32>
      %mul3A_643 = arith.constant 20 : i32
      %mul3A_644 = arith.muli %scan3A_298, %mul3A_643 : i32
      %add3A_645 = arith.constant 19 : i32
      %add3A_646 = arith.addi %mul3A_644, %add3A_645 : i32
      %get3A_647 = arith.constant 0 : i32
      %get3A_648 = arith.index_cast %get3A_647 : i32 to index
      %get3A_649 = arith.index_cast %add3A_646 : i32 to index
      %get3A_650 = arith.constant 0 : index
      %get3A_651 = tpu.vector_load %arg6[%get3A_648, %get3A_649, %get3A_650] {strides = array<i32>} : memref<2x1280x32xf32, #tpu.memory_space<vmem>>, vector<1x1x16xf32>,
      %get3A_652 = vector.shape_cast %get3A_651 : vector<1x1x16xf32> to vector<16xf32>
      %add3A_653 = arith.addf %add3A_635, %get3A_652 : vector<16xf32>
      %get3A_654 = arith.constant 0 : i32
      %get3A_655 = arith.index_cast %get3A_654 : i32 to index
      %get3A_656 = arith.index_cast %add3A_646 : i32 to index
      %get3A_657 = arith.constant 16 : index
      %get3A_658 = tpu.vector_load %arg6[%get3A_655, %get3A_656, %get3A_657] {strides = array<i32>} : memref<2x1280x32xf32, #tpu.memory_space<vmem>>, vector<1x1x16xf32>,
      %get3A_659 = vector.shape_cast %get3A_658 : vector<1x1x16xf32> to vector<16xf32>
      %add3A_660 = arith.addf %add3A_642, %get3A_659 : vector<16xf32>
      %mul3A_661 = vector.broadcast %scan3A_42 : f32 to vector<16xf32>
      %mul3A_662 = arith.mulf %add3A_653, %mul3A_661 : vector<16xf32>
      %swap3A = arith.index_cast %scan3A_298 : i32 to index
      %swap3A_663 = arith.constant 0 : index
      %swap3A_664 = tpu.vector_load %arg7[%swap3A, %swap3A_663] {strides = array<i32>} : memref<64x32xf32, #tpu.memory_space<vmem>>, vector<1x16xf32>,
      %swap3A_665 = vector.shape_cast %swap3A_664 : vector<1x16xf32> to vector<16xf32>
      %swap3A_666 = vector.shape_cast %mul3A_662 : vector<16xf32> to vector<1x16xf32>
      tpu.vector_store %arg7[%swap3A, %swap3A_663], %swap3A_666 {strides = array<i32>} : memref<64x32xf32, #tpu.memory_space<vmem>>, vector<1x16xf32>,
      %mul3A_667 = vector.broadcast %scan3A_42 : f32 to vector<16xf32>
      %mul3A_668 = arith.mulf %add3A_660, %mul3A_667 : vector<16xf32>
      %swap3A_669 = arith.index_cast %scan3A_298 : i32 to index
      %swap3A_670 = arith.constant 16 : index
      %swap3A_671 = tpu.vector_load %arg7[%swap3A_669, %swap3A_670] {strides = array<i32>} : memref<64x32xf32, #tpu.memory_space<vmem>>, vector<1x16xf32>,
      %swap3A_672 = vector.shape_cast %swap3A_671 : vector<1x16xf32> to vector<16xf32>
      %swap3A_673 = vector.shape_cast %mul3A_668 : vector<16xf32> to vector<1x16xf32>
      tpu.vector_store %arg7[%swap3A_669, %swap3A_670], %swap3A_673 {strides = array<i32>} : memref<64x32xf32, #tpu.memory_space<vmem>>, vector<1x16xf32>,
    }
    %scan3A_47 = arith.constant 64 : i32
    %mul3A_48 = arith.constant 512 : i32
    %mul3A_49 = arith.muli %add3A, %mul3A_48 : i32
    %add3A_50 = arith.constant 0 : i32
    %add3A_51 = arith.addi %mul3A_49, %add3A_50 : i32
    "tpu.region"() ({
      %run_scoped3A = tpu.sem_alloc : memref<!tpu.dma_semaphore, #tpu.memory_space<semaphore_mem>>
      %dma_start3A_298 = arith.constant 0 : i32
      %dma_start3A_299 = tpu.memref_slice %arg4[%add3A_51, %dma_start3A_298] : memref<16384x32xf32, #tpu.memory_space<hbm>> -> memref<64x32xf32, #tpu.memory_space<hbm>>
      %dma_start3A_300 = arith.constant 0 : i32
      %dma_start3A_301 = tpu.memref_slice %arg4[%add3A_51, %dma_start3A_300] : memref<16384x32xf32, #tpu.memory_space<hbm>> -> memref<64x32xf32, #tpu.memory_space<hbm>>
      tpu.enqueue_dma source(%arg7 : memref<64x32xf32, #tpu.memory_space<vmem>>) target(%dma_start3A_301 : memref<64x32xf32, #tpu.memory_space<hbm>>) target_semaphore(%run_scoped3A : memref<!tpu.dma_semaphore, #tpu.memory_space<semaphore_mem>>)
      %dma_wait3A_302 = arith.constant 0 : i32
      %dma_wait3A_303 = tpu.memref_slice %arg4[%add3A_51, %dma_wait3A_302] : memref<16384x32xf32, #tpu.memory_space<hbm>> -> memref<64x32xf32, #tpu.memory_space<hbm>>
      %dma_wait3A_304 = arith.constant 0 : i32
      %dma_wait3A_305 = tpu.memref_slice %arg4[%add3A_51, %dma_wait3A_304] : memref<16384x32xf32, #tpu.memory_space<hbm>> -> memref<64x32xf32, #tpu.memory_space<hbm>>
      tpu.wait_dma2 semaphore(%run_scoped3A : memref<!tpu.dma_semaphore, #tpu.memory_space<semaphore_mem>>) src(%arg7 : memref<64x32xf32, #tpu.memory_space<vmem>>) dst(%dma_wait3A_305 : memref<64x32xf32, #tpu.memory_space<hbm>>)
      tpu.yield
    }) : () -> ()
    %dma_start3A_52 = arith.constant 0 : i32
    %dma_start3A_53 = arith.constant 0 : i32
    %dma_start3A_54 = arith.constant 0 : i32
    %dma_start3A_55 = arith.constant 0 : i32
    %dma_start3A_56 = tpu.memref_slice %arg6[%dma_start3A_52, %dma_start3A_54, %dma_start3A_55] : memref<2x1280x32xf32, #tpu.memory_space<vmem>> -> memref<1x1280x32xf32, #tpu.memory_space<vmem>>
    %dma_start3A_57 = tpu.memref_squeeze %dma_start3A_56 : memref<1x1280x32xf32, #tpu.memory_space<vmem>> -> memref<1280x32xf32, #tpu.memory_space<vmem>>
    %dma_start3A_58 = arith.constant 2560 : i32
    %dma_start3A_59 = tpu.memref_slice %arg5[%dma_start3A_58] : memref<10240xi32, #tpu.memory_space<vmem>> -> memref<1280xi32, #tpu.memory_space<vmem>>
    %dma_start3A_60 = arith.constant 0 : i32
    %dma_start3A_61 = arith.constant 0 : i32
    %dma_start3A_62 = tpu.memref_slice %arg3[%dma_start3A_60, %dma_start3A_61] : memref<1000000x32xf32, #tpu.memory_space<hbm>> -> memref<1000000x32xf32, #tpu.memory_space<hbm>>
    %dma_start3A_63 = tpu.memref_slice %arg8[%dma_start3A_53] : memref<2x!tpu.dma_semaphore, #tpu.memory_space<semaphore_mem>> -> memref<1x!tpu.dma_semaphore, #tpu.memory_space<semaphore_mem>>
    %dma_start3A_64 = tpu.memref_squeeze %dma_start3A_63 : memref<1x!tpu.dma_semaphore, #tpu.memory_space<semaphore_mem>> -> memref<!tpu.dma_semaphore, #tpu.memory_space<semaphore_mem>>
    tpu.enqueue_indirect_dma source(%dma_start3A_62 : memref<1000000x32xf32, #tpu.memory_space<hbm>>) target(%dma_start3A_57 : memref<1280x32xf32, #tpu.memory_space<vmem>>) offsets(%dma_start3A_59 : memref<1280xi32, #tpu.memory_space<vmem>>) semaphore(%dma_start3A_64 : memref<!tpu.dma_semaphore, #tpu.memory_space<semaphore_mem>>)
    %dma_wait3A_65 = arith.constant 1 : i32
    %dma_wait3A_66 = arith.constant 1 : i32
    %dma_wait3A_67 = arith.constant 0 : i32
    %dma_wait3A_68 = arith.constant 0 : i32
    %dma_wait3A_69 = tpu.memref_slice %arg6[%dma_wait3A_65, %dma_wait3A_67, %dma_wait3A_68] : memref<2x1280x32xf32, #tpu.memory_space<vmem>> -> memref<1x1280x32xf32, #tpu.memory_space<vmem>>
    %dma_wait3A_70 = tpu.memref_squeeze %dma_wait3A_69 : memref<1x1280x32xf32, #tpu.memory_space<vmem>> -> memref<1280x32xf32, #tpu.memory_space<vmem>>
    %dma_wait3A_71 = arith.constant 1280 : i32
    %dma_wait3A_72 = tpu.memref_slice %arg5[%dma_wait3A_71] : memref<10240xi32, #tpu.memory_space<vmem>> -> memref<1280xi32, #tpu.memory_space<vmem>>
    %dma_wait3A_73 = arith.constant 0 : i32
    %dma_wait3A_74 = arith.constant 0 : i32
    %dma_wait3A_75 = tpu.memref_slice %arg3[%dma_wait3A_73, %dma_wait3A_74] : memref<1000000x32xf32, #tpu.memory_space<hbm>> -> memref<1000000x32xf32, #tpu.memory_space<hbm>>
    %dma_wait3A_76 = tpu.memref_slice %arg8[%dma_wait3A_66] : memref<2x!tpu.dma_semaphore, #tpu.memory_space<semaphore_mem>> -> memref<1x!tpu.dma_semaphore, #tpu.memory_space<semaphore_mem>>
    %dma_wait3A_77 = tpu.memref_squeeze %dma_wait3A_76 : memref<1x!tpu.dma_semaphore, #tpu.memory_space<semaphore_mem>> -> memref<!tpu.dma_semaphore, #tpu.memory_space<semaphore_mem>>
    tpu.wait_indirect_dma semaphore(%dma_wait3A_77 : memref<!tpu.dma_semaphore, #tpu.memory_space<semaphore_mem>>) src(%dma_wait3A_75 : memref<1000000x32xf32, #tpu.memory_space<hbm>>) dst(%dma_wait3A_70 : memref<1280x32xf32, #tpu.memory_space<vmem>>)
    %scan3A_78 = arith.constant 0 : i32
    %scan3A_79 = arith.constant 5.000000e-02 : f32
    %scan3A_80 = arith.constant 0 : i32
    %scan3A_81 = arith.constant 64 : i32
    %scan3A_82 = arith.addi %scan3A_80, %scan3A_81 : i32
    %scan3A_83 = arith.constant 1 : i32
    scf.for %scan3A_298 = %scan3A_80 to %scan3A_82 step %scan3A_83  : i32 {
      %broadcast_in_dim3A = arith.constant 0.000000e+00 : f32
      %broadcast_in_dim3A_299 = vector.broadcast %broadcast_in_dim3A : f32 to vector<16xf32>
      %broadcast_in_dim3A_300 = arith.constant 0.000000e+00 : f32
      %broadcast_in_dim3A_301 = vector.broadcast %broadcast_in_dim3A_300 : f32 to vector<16xf32>
      %mul3A_302 = arith.constant 20 : i32
      %mul3A_303 = arith.muli %scan3A_298, %mul3A_302 : i32
      %add3A_304 = arith.constant 0 : i32
      %add3A_305 = arith.addi %mul3A_303, %add3A_304 : i32
      %get3A = arith.constant 1 : i32
      %get3A_306 = arith.index_cast %get3A : i32 to index
      %get3A_307 = arith.index_cast %add3A_305 : i32 to index
      %get3A_308 = arith.constant 0 : index
      %get3A_309 = tpu.vector_load %arg6[%get3A_306, %get3A_307, %get3A_308] {strides = array<i32>} : memref<2x1280x32xf32, #tpu.memory_space<vmem>>, vector<1x1x16xf32>,
      %get3A_310 = vector.shape_cast %get3A_309 : vector<1x1x16xf32> to vector<16xf32>
      %add3A_311 = arith.addf %broadcast_in_dim3A_299, %get3A_310 : vector<16xf32>
      %get3A_312 = arith.constant 1 : i32
      %get3A_313 = arith.index_cast %get3A_312 : i32 to index
      %get3A_314 = arith.index_cast %add3A_305 : i32 to index
      %get3A_315 = arith.constant 16 : index
      %get3A_316 = tpu.vector_load %arg6[%get3A_313, %get3A_314, %get3A_315] {strides = array<i32>} : memref<2x1280x32xf32, #tpu.memory_space<vmem>>, vector<1x1x16xf32>,
      %get3A_317 = vector.shape_cast %get3A_316 : vector<1x1x16xf32> to vector<16xf32>
      %add3A_318 = arith.addf %broadcast_in_dim3A_301, %get3A_317 : vector<16xf32>
      %mul3A_319 = arith.constant 20 : i32
      %mul3A_320 = arith.muli %scan3A_298, %mul3A_319 : i32
      %add3A_321 = arith.constant 1 : i32
      %add3A_322 = arith.addi %mul3A_320, %add3A_321 : i32
      %get3A_323 = arith.constant 1 : i32
      %get3A_324 = arith.index_cast %get3A_323 : i32 to index
      %get3A_325 = arith.index_cast %add3A_322 : i32 to index
      %get3A_326 = arith.constant 0 : index
      %get3A_327 = tpu.vector_load %arg6[%get3A_324, %get3A_325, %get3A_326] {strides = array<i32>} : memref<2x1280x32xf32, #tpu.memory_space<vmem>>, vector<1x1x16xf32>,
      %get3A_328 = vector.shape_cast %get3A_327 : vector<1x1x16xf32> to vector<16xf32>
      %add3A_329 = arith.addf %add3A_311, %get3A_328 : vector<16xf32>
      %get3A_330 = arith.constant 1 : i32
      %get3A_331 = arith.index_cast %get3A_330 : i32 to index
      %get3A_332 = arith.index_cast %add3A_322 : i32 to index
      %get3A_333 = arith.constant 16 : index
      %get3A_334 = tpu.vector_load %arg6[%get3A_331, %get3A_332, %get3A_333] {strides = array<i32>} : memref<2x1280x32xf32, #tpu.memory_space<vmem>>, vector<1x1x16xf32>,
      %get3A_335 = vector.shape_cast %get3A_334 : vector<1x1x16xf32> to vector<16xf32>
      %add3A_336 = arith.addf %add3A_318, %get3A_335 : vector<16xf32>
      %mul3A_337 = arith.constant 20 : i32
      %mul3A_338 = arith.muli %scan3A_298, %mul3A_337 : i32
      %add3A_339 = arith.constant 2 : i32
      %add3A_340 = arith.addi %mul3A_338, %add3A_339 : i32
      %get3A_341 = arith.constant 1 : i32
      %get3A_342 = arith.index_cast %get3A_341 : i32 to index
      %get3A_343 = arith.index_cast %add3A_340 : i32 to index
      %get3A_344 = arith.constant 0 : index
      %get3A_345 = tpu.vector_load %arg6[%get3A_342, %get3A_343, %get3A_344] {strides = array<i32>} : memref<2x1280x32xf32, #tpu.memory_space<vmem>>, vector<1x1x16xf32>,
      %get3A_346 = vector.shape_cast %get3A_345 : vector<1x1x16xf32> to vector<16xf32>
      %add3A_347 = arith.addf %add3A_329, %get3A_346 : vector<16xf32>
      %get3A_348 = arith.constant 1 : i32
      %get3A_349 = arith.index_cast %get3A_348 : i32 to index
      %get3A_350 = arith.index_cast %add3A_340 : i32 to index
      %get3A_351 = arith.constant 16 : index
      %get3A_352 = tpu.vector_load %arg6[%get3A_349, %get3A_350, %get3A_351] {strides = array<i32>} : memref<2x1280x32xf32, #tpu.memory_space<vmem>>, vector<1x1x16xf32>,
      %get3A_353 = vector.shape_cast %get3A_352 : vector<1x1x16xf32> to vector<16xf32>
      %add3A_354 = arith.addf %add3A_336, %get3A_353 : vector<16xf32>
      %mul3A_355 = arith.constant 20 : i32
      %mul3A_356 = arith.muli %scan3A_298, %mul3A_355 : i32
      %add3A_357 = arith.constant 3 : i32
      %add3A_358 = arith.addi %mul3A_356, %add3A_357 : i32
      %get3A_359 = arith.constant 1 : i32
      %get3A_360 = arith.index_cast %get3A_359 : i32 to index
      %get3A_361 = arith.index_cast %add3A_358 : i32 to index
      %get3A_362 = arith.constant 0 : index
      %get3A_363 = tpu.vector_load %arg6[%get3A_360, %get3A_361, %get3A_362] {strides = array<i32>} : memref<2x1280x32xf32, #tpu.memory_space<vmem>>, vector<1x1x16xf32>,
      %get3A_364 = vector.shape_cast %get3A_363 : vector<1x1x16xf32> to vector<16xf32>
      %add3A_365 = arith.addf %add3A_347, %get3A_364 : vector<16xf32>
      %get3A_366 = arith.constant 1 : i32
      %get3A_367 = arith.index_cast %get3A_366 : i32 to index
      %get3A_368 = arith.index_cast %add3A_358 : i32 to index
      %get3A_369 = arith.constant 16 : index
      %get3A_370 = tpu.vector_load %arg6[%get3A_367, %get3A_368, %get3A_369] {strides = array<i32>} : memref<2x1280x32xf32, #tpu.memory_space<vmem>>, vector<1x1x16xf32>,
      %get3A_371 = vector.shape_cast %get3A_370 : vector<1x1x16xf32> to vector<16xf32>
      %add3A_372 = arith.addf %add3A_354, %get3A_371 : vector<16xf32>
      %mul3A_373 = arith.constant 20 : i32
      %mul3A_374 = arith.muli %scan3A_298, %mul3A_373 : i32
      %add3A_375 = arith.constant 4 : i32
      %add3A_376 = arith.addi %mul3A_374, %add3A_375 : i32
      %get3A_377 = arith.constant 1 : i32
      %get3A_378 = arith.index_cast %get3A_377 : i32 to index
      %get3A_379 = arith.index_cast %add3A_376 : i32 to index
      %get3A_380 = arith.constant 0 : index
      %get3A_381 = tpu.vector_load %arg6[%get3A_378, %get3A_379, %get3A_380] {strides = array<i32>} : memref<2x1280x32xf32, #tpu.memory_space<vmem>>, vector<1x1x16xf32>,
      %get3A_382 = vector.shape_cast %get3A_381 : vector<1x1x16xf32> to vector<16xf32>
      %add3A_383 = arith.addf %add3A_365, %get3A_382 : vector<16xf32>
      %get3A_384 = arith.constant 1 : i32
      %get3A_385 = arith.index_cast %get3A_384 : i32 to index
      %get3A_386 = arith.index_cast %add3A_376 : i32 to index
      %get3A_387 = arith.constant 16 : index
      %get3A_388 = tpu.vector_load %arg6[%get3A_385, %get3A_386, %get3A_387] {strides = array<i32>} : memref<2x1280x32xf32, #tpu.memory_space<vmem>>, vector<1x1x16xf32>,
      %get3A_389 = vector.shape_cast %get3A_388 : vector<1x1x16xf32> to vector<16xf32>
      %add3A_390 = arith.addf %add3A_372, %get3A_389 : vector<16xf32>
      %mul3A_391 = arith.constant 20 : i32
      %mul3A_392 = arith.muli %scan3A_298, %mul3A_391 : i32
      %add3A_393 = arith.constant 5 : i32
      %add3A_394 = arith.addi %mul3A_392, %add3A_393 : i32
      %get3A_395 = arith.constant 1 : i32
      %get3A_396 = arith.index_cast %get3A_395 : i32 to index
      %get3A_397 = arith.index_cast %add3A_394 : i32 to index
      %get3A_398 = arith.constant 0 : index
      %get3A_399 = tpu.vector_load %arg6[%get3A_396, %get3A_397, %get3A_398] {strides = array<i32>} : memref<2x1280x32xf32, #tpu.memory_space<vmem>>, vector<1x1x16xf32>,
      %get3A_400 = vector.shape_cast %get3A_399 : vector<1x1x16xf32> to vector<16xf32>
      %add3A_401 = arith.addf %add3A_383, %get3A_400 : vector<16xf32>
      %get3A_402 = arith.constant 1 : i32
      %get3A_403 = arith.index_cast %get3A_402 : i32 to index
      %get3A_404 = arith.index_cast %add3A_394 : i32 to index
      %get3A_405 = arith.constant 16 : index
      %get3A_406 = tpu.vector_load %arg6[%get3A_403, %get3A_404, %get3A_405] {strides = array<i32>} : memref<2x1280x32xf32, #tpu.memory_space<vmem>>, vector<1x1x16xf32>,
      %get3A_407 = vector.shape_cast %get3A_406 : vector<1x1x16xf32> to vector<16xf32>
      %add3A_408 = arith.addf %add3A_390, %get3A_407 : vector<16xf32>
      %mul3A_409 = arith.constant 20 : i32
      %mul3A_410 = arith.muli %scan3A_298, %mul3A_409 : i32
      %add3A_411 = arith.constant 6 : i32
      %add3A_412 = arith.addi %mul3A_410, %add3A_411 : i32
      %get3A_413 = arith.constant 1 : i32
      %get3A_414 = arith.index_cast %get3A_413 : i32 to index
      %get3A_415 = arith.index_cast %add3A_412 : i32 to index
      %get3A_416 = arith.constant 0 : index
      %get3A_417 = tpu.vector_load %arg6[%get3A_414, %get3A_415, %get3A_416] {strides = array<i32>} : memref<2x1280x32xf32, #tpu.memory_space<vmem>>, vector<1x1x16xf32>,
      %get3A_418 = vector.shape_cast %get3A_417 : vector<1x1x16xf32> to vector<16xf32>
      %add3A_419 = arith.addf %add3A_401, %get3A_418 : vector<16xf32>
      %get3A_420 = arith.constant 1 : i32
      %get3A_421 = arith.index_cast %get3A_420 : i32 to index
      %get3A_422 = arith.index_cast %add3A_412 : i32 to index
      %get3A_423 = arith.constant 16 : index
      %get3A_424 = tpu.vector_load %arg6[%get3A_421, %get3A_422, %get3A_423] {strides = array<i32>} : memref<2x1280x32xf32, #tpu.memory_space<vmem>>, vector<1x1x16xf32>,
      %get3A_425 = vector.shape_cast %get3A_424 : vector<1x1x16xf32> to vector<16xf32>
      %add3A_426 = arith.addf %add3A_408, %get3A_425 : vector<16xf32>
      %mul3A_427 = arith.constant 20 : i32
      %mul3A_428 = arith.muli %scan3A_298, %mul3A_427 : i32
      %add3A_429 = arith.constant 7 : i32
      %add3A_430 = arith.addi %mul3A_428, %add3A_429 : i32
      %get3A_431 = arith.constant 1 : i32
      %get3A_432 = arith.index_cast %get3A_431 : i32 to index
      %get3A_433 = arith.index_cast %add3A_430 : i32 to index
      %get3A_434 = arith.constant 0 : index
      %get3A_435 = tpu.vector_load %arg6[%get3A_432, %get3A_433, %get3A_434] {strides = array<i32>} : memref<2x1280x32xf32, #tpu.memory_space<vmem>>, vector<1x1x16xf32>,
      %get3A_436 = vector.shape_cast %get3A_435 : vector<1x1x16xf32> to vector<16xf32>
      %add3A_437 = arith.addf %add3A_419, %get3A_436 : vector<16xf32>
      %get3A_438 = arith.constant 1 : i32
      %get3A_439 = arith.index_cast %get3A_438 : i32 to index
      %get3A_440 = arith.index_cast %add3A_430 : i32 to index
      %get3A_441 = arith.constant 16 : index
      %get3A_442 = tpu.vector_load %arg6[%get3A_439, %get3A_440, %get3A_441] {strides = array<i32>} : memref<2x1280x32xf32, #tpu.memory_space<vmem>>, vector<1x1x16xf32>,
      %get3A_443 = vector.shape_cast %get3A_442 : vector<1x1x16xf32> to vector<16xf32>
      %add3A_444 = arith.addf %add3A_426, %get3A_443 : vector<16xf32>
      %mul3A_445 = arith.constant 20 : i32
      %mul3A_446 = arith.muli %scan3A_298, %mul3A_445 : i32
      %add3A_447 = arith.constant 8 : i32
      %add3A_448 = arith.addi %mul3A_446, %add3A_447 : i32
      %get3A_449 = arith.constant 1 : i32
      %get3A_450 = arith.index_cast %get3A_449 : i32 to index
      %get3A_451 = arith.index_cast %add3A_448 : i32 to index
      %get3A_452 = arith.constant 0 : index
      %get3A_453 = tpu.vector_load %arg6[%get3A_450, %get3A_451, %get3A_452] {strides = array<i32>} : memref<2x1280x32xf32, #tpu.memory_space<vmem>>, vector<1x1x16xf32>,
      %get3A_454 = vector.shape_cast %get3A_453 : vector<1x1x16xf32> to vector<16xf32>
      %add3A_455 = arith.addf %add3A_437, %get3A_454 : vector<16xf32>
      %get3A_456 = arith.constant 1 : i32
      %get3A_457 = arith.index_cast %get3A_456 : i32 to index
      %get3A_458 = arith.index_cast %add3A_448 : i32 to index
      %get3A_459 = arith.constant 16 : index
      %get3A_460 = tpu.vector_load %arg6[%get3A_457, %get3A_458, %get3A_459] {strides = array<i32>} : memref<2x1280x32xf32, #tpu.memory_space<vmem>>, vector<1x1x16xf32>,
      %get3A_461 = vector.shape_cast %get3A_460 : vector<1x1x16xf32> to vector<16xf32>
      %add3A_462 = arith.addf %add3A_444, %get3A_461 : vector<16xf32>
      %mul3A_463 = arith.constant 20 : i32
      %mul3A_464 = arith.muli %scan3A_298, %mul3A_463 : i32
      %add3A_465 = arith.constant 9 : i32
      %add3A_466 = arith.addi %mul3A_464, %add3A_465 : i32
      %get3A_467 = arith.constant 1 : i32
      %get3A_468 = arith.index_cast %get3A_467 : i32 to index
      %get3A_469 = arith.index_cast %add3A_466 : i32 to index
      %get3A_470 = arith.constant 0 : index
      %get3A_471 = tpu.vector_load %arg6[%get3A_468, %get3A_469, %get3A_470] {strides = array<i32>} : memref<2x1280x32xf32, #tpu.memory_space<vmem>>, vector<1x1x16xf32>,
      %get3A_472 = vector.shape_cast %get3A_471 : vector<1x1x16xf32> to vector<16xf32>
      %add3A_473 = arith.addf %add3A_455, %get3A_472 : vector<16xf32>
      %get3A_474 = arith.constant 1 : i32
      %get3A_475 = arith.index_cast %get3A_474 : i32 to index
      %get3A_476 = arith.index_cast %add3A_466 : i32 to index
      %get3A_477 = arith.constant 16 : index
      %get3A_478 = tpu.vector_load %arg6[%get3A_475, %get3A_476, %get3A_477] {strides = array<i32>} : memref<2x1280x32xf32, #tpu.memory_space<vmem>>, vector<1x1x16xf32>,
      %get3A_479 = vector.shape_cast %get3A_478 : vector<1x1x16xf32> to vector<16xf32>
      %add3A_480 = arith.addf %add3A_462, %get3A_479 : vector<16xf32>
      %mul3A_481 = arith.constant 20 : i32
      %mul3A_482 = arith.muli %scan3A_298, %mul3A_481 : i32
      %add3A_483 = arith.constant 10 : i32
      %add3A_484 = arith.addi %mul3A_482, %add3A_483 : i32
      %get3A_485 = arith.constant 1 : i32
      %get3A_486 = arith.index_cast %get3A_485 : i32 to index
      %get3A_487 = arith.index_cast %add3A_484 : i32 to index
      %get3A_488 = arith.constant 0 : index
      %get3A_489 = tpu.vector_load %arg6[%get3A_486, %get3A_487, %get3A_488] {strides = array<i32>} : memref<2x1280x32xf32, #tpu.memory_space<vmem>>, vector<1x1x16xf32>,
      %get3A_490 = vector.shape_cast %get3A_489 : vector<1x1x16xf32> to vector<16xf32>
      %add3A_491 = arith.addf %add3A_473, %get3A_490 : vector<16xf32>
      %get3A_492 = arith.constant 1 : i32
      %get3A_493 = arith.index_cast %get3A_492 : i32 to index
      %get3A_494 = arith.index_cast %add3A_484 : i32 to index
      %get3A_495 = arith.constant 16 : index
      %get3A_496 = tpu.vector_load %arg6[%get3A_493, %get3A_494, %get3A_495] {strides = array<i32>} : memref<2x1280x32xf32, #tpu.memory_space<vmem>>, vector<1x1x16xf32>,
      %get3A_497 = vector.shape_cast %get3A_496 : vector<1x1x16xf32> to vector<16xf32>
      %add3A_498 = arith.addf %add3A_480, %get3A_497 : vector<16xf32>
      %mul3A_499 = arith.constant 20 : i32
      %mul3A_500 = arith.muli %scan3A_298, %mul3A_499 : i32
      %add3A_501 = arith.constant 11 : i32
      %add3A_502 = arith.addi %mul3A_500, %add3A_501 : i32
      %get3A_503 = arith.constant 1 : i32
      %get3A_504 = arith.index_cast %get3A_503 : i32 to index
      %get3A_505 = arith.index_cast %add3A_502 : i32 to index
      %get3A_506 = arith.constant 0 : index
      %get3A_507 = tpu.vector_load %arg6[%get3A_504, %get3A_505, %get3A_506] {strides = array<i32>} : memref<2x1280x32xf32, #tpu.memory_space<vmem>>, vector<1x1x16xf32>,
      %get3A_508 = vector.shape_cast %get3A_507 : vector<1x1x16xf32> to vector<16xf32>
      %add3A_509 = arith.addf %add3A_491, %get3A_508 : vector<16xf32>
      %get3A_510 = arith.constant 1 : i32
      %get3A_511 = arith.index_cast %get3A_510 : i32 to index
      %get3A_512 = arith.index_cast %add3A_502 : i32 to index
      %get3A_513 = arith.constant 16 : index
      %get3A_514 = tpu.vector_load %arg6[%get3A_511, %get3A_512, %get3A_513] {strides = array<i32>} : memref<2x1280x32xf32, #tpu.memory_space<vmem>>, vector<1x1x16xf32>,
      %get3A_515 = vector.shape_cast %get3A_514 : vector<1x1x16xf32> to vector<16xf32>
      %add3A_516 = arith.addf %add3A_498, %get3A_515 : vector<16xf32>
      %mul3A_517 = arith.constant 20 : i32
      %mul3A_518 = arith.muli %scan3A_298, %mul3A_517 : i32
      %add3A_519 = arith.constant 12 : i32
      %add3A_520 = arith.addi %mul3A_518, %add3A_519 : i32
      %get3A_521 = arith.constant 1 : i32
      %get3A_522 = arith.index_cast %get3A_521 : i32 to index
      %get3A_523 = arith.index_cast %add3A_520 : i32 to index
      %get3A_524 = arith.constant 0 : index
      %get3A_525 = tpu.vector_load %arg6[%get3A_522, %get3A_523, %get3A_524] {strides = array<i32>} : memref<2x1280x32xf32, #tpu.memory_space<vmem>>, vector<1x1x16xf32>,
      %get3A_526 = vector.shape_cast %get3A_525 : vector<1x1x16xf32> to vector<16xf32>
      %add3A_527 = arith.addf %add3A_509, %get3A_526 : vector<16xf32>
      %get3A_528 = arith.constant 1 : i32
      %get3A_529 = arith.index_cast %get3A_528 : i32 to index
      %get3A_530 = arith.index_cast %add3A_520 : i32 to index
      %get3A_531 = arith.constant 16 : index
      %get3A_532 = tpu.vector_load %arg6[%get3A_529, %get3A_530, %get3A_531] {strides = array<i32>} : memref<2x1280x32xf32, #tpu.memory_space<vmem>>, vector<1x1x16xf32>,
      %get3A_533 = vector.shape_cast %get3A_532 : vector<1x1x16xf32> to vector<16xf32>
      %add3A_534 = arith.addf %add3A_516, %get3A_533 : vector<16xf32>
      %mul3A_535 = arith.constant 20 : i32
      %mul3A_536 = arith.muli %scan3A_298, %mul3A_535 : i32
      %add3A_537 = arith.constant 13 : i32
      %add3A_538 = arith.addi %mul3A_536, %add3A_537 : i32
      %get3A_539 = arith.constant 1 : i32
      %get3A_540 = arith.index_cast %get3A_539 : i32 to index
      %get3A_541 = arith.index_cast %add3A_538 : i32 to index
      %get3A_542 = arith.constant 0 : index
      %get3A_543 = tpu.vector_load %arg6[%get3A_540, %get3A_541, %get3A_542] {strides = array<i32>} : memref<2x1280x32xf32, #tpu.memory_space<vmem>>, vector<1x1x16xf32>,
      %get3A_544 = vector.shape_cast %get3A_543 : vector<1x1x16xf32> to vector<16xf32>
      %add3A_545 = arith.addf %add3A_527, %get3A_544 : vector<16xf32>
      %get3A_546 = arith.constant 1 : i32
      %get3A_547 = arith.index_cast %get3A_546 : i32 to index
      %get3A_548 = arith.index_cast %add3A_538 : i32 to index
      %get3A_549 = arith.constant 16 : index
      %get3A_550 = tpu.vector_load %arg6[%get3A_547, %get3A_548, %get3A_549] {strides = array<i32>} : memref<2x1280x32xf32, #tpu.memory_space<vmem>>, vector<1x1x16xf32>,
      %get3A_551 = vector.shape_cast %get3A_550 : vector<1x1x16xf32> to vector<16xf32>
      %add3A_552 = arith.addf %add3A_534, %get3A_551 : vector<16xf32>
      %mul3A_553 = arith.constant 20 : i32
      %mul3A_554 = arith.muli %scan3A_298, %mul3A_553 : i32
      %add3A_555 = arith.constant 14 : i32
      %add3A_556 = arith.addi %mul3A_554, %add3A_555 : i32
      %get3A_557 = arith.constant 1 : i32
      %get3A_558 = arith.index_cast %get3A_557 : i32 to index
      %get3A_559 = arith.index_cast %add3A_556 : i32 to index
      %get3A_560 = arith.constant 0 : index
      %get3A_561 = tpu.vector_load %arg6[%get3A_558, %get3A_559, %get3A_560] {strides = array<i32>} : memref<2x1280x32xf32, #tpu.memory_space<vmem>>, vector<1x1x16xf32>,
      %get3A_562 = vector.shape_cast %get3A_561 : vector<1x1x16xf32> to vector<16xf32>
      %add3A_563 = arith.addf %add3A_545, %get3A_562 : vector<16xf32>
      %get3A_564 = arith.constant 1 : i32
      %get3A_565 = arith.index_cast %get3A_564 : i32 to index
      %get3A_566 = arith.index_cast %add3A_556 : i32 to index
      %get3A_567 = arith.constant 16 : index
      %get3A_568 = tpu.vector_load %arg6[%get3A_565, %get3A_566, %get3A_567] {strides = array<i32>} : memref<2x1280x32xf32, #tpu.memory_space<vmem>>, vector<1x1x16xf32>,
      %get3A_569 = vector.shape_cast %get3A_568 : vector<1x1x16xf32> to vector<16xf32>
      %add3A_570 = arith.addf %add3A_552, %get3A_569 : vector<16xf32>
      %mul3A_571 = arith.constant 20 : i32
      %mul3A_572 = arith.muli %scan3A_298, %mul3A_571 : i32
      %add3A_573 = arith.constant 15 : i32
      %add3A_574 = arith.addi %mul3A_572, %add3A_573 : i32
      %get3A_575 = arith.constant 1 : i32
      %get3A_576 = arith.index_cast %get3A_575 : i32 to index
      %get3A_577 = arith.index_cast %add3A_574 : i32 to index
      %get3A_578 = arith.constant 0 : index
      %get3A_579 = tpu.vector_load %arg6[%get3A_576, %get3A_577, %get3A_578] {strides = array<i32>} : memref<2x1280x32xf32, #tpu.memory_space<vmem>>, vector<1x1x16xf32>,
      %get3A_580 = vector.shape_cast %get3A_579 : vector<1x1x16xf32> to vector<16xf32>
      %add3A_581 = arith.addf %add3A_563, %get3A_580 : vector<16xf32>
      %get3A_582 = arith.constant 1 : i32
      %get3A_583 = arith.index_cast %get3A_582 : i32 to index
      %get3A_584 = arith.index_cast %add3A_574 : i32 to index
      %get3A_585 = arith.constant 16 : index
      %get3A_586 = tpu.vector_load %arg6[%get3A_583, %get3A_584, %get3A_585] {strides = array<i32>} : memref<2x1280x32xf32, #tpu.memory_space<vmem>>, vector<1x1x16xf32>,
      %get3A_587 = vector.shape_cast %get3A_586 : vector<1x1x16xf32> to vector<16xf32>
      %add3A_588 = arith.addf %add3A_570, %get3A_587 : vector<16xf32>
      %mul3A_589 = arith.constant 20 : i32
      %mul3A_590 = arith.muli %scan3A_298, %mul3A_589 : i32
      %add3A_591 = arith.constant 16 : i32
      %add3A_592 = arith.addi %mul3A_590, %add3A_591 : i32
      %get3A_593 = arith.constant 1 : i32
      %get3A_594 = arith.index_cast %get3A_593 : i32 to index
      %get3A_595 = arith.index_cast %add3A_592 : i32 to index
      %get3A_596 = arith.constant 0 : index
      %get3A_597 = tpu.vector_load %arg6[%get3A_594, %get3A_595, %get3A_596] {strides = array<i32>} : memref<2x1280x32xf32, #tpu.memory_space<vmem>>, vector<1x1x16xf32>,
      %get3A_598 = vector.shape_cast %get3A_597 : vector<1x1x16xf32> to vector<16xf32>
      %add3A_599 = arith.addf %add3A_581, %get3A_598 : vector<16xf32>
      %get3A_600 = arith.constant 1 : i32
      %get3A_601 = arith.index_cast %get3A_600 : i32 to index
      %get3A_602 = arith.index_cast %add3A_592 : i32 to index
      %get3A_603 = arith.constant 16 : index
      %get3A_604 = tpu.vector_load %arg6[%get3A_601, %get3A_602, %get3A_603] {strides = array<i32>} : memref<2x1280x32xf32, #tpu.memory_space<vmem>>, vector<1x1x16xf32>,
      %get3A_605 = vector.shape_cast %get3A_604 : vector<1x1x16xf32> to vector<16xf32>
      %add3A_606 = arith.addf %add3A_588, %get3A_605 : vector<16xf32>
      %mul3A_607 = arith.constant 20 : i32
      %mul3A_608 = arith.muli %scan3A_298, %mul3A_607 : i32
      %add3A_609 = arith.constant 17 : i32
      %add3A_610 = arith.addi %mul3A_608, %add3A_609 : i32
      %get3A_611 = arith.constant 1 : i32
      %get3A_612 = arith.index_cast %get3A_611 : i32 to index
      %get3A_613 = arith.index_cast %add3A_610 : i32 to index
      %get3A_614 = arith.constant 0 : index
      %get3A_615 = tpu.vector_load %arg6[%get3A_612, %get3A_613, %get3A_614] {strides = array<i32>} : memref<2x1280x32xf32, #tpu.memory_space<vmem>>, vector<1x1x16xf32>,
      %get3A_616 = vector.shape_cast %get3A_615 : vector<1x1x16xf32> to vector<16xf32>
      %add3A_617 = arith.addf %add3A_599, %get3A_616 : vector<16xf32>
      %get3A_618 = arith.constant 1 : i32
      %get3A_619 = arith.index_cast %get3A_618 : i32 to index
      %get3A_620 = arith.index_cast %add3A_610 : i32 to index
      %get3A_621 = arith.constant 16 : index
      %get3A_622 = tpu.vector_load %arg6[%get3A_619, %get3A_620, %get3A_621] {strides = array<i32>} : memref<2x1280x32xf32, #tpu.memory_space<vmem>>, vector<1x1x16xf32>,
      %get3A_623 = vector.shape_cast %get3A_622 : vector<1x1x16xf32> to vector<16xf32>
      %add3A_624 = arith.addf %add3A_606, %get3A_623 : vector<16xf32>
      %mul3A_625 = arith.constant 20 : i32
      %mul3A_626 = arith.muli %scan3A_298, %mul3A_625 : i32
      %add3A_627 = arith.constant 18 : i32
      %add3A_628 = arith.addi %mul3A_626, %add3A_627 : i32
      %get3A_629 = arith.constant 1 : i32
      %get3A_630 = arith.index_cast %get3A_629 : i32 to index
      %get3A_631 = arith.index_cast %add3A_628 : i32 to index
      %get3A_632 = arith.constant 0 : index
      %get3A_633 = tpu.vector_load %arg6[%get3A_630, %get3A_631, %get3A_632] {strides = array<i32>} : memref<2x1280x32xf32, #tpu.memory_space<vmem>>, vector<1x1x16xf32>,
      %get3A_634 = vector.shape_cast %get3A_633 : vector<1x1x16xf32> to vector<16xf32>
      %add3A_635 = arith.addf %add3A_617, %get3A_634 : vector<16xf32>
      %get3A_636 = arith.constant 1 : i32
      %get3A_637 = arith.index_cast %get3A_636 : i32 to index
      %get3A_638 = arith.index_cast %add3A_628 : i32 to index
      %get3A_639 = arith.constant 16 : index
      %get3A_640 = tpu.vector_load %arg6[%get3A_637, %get3A_638, %get3A_639] {strides = array<i32>} : memref<2x1280x32xf32, #tpu.memory_space<vmem>>, vector<1x1x16xf32>,
      %get3A_641 = vector.shape_cast %get3A_640 : vector<1x1x16xf32> to vector<16xf32>
      %add3A_642 = arith.addf %add3A_624, %get3A_641 : vector<16xf32>
      %mul3A_643 = arith.constant 20 : i32
      %mul3A_644 = arith.muli %scan3A_298, %mul3A_643 : i32
      %add3A_645 = arith.constant 19 : i32
      %add3A_646 = arith.addi %mul3A_644, %add3A_645 : i32
      %get3A_647 = arith.constant 1 : i32
      %get3A_648 = arith.index_cast %get3A_647 : i32 to index
      %get3A_649 = arith.index_cast %add3A_646 : i32 to index
      %get3A_650 = arith.constant 0 : index
      %get3A_651 = tpu.vector_load %arg6[%get3A_648, %get3A_649, %get3A_650] {strides = array<i32>} : memref<2x1280x32xf32, #tpu.memory_space<vmem>>, vector<1x1x16xf32>,
      %get3A_652 = vector.shape_cast %get3A_651 : vector<1x1x16xf32> to vector<16xf32>
      %add3A_653 = arith.addf %add3A_635, %get3A_652 : vector<16xf32>
      %get3A_654 = arith.constant 1 : i32
      %get3A_655 = arith.index_cast %get3A_654 : i32 to index
      %get3A_656 = arith.index_cast %add3A_646 : i32 to index
      %get3A_657 = arith.constant 16 : index
      %get3A_658 = tpu.vector_load %arg6[%get3A_655, %get3A_656, %get3A_657] {strides = array<i32>} : memref<2x1280x32xf32, #tpu.memory_space<vmem>>, vector<1x1x16xf32>,
      %get3A_659 = vector.shape_cast %get3A_658 : vector<1x1x16xf32> to vector<16xf32>
      %add3A_660 = arith.addf %add3A_642, %get3A_659 : vector<16xf32>
      %mul3A_661 = vector.broadcast %scan3A_79 : f32 to vector<16xf32>
      %mul3A_662 = arith.mulf %add3A_653, %mul3A_661 : vector<16xf32>
      %swap3A = arith.index_cast %scan3A_298 : i32 to index
      %swap3A_663 = arith.constant 0 : index
      %swap3A_664 = tpu.vector_load %arg7[%swap3A, %swap3A_663] {strides = array<i32>} : memref<64x32xf32, #tpu.memory_space<vmem>>, vector<1x16xf32>,
      %swap3A_665 = vector.shape_cast %swap3A_664 : vector<1x16xf32> to vector<16xf32>
      %swap3A_666 = vector.shape_cast %mul3A_662 : vector<16xf32> to vector<1x16xf32>
      tpu.vector_store %arg7[%swap3A, %swap3A_663], %swap3A_666 {strides = array<i32>} : memref<64x32xf32, #tpu.memory_space<vmem>>, vector<1x16xf32>,
      %mul3A_667 = vector.broadcast %scan3A_79 : f32 to vector<16xf32>
      %mul3A_668 = arith.mulf %add3A_660, %mul3A_667 : vector<16xf32>
      %swap3A_669 = arith.index_cast %scan3A_298 : i32 to index
      %swap3A_670 = arith.constant 16 : index
      %swap3A_671 = tpu.vector_load %arg7[%swap3A_669, %swap3A_670] {strides = array<i32>} : memref<64x32xf32, #tpu.memory_space<vmem>>, vector<1x16xf32>,
      %swap3A_672 = vector.shape_cast %swap3A_671 : vector<1x16xf32> to vector<16xf32>
      %swap3A_673 = vector.shape_cast %mul3A_668 : vector<16xf32> to vector<1x16xf32>
      tpu.vector_store %arg7[%swap3A_669, %swap3A_670], %swap3A_673 {strides = array<i32>} : memref<64x32xf32, #tpu.memory_space<vmem>>, vector<1x16xf32>,
    }
    %scan3A_84 = arith.constant 64 : i32
    %mul3A_85 = arith.constant 512 : i32
    %mul3A_86 = arith.muli %add3A, %mul3A_85 : i32
    %add3A_87 = arith.constant 64 : i32
    %add3A_88 = arith.addi %mul3A_86, %add3A_87 : i32
    "tpu.region"() ({
      %run_scoped3A = tpu.sem_alloc : memref<!tpu.dma_semaphore, #tpu.memory_space<semaphore_mem>>
      %dma_start3A_298 = arith.constant 0 : i32
      %dma_start3A_299 = tpu.memref_slice %arg4[%add3A_88, %dma_start3A_298] : memref<16384x32xf32, #tpu.memory_space<hbm>> -> memref<64x32xf32, #tpu.memory_space<hbm>>
      %dma_start3A_300 = arith.constant 0 : i32
      %dma_start3A_301 = tpu.memref_slice %arg4[%add3A_88, %dma_start3A_300] : memref<16384x32xf32, #tpu.memory_space<hbm>> -> memref<64x32xf32, #tpu.memory_space<hbm>>
      tpu.enqueue_dma source(%arg7 : memref<64x32xf32, #tpu.memory_space<vmem>>) target(%dma_start3A_301 : memref<64x32xf32, #tpu.memory_space<hbm>>) target_semaphore(%run_scoped3A : memref<!tpu.dma_semaphore, #tpu.memory_space<semaphore_mem>>)
      %dma_wait3A_302 = arith.constant 0 : i32
      %dma_wait3A_303 = tpu.memref_slice %arg4[%add3A_88, %dma_wait3A_302] : memref<16384x32xf32, #tpu.memory_space<hbm>> -> memref<64x32xf32, #tpu.memory_space<hbm>>
      %dma_wait3A_304 = arith.constant 0 : i32
      %dma_wait3A_305 = tpu.memref_slice %arg4[%add3A_88, %dma_wait3A_304] : memref<16384x32xf32, #tpu.memory_space<hbm>> -> memref<64x32xf32, #tpu.memory_space<hbm>>
      tpu.wait_dma2 semaphore(%run_scoped3A : memref<!tpu.dma_semaphore, #tpu.memory_space<semaphore_mem>>) src(%arg7 : memref<64x32xf32, #tpu.memory_space<vmem>>) dst(%dma_wait3A_305 : memref<64x32xf32, #tpu.memory_space<hbm>>)
      tpu.yield
    }) : () -> ()
    %dma_start3A_89 = arith.constant 1 : i32
    %dma_start3A_90 = arith.constant 1 : i32
    %dma_start3A_91 = arith.constant 0 : i32
    %dma_start3A_92 = arith.constant 0 : i32
    %dma_start3A_93 = tpu.memref_slice %arg6[%dma_start3A_89, %dma_start3A_91, %dma_start3A_92] : memref<2x1280x32xf32, #tpu.memory_space<vmem>> -> memref<1x1280x32xf32, #tpu.memory_space<vmem>>
    %dma_start3A_94 = tpu.memref_squeeze %dma_start3A_93 : memref<1x1280x32xf32, #tpu.memory_space<vmem>> -> memref<1280x32xf32, #tpu.memory_space<vmem>>
    %dma_start3A_95 = arith.constant 3840 : i32
    %dma_start3A_96 = tpu.memref_slice %arg5[%dma_start3A_95] : memref<10240xi32, #tpu.memory_space<vmem>> -> memref<1280xi32, #tpu.memory_space<vmem>>
    %dma_start3A_97 = arith.constant 0 : i32
    %dma_start3A_98 = arith.constant 0 : i32
    %dma_start3A_99 = tpu.memref_slice %arg3[%dma_start3A_97, %dma_start3A_98] : memref<1000000x32xf32, #tpu.memory_space<hbm>> -> memref<1000000x32xf32, #tpu.memory_space<hbm>>
    %dma_start3A_100 = tpu.memref_slice %arg8[%dma_start3A_90] : memref<2x!tpu.dma_semaphore, #tpu.memory_space<semaphore_mem>> -> memref<1x!tpu.dma_semaphore, #tpu.memory_space<semaphore_mem>>
    %dma_start3A_101 = tpu.memref_squeeze %dma_start3A_100 : memref<1x!tpu.dma_semaphore, #tpu.memory_space<semaphore_mem>> -> memref<!tpu.dma_semaphore, #tpu.memory_space<semaphore_mem>>
    tpu.enqueue_indirect_dma source(%dma_start3A_99 : memref<1000000x32xf32, #tpu.memory_space<hbm>>) target(%dma_start3A_94 : memref<1280x32xf32, #tpu.memory_space<vmem>>) offsets(%dma_start3A_96 : memref<1280xi32, #tpu.memory_space<vmem>>) semaphore(%dma_start3A_101 : memref<!tpu.dma_semaphore, #tpu.memory_space<semaphore_mem>>)
    %dma_wait3A_102 = arith.constant 0 : i32
    %dma_wait3A_103 = arith.constant 0 : i32
    %dma_wait3A_104 = arith.constant 0 : i32
    %dma_wait3A_105 = arith.constant 0 : i32
    %dma_wait3A_106 = tpu.memref_slice %arg6[%dma_wait3A_102, %dma_wait3A_104, %dma_wait3A_105] : memref<2x1280x32xf32, #tpu.memory_space<vmem>> -> memref<1x1280x32xf32, #tpu.memory_space<vmem>>
    %dma_wait3A_107 = tpu.memref_squeeze %dma_wait3A_106 : memref<1x1280x32xf32, #tpu.memory_space<vmem>> -> memref<1280x32xf32, #tpu.memory_space<vmem>>
    %dma_wait3A_108 = arith.constant 2560 : i32
    %dma_wait3A_109 = tpu.memref_slice %arg5[%dma_wait3A_108] : memref<10240xi32, #tpu.memory_space<vmem>> -> memref<1280xi32, #tpu.memory_space<vmem>>
    %dma_wait3A_110 = arith.constant 0 : i32
    %dma_wait3A_111 = arith.constant 0 : i32
    %dma_wait3A_112 = tpu.memref_slice %arg3[%dma_wait3A_110, %dma_wait3A_111] : memref<1000000x32xf32, #tpu.memory_space<hbm>> -> memref<1000000x32xf32, #tpu.memory_space<hbm>>
    %dma_wait3A_113 = tpu.memref_slice %arg8[%dma_wait3A_103] : memref<2x!tpu.dma_semaphore, #tpu.memory_space<semaphore_mem>> -> memref<1x!tpu.dma_semaphore, #tpu.memory_space<semaphore_mem>>
    %dma_wait3A_114 = tpu.memref_squeeze %dma_wait3A_113 : memref<1x!tpu.dma_semaphore, #tpu.memory_space<semaphore_mem>> -> memref<!tpu.dma_semaphore, #tpu.memory_space<semaphore_mem>>
    tpu.wait_indirect_dma semaphore(%dma_wait3A_114 : memref<!tpu.dma_semaphore, #tpu.memory_space<semaphore_mem>>) src(%dma_wait3A_112 : memref<1000000x32xf32, #tpu.memory_space<hbm>>) dst(%dma_wait3A_107 : memref<1280x32xf32, #tpu.memory_space<vmem>>)
    %scan3A_115 = arith.constant 0 : i32
    %scan3A_116 = arith.constant 5.000000e-02 : f32
    %scan3A_117 = arith.constant 0 : i32
    %scan3A_118 = arith.constant 64 : i32
    %scan3A_119 = arith.addi %scan3A_117, %scan3A_118 : i32
    %scan3A_120 = arith.constant 1 : i32
    scf.for %scan3A_298 = %scan3A_117 to %scan3A_119 step %scan3A_120  : i32 {
      %broadcast_in_dim3A = arith.constant 0.000000e+00 : f32
      %broadcast_in_dim3A_299 = vector.broadcast %broadcast_in_dim3A : f32 to vector<16xf32>
      %broadcast_in_dim3A_300 = arith.constant 0.000000e+00 : f32
      %broadcast_in_dim3A_301 = vector.broadcast %broadcast_in_dim3A_300 : f32 to vector<16xf32>
      %mul3A_302 = arith.constant 20 : i32
      %mul3A_303 = arith.muli %scan3A_298, %mul3A_302 : i32
      %add3A_304 = arith.constant 0 : i32
      %add3A_305 = arith.addi %mul3A_303, %add3A_304 : i32
      %get3A = arith.constant 0 : i32
      %get3A_306 = arith.index_cast %get3A : i32 to index
      %get3A_307 = arith.index_cast %add3A_305 : i32 to index
      %get3A_308 = arith.constant 0 : index
      %get3A_309 = tpu.vector_load %arg6[%get3A_306, %get3A_307, %get3A_308] {strides = array<i32>} : memref<2x1280x32xf32, #tpu.memory_space<vmem>>, vector<1x1x16xf32>,
      %get3A_310 = vector.shape_cast %get3A_309 : vector<1x1x16xf32> to vector<16xf32>
      %add3A_311 = arith.addf %broadcast_in_dim3A_299, %get3A_310 : vector<16xf32>
      %get3A_312 = arith.constant 0 : i32
      %get3A_313 = arith.index_cast %get3A_312 : i32 to index
      %get3A_314 = arith.index_cast %add3A_305 : i32 to index
      %get3A_315 = arith.constant 16 : index
      %get3A_316 = tpu.vector_load %arg6[%get3A_313, %get3A_314, %get3A_315] {strides = array<i32>} : memref<2x1280x32xf32, #tpu.memory_space<vmem>>, vector<1x1x16xf32>,
      %get3A_317 = vector.shape_cast %get3A_316 : vector<1x1x16xf32> to vector<16xf32>
      %add3A_318 = arith.addf %broadcast_in_dim3A_301, %get3A_317 : vector<16xf32>
      %mul3A_319 = arith.constant 20 : i32
      %mul3A_320 = arith.muli %scan3A_298, %mul3A_319 : i32
      %add3A_321 = arith.constant 1 : i32
      %add3A_322 = arith.addi %mul3A_320, %add3A_321 : i32
      %get3A_323 = arith.constant 0 : i32
      %get3A_324 = arith.index_cast %get3A_323 : i32 to index
      %get3A_325 = arith.index_cast %add3A_322 : i32 to index
      %get3A_326 = arith.constant 0 : index
      %get3A_327 = tpu.vector_load %arg6[%get3A_324, %get3A_325, %get3A_326] {strides = array<i32>} : memref<2x1280x32xf32, #tpu.memory_space<vmem>>, vector<1x1x16xf32>,
      %get3A_328 = vector.shape_cast %get3A_327 : vector<1x1x16xf32> to vector<16xf32>
      %add3A_329 = arith.addf %add3A_311, %get3A_328 : vector<16xf32>
      %get3A_330 = arith.constant 0 : i32
      %get3A_331 = arith.index_cast %get3A_330 : i32 to index
      %get3A_332 = arith.index_cast %add3A_322 : i32 to index
      %get3A_333 = arith.constant 16 : index
      %get3A_334 = tpu.vector_load %arg6[%get3A_331, %get3A_332, %get3A_333] {strides = array<i32>} : memref<2x1280x32xf32, #tpu.memory_space<vmem>>, vector<1x1x16xf32>,
      %get3A_335 = vector.shape_cast %get3A_334 : vector<1x1x16xf32> to vector<16xf32>
      %add3A_336 = arith.addf %add3A_318, %get3A_335 : vector<16xf32>
      %mul3A_337 = arith.constant 20 : i32
      %mul3A_338 = arith.muli %scan3A_298, %mul3A_337 : i32
      %add3A_339 = arith.constant 2 : i32
      %add3A_340 = arith.addi %mul3A_338, %add3A_339 : i32
      %get3A_341 = arith.constant 0 : i32
      %get3A_342 = arith.index_cast %get3A_341 : i32 to index
      %get3A_343 = arith.index_cast %add3A_340 : i32 to index
      %get3A_344 = arith.constant 0 : index
      %get3A_345 = tpu.vector_load %arg6[%get3A_342, %get3A_343, %get3A_344] {strides = array<i32>} : memref<2x1280x32xf32, #tpu.memory_space<vmem>>, vector<1x1x16xf32>,
      %get3A_346 = vector.shape_cast %get3A_345 : vector<1x1x16xf32> to vector<16xf32>
      %add3A_347 = arith.addf %add3A_329, %get3A_346 : vector<16xf32>
      %get3A_348 = arith.constant 0 : i32
      %get3A_349 = arith.index_cast %get3A_348 : i32 to index
      %get3A_350 = arith.index_cast %add3A_340 : i32 to index
      %get3A_351 = arith.constant 16 : index
      %get3A_352 = tpu.vector_load %arg6[%get3A_349, %get3A_350, %get3A_351] {strides = array<i32>} : memref<2x1280x32xf32, #tpu.memory_space<vmem>>, vector<1x1x16xf32>,
      %get3A_353 = vector.shape_cast %get3A_352 : vector<1x1x16xf32> to vector<16xf32>
      %add3A_354 = arith.addf %add3A_336, %get3A_353 : vector<16xf32>
      %mul3A_355 = arith.constant 20 : i32
      %mul3A_356 = arith.muli %scan3A_298, %mul3A_355 : i32
      %add3A_357 = arith.constant 3 : i32
      %add3A_358 = arith.addi %mul3A_356, %add3A_357 : i32
      %get3A_359 = arith.constant 0 : i32
      %get3A_360 = arith.index_cast %get3A_359 : i32 to index
      %get3A_361 = arith.index_cast %add3A_358 : i32 to index
      %get3A_362 = arith.constant 0 : index
      %get3A_363 = tpu.vector_load %arg6[%get3A_360, %get3A_361, %get3A_362] {strides = array<i32>} : memref<2x1280x32xf32, #tpu.memory_space<vmem>>, vector<1x1x16xf32>,
      %get3A_364 = vector.shape_cast %get3A_363 : vector<1x1x16xf32> to vector<16xf32>
      %add3A_365 = arith.addf %add3A_347, %get3A_364 : vector<16xf32>
      %get3A_366 = arith.constant 0 : i32
      %get3A_367 = arith.index_cast %get3A_366 : i32 to index
      %get3A_368 = arith.index_cast %add3A_358 : i32 to index
      %get3A_369 = arith.constant 16 : index
      %get3A_370 = tpu.vector_load %arg6[%get3A_367, %get3A_368, %get3A_369] {strides = array<i32>} : memref<2x1280x32xf32, #tpu.memory_space<vmem>>, vector<1x1x16xf32>,
      %get3A_371 = vector.shape_cast %get3A_370 : vector<1x1x16xf32> to vector<16xf32>
      %add3A_372 = arith.addf %add3A_354, %get3A_371 : vector<16xf32>
      %mul3A_373 = arith.constant 20 : i32
      %mul3A_374 = arith.muli %scan3A_298, %mul3A_373 : i32
      %add3A_375 = arith.constant 4 : i32
      %add3A_376 = arith.addi %mul3A_374, %add3A_375 : i32
      %get3A_377 = arith.constant 0 : i32
      %get3A_378 = arith.index_cast %get3A_377 : i32 to index
      %get3A_379 = arith.index_cast %add3A_376 : i32 to index
      %get3A_380 = arith.constant 0 : index
      %get3A_381 = tpu.vector_load %arg6[%get3A_378, %get3A_379, %get3A_380] {strides = array<i32>} : memref<2x1280x32xf32, #tpu.memory_space<vmem>>, vector<1x1x16xf32>,
      %get3A_382 = vector.shape_cast %get3A_381 : vector<1x1x16xf32> to vector<16xf32>
      %add3A_383 = arith.addf %add3A_365, %get3A_382 : vector<16xf32>
      %get3A_384 = arith.constant 0 : i32
      %get3A_385 = arith.index_cast %get3A_384 : i32 to index
      %get3A_386 = arith.index_cast %add3A_376 : i32 to index
      %get3A_387 = arith.constant 16 : index
      %get3A_388 = tpu.vector_load %arg6[%get3A_385, %get3A_386, %get3A_387] {strides = array<i32>} : memref<2x1280x32xf32, #tpu.memory_space<vmem>>, vector<1x1x16xf32>,
      %get3A_389 = vector.shape_cast %get3A_388 : vector<1x1x16xf32> to vector<16xf32>
      %add3A_390 = arith.addf %add3A_372, %get3A_389 : vector<16xf32>
      %mul3A_391 = arith.constant 20 : i32
      %mul3A_392 = arith.muli %scan3A_298, %mul3A_391 : i32
      %add3A_393 = arith.constant 5 : i32
      %add3A_394 = arith.addi %mul3A_392, %add3A_393 : i32
      %get3A_395 = arith.constant 0 : i32
      %get3A_396 = arith.index_cast %get3A_395 : i32 to index
      %get3A_397 = arith.index_cast %add3A_394 : i32 to index
      %get3A_398 = arith.constant 0 : index
      %get3A_399 = tpu.vector_load %arg6[%get3A_396, %get3A_397, %get3A_398] {strides = array<i32>} : memref<2x1280x32xf32, #tpu.memory_space<vmem>>, vector<1x1x16xf32>,
      %get3A_400 = vector.shape_cast %get3A_399 : vector<1x1x16xf32> to vector<16xf32>
      %add3A_401 = arith.addf %add3A_383, %get3A_400 : vector<16xf32>
      %get3A_402 = arith.constant 0 : i32
      %get3A_403 = arith.index_cast %get3A_402 : i32 to index
      %get3A_404 = arith.index_cast %add3A_394 : i32 to index
      %get3A_405 = arith.constant 16 : index
      %get3A_406 = tpu.vector_load %arg6[%get3A_403, %get3A_404, %get3A_405] {strides = array<i32>} : memref<2x1280x32xf32, #tpu.memory_space<vmem>>, vector<1x1x16xf32>,
      %get3A_407 = vector.shape_cast %get3A_406 : vector<1x1x16xf32> to vector<16xf32>
      %add3A_408 = arith.addf %add3A_390, %get3A_407 : vector<16xf32>
      %mul3A_409 = arith.constant 20 : i32
      %mul3A_410 = arith.muli %scan3A_298, %mul3A_409 : i32
      %add3A_411 = arith.constant 6 : i32
      %add3A_412 = arith.addi %mul3A_410, %add3A_411 : i32
      %get3A_413 = arith.constant 0 : i32
      %get3A_414 = arith.index_cast %get3A_413 : i32 to index
      %get3A_415 = arith.index_cast %add3A_412 : i32 to index
      %get3A_416 = arith.constant 0 : index
      %get3A_417 = tpu.vector_load %arg6[%get3A_414, %get3A_415, %get3A_416] {strides = array<i32>} : memref<2x1280x32xf32, #tpu.memory_space<vmem>>, vector<1x1x16xf32>,
      %get3A_418 = vector.shape_cast %get3A_417 : vector<1x1x16xf32> to vector<16xf32>
      %add3A_419 = arith.addf %add3A_401, %get3A_418 : vector<16xf32>
      %get3A_420 = arith.constant 0 : i32
      %get3A_421 = arith.index_cast %get3A_420 : i32 to index
      %get3A_422 = arith.index_cast %add3A_412 : i32 to index
      %get3A_423 = arith.constant 16 : index
      %get3A_424 = tpu.vector_load %arg6[%get3A_421, %get3A_422, %get3A_423] {strides = array<i32>} : memref<2x1280x32xf32, #tpu.memory_space<vmem>>, vector<1x1x16xf32>,
      %get3A_425 = vector.shape_cast %get3A_424 : vector<1x1x16xf32> to vector<16xf32>
      %add3A_426 = arith.addf %add3A_408, %get3A_425 : vector<16xf32>
      %mul3A_427 = arith.constant 20 : i32
      %mul3A_428 = arith.muli %scan3A_298, %mul3A_427 : i32
      %add3A_429 = arith.constant 7 : i32
      %add3A_430 = arith.addi %mul3A_428, %add3A_429 : i32
      %get3A_431 = arith.constant 0 : i32
      %get3A_432 = arith.index_cast %get3A_431 : i32 to index
      %get3A_433 = arith.index_cast %add3A_430 : i32 to index
      %get3A_434 = arith.constant 0 : index
      %get3A_435 = tpu.vector_load %arg6[%get3A_432, %get3A_433, %get3A_434] {strides = array<i32>} : memref<2x1280x32xf32, #tpu.memory_space<vmem>>, vector<1x1x16xf32>,
      %get3A_436 = vector.shape_cast %get3A_435 : vector<1x1x16xf32> to vector<16xf32>
      %add3A_437 = arith.addf %add3A_419, %get3A_436 : vector<16xf32>
      %get3A_438 = arith.constant 0 : i32
      %get3A_439 = arith.index_cast %get3A_438 : i32 to index
      %get3A_440 = arith.index_cast %add3A_430 : i32 to index
      %get3A_441 = arith.constant 16 : index
      %get3A_442 = tpu.vector_load %arg6[%get3A_439, %get3A_440, %get3A_441] {strides = array<i32>} : memref<2x1280x32xf32, #tpu.memory_space<vmem>>, vector<1x1x16xf32>,
      %get3A_443 = vector.shape_cast %get3A_442 : vector<1x1x16xf32> to vector<16xf32>
      %add3A_444 = arith.addf %add3A_426, %get3A_443 : vector<16xf32>
      %mul3A_445 = arith.constant 20 : i32
      %mul3A_446 = arith.muli %scan3A_298, %mul3A_445 : i32
      %add3A_447 = arith.constant 8 : i32
      %add3A_448 = arith.addi %mul3A_446, %add3A_447 : i32
      %get3A_449 = arith.constant 0 : i32
      %get3A_450 = arith.index_cast %get3A_449 : i32 to index
      %get3A_451 = arith.index_cast %add3A_448 : i32 to index
      %get3A_452 = arith.constant 0 : index
      %get3A_453 = tpu.vector_load %arg6[%get3A_450, %get3A_451, %get3A_452] {strides = array<i32>} : memref<2x1280x32xf32, #tpu.memory_space<vmem>>, vector<1x1x16xf32>,
      %get3A_454 = vector.shape_cast %get3A_453 : vector<1x1x16xf32> to vector<16xf32>
      %add3A_455 = arith.addf %add3A_437, %get3A_454 : vector<16xf32>
      %get3A_456 = arith.constant 0 : i32
      %get3A_457 = arith.index_cast %get3A_456 : i32 to index
      %get3A_458 = arith.index_cast %add3A_448 : i32 to index
      %get3A_459 = arith.constant 16 : index
      %get3A_460 = tpu.vector_load %arg6[%get3A_457, %get3A_458, %get3A_459] {strides = array<i32>} : memref<2x1280x32xf32, #tpu.memory_space<vmem>>, vector<1x1x16xf32>,
      %get3A_461 = vector.shape_cast %get3A_460 : vector<1x1x16xf32> to vector<16xf32>
      %add3A_462 = arith.addf %add3A_444, %get3A_461 : vector<16xf32>
      %mul3A_463 = arith.constant 20 : i32
      %mul3A_464 = arith.muli %scan3A_298, %mul3A_463 : i32
      %add3A_465 = arith.constant 9 : i32
      %add3A_466 = arith.addi %mul3A_464, %add3A_465 : i32
      %get3A_467 = arith.constant 0 : i32
      %get3A_468 = arith.index_cast %get3A_467 : i32 to index
      %get3A_469 = arith.index_cast %add3A_466 : i32 to index
      %get3A_470 = arith.constant 0 : index
      %get3A_471 = tpu.vector_load %arg6[%get3A_468, %get3A_469, %get3A_470] {strides = array<i32>} : memref<2x1280x32xf32, #tpu.memory_space<vmem>>, vector<1x1x16xf32>,
      %get3A_472 = vector.shape_cast %get3A_471 : vector<1x1x16xf32> to vector<16xf32>
      %add3A_473 = arith.addf %add3A_455, %get3A_472 : vector<16xf32>
      %get3A_474 = arith.constant 0 : i32
      %get3A_475 = arith.index_cast %get3A_474 : i32 to index
      %get3A_476 = arith.index_cast %add3A_466 : i32 to index
      %get3A_477 = arith.constant 16 : index
      %get3A_478 = tpu.vector_load %arg6[%get3A_475, %get3A_476, %get3A_477] {strides = array<i32>} : memref<2x1280x32xf32, #tpu.memory_space<vmem>>, vector<1x1x16xf32>,
      %get3A_479 = vector.shape_cast %get3A_478 : vector<1x1x16xf32> to vector<16xf32>
      %add3A_480 = arith.addf %add3A_462, %get3A_479 : vector<16xf32>
      %mul3A_481 = arith.constant 20 : i32
      %mul3A_482 = arith.muli %scan3A_298, %mul3A_481 : i32
      %add3A_483 = arith.constant 10 : i32
      %add3A_484 = arith.addi %mul3A_482, %add3A_483 : i32
      %get3A_485 = arith.constant 0 : i32
      %get3A_486 = arith.index_cast %get3A_485 : i32 to index
      %get3A_487 = arith.index_cast %add3A_484 : i32 to index
      %get3A_488 = arith.constant 0 : index
      %get3A_489 = tpu.vector_load %arg6[%get3A_486, %get3A_487, %get3A_488] {strides = array<i32>} : memref<2x1280x32xf32, #tpu.memory_space<vmem>>, vector<1x1x16xf32>,
      %get3A_490 = vector.shape_cast %get3A_489 : vector<1x1x16xf32> to vector<16xf32>
      %add3A_491 = arith.addf %add3A_473, %get3A_490 : vector<16xf32>
      %get3A_492 = arith.constant 0 : i32
      %get3A_493 = arith.index_cast %get3A_492 : i32 to index
      %get3A_494 = arith.index_cast %add3A_484 : i32 to index
      %get3A_495 = arith.constant 16 : index
      %get3A_496 = tpu.vector_load %arg6[%get3A_493, %get3A_494, %get3A_495] {strides = array<i32>} : memref<2x1280x32xf32, #tpu.memory_space<vmem>>, vector<1x1x16xf32>,
      %get3A_497 = vector.shape_cast %get3A_496 : vector<1x1x16xf32> to vector<16xf32>
      %add3A_498 = arith.addf %add3A_480, %get3A_497 : vector<16xf32>
      %mul3A_499 = arith.constant 20 : i32
      %mul3A_500 = arith.muli %scan3A_298, %mul3A_499 : i32
      %add3A_501 = arith.constant 11 : i32
      %add3A_502 = arith.addi %mul3A_500, %add3A_501 : i32
      %get3A_503 = arith.constant 0 : i32
      %get3A_504 = arith.index_cast %get3A_503 : i32 to index
      %get3A_505 = arith.index_cast %add3A_502 : i32 to index
      %get3A_506 = arith.constant 0 : index
      %get3A_507 = tpu.vector_load %arg6[%get3A_504, %get3A_505, %get3A_506] {strides = array<i32>} : memref<2x1280x32xf32, #tpu.memory_space<vmem>>, vector<1x1x16xf32>,
      %get3A_508 = vector.shape_cast %get3A_507 : vector<1x1x16xf32> to vector<16xf32>
      %add3A_509 = arith.addf %add3A_491, %get3A_508 : vector<16xf32>
      %get3A_510 = arith.constant 0 : i32
      %get3A_511 = arith.index_cast %get3A_510 : i32 to index
      %get3A_512 = arith.index_cast %add3A_502 : i32 to index
      %get3A_513 = arith.constant 16 : index
      %get3A_514 = tpu.vector_load %arg6[%get3A_511, %get3A_512, %get3A_513] {strides = array<i32>} : memref<2x1280x32xf32, #tpu.memory_space<vmem>>, vector<1x1x16xf32>,
      %get3A_515 = vector.shape_cast %get3A_514 : vector<1x1x16xf32> to vector<16xf32>
      %add3A_516 = arith.addf %add3A_498, %get3A_515 : vector<16xf32>
      %mul3A_517 = arith.constant 20 : i32
      %mul3A_518 = arith.muli %scan3A_298, %mul3A_517 : i32
      %add3A_519 = arith.constant 12 : i32
      %add3A_520 = arith.addi %mul3A_518, %add3A_519 : i32
      %get3A_521 = arith.constant 0 : i32
      %get3A_522 = arith.index_cast %get3A_521 : i32 to index
      %get3A_523 = arith.index_cast %add3A_520 : i32 to index
      %get3A_524 = arith.constant 0 : index
      %get3A_525 = tpu.vector_load %arg6[%get3A_522, %get3A_523, %get3A_524] {strides = array<i32>} : memref<2x1280x32xf32, #tpu.memory_space<vmem>>, vector<1x1x16xf32>,
      %get3A_526 = vector.shape_cast %get3A_525 : vector<1x1x16xf32> to vector<16xf32>
      %add3A_527 = arith.addf %add3A_509, %get3A_526 : vector<16xf32>
      %get3A_528 = arith.constant 0 : i32
      %get3A_529 = arith.index_cast %get3A_528 : i32 to index
      %get3A_530 = arith.index_cast %add3A_520 : i32 to index
      %get3A_531 = arith.constant 16 : index
      %get3A_532 = tpu.vector_load %arg6[%get3A_529, %get3A_530, %get3A_531] {strides = array<i32>} : memref<2x1280x32xf32, #tpu.memory_space<vmem>>, vector<1x1x16xf32>,
      %get3A_533 = vector.shape_cast %get3A_532 : vector<1x1x16xf32> to vector<16xf32>
      %add3A_534 = arith.addf %add3A_516, %get3A_533 : vector<16xf32>
      %mul3A_535 = arith.constant 20 : i32
      %mul3A_536 = arith.muli %scan3A_298, %mul3A_535 : i32
      %add3A_537 = arith.constant 13 : i32
      %add3A_538 = arith.addi %mul3A_536, %add3A_537 : i32
      %get3A_539 = arith.constant 0 : i32
      %get3A_540 = arith.index_cast %get3A_539 : i32 to index
      %get3A_541 = arith.index_cast %add3A_538 : i32 to index
      %get3A_542 = arith.constant 0 : index
      %get3A_543 = tpu.vector_load %arg6[%get3A_540, %get3A_541, %get3A_542] {strides = array<i32>} : memref<2x1280x32xf32, #tpu.memory_space<vmem>>, vector<1x1x16xf32>,
      %get3A_544 = vector.shape_cast %get3A_543 : vector<1x1x16xf32> to vector<16xf32>
      %add3A_545 = arith.addf %add3A_527, %get3A_544 : vector<16xf32>
      %get3A_546 = arith.constant 0 : i32
      %get3A_547 = arith.index_cast %get3A_546 : i32 to index
      %get3A_548 = arith.index_cast %add3A_538 : i32 to index
      %get3A_549 = arith.constant 16 : index
      %get3A_550 = tpu.vector_load %arg6[%get3A_547, %get3A_548, %get3A_549] {strides = array<i32>} : memref<2x1280x32xf32, #tpu.memory_space<vmem>>, vector<1x1x16xf32>,
      %get3A_551 = vector.shape_cast %get3A_550 : vector<1x1x16xf32> to vector<16xf32>
      %add3A_552 = arith.addf %add3A_534, %get3A_551 : vector<16xf32>
      %mul3A_553 = arith.constant 20 : i32
      %mul3A_554 = arith.muli %scan3A_298, %mul3A_553 : i32
      %add3A_555 = arith.constant 14 : i32
      %add3A_556 = arith.addi %mul3A_554, %add3A_555 : i32
      %get3A_557 = arith.constant 0 : i32
      %get3A_558 = arith.index_cast %get3A_557 : i32 to index
      %get3A_559 = arith.index_cast %add3A_556 : i32 to index
      %get3A_560 = arith.constant 0 : index
      %get3A_561 = tpu.vector_load %arg6[%get3A_558, %get3A_559, %get3A_560] {strides = array<i32>} : memref<2x1280x32xf32, #tpu.memory_space<vmem>>, vector<1x1x16xf32>,
      %get3A_562 = vector.shape_cast %get3A_561 : vector<1x1x16xf32> to vector<16xf32>
      %add3A_563 = arith.addf %add3A_545, %get3A_562 : vector<16xf32>
      %get3A_564 = arith.constant 0 : i32
      %get3A_565 = arith.index_cast %get3A_564 : i32 to index
      %get3A_566 = arith.index_cast %add3A_556 : i32 to index
      %get3A_567 = arith.constant 16 : index
      %get3A_568 = tpu.vector_load %arg6[%get3A_565, %get3A_566, %get3A_567] {strides = array<i32>} : memref<2x1280x32xf32, #tpu.memory_space<vmem>>, vector<1x1x16xf32>,
      %get3A_569 = vector.shape_cast %get3A_568 : vector<1x1x16xf32> to vector<16xf32>
      %add3A_570 = arith.addf %add3A_552, %get3A_569 : vector<16xf32>
      %mul3A_571 = arith.constant 20 : i32
      %mul3A_572 = arith.muli %scan3A_298, %mul3A_571 : i32
      %add3A_573 = arith.constant 15 : i32
      %add3A_574 = arith.addi %mul3A_572, %add3A_573 : i32
      %get3A_575 = arith.constant 0 : i32
      %get3A_576 = arith.index_cast %get3A_575 : i32 to index
      %get3A_577 = arith.index_cast %add3A_574 : i32 to index
      %get3A_578 = arith.constant 0 : index
      %get3A_579 = tpu.vector_load %arg6[%get3A_576, %get3A_577, %get3A_578] {strides = array<i32>} : memref<2x1280x32xf32, #tpu.memory_space<vmem>>, vector<1x1x16xf32>,
      %get3A_580 = vector.shape_cast %get3A_579 : vector<1x1x16xf32> to vector<16xf32>
      %add3A_581 = arith.addf %add3A_563, %get3A_580 : vector<16xf32>
      %get3A_582 = arith.constant 0 : i32
      %get3A_583 = arith.index_cast %get3A_582 : i32 to index
      %get3A_584 = arith.index_cast %add3A_574 : i32 to index
      %get3A_585 = arith.constant 16 : index
      %get3A_586 = tpu.vector_load %arg6[%get3A_583, %get3A_584, %get3A_585] {strides = array<i32>} : memref<2x1280x32xf32, #tpu.memory_space<vmem>>, vector<1x1x16xf32>,
      %get3A_587 = vector.shape_cast %get3A_586 : vector<1x1x16xf32> to vector<16xf32>
      %add3A_588 = arith.addf %add3A_570, %get3A_587 : vector<16xf32>
      %mul3A_589 = arith.constant 20 : i32
      %mul3A_590 = arith.muli %scan3A_298, %mul3A_589 : i32
      %add3A_591 = arith.constant 16 : i32
      %add3A_592 = arith.addi %mul3A_590, %add3A_591 : i32
      %get3A_593 = arith.constant 0 : i32
      %get3A_594 = arith.index_cast %get3A_593 : i32 to index
      %get3A_595 = arith.index_cast %add3A_592 : i32 to index
      %get3A_596 = arith.constant 0 : index
      %get3A_597 = tpu.vector_load %arg6[%get3A_594, %get3A_595, %get3A_596] {strides = array<i32>} : memref<2x1280x32xf32, #tpu.memory_space<vmem>>, vector<1x1x16xf32>,
      %get3A_598 = vector.shape_cast %get3A_597 : vector<1x1x16xf32> to vector<16xf32>
      %add3A_599 = arith.addf %add3A_581, %get3A_598 : vector<16xf32>
      %get3A_600 = arith.constant 0 : i32
      %get3A_601 = arith.index_cast %get3A_600 : i32 to index
      %get3A_602 = arith.index_cast %add3A_592 : i32 to index
      %get3A_603 = arith.constant 16 : index
      %get3A_604 = tpu.vector_load %arg6[%get3A_601, %get3A_602, %get3A_603] {strides = array<i32>} : memref<2x1280x32xf32, #tpu.memory_space<vmem>>, vector<1x1x16xf32>,
      %get3A_605 = vector.shape_cast %get3A_604 : vector<1x1x16xf32> to vector<16xf32>
      %add3A_606 = arith.addf %add3A_588, %get3A_605 : vector<16xf32>
      %mul3A_607 = arith.constant 20 : i32
      %mul3A_608 = arith.muli %scan3A_298, %mul3A_607 : i32
      %add3A_609 = arith.constant 17 : i32
      %add3A_610 = arith.addi %mul3A_608, %add3A_609 : i32
      %get3A_611 = arith.constant 0 : i32
      %get3A_612 = arith.index_cast %get3A_611 : i32 to index
      %get3A_613 = arith.index_cast %add3A_610 : i32 to index
      %get3A_614 = arith.constant 0 : index
      %get3A_615 = tpu.vector_load %arg6[%get3A_612, %get3A_613, %get3A_614] {strides = array<i32>} : memref<2x1280x32xf32, #tpu.memory_space<vmem>>, vector<1x1x16xf32>,
      %get3A_616 = vector.shape_cast %get3A_615 : vector<1x1x16xf32> to vector<16xf32>
      %add3A_617 = arith.addf %add3A_599, %get3A_616 : vector<16xf32>
      %get3A_618 = arith.constant 0 : i32
      %get3A_619 = arith.index_cast %get3A_618 : i32 to index
      %get3A_620 = arith.index_cast %add3A_610 : i32 to index
      %get3A_621 = arith.constant 16 : index
      %get3A_622 = tpu.vector_load %arg6[%get3A_619, %get3A_620, %get3A_621] {strides = array<i32>} : memref<2x1280x32xf32, #tpu.memory_space<vmem>>, vector<1x1x16xf32>,
      %get3A_623 = vector.shape_cast %get3A_622 : vector<1x1x16xf32> to vector<16xf32>
      %add3A_624 = arith.addf %add3A_606, %get3A_623 : vector<16xf32>
      %mul3A_625 = arith.constant 20 : i32
      %mul3A_626 = arith.muli %scan3A_298, %mul3A_625 : i32
      %add3A_627 = arith.constant 18 : i32
      %add3A_628 = arith.addi %mul3A_626, %add3A_627 : i32
      %get3A_629 = arith.constant 0 : i32
      %get3A_630 = arith.index_cast %get3A_629 : i32 to index
      %get3A_631 = arith.index_cast %add3A_628 : i32 to index
      %get3A_632 = arith.constant 0 : index
      %get3A_633 = tpu.vector_load %arg6[%get3A_630, %get3A_631, %get3A_632] {strides = array<i32>} : memref<2x1280x32xf32, #tpu.memory_space<vmem>>, vector<1x1x16xf32>,
      %get3A_634 = vector.shape_cast %get3A_633 : vector<1x1x16xf32> to vector<16xf32>
      %add3A_635 = arith.addf %add3A_617, %get3A_634 : vector<16xf32>
      %get3A_636 = arith.constant 0 : i32
      %get3A_637 = arith.index_cast %get3A_636 : i32 to index
      %get3A_638 = arith.index_cast %add3A_628 : i32 to index
      %get3A_639 = arith.constant 16 : index
      %get3A_640 = tpu.vector_load %arg6[%get3A_637, %get3A_638, %get3A_639] {strides = array<i32>} : memref<2x1280x32xf32, #tpu.memory_space<vmem>>, vector<1x1x16xf32>,
      %get3A_641 = vector.shape_cast %get3A_640 : vector<1x1x16xf32> to vector<16xf32>
      %add3A_642 = arith.addf %add3A_624, %get3A_641 : vector<16xf32>
      %mul3A_643 = arith.constant 20 : i32
      %mul3A_644 = arith.muli %scan3A_298, %mul3A_643 : i32
      %add3A_645 = arith.constant 19 : i32
      %add3A_646 = arith.addi %mul3A_644, %add3A_645 : i32
      %get3A_647 = arith.constant 0 : i32
      %get3A_648 = arith.index_cast %get3A_647 : i32 to index
      %get3A_649 = arith.index_cast %add3A_646 : i32 to index
      %get3A_650 = arith.constant 0 : index
      %get3A_651 = tpu.vector_load %arg6[%get3A_648, %get3A_649, %get3A_650] {strides = array<i32>} : memref<2x1280x32xf32, #tpu.memory_space<vmem>>, vector<1x1x16xf32>,
      %get3A_652 = vector.shape_cast %get3A_651 : vector<1x1x16xf32> to vector<16xf32>
      %add3A_653 = arith.addf %add3A_635, %get3A_652 : vector<16xf32>
      %get3A_654 = arith.constant 0 : i32
      %get3A_655 = arith.index_cast %get3A_654 : i32 to index
      %get3A_656 = arith.index_cast %add3A_646 : i32 to index
      %get3A_657 = arith.constant 16 : index
      %get3A_658 = tpu.vector_load %arg6[%get3A_655, %get3A_656, %get3A_657] {strides = array<i32>} : memref<2x1280x32xf32, #tpu.memory_space<vmem>>, vector<1x1x16xf32>,
      %get3A_659 = vector.shape_cast %get3A_658 : vector<1x1x16xf32> to vector<16xf32>
      %add3A_660 = arith.addf %add3A_642, %get3A_659 : vector<16xf32>
      %mul3A_661 = vector.broadcast %scan3A_116 : f32 to vector<16xf32>
      %mul3A_662 = arith.mulf %add3A_653, %mul3A_661 : vector<16xf32>
      %swap3A = arith.index_cast %scan3A_298 : i32 to index
      %swap3A_663 = arith.constant 0 : index
      %swap3A_664 = tpu.vector_load %arg7[%swap3A, %swap3A_663] {strides = array<i32>} : memref<64x32xf32, #tpu.memory_space<vmem>>, vector<1x16xf32>,
      %swap3A_665 = vector.shape_cast %swap3A_664 : vector<1x16xf32> to vector<16xf32>
      %swap3A_666 = vector.shape_cast %mul3A_662 : vector<16xf32> to vector<1x16xf32>
      tpu.vector_store %arg7[%swap3A, %swap3A_663], %swap3A_666 {strides = array<i32>} : memref<64x32xf32, #tpu.memory_space<vmem>>, vector<1x16xf32>,
      %mul3A_667 = vector.broadcast %scan3A_116 : f32 to vector<16xf32>
      %mul3A_668 = arith.mulf %add3A_660, %mul3A_667 : vector<16xf32>
      %swap3A_669 = arith.index_cast %scan3A_298 : i32 to index
      %swap3A_670 = arith.constant 16 : index
      %swap3A_671 = tpu.vector_load %arg7[%swap3A_669, %swap3A_670] {strides = array<i32>} : memref<64x32xf32, #tpu.memory_space<vmem>>, vector<1x16xf32>,
      %swap3A_672 = vector.shape_cast %swap3A_671 : vector<1x16xf32> to vector<16xf32>
      %swap3A_673 = vector.shape_cast %mul3A_668 : vector<16xf32> to vector<1x16xf32>
      tpu.vector_store %arg7[%swap3A_669, %swap3A_670], %swap3A_673 {strides = array<i32>} : memref<64x32xf32, #tpu.memory_space<vmem>>, vector<1x16xf32>,
    }
    %scan3A_121 = arith.constant 64 : i32
    %mul3A_122 = arith.constant 512 : i32
    %mul3A_123 = arith.muli %add3A, %mul3A_122 : i32
    %add3A_124 = arith.constant 128 : i32
    %add3A_125 = arith.addi %mul3A_123, %add3A_124 : i32
    "tpu.region"() ({
      %run_scoped3A = tpu.sem_alloc : memref<!tpu.dma_semaphore, #tpu.memory_space<semaphore_mem>>
      %dma_start3A_298 = arith.constant 0 : i32
      %dma_start3A_299 = tpu.memref_slice %arg4[%add3A_125, %dma_start3A_298] : memref<16384x32xf32, #tpu.memory_space<hbm>> -> memref<64x32xf32, #tpu.memory_space<hbm>>
      %dma_start3A_300 = arith.constant 0 : i32
      %dma_start3A_301 = tpu.memref_slice %arg4[%add3A_125, %dma_start3A_300] : memref<16384x32xf32, #tpu.memory_space<hbm>> -> memref<64x32xf32, #tpu.memory_space<hbm>>
      tpu.enqueue_dma source(%arg7 : memref<64x32xf32, #tpu.memory_space<vmem>>) target(%dma_start3A_301 : memref<64x32xf32, #tpu.memory_space<hbm>>) target_semaphore(%run_scoped3A : memref<!tpu.dma_semaphore, #tpu.memory_space<semaphore_mem>>)
      %dma_wait3A_302 = arith.constant 0 : i32
      %dma_wait3A_303 = tpu.memref_slice %arg4[%add3A_125, %dma_wait3A_302] : memref<16384x32xf32, #tpu.memory_space<hbm>> -> memref<64x32xf32, #tpu.memory_space<hbm>>
      %dma_wait3A_304 = arith.constant 0 : i32
      %dma_wait3A_305 = tpu.memref_slice %arg4[%add3A_125, %dma_wait3A_304] : memref<16384x32xf32, #tpu.memory_space<hbm>> -> memref<64x32xf32, #tpu.memory_space<hbm>>
      tpu.wait_dma2 semaphore(%run_scoped3A : memref<!tpu.dma_semaphore, #tpu.memory_space<semaphore_mem>>) src(%arg7 : memref<64x32xf32, #tpu.memory_space<vmem>>) dst(%dma_wait3A_305 : memref<64x32xf32, #tpu.memory_space<hbm>>)
      tpu.yield
    }) : () -> ()
    %dma_start3A_126 = arith.constant 0 : i32
    %dma_start3A_127 = arith.constant 0 : i32
    %dma_start3A_128 = arith.constant 0 : i32
    %dma_start3A_129 = arith.constant 0 : i32
    %dma_start3A_130 = tpu.memref_slice %arg6[%dma_start3A_126, %dma_start3A_128, %dma_start3A_129] : memref<2x1280x32xf32, #tpu.memory_space<vmem>> -> memref<1x1280x32xf32, #tpu.memory_space<vmem>>
    %dma_start3A_131 = tpu.memref_squeeze %dma_start3A_130 : memref<1x1280x32xf32, #tpu.memory_space<vmem>> -> memref<1280x32xf32, #tpu.memory_space<vmem>>
    %dma_start3A_132 = arith.constant 5120 : i32
    %dma_start3A_133 = tpu.memref_slice %arg5[%dma_start3A_132] : memref<10240xi32, #tpu.memory_space<vmem>> -> memref<1280xi32, #tpu.memory_space<vmem>>
    %dma_start3A_134 = arith.constant 0 : i32
    %dma_start3A_135 = arith.constant 0 : i32
    %dma_start3A_136 = tpu.memref_slice %arg3[%dma_start3A_134, %dma_start3A_135] : memref<1000000x32xf32, #tpu.memory_space<hbm>> -> memref<1000000x32xf32, #tpu.memory_space<hbm>>
    %dma_start3A_137 = tpu.memref_slice %arg8[%dma_start3A_127] : memref<2x!tpu.dma_semaphore, #tpu.memory_space<semaphore_mem>> -> memref<1x!tpu.dma_semaphore, #tpu.memory_space<semaphore_mem>>
    %dma_start3A_138 = tpu.memref_squeeze %dma_start3A_137 : memref<1x!tpu.dma_semaphore, #tpu.memory_space<semaphore_mem>> -> memref<!tpu.dma_semaphore, #tpu.memory_space<semaphore_mem>>
    tpu.enqueue_indirect_dma source(%dma_start3A_136 : memref<1000000x32xf32, #tpu.memory_space<hbm>>) target(%dma_start3A_131 : memref<1280x32xf32, #tpu.memory_space<vmem>>) offsets(%dma_start3A_133 : memref<1280xi32, #tpu.memory_space<vmem>>) semaphore(%dma_start3A_138 : memref<!tpu.dma_semaphore, #tpu.memory_space<semaphore_mem>>)
    %dma_wait3A_139 = arith.constant 1 : i32
    %dma_wait3A_140 = arith.constant 1 : i32
    %dma_wait3A_141 = arith.constant 0 : i32
    %dma_wait3A_142 = arith.constant 0 : i32
    %dma_wait3A_143 = tpu.memref_slice %arg6[%dma_wait3A_139, %dma_wait3A_141, %dma_wait3A_142] : memref<2x1280x32xf32, #tpu.memory_space<vmem>> -> memref<1x1280x32xf32, #tpu.memory_space<vmem>>
    %dma_wait3A_144 = tpu.memref_squeeze %dma_wait3A_143 : memref<1x1280x32xf32, #tpu.memory_space<vmem>> -> memref<1280x32xf32, #tpu.memory_space<vmem>>
    %dma_wait3A_145 = arith.constant 3840 : i32
    %dma_wait3A_146 = tpu.memref_slice %arg5[%dma_wait3A_145] : memref<10240xi32, #tpu.memory_space<vmem>> -> memref<1280xi32, #tpu.memory_space<vmem>>
    %dma_wait3A_147 = arith.constant 0 : i32
    %dma_wait3A_148 = arith.constant 0 : i32
    %dma_wait3A_149 = tpu.memref_slice %arg3[%dma_wait3A_147, %dma_wait3A_148] : memref<1000000x32xf32, #tpu.memory_space<hbm>> -> memref<1000000x32xf32, #tpu.memory_space<hbm>>
    %dma_wait3A_150 = tpu.memref_slice %arg8[%dma_wait3A_140] : memref<2x!tpu.dma_semaphore, #tpu.memory_space<semaphore_mem>> -> memref<1x!tpu.dma_semaphore, #tpu.memory_space<semaphore_mem>>
    %dma_wait3A_151 = tpu.memref_squeeze %dma_wait3A_150 : memref<1x!tpu.dma_semaphore, #tpu.memory_space<semaphore_mem>> -> memref<!tpu.dma_semaphore, #tpu.memory_space<semaphore_mem>>
    tpu.wait_indirect_dma semaphore(%dma_wait3A_151 : memref<!tpu.dma_semaphore, #tpu.memory_space<semaphore_mem>>) src(%dma_wait3A_149 : memref<1000000x32xf32, #tpu.memory_space<hbm>>) dst(%dma_wait3A_144 : memref<1280x32xf32, #tpu.memory_space<vmem>>)
    %scan3A_152 = arith.constant 0 : i32
    %scan3A_153 = arith.constant 5.000000e-02 : f32
    %scan3A_154 = arith.constant 0 : i32
    %scan3A_155 = arith.constant 64 : i32
    %scan3A_156 = arith.addi %scan3A_154, %scan3A_155 : i32
    %scan3A_157 = arith.constant 1 : i32
    scf.for %scan3A_298 = %scan3A_154 to %scan3A_156 step %scan3A_157  : i32 {
      %broadcast_in_dim3A = arith.constant 0.000000e+00 : f32
      %broadcast_in_dim3A_299 = vector.broadcast %broadcast_in_dim3A : f32 to vector<16xf32>
      %broadcast_in_dim3A_300 = arith.constant 0.000000e+00 : f32
      %broadcast_in_dim3A_301 = vector.broadcast %broadcast_in_dim3A_300 : f32 to vector<16xf32>
      %mul3A_302 = arith.constant 20 : i32
      %mul3A_303 = arith.muli %scan3A_298, %mul3A_302 : i32
      %add3A_304 = arith.constant 0 : i32
      %add3A_305 = arith.addi %mul3A_303, %add3A_304 : i32
      %get3A = arith.constant 1 : i32
      %get3A_306 = arith.index_cast %get3A : i32 to index
      %get3A_307 = arith.index_cast %add3A_305 : i32 to index
      %get3A_308 = arith.constant 0 : index
      %get3A_309 = tpu.vector_load %arg6[%get3A_306, %get3A_307, %get3A_308] {strides = array<i32>} : memref<2x1280x32xf32, #tpu.memory_space<vmem>>, vector<1x1x16xf32>,
      %get3A_310 = vector.shape_cast %get3A_309 : vector<1x1x16xf32> to vector<16xf32>
      %add3A_311 = arith.addf %broadcast_in_dim3A_299, %get3A_310 : vector<16xf32>
      %get3A_312 = arith.constant 1 : i32
      %get3A_313 = arith.index_cast %get3A_312 : i32 to index
      %get3A_314 = arith.index_cast %add3A_305 : i32 to index
      %get3A_315 = arith.constant 16 : index
      %get3A_316 = tpu.vector_load %arg6[%get3A_313, %get3A_314, %get3A_315] {strides = array<i32>} : memref<2x1280x32xf32, #tpu.memory_space<vmem>>, vector<1x1x16xf32>,
      %get3A_317 = vector.shape_cast %get3A_316 : vector<1x1x16xf32> to vector<16xf32>
      %add3A_318 = arith.addf %broadcast_in_dim3A_301, %get3A_317 : vector<16xf32>
      %mul3A_319 = arith.constant 20 : i32
      %mul3A_320 = arith.muli %scan3A_298, %mul3A_319 : i32
      %add3A_321 = arith.constant 1 : i32
      %add3A_322 = arith.addi %mul3A_320, %add3A_321 : i32
      %get3A_323 = arith.constant 1 : i32
      %get3A_324 = arith.index_cast %get3A_323 : i32 to index
      %get3A_325 = arith.index_cast %add3A_322 : i32 to index
      %get3A_326 = arith.constant 0 : index
      %get3A_327 = tpu.vector_load %arg6[%get3A_324, %get3A_325, %get3A_326] {strides = array<i32>} : memref<2x1280x32xf32, #tpu.memory_space<vmem>>, vector<1x1x16xf32>,
      %get3A_328 = vector.shape_cast %get3A_327 : vector<1x1x16xf32> to vector<16xf32>
      %add3A_329 = arith.addf %add3A_311, %get3A_328 : vector<16xf32>
      %get3A_330 = arith.constant 1 : i32
      %get3A_331 = arith.index_cast %get3A_330 : i32 to index
      %get3A_332 = arith.index_cast %add3A_322 : i32 to index
      %get3A_333 = arith.constant 16 : index
      %get3A_334 = tpu.vector_load %arg6[%get3A_331, %get3A_332, %get3A_333] {strides = array<i32>} : memref<2x1280x32xf32, #tpu.memory_space<vmem>>, vector<1x1x16xf32>,
      %get3A_335 = vector.shape_cast %get3A_334 : vector<1x1x16xf32> to vector<16xf32>
      %add3A_336 = arith.addf %add3A_318, %get3A_335 : vector<16xf32>
      %mul3A_337 = arith.constant 20 : i32
      %mul3A_338 = arith.muli %scan3A_298, %mul3A_337 : i32
      %add3A_339 = arith.constant 2 : i32
      %add3A_340 = arith.addi %mul3A_338, %add3A_339 : i32
      %get3A_341 = arith.constant 1 : i32
      %get3A_342 = arith.index_cast %get3A_341 : i32 to index
      %get3A_343 = arith.index_cast %add3A_340 : i32 to index
      %get3A_344 = arith.constant 0 : index
      %get3A_345 = tpu.vector_load %arg6[%get3A_342, %get3A_343, %get3A_344] {strides = array<i32>} : memref<2x1280x32xf32, #tpu.memory_space<vmem>>, vector<1x1x16xf32>,
      %get3A_346 = vector.shape_cast %get3A_345 : vector<1x1x16xf32> to vector<16xf32>
      %add3A_347 = arith.addf %add3A_329, %get3A_346 : vector<16xf32>
      %get3A_348 = arith.constant 1 : i32
      %get3A_349 = arith.index_cast %get3A_348 : i32 to index
      %get3A_350 = arith.index_cast %add3A_340 : i32 to index
      %get3A_351 = arith.constant 16 : index
      %get3A_352 = tpu.vector_load %arg6[%get3A_349, %get3A_350, %get3A_351] {strides = array<i32>} : memref<2x1280x32xf32, #tpu.memory_space<vmem>>, vector<1x1x16xf32>,
      %get3A_353 = vector.shape_cast %get3A_352 : vector<1x1x16xf32> to vector<16xf32>
      %add3A_354 = arith.addf %add3A_336, %get3A_353 : vector<16xf32>
      %mul3A_355 = arith.constant 20 : i32
      %mul3A_356 = arith.muli %scan3A_298, %mul3A_355 : i32
      %add3A_357 = arith.constant 3 : i32
      %add3A_358 = arith.addi %mul3A_356, %add3A_357 : i32
      %get3A_359 = arith.constant 1 : i32
      %get3A_360 = arith.index_cast %get3A_359 : i32 to index
      %get3A_361 = arith.index_cast %add3A_358 : i32 to index
      %get3A_362 = arith.constant 0 : index
      %get3A_363 = tpu.vector_load %arg6[%get3A_360, %get3A_361, %get3A_362] {strides = array<i32>} : memref<2x1280x32xf32, #tpu.memory_space<vmem>>, vector<1x1x16xf32>,
      %get3A_364 = vector.shape_cast %get3A_363 : vector<1x1x16xf32> to vector<16xf32>
      %add3A_365 = arith.addf %add3A_347, %get3A_364 : vector<16xf32>
      %get3A_366 = arith.constant 1 : i32
      %get3A_367 = arith.index_cast %get3A_366 : i32 to index
      %get3A_368 = arith.index_cast %add3A_358 : i32 to index
      %get3A_369 = arith.constant 16 : index
      %get3A_370 = tpu.vector_load %arg6[%get3A_367, %get3A_368, %get3A_369] {strides = array<i32>} : memref<2x1280x32xf32, #tpu.memory_space<vmem>>, vector<1x1x16xf32>,
      %get3A_371 = vector.shape_cast %get3A_370 : vector<1x1x16xf32> to vector<16xf32>
      %add3A_372 = arith.addf %add3A_354, %get3A_371 : vector<16xf32>
      %mul3A_373 = arith.constant 20 : i32
      %mul3A_374 = arith.muli %scan3A_298, %mul3A_373 : i32
      %add3A_375 = arith.constant 4 : i32
      %add3A_376 = arith.addi %mul3A_374, %add3A_375 : i32
      %get3A_377 = arith.constant 1 : i32
      %get3A_378 = arith.index_cast %get3A_377 : i32 to index
      %get3A_379 = arith.index_cast %add3A_376 : i32 to index
      %get3A_380 = arith.constant 0 : index
      %get3A_381 = tpu.vector_load %arg6[%get3A_378, %get3A_379, %get3A_380] {strides = array<i32>} : memref<2x1280x32xf32, #tpu.memory_space<vmem>>, vector<1x1x16xf32>,
      %get3A_382 = vector.shape_cast %get3A_381 : vector<1x1x16xf32> to vector<16xf32>
      %add3A_383 = arith.addf %add3A_365, %get3A_382 : vector<16xf32>
      %get3A_384 = arith.constant 1 : i32
      %get3A_385 = arith.index_cast %get3A_384 : i32 to index
      %get3A_386 = arith.index_cast %add3A_376 : i32 to index
      %get3A_387 = arith.constant 16 : index
      %get3A_388 = tpu.vector_load %arg6[%get3A_385, %get3A_386, %get3A_387] {strides = array<i32>} : memref<2x1280x32xf32, #tpu.memory_space<vmem>>, vector<1x1x16xf32>,
      %get3A_389 = vector.shape_cast %get3A_388 : vector<1x1x16xf32> to vector<16xf32>
      %add3A_390 = arith.addf %add3A_372, %get3A_389 : vector<16xf32>
      %mul3A_391 = arith.constant 20 : i32
      %mul3A_392 = arith.muli %scan3A_298, %mul3A_391 : i32
      %add3A_393 = arith.constant 5 : i32
      %add3A_394 = arith.addi %mul3A_392, %add3A_393 : i32
      %get3A_395 = arith.constant 1 : i32
      %get3A_396 = arith.index_cast %get3A_395 : i32 to index
      %get3A_397 = arith.index_cast %add3A_394 : i32 to index
      %get3A_398 = arith.constant 0 : index
      %get3A_399 = tpu.vector_load %arg6[%get3A_396, %get3A_397, %get3A_398] {strides = array<i32>} : memref<2x1280x32xf32, #tpu.memory_space<vmem>>, vector<1x1x16xf32>,
      %get3A_400 = vector.shape_cast %get3A_399 : vector<1x1x16xf32> to vector<16xf32>
      %add3A_401 = arith.addf %add3A_383, %get3A_400 : vector<16xf32>
      %get3A_402 = arith.constant 1 : i32
      %get3A_403 = arith.index_cast %get3A_402 : i32 to index
      %get3A_404 = arith.index_cast %add3A_394 : i32 to index
      %get3A_405 = arith.constant 16 : index
      %get3A_406 = tpu.vector_load %arg6[%get3A_403, %get3A_404, %get3A_405] {strides = array<i32>} : memref<2x1280x32xf32, #tpu.memory_space<vmem>>, vector<1x1x16xf32>,
      %get3A_407 = vector.shape_cast %get3A_406 : vector<1x1x16xf32> to vector<16xf32>
      %add3A_408 = arith.addf %add3A_390, %get3A_407 : vector<16xf32>
      %mul3A_409 = arith.constant 20 : i32
      %mul3A_410 = arith.muli %scan3A_298, %mul3A_409 : i32
      %add3A_411 = arith.constant 6 : i32
      %add3A_412 = arith.addi %mul3A_410, %add3A_411 : i32
      %get3A_413 = arith.constant 1 : i32
      %get3A_414 = arith.index_cast %get3A_413 : i32 to index
      %get3A_415 = arith.index_cast %add3A_412 : i32 to index
      %get3A_416 = arith.constant 0 : index
      %get3A_417 = tpu.vector_load %arg6[%get3A_414, %get3A_415, %get3A_416] {strides = array<i32>} : memref<2x1280x32xf32, #tpu.memory_space<vmem>>, vector<1x1x16xf32>,
      %get3A_418 = vector.shape_cast %get3A_417 : vector<1x1x16xf32> to vector<16xf32>
      %add3A_419 = arith.addf %add3A_401, %get3A_418 : vector<16xf32>
      %get3A_420 = arith.constant 1 : i32
      %get3A_421 = arith.index_cast %get3A_420 : i32 to index
      %get3A_422 = arith.index_cast %add3A_412 : i32 to index
      %get3A_423 = arith.constant 16 : index
      %get3A_424 = tpu.vector_load %arg6[%get3A_421, %get3A_422, %get3A_423] {strides = array<i32>} : memref<2x1280x32xf32, #tpu.memory_space<vmem>>, vector<1x1x16xf32>,
      %get3A_425 = vector.shape_cast %get3A_424 : vector<1x1x16xf32> to vector<16xf32>
      %add3A_426 = arith.addf %add3A_408, %get3A_425 : vector<16xf32>
      %mul3A_427 = arith.constant 20 : i32
      %mul3A_428 = arith.muli %scan3A_298, %mul3A_427 : i32
      %add3A_429 = arith.constant 7 : i32
      %add3A_430 = arith.addi %mul3A_428, %add3A_429 : i32
      %get3A_431 = arith.constant 1 : i32
      %get3A_432 = arith.index_cast %get3A_431 : i32 to index
      %get3A_433 = arith.index_cast %add3A_430 : i32 to index
      %get3A_434 = arith.constant 0 : index
      %get3A_435 = tpu.vector_load %arg6[%get3A_432, %get3A_433, %get3A_434] {strides = array<i32>} : memref<2x1280x32xf32, #tpu.memory_space<vmem>>, vector<1x1x16xf32>,
      %get3A_436 = vector.shape_cast %get3A_435 : vector<1x1x16xf32> to vector<16xf32>
      %add3A_437 = arith.addf %add3A_419, %get3A_436 : vector<16xf32>
      %get3A_438 = arith.constant 1 : i32
      %get3A_439 = arith.index_cast %get3A_438 : i32 to index
      %get3A_440 = arith.index_cast %add3A_430 : i32 to index
      %get3A_441 = arith.constant 16 : index
      %get3A_442 = tpu.vector_load %arg6[%get3A_439, %get3A_440, %get3A_441] {strides = array<i32>} : memref<2x1280x32xf32, #tpu.memory_space<vmem>>, vector<1x1x16xf32>,
      %get3A_443 = vector.shape_cast %get3A_442 : vector<1x1x16xf32> to vector<16xf32>
      %add3A_444 = arith.addf %add3A_426, %get3A_443 : vector<16xf32>
      %mul3A_445 = arith.constant 20 : i32
      %mul3A_446 = arith.muli %scan3A_298, %mul3A_445 : i32
      %add3A_447 = arith.constant 8 : i32
      %add3A_448 = arith.addi %mul3A_446, %add3A_447 : i32
      %get3A_449 = arith.constant 1 : i32
      %get3A_450 = arith.index_cast %get3A_449 : i32 to index
      %get3A_451 = arith.index_cast %add3A_448 : i32 to index
      %get3A_452 = arith.constant 0 : index
      %get3A_453 = tpu.vector_load %arg6[%get3A_450, %get3A_451, %get3A_452] {strides = array<i32>} : memref<2x1280x32xf32, #tpu.memory_space<vmem>>, vector<1x1x16xf32>,
      %get3A_454 = vector.shape_cast %get3A_453 : vector<1x1x16xf32> to vector<16xf32>
      %add3A_455 = arith.addf %add3A_437, %get3A_454 : vector<16xf32>
      %get3A_456 = arith.constant 1 : i32
      %get3A_457 = arith.index_cast %get3A_456 : i32 to index
      %get3A_458 = arith.index_cast %add3A_448 : i32 to index
      %get3A_459 = arith.constant 16 : index
      %get3A_460 = tpu.vector_load %arg6[%get3A_457, %get3A_458, %get3A_459] {strides = array<i32>} : memref<2x1280x32xf32, #tpu.memory_space<vmem>>, vector<1x1x16xf32>,
      %get3A_461 = vector.shape_cast %get3A_460 : vector<1x1x16xf32> to vector<16xf32>
      %add3A_462 = arith.addf %add3A_444, %get3A_461 : vector<16xf32>
      %mul3A_463 = arith.constant 20 : i32
      %mul3A_464 = arith.muli %scan3A_298, %mul3A_463 : i32
      %add3A_465 = arith.constant 9 : i32
      %add3A_466 = arith.addi %mul3A_464, %add3A_465 : i32
      %get3A_467 = arith.constant 1 : i32
      %get3A_468 = arith.index_cast %get3A_467 : i32 to index
      %get3A_469 = arith.index_cast %add3A_466 : i32 to index
      %get3A_470 = arith.constant 0 : index
      %get3A_471 = tpu.vector_load %arg6[%get3A_468, %get3A_469, %get3A_470] {strides = array<i32>} : memref<2x1280x32xf32, #tpu.memory_space<vmem>>, vector<1x1x16xf32>,
      %get3A_472 = vector.shape_cast %get3A_471 : vector<1x1x16xf32> to vector<16xf32>
      %add3A_473 = arith.addf %add3A_455, %get3A_472 : vector<16xf32>
      %get3A_474 = arith.constant 1 : i32
      %get3A_475 = arith.index_cast %get3A_474 : i32 to index
      %get3A_476 = arith.index_cast %add3A_466 : i32 to index
      %get3A_477 = arith.constant 16 : index
      %get3A_478 = tpu.vector_load %arg6[%get3A_475, %get3A_476, %get3A_477] {strides = array<i32>} : memref<2x1280x32xf32, #tpu.memory_space<vmem>>, vector<1x1x16xf32>,
      %get3A_479 = vector.shape_cast %get3A_478 : vector<1x1x16xf32> to vector<16xf32>
      %add3A_480 = arith.addf %add3A_462, %get3A_479 : vector<16xf32>
      %mul3A_481 = arith.constant 20 : i32
      %mul3A_482 = arith.muli %scan3A_298, %mul3A_481 : i32
      %add3A_483 = arith.constant 10 : i32
      %add3A_484 = arith.addi %mul3A_482, %add3A_483 : i32
      %get3A_485 = arith.constant 1 : i32
      %get3A_486 = arith.index_cast %get3A_485 : i32 to index
      %get3A_487 = arith.index_cast %add3A_484 : i32 to index
      %get3A_488 = arith.constant 0 : index
      %get3A_489 = tpu.vector_load %arg6[%get3A_486, %get3A_487, %get3A_488] {strides = array<i32>} : memref<2x1280x32xf32, #tpu.memory_space<vmem>>, vector<1x1x16xf32>,
      %get3A_490 = vector.shape_cast %get3A_489 : vector<1x1x16xf32> to vector<16xf32>
      %add3A_491 = arith.addf %add3A_473, %get3A_490 : vector<16xf32>
      %get3A_492 = arith.constant 1 : i32
      %get3A_493 = arith.index_cast %get3A_492 : i32 to index
      %get3A_494 = arith.index_cast %add3A_484 : i32 to index
      %get3A_495 = arith.constant 16 : index
      %get3A_496 = tpu.vector_load %arg6[%get3A_493, %get3A_494, %get3A_495] {strides = array<i32>} : memref<2x1280x32xf32, #tpu.memory_space<vmem>>, vector<1x1x16xf32>,
      %get3A_497 = vector.shape_cast %get3A_496 : vector<1x1x16xf32> to vector<16xf32>
      %add3A_498 = arith.addf %add3A_480, %get3A_497 : vector<16xf32>
      %mul3A_499 = arith.constant 20 : i32
      %mul3A_500 = arith.muli %scan3A_298, %mul3A_499 : i32
      %add3A_501 = arith.constant 11 : i32
      %add3A_502 = arith.addi %mul3A_500, %add3A_501 : i32
      %get3A_503 = arith.constant 1 : i32
      %get3A_504 = arith.index_cast %get3A_503 : i32 to index
      %get3A_505 = arith.index_cast %add3A_502 : i32 to index
      %get3A_506 = arith.constant 0 : index
      %get3A_507 = tpu.vector_load %arg6[%get3A_504, %get3A_505, %get3A_506] {strides = array<i32>} : memref<2x1280x32xf32, #tpu.memory_space<vmem>>, vector<1x1x16xf32>,
      %get3A_508 = vector.shape_cast %get3A_507 : vector<1x1x16xf32> to vector<16xf32>
      %add3A_509 = arith.addf %add3A_491, %get3A_508 : vector<16xf32>
      %get3A_510 = arith.constant 1 : i32
      %get3A_511 = arith.index_cast %get3A_510 : i32 to index
      %get3A_512 = arith.index_cast %add3A_502 : i32 to index
      %get3A_513 = arith.constant 16 : index
      %get3A_514 = tpu.vector_load %arg6[%get3A_511, %get3A_512, %get3A_513] {strides = array<i32>} : memref<2x1280x32xf32, #tpu.memory_space<vmem>>, vector<1x1x16xf32>,
      %get3A_515 = vector.shape_cast %get3A_514 : vector<1x1x16xf32> to vector<16xf32>
      %add3A_516 = arith.addf %add3A_498, %get3A_515 : vector<16xf32>
      %mul3A_517 = arith.constant 20 : i32
      %mul3A_518 = arith.muli %scan3A_298, %mul3A_517 : i32
      %add3A_519 = arith.constant 12 : i32
      %add3A_520 = arith.addi %mul3A_518, %add3A_519 : i32
      %get3A_521 = arith.constant 1 : i32
      %get3A_522 = arith.index_cast %get3A_521 : i32 to index
      %get3A_523 = arith.index_cast %add3A_520 : i32 to index
      %get3A_524 = arith.constant 0 : index
      %get3A_525 = tpu.vector_load %arg6[%get3A_522, %get3A_523, %get3A_524] {strides = array<i32>} : memref<2x1280x32xf32, #tpu.memory_space<vmem>>, vector<1x1x16xf32>,
      %get3A_526 = vector.shape_cast %get3A_525 : vector<1x1x16xf32> to vector<16xf32>
      %add3A_527 = arith.addf %add3A_509, %get3A_526 : vector<16xf32>
      %get3A_528 = arith.constant 1 : i32
      %get3A_529 = arith.index_cast %get3A_528 : i32 to index
      %get3A_530 = arith.index_cast %add3A_520 : i32 to index
      %get3A_531 = arith.constant 16 : index
      %get3A_532 = tpu.vector_load %arg6[%get3A_529, %get3A_530, %get3A_531] {strides = array<i32>} : memref<2x1280x32xf32, #tpu.memory_space<vmem>>, vector<1x1x16xf32>,
      %get3A_533 = vector.shape_cast %get3A_532 : vector<1x1x16xf32> to vector<16xf32>
      %add3A_534 = arith.addf %add3A_516, %get3A_533 : vector<16xf32>
      %mul3A_535 = arith.constant 20 : i32
      %mul3A_536 = arith.muli %scan3A_298, %mul3A_535 : i32
      %add3A_537 = arith.constant 13 : i32
      %add3A_538 = arith.addi %mul3A_536, %add3A_537 : i32
      %get3A_539 = arith.constant 1 : i32
      %get3A_540 = arith.index_cast %get3A_539 : i32 to index
      %get3A_541 = arith.index_cast %add3A_538 : i32 to index
      %get3A_542 = arith.constant 0 : index
      %get3A_543 = tpu.vector_load %arg6[%get3A_540, %get3A_541, %get3A_542] {strides = array<i32>} : memref<2x1280x32xf32, #tpu.memory_space<vmem>>, vector<1x1x16xf32>,
      %get3A_544 = vector.shape_cast %get3A_543 : vector<1x1x16xf32> to vector<16xf32>
      %add3A_545 = arith.addf %add3A_527, %get3A_544 : vector<16xf32>
      %get3A_546 = arith.constant 1 : i32
      %get3A_547 = arith.index_cast %get3A_546 : i32 to index
      %get3A_548 = arith.index_cast %add3A_538 : i32 to index
      %get3A_549 = arith.constant 16 : index
      %get3A_550 = tpu.vector_load %arg6[%get3A_547, %get3A_548, %get3A_549] {strides = array<i32>} : memref<2x1280x32xf32, #tpu.memory_space<vmem>>, vector<1x1x16xf32>,
      %get3A_551 = vector.shape_cast %get3A_550 : vector<1x1x16xf32> to vector<16xf32>
      %add3A_552 = arith.addf %add3A_534, %get3A_551 : vector<16xf32>
      %mul3A_553 = arith.constant 20 : i32
      %mul3A_554 = arith.muli %scan3A_298, %mul3A_553 : i32
      %add3A_555 = arith.constant 14 : i32
      %add3A_556 = arith.addi %mul3A_554, %add3A_555 : i32
      %get3A_557 = arith.constant 1 : i32
      %get3A_558 = arith.index_cast %get3A_557 : i32 to index
      %get3A_559 = arith.index_cast %add3A_556 : i32 to index
      %get3A_560 = arith.constant 0 : index
      %get3A_561 = tpu.vector_load %arg6[%get3A_558, %get3A_559, %get3A_560] {strides = array<i32>} : memref<2x1280x32xf32, #tpu.memory_space<vmem>>, vector<1x1x16xf32>,
      %get3A_562 = vector.shape_cast %get3A_561 : vector<1x1x16xf32> to vector<16xf32>
      %add3A_563 = arith.addf %add3A_545, %get3A_562 : vector<16xf32>
      %get3A_564 = arith.constant 1 : i32
      %get3A_565 = arith.index_cast %get3A_564 : i32 to index
      %get3A_566 = arith.index_cast %add3A_556 : i32 to index
      %get3A_567 = arith.constant 16 : index
      %get3A_568 = tpu.vector_load %arg6[%get3A_565, %get3A_566, %get3A_567] {strides = array<i32>} : memref<2x1280x32xf32, #tpu.memory_space<vmem>>, vector<1x1x16xf32>,
      %get3A_569 = vector.shape_cast %get3A_568 : vector<1x1x16xf32> to vector<16xf32>
      %add3A_570 = arith.addf %add3A_552, %get3A_569 : vector<16xf32>
      %mul3A_571 = arith.constant 20 : i32
      %mul3A_572 = arith.muli %scan3A_298, %mul3A_571 : i32
      %add3A_573 = arith.constant 15 : i32
      %add3A_574 = arith.addi %mul3A_572, %add3A_573 : i32
      %get3A_575 = arith.constant 1 : i32
      %get3A_576 = arith.index_cast %get3A_575 : i32 to index
      %get3A_577 = arith.index_cast %add3A_574 : i32 to index
      %get3A_578 = arith.constant 0 : index
      %get3A_579 = tpu.vector_load %arg6[%get3A_576, %get3A_577, %get3A_578] {strides = array<i32>} : memref<2x1280x32xf32, #tpu.memory_space<vmem>>, vector<1x1x16xf32>,
      %get3A_580 = vector.shape_cast %get3A_579 : vector<1x1x16xf32> to vector<16xf32>
      %add3A_581 = arith.addf %add3A_563, %get3A_580 : vector<16xf32>
      %get3A_582 = arith.constant 1 : i32
      %get3A_583 = arith.index_cast %get3A_582 : i32 to index
      %get3A_584 = arith.index_cast %add3A_574 : i32 to index
      %get3A_585 = arith.constant 16 : index
      %get3A_586 = tpu.vector_load %arg6[%get3A_583, %get3A_584, %get3A_585] {strides = array<i32>} : memref<2x1280x32xf32, #tpu.memory_space<vmem>>, vector<1x1x16xf32>,
      %get3A_587 = vector.shape_cast %get3A_586 : vector<1x1x16xf32> to vector<16xf32>
      %add3A_588 = arith.addf %add3A_570, %get3A_587 : vector<16xf32>
      %mul3A_589 = arith.constant 20 : i32
      %mul3A_590 = arith.muli %scan3A_298, %mul3A_589 : i32
      %add3A_591 = arith.constant 16 : i32
      %add3A_592 = arith.addi %mul3A_590, %add3A_591 : i32
      %get3A_593 = arith.constant 1 : i32
      %get3A_594 = arith.index_cast %get3A_593 : i32 to index
      %get3A_595 = arith.index_cast %add3A_592 : i32 to index
      %get3A_596 = arith.constant 0 : index
      %get3A_597 = tpu.vector_load %arg6[%get3A_594, %get3A_595, %get3A_596] {strides = array<i32>} : memref<2x1280x32xf32, #tpu.memory_space<vmem>>, vector<1x1x16xf32>,
      %get3A_598 = vector.shape_cast %get3A_597 : vector<1x1x16xf32> to vector<16xf32>
      %add3A_599 = arith.addf %add3A_581, %get3A_598 : vector<16xf32>
      %get3A_600 = arith.constant 1 : i32
      %get3A_601 = arith.index_cast %get3A_600 : i32 to index
      %get3A_602 = arith.index_cast %add3A_592 : i32 to index
      %get3A_603 = arith.constant 16 : index
      %get3A_604 = tpu.vector_load %arg6[%get3A_601, %get3A_602, %get3A_603] {strides = array<i32>} : memref<2x1280x32xf32, #tpu.memory_space<vmem>>, vector<1x1x16xf32>,
      %get3A_605 = vector.shape_cast %get3A_604 : vector<1x1x16xf32> to vector<16xf32>
      %add3A_606 = arith.addf %add3A_588, %get3A_605 : vector<16xf32>
      %mul3A_607 = arith.constant 20 : i32
      %mul3A_608 = arith.muli %scan3A_298, %mul3A_607 : i32
      %add3A_609 = arith.constant 17 : i32
      %add3A_610 = arith.addi %mul3A_608, %add3A_609 : i32
      %get3A_611 = arith.constant 1 : i32
      %get3A_612 = arith.index_cast %get3A_611 : i32 to index
      %get3A_613 = arith.index_cast %add3A_610 : i32 to index
      %get3A_614 = arith.constant 0 : index
      %get3A_615 = tpu.vector_load %arg6[%get3A_612, %get3A_613, %get3A_614] {strides = array<i32>} : memref<2x1280x32xf32, #tpu.memory_space<vmem>>, vector<1x1x16xf32>,
      %get3A_616 = vector.shape_cast %get3A_615 : vector<1x1x16xf32> to vector<16xf32>
      %add3A_617 = arith.addf %add3A_599, %get3A_616 : vector<16xf32>
      %get3A_618 = arith.constant 1 : i32
      %get3A_619 = arith.index_cast %get3A_618 : i32 to index
      %get3A_620 = arith.index_cast %add3A_610 : i32 to index
      %get3A_621 = arith.constant 16 : index
      %get3A_622 = tpu.vector_load %arg6[%get3A_619, %get3A_620, %get3A_621] {strides = array<i32>} : memref<2x1280x32xf32, #tpu.memory_space<vmem>>, vector<1x1x16xf32>,
      %get3A_623 = vector.shape_cast %get3A_622 : vector<1x1x16xf32> to vector<16xf32>
      %add3A_624 = arith.addf %add3A_606, %get3A_623 : vector<16xf32>
      %mul3A_625 = arith.constant 20 : i32
      %mul3A_626 = arith.muli %scan3A_298, %mul3A_625 : i32
      %add3A_627 = arith.constant 18 : i32
      %add3A_628 = arith.addi %mul3A_626, %add3A_627 : i32
      %get3A_629 = arith.constant 1 : i32
      %get3A_630 = arith.index_cast %get3A_629 : i32 to index
      %get3A_631 = arith.index_cast %add3A_628 : i32 to index
      %get3A_632 = arith.constant 0 : index
      %get3A_633 = tpu.vector_load %arg6[%get3A_630, %get3A_631, %get3A_632] {strides = array<i32>} : memref<2x1280x32xf32, #tpu.memory_space<vmem>>, vector<1x1x16xf32>,
      %get3A_634 = vector.shape_cast %get3A_633 : vector<1x1x16xf32> to vector<16xf32>
      %add3A_635 = arith.addf %add3A_617, %get3A_634 : vector<16xf32>
      %get3A_636 = arith.constant 1 : i32
      %get3A_637 = arith.index_cast %get3A_636 : i32 to index
      %get3A_638 = arith.index_cast %add3A_628 : i32 to index
      %get3A_639 = arith.constant 16 : index
      %get3A_640 = tpu.vector_load %arg6[%get3A_637, %get3A_638, %get3A_639] {strides = array<i32>} : memref<2x1280x32xf32, #tpu.memory_space<vmem>>, vector<1x1x16xf32>,
      %get3A_641 = vector.shape_cast %get3A_640 : vector<1x1x16xf32> to vector<16xf32>
      %add3A_642 = arith.addf %add3A_624, %get3A_641 : vector<16xf32>
      %mul3A_643 = arith.constant 20 : i32
      %mul3A_644 = arith.muli %scan3A_298, %mul3A_643 : i32
      %add3A_645 = arith.constant 19 : i32
      %add3A_646 = arith.addi %mul3A_644, %add3A_645 : i32
      %get3A_647 = arith.constant 1 : i32
      %get3A_648 = arith.index_cast %get3A_647 : i32 to index
      %get3A_649 = arith.index_cast %add3A_646 : i32 to index
      %get3A_650 = arith.constant 0 : index
      %get3A_651 = tpu.vector_load %arg6[%get3A_648, %get3A_649, %get3A_650] {strides = array<i32>} : memref<2x1280x32xf32, #tpu.memory_space<vmem>>, vector<1x1x16xf32>,
      %get3A_652 = vector.shape_cast %get3A_651 : vector<1x1x16xf32> to vector<16xf32>
      %add3A_653 = arith.addf %add3A_635, %get3A_652 : vector<16xf32>
      %get3A_654 = arith.constant 1 : i32
      %get3A_655 = arith.index_cast %get3A_654 : i32 to index
      %get3A_656 = arith.index_cast %add3A_646 : i32 to index
      %get3A_657 = arith.constant 16 : index
      %get3A_658 = tpu.vector_load %arg6[%get3A_655, %get3A_656, %get3A_657] {strides = array<i32>} : memref<2x1280x32xf32, #tpu.memory_space<vmem>>, vector<1x1x16xf32>,
      %get3A_659 = vector.shape_cast %get3A_658 : vector<1x1x16xf32> to vector<16xf32>
      %add3A_660 = arith.addf %add3A_642, %get3A_659 : vector<16xf32>
      %mul3A_661 = vector.broadcast %scan3A_153 : f32 to vector<16xf32>
      %mul3A_662 = arith.mulf %add3A_653, %mul3A_661 : vector<16xf32>
      %swap3A = arith.index_cast %scan3A_298 : i32 to index
      %swap3A_663 = arith.constant 0 : index
      %swap3A_664 = tpu.vector_load %arg7[%swap3A, %swap3A_663] {strides = array<i32>} : memref<64x32xf32, #tpu.memory_space<vmem>>, vector<1x16xf32>,
      %swap3A_665 = vector.shape_cast %swap3A_664 : vector<1x16xf32> to vector<16xf32>
      %swap3A_666 = vector.shape_cast %mul3A_662 : vector<16xf32> to vector<1x16xf32>
      tpu.vector_store %arg7[%swap3A, %swap3A_663], %swap3A_666 {strides = array<i32>} : memref<64x32xf32, #tpu.memory_space<vmem>>, vector<1x16xf32>,
      %mul3A_667 = vector.broadcast %scan3A_153 : f32 to vector<16xf32>
      %mul3A_668 = arith.mulf %add3A_660, %mul3A_667 : vector<16xf32>
      %swap3A_669 = arith.index_cast %scan3A_298 : i32 to index
      %swap3A_670 = arith.constant 16 : index
      %swap3A_671 = tpu.vector_load %arg7[%swap3A_669, %swap3A_670] {strides = array<i32>} : memref<64x32xf32, #tpu.memory_space<vmem>>, vector<1x16xf32>,
      %swap3A_672 = vector.shape_cast %swap3A_671 : vector<1x16xf32> to vector<16xf32>
      %swap3A_673 = vector.shape_cast %mul3A_668 : vector<16xf32> to vector<1x16xf32>
      tpu.vector_store %arg7[%swap3A_669, %swap3A_670], %swap3A_673 {strides = array<i32>} : memref<64x32xf32, #tpu.memory_space<vmem>>, vector<1x16xf32>,
    }
    %scan3A_158 = arith.constant 64 : i32
    %mul3A_159 = arith.constant 512 : i32
    %mul3A_160 = arith.muli %add3A, %mul3A_159 : i32
    %add3A_161 = arith.constant 192 : i32
    %add3A_162 = arith.addi %mul3A_160, %add3A_161 : i32
    "tpu.region"() ({
      %run_scoped3A = tpu.sem_alloc : memref<!tpu.dma_semaphore, #tpu.memory_space<semaphore_mem>>
      %dma_start3A_298 = arith.constant 0 : i32
      %dma_start3A_299 = tpu.memref_slice %arg4[%add3A_162, %dma_start3A_298] : memref<16384x32xf32, #tpu.memory_space<hbm>> -> memref<64x32xf32, #tpu.memory_space<hbm>>
      %dma_start3A_300 = arith.constant 0 : i32
      %dma_start3A_301 = tpu.memref_slice %arg4[%add3A_162, %dma_start3A_300] : memref<16384x32xf32, #tpu.memory_space<hbm>> -> memref<64x32xf32, #tpu.memory_space<hbm>>
      tpu.enqueue_dma source(%arg7 : memref<64x32xf32, #tpu.memory_space<vmem>>) target(%dma_start3A_301 : memref<64x32xf32, #tpu.memory_space<hbm>>) target_semaphore(%run_scoped3A : memref<!tpu.dma_semaphore, #tpu.memory_space<semaphore_mem>>)
      %dma_wait3A_302 = arith.constant 0 : i32
      %dma_wait3A_303 = tpu.memref_slice %arg4[%add3A_162, %dma_wait3A_302] : memref<16384x32xf32, #tpu.memory_space<hbm>> -> memref<64x32xf32, #tpu.memory_space<hbm>>
      %dma_wait3A_304 = arith.constant 0 : i32
      %dma_wait3A_305 = tpu.memref_slice %arg4[%add3A_162, %dma_wait3A_304] : memref<16384x32xf32, #tpu.memory_space<hbm>> -> memref<64x32xf32, #tpu.memory_space<hbm>>
      tpu.wait_dma2 semaphore(%run_scoped3A : memref<!tpu.dma_semaphore, #tpu.memory_space<semaphore_mem>>) src(%arg7 : memref<64x32xf32, #tpu.memory_space<vmem>>) dst(%dma_wait3A_305 : memref<64x32xf32, #tpu.memory_space<hbm>>)
      tpu.yield
    }) : () -> ()
    %dma_start3A_163 = arith.constant 1 : i32
    %dma_start3A_164 = arith.constant 1 : i32
    %dma_start3A_165 = arith.constant 0 : i32
    %dma_start3A_166 = arith.constant 0 : i32
    %dma_start3A_167 = tpu.memref_slice %arg6[%dma_start3A_163, %dma_start3A_165, %dma_start3A_166] : memref<2x1280x32xf32, #tpu.memory_space<vmem>> -> memref<1x1280x32xf32, #tpu.memory_space<vmem>>
    %dma_start3A_168 = tpu.memref_squeeze %dma_start3A_167 : memref<1x1280x32xf32, #tpu.memory_space<vmem>> -> memref<1280x32xf32, #tpu.memory_space<vmem>>
    %dma_start3A_169 = arith.constant 6400 : i32
    %dma_start3A_170 = tpu.memref_slice %arg5[%dma_start3A_169] : memref<10240xi32, #tpu.memory_space<vmem>> -> memref<1280xi32, #tpu.memory_space<vmem>>
    %dma_start3A_171 = arith.constant 0 : i32
    %dma_start3A_172 = arith.constant 0 : i32
    %dma_start3A_173 = tpu.memref_slice %arg3[%dma_start3A_171, %dma_start3A_172] : memref<1000000x32xf32, #tpu.memory_space<hbm>> -> memref<1000000x32xf32, #tpu.memory_space<hbm>>
    %dma_start3A_174 = tpu.memref_slice %arg8[%dma_start3A_164] : memref<2x!tpu.dma_semaphore, #tpu.memory_space<semaphore_mem>> -> memref<1x!tpu.dma_semaphore, #tpu.memory_space<semaphore_mem>>
    %dma_start3A_175 = tpu.memref_squeeze %dma_start3A_174 : memref<1x!tpu.dma_semaphore, #tpu.memory_space<semaphore_mem>> -> memref<!tpu.dma_semaphore, #tpu.memory_space<semaphore_mem>>
    tpu.enqueue_indirect_dma source(%dma_start3A_173 : memref<1000000x32xf32, #tpu.memory_space<hbm>>) target(%dma_start3A_168 : memref<1280x32xf32, #tpu.memory_space<vmem>>) offsets(%dma_start3A_170 : memref<1280xi32, #tpu.memory_space<vmem>>) semaphore(%dma_start3A_175 : memref<!tpu.dma_semaphore, #tpu.memory_space<semaphore_mem>>)
    %dma_wait3A_176 = arith.constant 0 : i32
    %dma_wait3A_177 = arith.constant 0 : i32
    %dma_wait3A_178 = arith.constant 0 : i32
    %dma_wait3A_179 = arith.constant 0 : i32
    %dma_wait3A_180 = tpu.memref_slice %arg6[%dma_wait3A_176, %dma_wait3A_178, %dma_wait3A_179] : memref<2x1280x32xf32, #tpu.memory_space<vmem>> -> memref<1x1280x32xf32, #tpu.memory_space<vmem>>
    %dma_wait3A_181 = tpu.memref_squeeze %dma_wait3A_180 : memref<1x1280x32xf32, #tpu.memory_space<vmem>> -> memref<1280x32xf32, #tpu.memory_space<vmem>>
    %dma_wait3A_182 = arith.constant 5120 : i32
    %dma_wait3A_183 = tpu.memref_slice %arg5[%dma_wait3A_182] : memref<10240xi32, #tpu.memory_space<vmem>> -> memref<1280xi32, #tpu.memory_space<vmem>>
    %dma_wait3A_184 = arith.constant 0 : i32
    %dma_wait3A_185 = arith.constant 0 : i32
    %dma_wait3A_186 = tpu.memref_slice %arg3[%dma_wait3A_184, %dma_wait3A_185] : memref<1000000x32xf32, #tpu.memory_space<hbm>> -> memref<1000000x32xf32, #tpu.memory_space<hbm>>
    %dma_wait3A_187 = tpu.memref_slice %arg8[%dma_wait3A_177] : memref<2x!tpu.dma_semaphore, #tpu.memory_space<semaphore_mem>> -> memref<1x!tpu.dma_semaphore, #tpu.memory_space<semaphore_mem>>
    %dma_wait3A_188 = tpu.memref_squeeze %dma_wait3A_187 : memref<1x!tpu.dma_semaphore, #tpu.memory_space<semaphore_mem>> -> memref<!tpu.dma_semaphore, #tpu.memory_space<semaphore_mem>>
    tpu.wait_indirect_dma semaphore(%dma_wait3A_188 : memref<!tpu.dma_semaphore, #tpu.memory_space<semaphore_mem>>) src(%dma_wait3A_186 : memref<1000000x32xf32, #tpu.memory_space<hbm>>) dst(%dma_wait3A_181 : memref<1280x32xf32, #tpu.memory_space<vmem>>)
    %scan3A_189 = arith.constant 0 : i32
    %scan3A_190 = arith.constant 5.000000e-02 : f32
    %scan3A_191 = arith.constant 0 : i32
    %scan3A_192 = arith.constant 64 : i32
    %scan3A_193 = arith.addi %scan3A_191, %scan3A_192 : i32
    %scan3A_194 = arith.constant 1 : i32
    scf.for %scan3A_298 = %scan3A_191 to %scan3A_193 step %scan3A_194  : i32 {
      %broadcast_in_dim3A = arith.constant 0.000000e+00 : f32
      %broadcast_in_dim3A_299 = vector.broadcast %broadcast_in_dim3A : f32 to vector<16xf32>
      %broadcast_in_dim3A_300 = arith.constant 0.000000e+00 : f32
      %broadcast_in_dim3A_301 = vector.broadcast %broadcast_in_dim3A_300 : f32 to vector<16xf32>
      %mul3A_302 = arith.constant 20 : i32
      %mul3A_303 = arith.muli %scan3A_298, %mul3A_302 : i32
      %add3A_304 = arith.constant 0 : i32
      %add3A_305 = arith.addi %mul3A_303, %add3A_304 : i32
      %get3A = arith.constant 0 : i32
      %get3A_306 = arith.index_cast %get3A : i32 to index
      %get3A_307 = arith.index_cast %add3A_305 : i32 to index
      %get3A_308 = arith.constant 0 : index
      %get3A_309 = tpu.vector_load %arg6[%get3A_306, %get3A_307, %get3A_308] {strides = array<i32>} : memref<2x1280x32xf32, #tpu.memory_space<vmem>>, vector<1x1x16xf32>,
      %get3A_310 = vector.shape_cast %get3A_309 : vector<1x1x16xf32> to vector<16xf32>
      %add3A_311 = arith.addf %broadcast_in_dim3A_299, %get3A_310 : vector<16xf32>
      %get3A_312 = arith.constant 0 : i32
      %get3A_313 = arith.index_cast %get3A_312 : i32 to index
      %get3A_314 = arith.index_cast %add3A_305 : i32 to index
      %get3A_315 = arith.constant 16 : index
      %get3A_316 = tpu.vector_load %arg6[%get3A_313, %get3A_314, %get3A_315] {strides = array<i32>} : memref<2x1280x32xf32, #tpu.memory_space<vmem>>, vector<1x1x16xf32>,
      %get3A_317 = vector.shape_cast %get3A_316 : vector<1x1x16xf32> to vector<16xf32>
      %add3A_318 = arith.addf %broadcast_in_dim3A_301, %get3A_317 : vector<16xf32>
      %mul3A_319 = arith.constant 20 : i32
      %mul3A_320 = arith.muli %scan3A_298, %mul3A_319 : i32
      %add3A_321 = arith.constant 1 : i32
      %add3A_322 = arith.addi %mul3A_320, %add3A_321 : i32
      %get3A_323 = arith.constant 0 : i32
      %get3A_324 = arith.index_cast %get3A_323 : i32 to index
      %get3A_325 = arith.index_cast %add3A_322 : i32 to index
      %get3A_326 = arith.constant 0 : index
      %get3A_327 = tpu.vector_load %arg6[%get3A_324, %get3A_325, %get3A_326] {strides = array<i32>} : memref<2x1280x32xf32, #tpu.memory_space<vmem>>, vector<1x1x16xf32>,
      %get3A_328 = vector.shape_cast %get3A_327 : vector<1x1x16xf32> to vector<16xf32>
      %add3A_329 = arith.addf %add3A_311, %get3A_328 : vector<16xf32>
      %get3A_330 = arith.constant 0 : i32
      %get3A_331 = arith.index_cast %get3A_330 : i32 to index
      %get3A_332 = arith.index_cast %add3A_322 : i32 to index
      %get3A_333 = arith.constant 16 : index
      %get3A_334 = tpu.vector_load %arg6[%get3A_331, %get3A_332, %get3A_333] {strides = array<i32>} : memref<2x1280x32xf32, #tpu.memory_space<vmem>>, vector<1x1x16xf32>,
      %get3A_335 = vector.shape_cast %get3A_334 : vector<1x1x16xf32> to vector<16xf32>
      %add3A_336 = arith.addf %add3A_318, %get3A_335 : vector<16xf32>
      %mul3A_337 = arith.constant 20 : i32
      %mul3A_338 = arith.muli %scan3A_298, %mul3A_337 : i32
      %add3A_339 = arith.constant 2 : i32
      %add3A_340 = arith.addi %mul3A_338, %add3A_339 : i32
      %get3A_341 = arith.constant 0 : i32
      %get3A_342 = arith.index_cast %get3A_341 : i32 to index
      %get3A_343 = arith.index_cast %add3A_340 : i32 to index
      %get3A_344 = arith.constant 0 : index
      %get3A_345 = tpu.vector_load %arg6[%get3A_342, %get3A_343, %get3A_344] {strides = array<i32>} : memref<2x1280x32xf32, #tpu.memory_space<vmem>>, vector<1x1x16xf32>,
      %get3A_346 = vector.shape_cast %get3A_345 : vector<1x1x16xf32> to vector<16xf32>
      %add3A_347 = arith.addf %add3A_329, %get3A_346 : vector<16xf32>
      %get3A_348 = arith.constant 0 : i32
      %get3A_349 = arith.index_cast %get3A_348 : i32 to index
      %get3A_350 = arith.index_cast %add3A_340 : i32 to index
      %get3A_351 = arith.constant 16 : index
      %get3A_352 = tpu.vector_load %arg6[%get3A_349, %get3A_350, %get3A_351] {strides = array<i32>} : memref<2x1280x32xf32, #tpu.memory_space<vmem>>, vector<1x1x16xf32>,
      %get3A_353 = vector.shape_cast %get3A_352 : vector<1x1x16xf32> to vector<16xf32>
      %add3A_354 = arith.addf %add3A_336, %get3A_353 : vector<16xf32>
      %mul3A_355 = arith.constant 20 : i32
      %mul3A_356 = arith.muli %scan3A_298, %mul3A_355 : i32
      %add3A_357 = arith.constant 3 : i32
      %add3A_358 = arith.addi %mul3A_356, %add3A_357 : i32
      %get3A_359 = arith.constant 0 : i32
      %get3A_360 = arith.index_cast %get3A_359 : i32 to index
      %get3A_361 = arith.index_cast %add3A_358 : i32 to index
      %get3A_362 = arith.constant 0 : index
      %get3A_363 = tpu.vector_load %arg6[%get3A_360, %get3A_361, %get3A_362] {strides = array<i32>} : memref<2x1280x32xf32, #tpu.memory_space<vmem>>, vector<1x1x16xf32>,
      %get3A_364 = vector.shape_cast %get3A_363 : vector<1x1x16xf32> to vector<16xf32>
      %add3A_365 = arith.addf %add3A_347, %get3A_364 : vector<16xf32>
      %get3A_366 = arith.constant 0 : i32
      %get3A_367 = arith.index_cast %get3A_366 : i32 to index
      %get3A_368 = arith.index_cast %add3A_358 : i32 to index
      %get3A_369 = arith.constant 16 : index
      %get3A_370 = tpu.vector_load %arg6[%get3A_367, %get3A_368, %get3A_369] {strides = array<i32>} : memref<2x1280x32xf32, #tpu.memory_space<vmem>>, vector<1x1x16xf32>,
      %get3A_371 = vector.shape_cast %get3A_370 : vector<1x1x16xf32> to vector<16xf32>
      %add3A_372 = arith.addf %add3A_354, %get3A_371 : vector<16xf32>
      %mul3A_373 = arith.constant 20 : i32
      %mul3A_374 = arith.muli %scan3A_298, %mul3A_373 : i32
      %add3A_375 = arith.constant 4 : i32
      %add3A_376 = arith.addi %mul3A_374, %add3A_375 : i32
      %get3A_377 = arith.constant 0 : i32
      %get3A_378 = arith.index_cast %get3A_377 : i32 to index
      %get3A_379 = arith.index_cast %add3A_376 : i32 to index
      %get3A_380 = arith.constant 0 : index
      %get3A_381 = tpu.vector_load %arg6[%get3A_378, %get3A_379, %get3A_380] {strides = array<i32>} : memref<2x1280x32xf32, #tpu.memory_space<vmem>>, vector<1x1x16xf32>,
      %get3A_382 = vector.shape_cast %get3A_381 : vector<1x1x16xf32> to vector<16xf32>
      %add3A_383 = arith.addf %add3A_365, %get3A_382 : vector<16xf32>
      %get3A_384 = arith.constant 0 : i32
      %get3A_385 = arith.index_cast %get3A_384 : i32 to index
      %get3A_386 = arith.index_cast %add3A_376 : i32 to index
      %get3A_387 = arith.constant 16 : index
      %get3A_388 = tpu.vector_load %arg6[%get3A_385, %get3A_386, %get3A_387] {strides = array<i32>} : memref<2x1280x32xf32, #tpu.memory_space<vmem>>, vector<1x1x16xf32>,
      %get3A_389 = vector.shape_cast %get3A_388 : vector<1x1x16xf32> to vector<16xf32>
      %add3A_390 = arith.addf %add3A_372, %get3A_389 : vector<16xf32>
      %mul3A_391 = arith.constant 20 : i32
      %mul3A_392 = arith.muli %scan3A_298, %mul3A_391 : i32
      %add3A_393 = arith.constant 5 : i32
      %add3A_394 = arith.addi %mul3A_392, %add3A_393 : i32
      %get3A_395 = arith.constant 0 : i32
      %get3A_396 = arith.index_cast %get3A_395 : i32 to index
      %get3A_397 = arith.index_cast %add3A_394 : i32 to index
      %get3A_398 = arith.constant 0 : index
      %get3A_399 = tpu.vector_load %arg6[%get3A_396, %get3A_397, %get3A_398] {strides = array<i32>} : memref<2x1280x32xf32, #tpu.memory_space<vmem>>, vector<1x1x16xf32>,
      %get3A_400 = vector.shape_cast %get3A_399 : vector<1x1x16xf32> to vector<16xf32>
      %add3A_401 = arith.addf %add3A_383, %get3A_400 : vector<16xf32>
      %get3A_402 = arith.constant 0 : i32
      %get3A_403 = arith.index_cast %get3A_402 : i32 to index
      %get3A_404 = arith.index_cast %add3A_394 : i32 to index
      %get3A_405 = arith.constant 16 : index
      %get3A_406 = tpu.vector_load %arg6[%get3A_403, %get3A_404, %get3A_405] {strides = array<i32>} : memref<2x1280x32xf32, #tpu.memory_space<vmem>>, vector<1x1x16xf32>,
      %get3A_407 = vector.shape_cast %get3A_406 : vector<1x1x16xf32> to vector<16xf32>
      %add3A_408 = arith.addf %add3A_390, %get3A_407 : vector<16xf32>
      %mul3A_409 = arith.constant 20 : i32
      %mul3A_410 = arith.muli %scan3A_298, %mul3A_409 : i32
      %add3A_411 = arith.constant 6 : i32
      %add3A_412 = arith.addi %mul3A_410, %add3A_411 : i32
      %get3A_413 = arith.constant 0 : i32
      %get3A_414 = arith.index_cast %get3A_413 : i32 to index
      %get3A_415 = arith.index_cast %add3A_412 : i32 to index
      %get3A_416 = arith.constant 0 : index
      %get3A_417 = tpu.vector_load %arg6[%get3A_414, %get3A_415, %get3A_416] {strides = array<i32>} : memref<2x1280x32xf32, #tpu.memory_space<vmem>>, vector<1x1x16xf32>,
      %get3A_418 = vector.shape_cast %get3A_417 : vector<1x1x16xf32> to vector<16xf32>
      %add3A_419 = arith.addf %add3A_401, %get3A_418 : vector<16xf32>
      %get3A_420 = arith.constant 0 : i32
      %get3A_421 = arith.index_cast %get3A_420 : i32 to index
      %get3A_422 = arith.index_cast %add3A_412 : i32 to index
      %get3A_423 = arith.constant 16 : index
      %get3A_424 = tpu.vector_load %arg6[%get3A_421, %get3A_422, %get3A_423] {strides = array<i32>} : memref<2x1280x32xf32, #tpu.memory_space<vmem>>, vector<1x1x16xf32>,
      %get3A_425 = vector.shape_cast %get3A_424 : vector<1x1x16xf32> to vector<16xf32>
      %add3A_426 = arith.addf %add3A_408, %get3A_425 : vector<16xf32>
      %mul3A_427 = arith.constant 20 : i32
      %mul3A_428 = arith.muli %scan3A_298, %mul3A_427 : i32
      %add3A_429 = arith.constant 7 : i32
      %add3A_430 = arith.addi %mul3A_428, %add3A_429 : i32
      %get3A_431 = arith.constant 0 : i32
      %get3A_432 = arith.index_cast %get3A_431 : i32 to index
      %get3A_433 = arith.index_cast %add3A_430 : i32 to index
      %get3A_434 = arith.constant 0 : index
      %get3A_435 = tpu.vector_load %arg6[%get3A_432, %get3A_433, %get3A_434] {strides = array<i32>} : memref<2x1280x32xf32, #tpu.memory_space<vmem>>, vector<1x1x16xf32>,
      %get3A_436 = vector.shape_cast %get3A_435 : vector<1x1x16xf32> to vector<16xf32>
      %add3A_437 = arith.addf %add3A_419, %get3A_436 : vector<16xf32>
      %get3A_438 = arith.constant 0 : i32
      %get3A_439 = arith.index_cast %get3A_438 : i32 to index
      %get3A_440 = arith.index_cast %add3A_430 : i32 to index
      %get3A_441 = arith.constant 16 : index
      %get3A_442 = tpu.vector_load %arg6[%get3A_439, %get3A_440, %get3A_441] {strides = array<i32>} : memref<2x1280x32xf32, #tpu.memory_space<vmem>>, vector<1x1x16xf32>,
      %get3A_443 = vector.shape_cast %get3A_442 : vector<1x1x16xf32> to vector<16xf32>
      %add3A_444 = arith.addf %add3A_426, %get3A_443 : vector<16xf32>
      %mul3A_445 = arith.constant 20 : i32
      %mul3A_446 = arith.muli %scan3A_298, %mul3A_445 : i32
      %add3A_447 = arith.constant 8 : i32
      %add3A_448 = arith.addi %mul3A_446, %add3A_447 : i32
      %get3A_449 = arith.constant 0 : i32
      %get3A_450 = arith.index_cast %get3A_449 : i32 to index
      %get3A_451 = arith.index_cast %add3A_448 : i32 to index
      %get3A_452 = arith.constant 0 : index
      %get3A_453 = tpu.vector_load %arg6[%get3A_450, %get3A_451, %get3A_452] {strides = array<i32>} : memref<2x1280x32xf32, #tpu.memory_space<vmem>>, vector<1x1x16xf32>,
      %get3A_454 = vector.shape_cast %get3A_453 : vector<1x1x16xf32> to vector<16xf32>
      %add3A_455 = arith.addf %add3A_437, %get3A_454 : vector<16xf32>
      %get3A_456 = arith.constant 0 : i32
      %get3A_457 = arith.index_cast %get3A_456 : i32 to index
      %get3A_458 = arith.index_cast %add3A_448 : i32 to index
      %get3A_459 = arith.constant 16 : index
      %get3A_460 = tpu.vector_load %arg6[%get3A_457, %get3A_458, %get3A_459] {strides = array<i32>} : memref<2x1280x32xf32, #tpu.memory_space<vmem>>, vector<1x1x16xf32>,
      %get3A_461 = vector.shape_cast %get3A_460 : vector<1x1x16xf32> to vector<16xf32>
      %add3A_462 = arith.addf %add3A_444, %get3A_461 : vector<16xf32>
      %mul3A_463 = arith.constant 20 : i32
      %mul3A_464 = arith.muli %scan3A_298, %mul3A_463 : i32
      %add3A_465 = arith.constant 9 : i32
      %add3A_466 = arith.addi %mul3A_464, %add3A_465 : i32
      %get3A_467 = arith.constant 0 : i32
      %get3A_468 = arith.index_cast %get3A_467 : i32 to index
      %get3A_469 = arith.index_cast %add3A_466 : i32 to index
      %get3A_470 = arith.constant 0 : index
      %get3A_471 = tpu.vector_load %arg6[%get3A_468, %get3A_469, %get3A_470] {strides = array<i32>} : memref<2x1280x32xf32, #tpu.memory_space<vmem>>, vector<1x1x16xf32>,
      %get3A_472 = vector.shape_cast %get3A_471 : vector<1x1x16xf32> to vector<16xf32>
      %add3A_473 = arith.addf %add3A_455, %get3A_472 : vector<16xf32>
      %get3A_474 = arith.constant 0 : i32
      %get3A_475 = arith.index_cast %get3A_474 : i32 to index
      %get3A_476 = arith.index_cast %add3A_466 : i32 to index
      %get3A_477 = arith.constant 16 : index
      %get3A_478 = tpu.vector_load %arg6[%get3A_475, %get3A_476, %get3A_477] {strides = array<i32>} : memref<2x1280x32xf32, #tpu.memory_space<vmem>>, vector<1x1x16xf32>,
      %get3A_479 = vector.shape_cast %get3A_478 : vector<1x1x16xf32> to vector<16xf32>
      %add3A_480 = arith.addf %add3A_462, %get3A_479 : vector<16xf32>
      %mul3A_481 = arith.constant 20 : i32
      %mul3A_482 = arith.muli %scan3A_298, %mul3A_481 : i32
      %add3A_483 = arith.constant 10 : i32
      %add3A_484 = arith.addi %mul3A_482, %add3A_483 : i32
      %get3A_485 = arith.constant 0 : i32
      %get3A_486 = arith.index_cast %get3A_485 : i32 to index
      %get3A_487 = arith.index_cast %add3A_484 : i32 to index
      %get3A_488 = arith.constant 0 : index
      %get3A_489 = tpu.vector_load %arg6[%get3A_486, %get3A_487, %get3A_488] {strides = array<i32>} : memref<2x1280x32xf32, #tpu.memory_space<vmem>>, vector<1x1x16xf32>,
      %get3A_490 = vector.shape_cast %get3A_489 : vector<1x1x16xf32> to vector<16xf32>
      %add3A_491 = arith.addf %add3A_473, %get3A_490 : vector<16xf32>
      %get3A_492 = arith.constant 0 : i32
      %get3A_493 = arith.index_cast %get3A_492 : i32 to index
      %get3A_494 = arith.index_cast %add3A_484 : i32 to index
      %get3A_495 = arith.constant 16 : index
      %get3A_496 = tpu.vector_load %arg6[%get3A_493, %get3A_494, %get3A_495] {strides = array<i32>} : memref<2x1280x32xf32, #tpu.memory_space<vmem>>, vector<1x1x16xf32>,
      %get3A_497 = vector.shape_cast %get3A_496 : vector<1x1x16xf32> to vector<16xf32>
      %add3A_498 = arith.addf %add3A_480, %get3A_497 : vector<16xf32>
      %mul3A_499 = arith.constant 20 : i32
      %mul3A_500 = arith.muli %scan3A_298, %mul3A_499 : i32
      %add3A_501 = arith.constant 11 : i32
      %add3A_502 = arith.addi %mul3A_500, %add3A_501 : i32
      %get3A_503 = arith.constant 0 : i32
      %get3A_504 = arith.index_cast %get3A_503 : i32 to index
      %get3A_505 = arith.index_cast %add3A_502 : i32 to index
      %get3A_506 = arith.constant 0 : index
      %get3A_507 = tpu.vector_load %arg6[%get3A_504, %get3A_505, %get3A_506] {strides = array<i32>} : memref<2x1280x32xf32, #tpu.memory_space<vmem>>, vector<1x1x16xf32>,
      %get3A_508 = vector.shape_cast %get3A_507 : vector<1x1x16xf32> to vector<16xf32>
      %add3A_509 = arith.addf %add3A_491, %get3A_508 : vector<16xf32>
      %get3A_510 = arith.constant 0 : i32
      %get3A_511 = arith.index_cast %get3A_510 : i32 to index
      %get3A_512 = arith.index_cast %add3A_502 : i32 to index
      %get3A_513 = arith.constant 16 : index
      %get3A_514 = tpu.vector_load %arg6[%get3A_511, %get3A_512, %get3A_513] {strides = array<i32>} : memref<2x1280x32xf32, #tpu.memory_space<vmem>>, vector<1x1x16xf32>,
      %get3A_515 = vector.shape_cast %get3A_514 : vector<1x1x16xf32> to vector<16xf32>
      %add3A_516 = arith.addf %add3A_498, %get3A_515 : vector<16xf32>
      %mul3A_517 = arith.constant 20 : i32
      %mul3A_518 = arith.muli %scan3A_298, %mul3A_517 : i32
      %add3A_519 = arith.constant 12 : i32
      %add3A_520 = arith.addi %mul3A_518, %add3A_519 : i32
      %get3A_521 = arith.constant 0 : i32
      %get3A_522 = arith.index_cast %get3A_521 : i32 to index
      %get3A_523 = arith.index_cast %add3A_520 : i32 to index
      %get3A_524 = arith.constant 0 : index
      %get3A_525 = tpu.vector_load %arg6[%get3A_522, %get3A_523, %get3A_524] {strides = array<i32>} : memref<2x1280x32xf32, #tpu.memory_space<vmem>>, vector<1x1x16xf32>,
      %get3A_526 = vector.shape_cast %get3A_525 : vector<1x1x16xf32> to vector<16xf32>
      %add3A_527 = arith.addf %add3A_509, %get3A_526 : vector<16xf32>
      %get3A_528 = arith.constant 0 : i32
      %get3A_529 = arith.index_cast %get3A_528 : i32 to index
      %get3A_530 = arith.index_cast %add3A_520 : i32 to index
      %get3A_531 = arith.constant 16 : index
      %get3A_532 = tpu.vector_load %arg6[%get3A_529, %get3A_530, %get3A_531] {strides = array<i32>} : memref<2x1280x32xf32, #tpu.memory_space<vmem>>, vector<1x1x16xf32>,
      %get3A_533 = vector.shape_cast %get3A_532 : vector<1x1x16xf32> to vector<16xf32>
      %add3A_534 = arith.addf %add3A_516, %get3A_533 : vector<16xf32>
      %mul3A_535 = arith.constant 20 : i32
      %mul3A_536 = arith.muli %scan3A_298, %mul3A_535 : i32
      %add3A_537 = arith.constant 13 : i32
      %add3A_538 = arith.addi %mul3A_536, %add3A_537 : i32
      %get3A_539 = arith.constant 0 : i32
      %get3A_540 = arith.index_cast %get3A_539 : i32 to index
      %get3A_541 = arith.index_cast %add3A_538 : i32 to index
      %get3A_542 = arith.constant 0 : index
      %get3A_543 = tpu.vector_load %arg6[%get3A_540, %get3A_541, %get3A_542] {strides = array<i32>} : memref<2x1280x32xf32, #tpu.memory_space<vmem>>, vector<1x1x16xf32>,
      %get3A_544 = vector.shape_cast %get3A_543 : vector<1x1x16xf32> to vector<16xf32>
      %add3A_545 = arith.addf %add3A_527, %get3A_544 : vector<16xf32>
      %get3A_546 = arith.constant 0 : i32
      %get3A_547 = arith.index_cast %get3A_546 : i32 to index
      %get3A_548 = arith.index_cast %add3A_538 : i32 to index
      %get3A_549 = arith.constant 16 : index
      %get3A_550 = tpu.vector_load %arg6[%get3A_547, %get3A_548, %get3A_549] {strides = array<i32>} : memref<2x1280x32xf32, #tpu.memory_space<vmem>>, vector<1x1x16xf32>,
      %get3A_551 = vector.shape_cast %get3A_550 : vector<1x1x16xf32> to vector<16xf32>
      %add3A_552 = arith.addf %add3A_534, %get3A_551 : vector<16xf32>
      %mul3A_553 = arith.constant 20 : i32
      %mul3A_554 = arith.muli %scan3A_298, %mul3A_553 : i32
      %add3A_555 = arith.constant 14 : i32
      %add3A_556 = arith.addi %mul3A_554, %add3A_555 : i32
      %get3A_557 = arith.constant 0 : i32
      %get3A_558 = arith.index_cast %get3A_557 : i32 to index
      %get3A_559 = arith.index_cast %add3A_556 : i32 to index
      %get3A_560 = arith.constant 0 : index
      %get3A_561 = tpu.vector_load %arg6[%get3A_558, %get3A_559, %get3A_560] {strides = array<i32>} : memref<2x1280x32xf32, #tpu.memory_space<vmem>>, vector<1x1x16xf32>,
      %get3A_562 = vector.shape_cast %get3A_561 : vector<1x1x16xf32> to vector<16xf32>
      %add3A_563 = arith.addf %add3A_545, %get3A_562 : vector<16xf32>
      %get3A_564 = arith.constant 0 : i32
      %get3A_565 = arith.index_cast %get3A_564 : i32 to index
      %get3A_566 = arith.index_cast %add3A_556 : i32 to index
      %get3A_567 = arith.constant 16 : index
      %get3A_568 = tpu.vector_load %arg6[%get3A_565, %get3A_566, %get3A_567] {strides = array<i32>} : memref<2x1280x32xf32, #tpu.memory_space<vmem>>, vector<1x1x16xf32>,
      %get3A_569 = vector.shape_cast %get3A_568 : vector<1x1x16xf32> to vector<16xf32>
      %add3A_570 = arith.addf %add3A_552, %get3A_569 : vector<16xf32>
      %mul3A_571 = arith.constant 20 : i32
      %mul3A_572 = arith.muli %scan3A_298, %mul3A_571 : i32
      %add3A_573 = arith.constant 15 : i32
      %add3A_574 = arith.addi %mul3A_572, %add3A_573 : i32
      %get3A_575 = arith.constant 0 : i32
      %get3A_576 = arith.index_cast %get3A_575 : i32 to index
      %get3A_577 = arith.index_cast %add3A_574 : i32 to index
      %get3A_578 = arith.constant 0 : index
      %get3A_579 = tpu.vector_load %arg6[%get3A_576, %get3A_577, %get3A_578] {strides = array<i32>} : memref<2x1280x32xf32, #tpu.memory_space<vmem>>, vector<1x1x16xf32>,
      %get3A_580 = vector.shape_cast %get3A_579 : vector<1x1x16xf32> to vector<16xf32>
      %add3A_581 = arith.addf %add3A_563, %get3A_580 : vector<16xf32>
      %get3A_582 = arith.constant 0 : i32
      %get3A_583 = arith.index_cast %get3A_582 : i32 to index
      %get3A_584 = arith.index_cast %add3A_574 : i32 to index
      %get3A_585 = arith.constant 16 : index
      %get3A_586 = tpu.vector_load %arg6[%get3A_583, %get3A_584, %get3A_585] {strides = array<i32>} : memref<2x1280x32xf32, #tpu.memory_space<vmem>>, vector<1x1x16xf32>,
      %get3A_587 = vector.shape_cast %get3A_586 : vector<1x1x16xf32> to vector<16xf32>
      %add3A_588 = arith.addf %add3A_570, %get3A_587 : vector<16xf32>
      %mul3A_589 = arith.constant 20 : i32
      %mul3A_590 = arith.muli %scan3A_298, %mul3A_589 : i32
      %add3A_591 = arith.constant 16 : i32
      %add3A_592 = arith.addi %mul3A_590, %add3A_591 : i32
      %get3A_593 = arith.constant 0 : i32
      %get3A_594 = arith.index_cast %get3A_593 : i32 to index
      %get3A_595 = arith.index_cast %add3A_592 : i32 to index
      %get3A_596 = arith.constant 0 : index
      %get3A_597 = tpu.vector_load %arg6[%get3A_594, %get3A_595, %get3A_596] {strides = array<i32>} : memref<2x1280x32xf32, #tpu.memory_space<vmem>>, vector<1x1x16xf32>,
      %get3A_598 = vector.shape_cast %get3A_597 : vector<1x1x16xf32> to vector<16xf32>
      %add3A_599 = arith.addf %add3A_581, %get3A_598 : vector<16xf32>
      %get3A_600 = arith.constant 0 : i32
      %get3A_601 = arith.index_cast %get3A_600 : i32 to index
      %get3A_602 = arith.index_cast %add3A_592 : i32 to index
      %get3A_603 = arith.constant 16 : index
      %get3A_604 = tpu.vector_load %arg6[%get3A_601, %get3A_602, %get3A_603] {strides = array<i32>} : memref<2x1280x32xf32, #tpu.memory_space<vmem>>, vector<1x1x16xf32>,
      %get3A_605 = vector.shape_cast %get3A_604 : vector<1x1x16xf32> to vector<16xf32>
      %add3A_606 = arith.addf %add3A_588, %get3A_605 : vector<16xf32>
      %mul3A_607 = arith.constant 20 : i32
      %mul3A_608 = arith.muli %scan3A_298, %mul3A_607 : i32
      %add3A_609 = arith.constant 17 : i32
      %add3A_610 = arith.addi %mul3A_608, %add3A_609 : i32
      %get3A_611 = arith.constant 0 : i32
      %get3A_612 = arith.index_cast %get3A_611 : i32 to index
      %get3A_613 = arith.index_cast %add3A_610 : i32 to index
      %get3A_614 = arith.constant 0 : index
      %get3A_615 = tpu.vector_load %arg6[%get3A_612, %get3A_613, %get3A_614] {strides = array<i32>} : memref<2x1280x32xf32, #tpu.memory_space<vmem>>, vector<1x1x16xf32>,
      %get3A_616 = vector.shape_cast %get3A_615 : vector<1x1x16xf32> to vector<16xf32>
      %add3A_617 = arith.addf %add3A_599, %get3A_616 : vector<16xf32>
      %get3A_618 = arith.constant 0 : i32
      %get3A_619 = arith.index_cast %get3A_618 : i32 to index
      %get3A_620 = arith.index_cast %add3A_610 : i32 to index
      %get3A_621 = arith.constant 16 : index
      %get3A_622 = tpu.vector_load %arg6[%get3A_619, %get3A_620, %get3A_621] {strides = array<i32>} : memref<2x1280x32xf32, #tpu.memory_space<vmem>>, vector<1x1x16xf32>,
      %get3A_623 = vector.shape_cast %get3A_622 : vector<1x1x16xf32> to vector<16xf32>
      %add3A_624 = arith.addf %add3A_606, %get3A_623 : vector<16xf32>
      %mul3A_625 = arith.constant 20 : i32
      %mul3A_626 = arith.muli %scan3A_298, %mul3A_625 : i32
      %add3A_627 = arith.constant 18 : i32
      %add3A_628 = arith.addi %mul3A_626, %add3A_627 : i32
      %get3A_629 = arith.constant 0 : i32
      %get3A_630 = arith.index_cast %get3A_629 : i32 to index
      %get3A_631 = arith.index_cast %add3A_628 : i32 to index
      %get3A_632 = arith.constant 0 : index
      %get3A_633 = tpu.vector_load %arg6[%get3A_630, %get3A_631, %get3A_632] {strides = array<i32>} : memref<2x1280x32xf32, #tpu.memory_space<vmem>>, vector<1x1x16xf32>,
      %get3A_634 = vector.shape_cast %get3A_633 : vector<1x1x16xf32> to vector<16xf32>
      %add3A_635 = arith.addf %add3A_617, %get3A_634 : vector<16xf32>
      %get3A_636 = arith.constant 0 : i32
      %get3A_637 = arith.index_cast %get3A_636 : i32 to index
      %get3A_638 = arith.index_cast %add3A_628 : i32 to index
      %get3A_639 = arith.constant 16 : index
      %get3A_640 = tpu.vector_load %arg6[%get3A_637, %get3A_638, %get3A_639] {strides = array<i32>} : memref<2x1280x32xf32, #tpu.memory_space<vmem>>, vector<1x1x16xf32>,
      %get3A_641 = vector.shape_cast %get3A_640 : vector<1x1x16xf32> to vector<16xf32>
      %add3A_642 = arith.addf %add3A_624, %get3A_641 : vector<16xf32>
      %mul3A_643 = arith.constant 20 : i32
      %mul3A_644 = arith.muli %scan3A_298, %mul3A_643 : i32
      %add3A_645 = arith.constant 19 : i32
      %add3A_646 = arith.addi %mul3A_644, %add3A_645 : i32
      %get3A_647 = arith.constant 0 : i32
      %get3A_648 = arith.index_cast %get3A_647 : i32 to index
      %get3A_649 = arith.index_cast %add3A_646 : i32 to index
      %get3A_650 = arith.constant 0 : index
      %get3A_651 = tpu.vector_load %arg6[%get3A_648, %get3A_649, %get3A_650] {strides = array<i32>} : memref<2x1280x32xf32, #tpu.memory_space<vmem>>, vector<1x1x16xf32>,
      %get3A_652 = vector.shape_cast %get3A_651 : vector<1x1x16xf32> to vector<16xf32>
      %add3A_653 = arith.addf %add3A_635, %get3A_652 : vector<16xf32>
      %get3A_654 = arith.constant 0 : i32
      %get3A_655 = arith.index_cast %get3A_654 : i32 to index
      %get3A_656 = arith.index_cast %add3A_646 : i32 to index
      %get3A_657 = arith.constant 16 : index
      %get3A_658 = tpu.vector_load %arg6[%get3A_655, %get3A_656, %get3A_657] {strides = array<i32>} : memref<2x1280x32xf32, #tpu.memory_space<vmem>>, vector<1x1x16xf32>,
      %get3A_659 = vector.shape_cast %get3A_658 : vector<1x1x16xf32> to vector<16xf32>
      %add3A_660 = arith.addf %add3A_642, %get3A_659 : vector<16xf32>
      %mul3A_661 = vector.broadcast %scan3A_190 : f32 to vector<16xf32>
      %mul3A_662 = arith.mulf %add3A_653, %mul3A_661 : vector<16xf32>
      %swap3A = arith.index_cast %scan3A_298 : i32 to index
      %swap3A_663 = arith.constant 0 : index
      %swap3A_664 = tpu.vector_load %arg7[%swap3A, %swap3A_663] {strides = array<i32>} : memref<64x32xf32, #tpu.memory_space<vmem>>, vector<1x16xf32>,
      %swap3A_665 = vector.shape_cast %swap3A_664 : vector<1x16xf32> to vector<16xf32>
      %swap3A_666 = vector.shape_cast %mul3A_662 : vector<16xf32> to vector<1x16xf32>
      tpu.vector_store %arg7[%swap3A, %swap3A_663], %swap3A_666 {strides = array<i32>} : memref<64x32xf32, #tpu.memory_space<vmem>>, vector<1x16xf32>,
      %mul3A_667 = vector.broadcast %scan3A_190 : f32 to vector<16xf32>
      %mul3A_668 = arith.mulf %add3A_660, %mul3A_667 : vector<16xf32>
      %swap3A_669 = arith.index_cast %scan3A_298 : i32 to index
      %swap3A_670 = arith.constant 16 : index
      %swap3A_671 = tpu.vector_load %arg7[%swap3A_669, %swap3A_670] {strides = array<i32>} : memref<64x32xf32, #tpu.memory_space<vmem>>, vector<1x16xf32>,
      %swap3A_672 = vector.shape_cast %swap3A_671 : vector<1x16xf32> to vector<16xf32>
      %swap3A_673 = vector.shape_cast %mul3A_668 : vector<16xf32> to vector<1x16xf32>
      tpu.vector_store %arg7[%swap3A_669, %swap3A_670], %swap3A_673 {strides = array<i32>} : memref<64x32xf32, #tpu.memory_space<vmem>>, vector<1x16xf32>,
    }
    %scan3A_195 = arith.constant 64 : i32
    %mul3A_196 = arith.constant 512 : i32
    %mul3A_197 = arith.muli %add3A, %mul3A_196 : i32
    %add3A_198 = arith.constant 256 : i32
    %add3A_199 = arith.addi %mul3A_197, %add3A_198 : i32
    "tpu.region"() ({
      %run_scoped3A = tpu.sem_alloc : memref<!tpu.dma_semaphore, #tpu.memory_space<semaphore_mem>>
      %dma_start3A_298 = arith.constant 0 : i32
      %dma_start3A_299 = tpu.memref_slice %arg4[%add3A_199, %dma_start3A_298] : memref<16384x32xf32, #tpu.memory_space<hbm>> -> memref<64x32xf32, #tpu.memory_space<hbm>>
      %dma_start3A_300 = arith.constant 0 : i32
      %dma_start3A_301 = tpu.memref_slice %arg4[%add3A_199, %dma_start3A_300] : memref<16384x32xf32, #tpu.memory_space<hbm>> -> memref<64x32xf32, #tpu.memory_space<hbm>>
      tpu.enqueue_dma source(%arg7 : memref<64x32xf32, #tpu.memory_space<vmem>>) target(%dma_start3A_301 : memref<64x32xf32, #tpu.memory_space<hbm>>) target_semaphore(%run_scoped3A : memref<!tpu.dma_semaphore, #tpu.memory_space<semaphore_mem>>)
      %dma_wait3A_302 = arith.constant 0 : i32
      %dma_wait3A_303 = tpu.memref_slice %arg4[%add3A_199, %dma_wait3A_302] : memref<16384x32xf32, #tpu.memory_space<hbm>> -> memref<64x32xf32, #tpu.memory_space<hbm>>
      %dma_wait3A_304 = arith.constant 0 : i32
      %dma_wait3A_305 = tpu.memref_slice %arg4[%add3A_199, %dma_wait3A_304] : memref<16384x32xf32, #tpu.memory_space<hbm>> -> memref<64x32xf32, #tpu.memory_space<hbm>>
      tpu.wait_dma2 semaphore(%run_scoped3A : memref<!tpu.dma_semaphore, #tpu.memory_space<semaphore_mem>>) src(%arg7 : memref<64x32xf32, #tpu.memory_space<vmem>>) dst(%dma_wait3A_305 : memref<64x32xf32, #tpu.memory_space<hbm>>)
      tpu.yield
    }) : () -> ()
    %dma_start3A_200 = arith.constant 0 : i32
    %dma_start3A_201 = arith.constant 0 : i32
    %dma_start3A_202 = arith.constant 0 : i32
    %dma_start3A_203 = arith.constant 0 : i32
    %dma_start3A_204 = tpu.memref_slice %arg6[%dma_start3A_200, %dma_start3A_202, %dma_start3A_203] : memref<2x1280x32xf32, #tpu.memory_space<vmem>> -> memref<1x1280x32xf32, #tpu.memory_space<vmem>>
    %dma_start3A_205 = tpu.memref_squeeze %dma_start3A_204 : memref<1x1280x32xf32, #tpu.memory_space<vmem>> -> memref<1280x32xf32, #tpu.memory_space<vmem>>
    %dma_start3A_206 = arith.constant 7680 : i32
    %dma_start3A_207 = tpu.memref_slice %arg5[%dma_start3A_206] : memref<10240xi32, #tpu.memory_space<vmem>> -> memref<1280xi32, #tpu.memory_space<vmem>>
    %dma_start3A_208 = arith.constant 0 : i32
    %dma_start3A_209 = arith.constant 0 : i32
    %dma_start3A_210 = tpu.memref_slice %arg3[%dma_start3A_208, %dma_start3A_209] : memref<1000000x32xf32, #tpu.memory_space<hbm>> -> memref<1000000x32xf32, #tpu.memory_space<hbm>>
    %dma_start3A_211 = tpu.memref_slice %arg8[%dma_start3A_201] : memref<2x!tpu.dma_semaphore, #tpu.memory_space<semaphore_mem>> -> memref<1x!tpu.dma_semaphore, #tpu.memory_space<semaphore_mem>>
    %dma_start3A_212 = tpu.memref_squeeze %dma_start3A_211 : memref<1x!tpu.dma_semaphore, #tpu.memory_space<semaphore_mem>> -> memref<!tpu.dma_semaphore, #tpu.memory_space<semaphore_mem>>
    tpu.enqueue_indirect_dma source(%dma_start3A_210 : memref<1000000x32xf32, #tpu.memory_space<hbm>>) target(%dma_start3A_205 : memref<1280x32xf32, #tpu.memory_space<vmem>>) offsets(%dma_start3A_207 : memref<1280xi32, #tpu.memory_space<vmem>>) semaphore(%dma_start3A_212 : memref<!tpu.dma_semaphore, #tpu.memory_space<semaphore_mem>>)
    %dma_wait3A_213 = arith.constant 1 : i32
    %dma_wait3A_214 = arith.constant 1 : i32
    %dma_wait3A_215 = arith.constant 0 : i32
    %dma_wait3A_216 = arith.constant 0 : i32
    %dma_wait3A_217 = tpu.memref_slice %arg6[%dma_wait3A_213, %dma_wait3A_215, %dma_wait3A_216] : memref<2x1280x32xf32, #tpu.memory_space<vmem>> -> memref<1x1280x32xf32, #tpu.memory_space<vmem>>
    %dma_wait3A_218 = tpu.memref_squeeze %dma_wait3A_217 : memref<1x1280x32xf32, #tpu.memory_space<vmem>> -> memref<1280x32xf32, #tpu.memory_space<vmem>>
    %dma_wait3A_219 = arith.constant 6400 : i32
    %dma_wait3A_220 = tpu.memref_slice %arg5[%dma_wait3A_219] : memref<10240xi32, #tpu.memory_space<vmem>> -> memref<1280xi32, #tpu.memory_space<vmem>>
    %dma_wait3A_221 = arith.constant 0 : i32
    %dma_wait3A_222 = arith.constant 0 : i32
    %dma_wait3A_223 = tpu.memref_slice %arg3[%dma_wait3A_221, %dma_wait3A_222] : memref<1000000x32xf32, #tpu.memory_space<hbm>> -> memref<1000000x32xf32, #tpu.memory_space<hbm>>
    %dma_wait3A_224 = tpu.memref_slice %arg8[%dma_wait3A_214] : memref<2x!tpu.dma_semaphore, #tpu.memory_space<semaphore_mem>> -> memref<1x!tpu.dma_semaphore, #tpu.memory_space<semaphore_mem>>
    %dma_wait3A_225 = tpu.memref_squeeze %dma_wait3A_224 : memref<1x!tpu.dma_semaphore, #tpu.memory_space<semaphore_mem>> -> memref<!tpu.dma_semaphore, #tpu.memory_space<semaphore_mem>>
    tpu.wait_indirect_dma semaphore(%dma_wait3A_225 : memref<!tpu.dma_semaphore, #tpu.memory_space<semaphore_mem>>) src(%dma_wait3A_223 : memref<1000000x32xf32, #tpu.memory_space<hbm>>) dst(%dma_wait3A_218 : memref<1280x32xf32, #tpu.memory_space<vmem>>)
    %scan3A_226 = arith.constant 0 : i32
    %scan3A_227 = arith.constant 5.000000e-02 : f32
    %scan3A_228 = arith.constant 0 : i32
    %scan3A_229 = arith.constant 64 : i32
    %scan3A_230 = arith.addi %scan3A_228, %scan3A_229 : i32
    %scan3A_231 = arith.constant 1 : i32
    scf.for %scan3A_298 = %scan3A_228 to %scan3A_230 step %scan3A_231  : i32 {
      %broadcast_in_dim3A = arith.constant 0.000000e+00 : f32
      %broadcast_in_dim3A_299 = vector.broadcast %broadcast_in_dim3A : f32 to vector<16xf32>
      %broadcast_in_dim3A_300 = arith.constant 0.000000e+00 : f32
      %broadcast_in_dim3A_301 = vector.broadcast %broadcast_in_dim3A_300 : f32 to vector<16xf32>
      %mul3A_302 = arith.constant 20 : i32
      %mul3A_303 = arith.muli %scan3A_298, %mul3A_302 : i32
      %add3A_304 = arith.constant 0 : i32
      %add3A_305 = arith.addi %mul3A_303, %add3A_304 : i32
      %get3A = arith.constant 1 : i32
      %get3A_306 = arith.index_cast %get3A : i32 to index
      %get3A_307 = arith.index_cast %add3A_305 : i32 to index
      %get3A_308 = arith.constant 0 : index
      %get3A_309 = tpu.vector_load %arg6[%get3A_306, %get3A_307, %get3A_308] {strides = array<i32>} : memref<2x1280x32xf32, #tpu.memory_space<vmem>>, vector<1x1x16xf32>,
      %get3A_310 = vector.shape_cast %get3A_309 : vector<1x1x16xf32> to vector<16xf32>
      %add3A_311 = arith.addf %broadcast_in_dim3A_299, %get3A_310 : vector<16xf32>
      %get3A_312 = arith.constant 1 : i32
      %get3A_313 = arith.index_cast %get3A_312 : i32 to index
      %get3A_314 = arith.index_cast %add3A_305 : i32 to index
      %get3A_315 = arith.constant 16 : index
      %get3A_316 = tpu.vector_load %arg6[%get3A_313, %get3A_314, %get3A_315] {strides = array<i32>} : memref<2x1280x32xf32, #tpu.memory_space<vmem>>, vector<1x1x16xf32>,
      %get3A_317 = vector.shape_cast %get3A_316 : vector<1x1x16xf32> to vector<16xf32>
      %add3A_318 = arith.addf %broadcast_in_dim3A_301, %get3A_317 : vector<16xf32>
      %mul3A_319 = arith.constant 20 : i32
      %mul3A_320 = arith.muli %scan3A_298, %mul3A_319 : i32
      %add3A_321 = arith.constant 1 : i32
      %add3A_322 = arith.addi %mul3A_320, %add3A_321 : i32
      %get3A_323 = arith.constant 1 : i32
      %get3A_324 = arith.index_cast %get3A_323 : i32 to index
      %get3A_325 = arith.index_cast %add3A_322 : i32 to index
      %get3A_326 = arith.constant 0 : index
      %get3A_327 = tpu.vector_load %arg6[%get3A_324, %get3A_325, %get3A_326] {strides = array<i32>} : memref<2x1280x32xf32, #tpu.memory_space<vmem>>, vector<1x1x16xf32>,
      %get3A_328 = vector.shape_cast %get3A_327 : vector<1x1x16xf32> to vector<16xf32>
      %add3A_329 = arith.addf %add3A_311, %get3A_328 : vector<16xf32>
      %get3A_330 = arith.constant 1 : i32
      %get3A_331 = arith.index_cast %get3A_330 : i32 to index
      %get3A_332 = arith.index_cast %add3A_322 : i32 to index
      %get3A_333 = arith.constant 16 : index
      %get3A_334 = tpu.vector_load %arg6[%get3A_331, %get3A_332, %get3A_333] {strides = array<i32>} : memref<2x1280x32xf32, #tpu.memory_space<vmem>>, vector<1x1x16xf32>,
      %get3A_335 = vector.shape_cast %get3A_334 : vector<1x1x16xf32> to vector<16xf32>
      %add3A_336 = arith.addf %add3A_318, %get3A_335 : vector<16xf32>
      %mul3A_337 = arith.constant 20 : i32
      %mul3A_338 = arith.muli %scan3A_298, %mul3A_337 : i32
      %add3A_339 = arith.constant 2 : i32
      %add3A_340 = arith.addi %mul3A_338, %add3A_339 : i32
      %get3A_341 = arith.constant 1 : i32
      %get3A_342 = arith.index_cast %get3A_341 : i32 to index
      %get3A_343 = arith.index_cast %add3A_340 : i32 to index
      %get3A_344 = arith.constant 0 : index
      %get3A_345 = tpu.vector_load %arg6[%get3A_342, %get3A_343, %get3A_344] {strides = array<i32>} : memref<2x1280x32xf32, #tpu.memory_space<vmem>>, vector<1x1x16xf32>,
      %get3A_346 = vector.shape_cast %get3A_345 : vector<1x1x16xf32> to vector<16xf32>
      %add3A_347 = arith.addf %add3A_329, %get3A_346 : vector<16xf32>
      %get3A_348 = arith.constant 1 : i32
      %get3A_349 = arith.index_cast %get3A_348 : i32 to index
      %get3A_350 = arith.index_cast %add3A_340 : i32 to index
      %get3A_351 = arith.constant 16 : index
      %get3A_352 = tpu.vector_load %arg6[%get3A_349, %get3A_350, %get3A_351] {strides = array<i32>} : memref<2x1280x32xf32, #tpu.memory_space<vmem>>, vector<1x1x16xf32>,
      %get3A_353 = vector.shape_cast %get3A_352 : vector<1x1x16xf32> to vector<16xf32>
      %add3A_354 = arith.addf %add3A_336, %get3A_353 : vector<16xf32>
      %mul3A_355 = arith.constant 20 : i32
      %mul3A_356 = arith.muli %scan3A_298, %mul3A_355 : i32
      %add3A_357 = arith.constant 3 : i32
      %add3A_358 = arith.addi %mul3A_356, %add3A_357 : i32
      %get3A_359 = arith.constant 1 : i32
      %get3A_360 = arith.index_cast %get3A_359 : i32 to index
      %get3A_361 = arith.index_cast %add3A_358 : i32 to index
      %get3A_362 = arith.constant 0 : index
      %get3A_363 = tpu.vector_load %arg6[%get3A_360, %get3A_361, %get3A_362] {strides = array<i32>} : memref<2x1280x32xf32, #tpu.memory_space<vmem>>, vector<1x1x16xf32>,
      %get3A_364 = vector.shape_cast %get3A_363 : vector<1x1x16xf32> to vector<16xf32>
      %add3A_365 = arith.addf %add3A_347, %get3A_364 : vector<16xf32>
      %get3A_366 = arith.constant 1 : i32
      %get3A_367 = arith.index_cast %get3A_366 : i32 to index
      %get3A_368 = arith.index_cast %add3A_358 : i32 to index
      %get3A_369 = arith.constant 16 : index
      %get3A_370 = tpu.vector_load %arg6[%get3A_367, %get3A_368, %get3A_369] {strides = array<i32>} : memref<2x1280x32xf32, #tpu.memory_space<vmem>>, vector<1x1x16xf32>,
      %get3A_371 = vector.shape_cast %get3A_370 : vector<1x1x16xf32> to vector<16xf32>
      %add3A_372 = arith.addf %add3A_354, %get3A_371 : vector<16xf32>
      %mul3A_373 = arith.constant 20 : i32
      %mul3A_374 = arith.muli %scan3A_298, %mul3A_373 : i32
      %add3A_375 = arith.constant 4 : i32
      %add3A_376 = arith.addi %mul3A_374, %add3A_375 : i32
      %get3A_377 = arith.constant 1 : i32
      %get3A_378 = arith.index_cast %get3A_377 : i32 to index
      %get3A_379 = arith.index_cast %add3A_376 : i32 to index
      %get3A_380 = arith.constant 0 : index
      %get3A_381 = tpu.vector_load %arg6[%get3A_378, %get3A_379, %get3A_380] {strides = array<i32>} : memref<2x1280x32xf32, #tpu.memory_space<vmem>>, vector<1x1x16xf32>,
      %get3A_382 = vector.shape_cast %get3A_381 : vector<1x1x16xf32> to vector<16xf32>
      %add3A_383 = arith.addf %add3A_365, %get3A_382 : vector<16xf32>
      %get3A_384 = arith.constant 1 : i32
      %get3A_385 = arith.index_cast %get3A_384 : i32 to index
      %get3A_386 = arith.index_cast %add3A_376 : i32 to index
      %get3A_387 = arith.constant 16 : index
      %get3A_388 = tpu.vector_load %arg6[%get3A_385, %get3A_386, %get3A_387] {strides = array<i32>} : memref<2x1280x32xf32, #tpu.memory_space<vmem>>, vector<1x1x16xf32>,
      %get3A_389 = vector.shape_cast %get3A_388 : vector<1x1x16xf32> to vector<16xf32>
      %add3A_390 = arith.addf %add3A_372, %get3A_389 : vector<16xf32>
      %mul3A_391 = arith.constant 20 : i32
      %mul3A_392 = arith.muli %scan3A_298, %mul3A_391 : i32
      %add3A_393 = arith.constant 5 : i32
      %add3A_394 = arith.addi %mul3A_392, %add3A_393 : i32
      %get3A_395 = arith.constant 1 : i32
      %get3A_396 = arith.index_cast %get3A_395 : i32 to index
      %get3A_397 = arith.index_cast %add3A_394 : i32 to index
      %get3A_398 = arith.constant 0 : index
      %get3A_399 = tpu.vector_load %arg6[%get3A_396, %get3A_397, %get3A_398] {strides = array<i32>} : memref<2x1280x32xf32, #tpu.memory_space<vmem>>, vector<1x1x16xf32>,
      %get3A_400 = vector.shape_cast %get3A_399 : vector<1x1x16xf32> to vector<16xf32>
      %add3A_401 = arith.addf %add3A_383, %get3A_400 : vector<16xf32>
      %get3A_402 = arith.constant 1 : i32
      %get3A_403 = arith.index_cast %get3A_402 : i32 to index
      %get3A_404 = arith.index_cast %add3A_394 : i32 to index
      %get3A_405 = arith.constant 16 : index
      %get3A_406 = tpu.vector_load %arg6[%get3A_403, %get3A_404, %get3A_405] {strides = array<i32>} : memref<2x1280x32xf32, #tpu.memory_space<vmem>>, vector<1x1x16xf32>,
      %get3A_407 = vector.shape_cast %get3A_406 : vector<1x1x16xf32> to vector<16xf32>
      %add3A_408 = arith.addf %add3A_390, %get3A_407 : vector<16xf32>
      %mul3A_409 = arith.constant 20 : i32
      %mul3A_410 = arith.muli %scan3A_298, %mul3A_409 : i32
      %add3A_411 = arith.constant 6 : i32
      %add3A_412 = arith.addi %mul3A_410, %add3A_411 : i32
      %get3A_413 = arith.constant 1 : i32
      %get3A_414 = arith.index_cast %get3A_413 : i32 to index
      %get3A_415 = arith.index_cast %add3A_412 : i32 to index
      %get3A_416 = arith.constant 0 : index
      %get3A_417 = tpu.vector_load %arg6[%get3A_414, %get3A_415, %get3A_416] {strides = array<i32>} : memref<2x1280x32xf32, #tpu.memory_space<vmem>>, vector<1x1x16xf32>,
      %get3A_418 = vector.shape_cast %get3A_417 : vector<1x1x16xf32> to vector<16xf32>
      %add3A_419 = arith.addf %add3A_401, %get3A_418 : vector<16xf32>
      %get3A_420 = arith.constant 1 : i32
      %get3A_421 = arith.index_cast %get3A_420 : i32 to index
      %get3A_422 = arith.index_cast %add3A_412 : i32 to index
      %get3A_423 = arith.constant 16 : index
      %get3A_424 = tpu.vector_load %arg6[%get3A_421, %get3A_422, %get3A_423] {strides = array<i32>} : memref<2x1280x32xf32, #tpu.memory_space<vmem>>, vector<1x1x16xf32>,
      %get3A_425 = vector.shape_cast %get3A_424 : vector<1x1x16xf32> to vector<16xf32>
      %add3A_426 = arith.addf %add3A_408, %get3A_425 : vector<16xf32>
      %mul3A_427 = arith.constant 20 : i32
      %mul3A_428 = arith.muli %scan3A_298, %mul3A_427 : i32
      %add3A_429 = arith.constant 7 : i32
      %add3A_430 = arith.addi %mul3A_428, %add3A_429 : i32
      %get3A_431 = arith.constant 1 : i32
      %get3A_432 = arith.index_cast %get3A_431 : i32 to index
      %get3A_433 = arith.index_cast %add3A_430 : i32 to index
      %get3A_434 = arith.constant 0 : index
      %get3A_435 = tpu.vector_load %arg6[%get3A_432, %get3A_433, %get3A_434] {strides = array<i32>} : memref<2x1280x32xf32, #tpu.memory_space<vmem>>, vector<1x1x16xf32>,
      %get3A_436 = vector.shape_cast %get3A_435 : vector<1x1x16xf32> to vector<16xf32>
      %add3A_437 = arith.addf %add3A_419, %get3A_436 : vector<16xf32>
      %get3A_438 = arith.constant 1 : i32
      %get3A_439 = arith.index_cast %get3A_438 : i32 to index
      %get3A_440 = arith.index_cast %add3A_430 : i32 to index
      %get3A_441 = arith.constant 16 : index
      %get3A_442 = tpu.vector_load %arg6[%get3A_439, %get3A_440, %get3A_441] {strides = array<i32>} : memref<2x1280x32xf32, #tpu.memory_space<vmem>>, vector<1x1x16xf32>,
      %get3A_443 = vector.shape_cast %get3A_442 : vector<1x1x16xf32> to vector<16xf32>
      %add3A_444 = arith.addf %add3A_426, %get3A_443 : vector<16xf32>
      %mul3A_445 = arith.constant 20 : i32
      %mul3A_446 = arith.muli %scan3A_298, %mul3A_445 : i32
      %add3A_447 = arith.constant 8 : i32
      %add3A_448 = arith.addi %mul3A_446, %add3A_447 : i32
      %get3A_449 = arith.constant 1 : i32
      %get3A_450 = arith.index_cast %get3A_449 : i32 to index
      %get3A_451 = arith.index_cast %add3A_448 : i32 to index
      %get3A_452 = arith.constant 0 : index
      %get3A_453 = tpu.vector_load %arg6[%get3A_450, %get3A_451, %get3A_452] {strides = array<i32>} : memref<2x1280x32xf32, #tpu.memory_space<vmem>>, vector<1x1x16xf32>,
      %get3A_454 = vector.shape_cast %get3A_453 : vector<1x1x16xf32> to vector<16xf32>
      %add3A_455 = arith.addf %add3A_437, %get3A_454 : vector<16xf32>
      %get3A_456 = arith.constant 1 : i32
      %get3A_457 = arith.index_cast %get3A_456 : i32 to index
      %get3A_458 = arith.index_cast %add3A_448 : i32 to index
      %get3A_459 = arith.constant 16 : index
      %get3A_460 = tpu.vector_load %arg6[%get3A_457, %get3A_458, %get3A_459] {strides = array<i32>} : memref<2x1280x32xf32, #tpu.memory_space<vmem>>, vector<1x1x16xf32>,
      %get3A_461 = vector.shape_cast %get3A_460 : vector<1x1x16xf32> to vector<16xf32>
      %add3A_462 = arith.addf %add3A_444, %get3A_461 : vector<16xf32>
      %mul3A_463 = arith.constant 20 : i32
      %mul3A_464 = arith.muli %scan3A_298, %mul3A_463 : i32
      %add3A_465 = arith.constant 9 : i32
      %add3A_466 = arith.addi %mul3A_464, %add3A_465 : i32
      %get3A_467 = arith.constant 1 : i32
      %get3A_468 = arith.index_cast %get3A_467 : i32 to index
      %get3A_469 = arith.index_cast %add3A_466 : i32 to index
      %get3A_470 = arith.constant 0 : index
      %get3A_471 = tpu.vector_load %arg6[%get3A_468, %get3A_469, %get3A_470] {strides = array<i32>} : memref<2x1280x32xf32, #tpu.memory_space<vmem>>, vector<1x1x16xf32>,
      %get3A_472 = vector.shape_cast %get3A_471 : vector<1x1x16xf32> to vector<16xf32>
      %add3A_473 = arith.addf %add3A_455, %get3A_472 : vector<16xf32>
      %get3A_474 = arith.constant 1 : i32
      %get3A_475 = arith.index_cast %get3A_474 : i32 to index
      %get3A_476 = arith.index_cast %add3A_466 : i32 to index
      %get3A_477 = arith.constant 16 : index
      %get3A_478 = tpu.vector_load %arg6[%get3A_475, %get3A_476, %get3A_477] {strides = array<i32>} : memref<2x1280x32xf32, #tpu.memory_space<vmem>>, vector<1x1x16xf32>,
      %get3A_479 = vector.shape_cast %get3A_478 : vector<1x1x16xf32> to vector<16xf32>
      %add3A_480 = arith.addf %add3A_462, %get3A_479 : vector<16xf32>
      %mul3A_481 = arith.constant 20 : i32
      %mul3A_482 = arith.muli %scan3A_298, %mul3A_481 : i32
      %add3A_483 = arith.constant 10 : i32
      %add3A_484 = arith.addi %mul3A_482, %add3A_483 : i32
      %get3A_485 = arith.constant 1 : i32
      %get3A_486 = arith.index_cast %get3A_485 : i32 to index
      %get3A_487 = arith.index_cast %add3A_484 : i32 to index
      %get3A_488 = arith.constant 0 : index
      %get3A_489 = tpu.vector_load %arg6[%get3A_486, %get3A_487, %get3A_488] {strides = array<i32>} : memref<2x1280x32xf32, #tpu.memory_space<vmem>>, vector<1x1x16xf32>,
      %get3A_490 = vector.shape_cast %get3A_489 : vector<1x1x16xf32> to vector<16xf32>
      %add3A_491 = arith.addf %add3A_473, %get3A_490 : vector<16xf32>
      %get3A_492 = arith.constant 1 : i32
      %get3A_493 = arith.index_cast %get3A_492 : i32 to index
      %get3A_494 = arith.index_cast %add3A_484 : i32 to index
      %get3A_495 = arith.constant 16 : index
      %get3A_496 = tpu.vector_load %arg6[%get3A_493, %get3A_494, %get3A_495] {strides = array<i32>} : memref<2x1280x32xf32, #tpu.memory_space<vmem>>, vector<1x1x16xf32>,
      %get3A_497 = vector.shape_cast %get3A_496 : vector<1x1x16xf32> to vector<16xf32>
      %add3A_498 = arith.addf %add3A_480, %get3A_497 : vector<16xf32>
      %mul3A_499 = arith.constant 20 : i32
      %mul3A_500 = arith.muli %scan3A_298, %mul3A_499 : i32
      %add3A_501 = arith.constant 11 : i32
      %add3A_502 = arith.addi %mul3A_500, %add3A_501 : i32
      %get3A_503 = arith.constant 1 : i32
      %get3A_504 = arith.index_cast %get3A_503 : i32 to index
      %get3A_505 = arith.index_cast %add3A_502 : i32 to index
      %get3A_506 = arith.constant 0 : index
      %get3A_507 = tpu.vector_load %arg6[%get3A_504, %get3A_505, %get3A_506] {strides = array<i32>} : memref<2x1280x32xf32, #tpu.memory_space<vmem>>, vector<1x1x16xf32>,
      %get3A_508 = vector.shape_cast %get3A_507 : vector<1x1x16xf32> to vector<16xf32>
      %add3A_509 = arith.addf %add3A_491, %get3A_508 : vector<16xf32>
      %get3A_510 = arith.constant 1 : i32
      %get3A_511 = arith.index_cast %get3A_510 : i32 to index
      %get3A_512 = arith.index_cast %add3A_502 : i32 to index
      %get3A_513 = arith.constant 16 : index
      %get3A_514 = tpu.vector_load %arg6[%get3A_511, %get3A_512, %get3A_513] {strides = array<i32>} : memref<2x1280x32xf32, #tpu.memory_space<vmem>>, vector<1x1x16xf32>,
      %get3A_515 = vector.shape_cast %get3A_514 : vector<1x1x16xf32> to vector<16xf32>
      %add3A_516 = arith.addf %add3A_498, %get3A_515 : vector<16xf32>
      %mul3A_517 = arith.constant 20 : i32
      %mul3A_518 = arith.muli %scan3A_298, %mul3A_517 : i32
      %add3A_519 = arith.constant 12 : i32
      %add3A_520 = arith.addi %mul3A_518, %add3A_519 : i32
      %get3A_521 = arith.constant 1 : i32
      %get3A_522 = arith.index_cast %get3A_521 : i32 to index
      %get3A_523 = arith.index_cast %add3A_520 : i32 to index
      %get3A_524 = arith.constant 0 : index
      %get3A_525 = tpu.vector_load %arg6[%get3A_522, %get3A_523, %get3A_524] {strides = array<i32>} : memref<2x1280x32xf32, #tpu.memory_space<vmem>>, vector<1x1x16xf32>,
      %get3A_526 = vector.shape_cast %get3A_525 : vector<1x1x16xf32> to vector<16xf32>
      %add3A_527 = arith.addf %add3A_509, %get3A_526 : vector<16xf32>
      %get3A_528 = arith.constant 1 : i32
      %get3A_529 = arith.index_cast %get3A_528 : i32 to index
      %get3A_530 = arith.index_cast %add3A_520 : i32 to index
      %get3A_531 = arith.constant 16 : index
      %get3A_532 = tpu.vector_load %arg6[%get3A_529, %get3A_530, %get3A_531] {strides = array<i32>} : memref<2x1280x32xf32, #tpu.memory_space<vmem>>, vector<1x1x16xf32>,
      %get3A_533 = vector.shape_cast %get3A_532 : vector<1x1x16xf32> to vector<16xf32>
      %add3A_534 = arith.addf %add3A_516, %get3A_533 : vector<16xf32>
      %mul3A_535 = arith.constant 20 : i32
      %mul3A_536 = arith.muli %scan3A_298, %mul3A_535 : i32
      %add3A_537 = arith.constant 13 : i32
      %add3A_538 = arith.addi %mul3A_536, %add3A_537 : i32
      %get3A_539 = arith.constant 1 : i32
      %get3A_540 = arith.index_cast %get3A_539 : i32 to index
      %get3A_541 = arith.index_cast %add3A_538 : i32 to index
      %get3A_542 = arith.constant 0 : index
      %get3A_543 = tpu.vector_load %arg6[%get3A_540, %get3A_541, %get3A_542] {strides = array<i32>} : memref<2x1280x32xf32, #tpu.memory_space<vmem>>, vector<1x1x16xf32>,
      %get3A_544 = vector.shape_cast %get3A_543 : vector<1x1x16xf32> to vector<16xf32>
      %add3A_545 = arith.addf %add3A_527, %get3A_544 : vector<16xf32>
      %get3A_546 = arith.constant 1 : i32
      %get3A_547 = arith.index_cast %get3A_546 : i32 to index
      %get3A_548 = arith.index_cast %add3A_538 : i32 to index
      %get3A_549 = arith.constant 16 : index
      %get3A_550 = tpu.vector_load %arg6[%get3A_547, %get3A_548, %get3A_549] {strides = array<i32>} : memref<2x1280x32xf32, #tpu.memory_space<vmem>>, vector<1x1x16xf32>,
      %get3A_551 = vector.shape_cast %get3A_550 : vector<1x1x16xf32> to vector<16xf32>
      %add3A_552 = arith.addf %add3A_534, %get3A_551 : vector<16xf32>
      %mul3A_553 = arith.constant 20 : i32
      %mul3A_554 = arith.muli %scan3A_298, %mul3A_553 : i32
      %add3A_555 = arith.constant 14 : i32
      %add3A_556 = arith.addi %mul3A_554, %add3A_555 : i32
      %get3A_557 = arith.constant 1 : i32
      %get3A_558 = arith.index_cast %get3A_557 : i32 to index
      %get3A_559 = arith.index_cast %add3A_556 : i32 to index
      %get3A_560 = arith.constant 0 : index
      %get3A_561 = tpu.vector_load %arg6[%get3A_558, %get3A_559, %get3A_560] {strides = array<i32>} : memref<2x1280x32xf32, #tpu.memory_space<vmem>>, vector<1x1x16xf32>,
      %get3A_562 = vector.shape_cast %get3A_561 : vector<1x1x16xf32> to vector<16xf32>
      %add3A_563 = arith.addf %add3A_545, %get3A_562 : vector<16xf32>
      %get3A_564 = arith.constant 1 : i32
      %get3A_565 = arith.index_cast %get3A_564 : i32 to index
      %get3A_566 = arith.index_cast %add3A_556 : i32 to index
      %get3A_567 = arith.constant 16 : index
      %get3A_568 = tpu.vector_load %arg6[%get3A_565, %get3A_566, %get3A_567] {strides = array<i32>} : memref<2x1280x32xf32, #tpu.memory_space<vmem>>, vector<1x1x16xf32>,
      %get3A_569 = vector.shape_cast %get3A_568 : vector<1x1x16xf32> to vector<16xf32>
      %add3A_570 = arith.addf %add3A_552, %get3A_569 : vector<16xf32>
      %mul3A_571 = arith.constant 20 : i32
      %mul3A_572 = arith.muli %scan3A_298, %mul3A_571 : i32
      %add3A_573 = arith.constant 15 : i32
      %add3A_574 = arith.addi %mul3A_572, %add3A_573 : i32
      %get3A_575 = arith.constant 1 : i32
      %get3A_576 = arith.index_cast %get3A_575 : i32 to index
      %get3A_577 = arith.index_cast %add3A_574 : i32 to index
      %get3A_578 = arith.constant 0 : index
      %get3A_579 = tpu.vector_load %arg6[%get3A_576, %get3A_577, %get3A_578] {strides = array<i32>} : memref<2x1280x32xf32, #tpu.memory_space<vmem>>, vector<1x1x16xf32>,
      %get3A_580 = vector.shape_cast %get3A_579 : vector<1x1x16xf32> to vector<16xf32>
      %add3A_581 = arith.addf %add3A_563, %get3A_580 : vector<16xf32>
      %get3A_582 = arith.constant 1 : i32
      %get3A_583 = arith.index_cast %get3A_582 : i32 to index
      %get3A_584 = arith.index_cast %add3A_574 : i32 to index
      %get3A_585 = arith.constant 16 : index
      %get3A_586 = tpu.vector_load %arg6[%get3A_583, %get3A_584, %get3A_585] {strides = array<i32>} : memref<2x1280x32xf32, #tpu.memory_space<vmem>>, vector<1x1x16xf32>,
      %get3A_587 = vector.shape_cast %get3A_586 : vector<1x1x16xf32> to vector<16xf32>
      %add3A_588 = arith.addf %add3A_570, %get3A_587 : vector<16xf32>
      %mul3A_589 = arith.constant 20 : i32
      %mul3A_590 = arith.muli %scan3A_298, %mul3A_589 : i32
      %add3A_591 = arith.constant 16 : i32
      %add3A_592 = arith.addi %mul3A_590, %add3A_591 : i32
      %get3A_593 = arith.constant 1 : i32
      %get3A_594 = arith.index_cast %get3A_593 : i32 to index
      %get3A_595 = arith.index_cast %add3A_592 : i32 to index
      %get3A_596 = arith.constant 0 : index
      %get3A_597 = tpu.vector_load %arg6[%get3A_594, %get3A_595, %get3A_596] {strides = array<i32>} : memref<2x1280x32xf32, #tpu.memory_space<vmem>>, vector<1x1x16xf32>,
      %get3A_598 = vector.shape_cast %get3A_597 : vector<1x1x16xf32> to vector<16xf32>
      %add3A_599 = arith.addf %add3A_581, %get3A_598 : vector<16xf32>
      %get3A_600 = arith.constant 1 : i32
      %get3A_601 = arith.index_cast %get3A_600 : i32 to index
      %get3A_602 = arith.index_cast %add3A_592 : i32 to index
      %get3A_603 = arith.constant 16 : index
      %get3A_604 = tpu.vector_load %arg6[%get3A_601, %get3A_602, %get3A_603] {strides = array<i32>} : memref<2x1280x32xf32, #tpu.memory_space<vmem>>, vector<1x1x16xf32>,
      %get3A_605 = vector.shape_cast %get3A_604 : vector<1x1x16xf32> to vector<16xf32>
      %add3A_606 = arith.addf %add3A_588, %get3A_605 : vector<16xf32>
      %mul3A_607 = arith.constant 20 : i32
      %mul3A_608 = arith.muli %scan3A_298, %mul3A_607 : i32
      %add3A_609 = arith.constant 17 : i32
      %add3A_610 = arith.addi %mul3A_608, %add3A_609 : i32
      %get3A_611 = arith.constant 1 : i32
      %get3A_612 = arith.index_cast %get3A_611 : i32 to index
      %get3A_613 = arith.index_cast %add3A_610 : i32 to index
      %get3A_614 = arith.constant 0 : index
      %get3A_615 = tpu.vector_load %arg6[%get3A_612, %get3A_613, %get3A_614] {strides = array<i32>} : memref<2x1280x32xf32, #tpu.memory_space<vmem>>, vector<1x1x16xf32>,
      %get3A_616 = vector.shape_cast %get3A_615 : vector<1x1x16xf32> to vector<16xf32>
      %add3A_617 = arith.addf %add3A_599, %get3A_616 : vector<16xf32>
      %get3A_618 = arith.constant 1 : i32
      %get3A_619 = arith.index_cast %get3A_618 : i32 to index
      %get3A_620 = arith.index_cast %add3A_610 : i32 to index
      %get3A_621 = arith.constant 16 : index
      %get3A_622 = tpu.vector_load %arg6[%get3A_619, %get3A_620, %get3A_621] {strides = array<i32>} : memref<2x1280x32xf32, #tpu.memory_space<vmem>>, vector<1x1x16xf32>,
      %get3A_623 = vector.shape_cast %get3A_622 : vector<1x1x16xf32> to vector<16xf32>
      %add3A_624 = arith.addf %add3A_606, %get3A_623 : vector<16xf32>
      %mul3A_625 = arith.constant 20 : i32
      %mul3A_626 = arith.muli %scan3A_298, %mul3A_625 : i32
      %add3A_627 = arith.constant 18 : i32
      %add3A_628 = arith.addi %mul3A_626, %add3A_627 : i32
      %get3A_629 = arith.constant 1 : i32
      %get3A_630 = arith.index_cast %get3A_629 : i32 to index
      %get3A_631 = arith.index_cast %add3A_628 : i32 to index
      %get3A_632 = arith.constant 0 : index
      %get3A_633 = tpu.vector_load %arg6[%get3A_630, %get3A_631, %get3A_632] {strides = array<i32>} : memref<2x1280x32xf32, #tpu.memory_space<vmem>>, vector<1x1x16xf32>,
      %get3A_634 = vector.shape_cast %get3A_633 : vector<1x1x16xf32> to vector<16xf32>
      %add3A_635 = arith.addf %add3A_617, %get3A_634 : vector<16xf32>
      %get3A_636 = arith.constant 1 : i32
      %get3A_637 = arith.index_cast %get3A_636 : i32 to index
      %get3A_638 = arith.index_cast %add3A_628 : i32 to index
      %get3A_639 = arith.constant 16 : index
      %get3A_640 = tpu.vector_load %arg6[%get3A_637, %get3A_638, %get3A_639] {strides = array<i32>} : memref<2x1280x32xf32, #tpu.memory_space<vmem>>, vector<1x1x16xf32>,
      %get3A_641 = vector.shape_cast %get3A_640 : vector<1x1x16xf32> to vector<16xf32>
      %add3A_642 = arith.addf %add3A_624, %get3A_641 : vector<16xf32>
      %mul3A_643 = arith.constant 20 : i32
      %mul3A_644 = arith.muli %scan3A_298, %mul3A_643 : i32
      %add3A_645 = arith.constant 19 : i32
      %add3A_646 = arith.addi %mul3A_644, %add3A_645 : i32
      %get3A_647 = arith.constant 1 : i32
      %get3A_648 = arith.index_cast %get3A_647 : i32 to index
      %get3A_649 = arith.index_cast %add3A_646 : i32 to index
      %get3A_650 = arith.constant 0 : index
      %get3A_651 = tpu.vector_load %arg6[%get3A_648, %get3A_649, %get3A_650] {strides = array<i32>} : memref<2x1280x32xf32, #tpu.memory_space<vmem>>, vector<1x1x16xf32>,
      %get3A_652 = vector.shape_cast %get3A_651 : vector<1x1x16xf32> to vector<16xf32>
      %add3A_653 = arith.addf %add3A_635, %get3A_652 : vector<16xf32>
      %get3A_654 = arith.constant 1 : i32
      %get3A_655 = arith.index_cast %get3A_654 : i32 to index
      %get3A_656 = arith.index_cast %add3A_646 : i32 to index
      %get3A_657 = arith.constant 16 : index
      %get3A_658 = tpu.vector_load %arg6[%get3A_655, %get3A_656, %get3A_657] {strides = array<i32>} : memref<2x1280x32xf32, #tpu.memory_space<vmem>>, vector<1x1x16xf32>,
      %get3A_659 = vector.shape_cast %get3A_658 : vector<1x1x16xf32> to vector<16xf32>
      %add3A_660 = arith.addf %add3A_642, %get3A_659 : vector<16xf32>
      %mul3A_661 = vector.broadcast %scan3A_227 : f32 to vector<16xf32>
      %mul3A_662 = arith.mulf %add3A_653, %mul3A_661 : vector<16xf32>
      %swap3A = arith.index_cast %scan3A_298 : i32 to index
      %swap3A_663 = arith.constant 0 : index
      %swap3A_664 = tpu.vector_load %arg7[%swap3A, %swap3A_663] {strides = array<i32>} : memref<64x32xf32, #tpu.memory_space<vmem>>, vector<1x16xf32>,
      %swap3A_665 = vector.shape_cast %swap3A_664 : vector<1x16xf32> to vector<16xf32>
      %swap3A_666 = vector.shape_cast %mul3A_662 : vector<16xf32> to vector<1x16xf32>
      tpu.vector_store %arg7[%swap3A, %swap3A_663], %swap3A_666 {strides = array<i32>} : memref<64x32xf32, #tpu.memory_space<vmem>>, vector<1x16xf32>,
      %mul3A_667 = vector.broadcast %scan3A_227 : f32 to vector<16xf32>
      %mul3A_668 = arith.mulf %add3A_660, %mul3A_667 : vector<16xf32>
      %swap3A_669 = arith.index_cast %scan3A_298 : i32 to index
      %swap3A_670 = arith.constant 16 : index
      %swap3A_671 = tpu.vector_load %arg7[%swap3A_669, %swap3A_670] {strides = array<i32>} : memref<64x32xf32, #tpu.memory_space<vmem>>, vector<1x16xf32>,
      %swap3A_672 = vector.shape_cast %swap3A_671 : vector<1x16xf32> to vector<16xf32>
      %swap3A_673 = vector.shape_cast %mul3A_668 : vector<16xf32> to vector<1x16xf32>
      tpu.vector_store %arg7[%swap3A_669, %swap3A_670], %swap3A_673 {strides = array<i32>} : memref<64x32xf32, #tpu.memory_space<vmem>>, vector<1x16xf32>,
    }
    %scan3A_232 = arith.constant 64 : i32
    %mul3A_233 = arith.constant 512 : i32
    %mul3A_234 = arith.muli %add3A, %mul3A_233 : i32
    %add3A_235 = arith.constant 320 : i32
    %add3A_236 = arith.addi %mul3A_234, %add3A_235 : i32
    "tpu.region"() ({
      %run_scoped3A = tpu.sem_alloc : memref<!tpu.dma_semaphore, #tpu.memory_space<semaphore_mem>>
      %dma_start3A_298 = arith.constant 0 : i32
      %dma_start3A_299 = tpu.memref_slice %arg4[%add3A_236, %dma_start3A_298] : memref<16384x32xf32, #tpu.memory_space<hbm>> -> memref<64x32xf32, #tpu.memory_space<hbm>>
      %dma_start3A_300 = arith.constant 0 : i32
      %dma_start3A_301 = tpu.memref_slice %arg4[%add3A_236, %dma_start3A_300] : memref<16384x32xf32, #tpu.memory_space<hbm>> -> memref<64x32xf32, #tpu.memory_space<hbm>>
      tpu.enqueue_dma source(%arg7 : memref<64x32xf32, #tpu.memory_space<vmem>>) target(%dma_start3A_301 : memref<64x32xf32, #tpu.memory_space<hbm>>) target_semaphore(%run_scoped3A : memref<!tpu.dma_semaphore, #tpu.memory_space<semaphore_mem>>)
      %dma_wait3A_302 = arith.constant 0 : i32
      %dma_wait3A_303 = tpu.memref_slice %arg4[%add3A_236, %dma_wait3A_302] : memref<16384x32xf32, #tpu.memory_space<hbm>> -> memref<64x32xf32, #tpu.memory_space<hbm>>
      %dma_wait3A_304 = arith.constant 0 : i32
      %dma_wait3A_305 = tpu.memref_slice %arg4[%add3A_236, %dma_wait3A_304] : memref<16384x32xf32, #tpu.memory_space<hbm>> -> memref<64x32xf32, #tpu.memory_space<hbm>>
      tpu.wait_dma2 semaphore(%run_scoped3A : memref<!tpu.dma_semaphore, #tpu.memory_space<semaphore_mem>>) src(%arg7 : memref<64x32xf32, #tpu.memory_space<vmem>>) dst(%dma_wait3A_305 : memref<64x32xf32, #tpu.memory_space<hbm>>)
      tpu.yield
    }) : () -> ()
    %dma_start3A_237 = arith.constant 1 : i32
    %dma_start3A_238 = arith.constant 1 : i32
    %dma_start3A_239 = arith.constant 0 : i32
    %dma_start3A_240 = arith.constant 0 : i32
    %dma_start3A_241 = tpu.memref_slice %arg6[%dma_start3A_237, %dma_start3A_239, %dma_start3A_240] : memref<2x1280x32xf32, #tpu.memory_space<vmem>> -> memref<1x1280x32xf32, #tpu.memory_space<vmem>>
    %dma_start3A_242 = tpu.memref_squeeze %dma_start3A_241 : memref<1x1280x32xf32, #tpu.memory_space<vmem>> -> memref<1280x32xf32, #tpu.memory_space<vmem>>
    %dma_start3A_243 = arith.constant 8960 : i32
    %dma_start3A_244 = tpu.memref_slice %arg5[%dma_start3A_243] : memref<10240xi32, #tpu.memory_space<vmem>> -> memref<1280xi32, #tpu.memory_space<vmem>>
    %dma_start3A_245 = arith.constant 0 : i32
    %dma_start3A_246 = arith.constant 0 : i32
    %dma_start3A_247 = tpu.memref_slice %arg3[%dma_start3A_245, %dma_start3A_246] : memref<1000000x32xf32, #tpu.memory_space<hbm>> -> memref<1000000x32xf32, #tpu.memory_space<hbm>>
    %dma_start3A_248 = tpu.memref_slice %arg8[%dma_start3A_238] : memref<2x!tpu.dma_semaphore, #tpu.memory_space<semaphore_mem>> -> memref<1x!tpu.dma_semaphore, #tpu.memory_space<semaphore_mem>>
    %dma_start3A_249 = tpu.memref_squeeze %dma_start3A_248 : memref<1x!tpu.dma_semaphore, #tpu.memory_space<semaphore_mem>> -> memref<!tpu.dma_semaphore, #tpu.memory_space<semaphore_mem>>
    tpu.enqueue_indirect_dma source(%dma_start3A_247 : memref<1000000x32xf32, #tpu.memory_space<hbm>>) target(%dma_start3A_242 : memref<1280x32xf32, #tpu.memory_space<vmem>>) offsets(%dma_start3A_244 : memref<1280xi32, #tpu.memory_space<vmem>>) semaphore(%dma_start3A_249 : memref<!tpu.dma_semaphore, #tpu.memory_space<semaphore_mem>>)
    %dma_wait3A_250 = arith.constant 0 : i32
    %dma_wait3A_251 = arith.constant 0 : i32
    %dma_wait3A_252 = arith.constant 0 : i32
    %dma_wait3A_253 = arith.constant 0 : i32
    %dma_wait3A_254 = tpu.memref_slice %arg6[%dma_wait3A_250, %dma_wait3A_252, %dma_wait3A_253] : memref<2x1280x32xf32, #tpu.memory_space<vmem>> -> memref<1x1280x32xf32, #tpu.memory_space<vmem>>
    %dma_wait3A_255 = tpu.memref_squeeze %dma_wait3A_254 : memref<1x1280x32xf32, #tpu.memory_space<vmem>> -> memref<1280x32xf32, #tpu.memory_space<vmem>>
    %dma_wait3A_256 = arith.constant 7680 : i32
    %dma_wait3A_257 = tpu.memref_slice %arg5[%dma_wait3A_256] : memref<10240xi32, #tpu.memory_space<vmem>> -> memref<1280xi32, #tpu.memory_space<vmem>>
    %dma_wait3A_258 = arith.constant 0 : i32
    %dma_wait3A_259 = arith.constant 0 : i32
    %dma_wait3A_260 = tpu.memref_slice %arg3[%dma_wait3A_258, %dma_wait3A_259] : memref<1000000x32xf32, #tpu.memory_space<hbm>> -> memref<1000000x32xf32, #tpu.memory_space<hbm>>
    %dma_wait3A_261 = tpu.memref_slice %arg8[%dma_wait3A_251] : memref<2x!tpu.dma_semaphore, #tpu.memory_space<semaphore_mem>> -> memref<1x!tpu.dma_semaphore, #tpu.memory_space<semaphore_mem>>
    %dma_wait3A_262 = tpu.memref_squeeze %dma_wait3A_261 : memref<1x!tpu.dma_semaphore, #tpu.memory_space<semaphore_mem>> -> memref<!tpu.dma_semaphore, #tpu.memory_space<semaphore_mem>>
    tpu.wait_indirect_dma semaphore(%dma_wait3A_262 : memref<!tpu.dma_semaphore, #tpu.memory_space<semaphore_mem>>) src(%dma_wait3A_260 : memref<1000000x32xf32, #tpu.memory_space<hbm>>) dst(%dma_wait3A_255 : memref<1280x32xf32, #tpu.memory_space<vmem>>)
    %scan3A_263 = arith.constant 0 : i32
    %scan3A_264 = arith.constant 5.000000e-02 : f32
    %scan3A_265 = arith.constant 0 : i32
    %scan3A_266 = arith.constant 64 : i32
    %scan3A_267 = arith.addi %scan3A_265, %scan3A_266 : i32
    %scan3A_268 = arith.constant 1 : i32
    scf.for %scan3A_298 = %scan3A_265 to %scan3A_267 step %scan3A_268  : i32 {
      %broadcast_in_dim3A = arith.constant 0.000000e+00 : f32
      %broadcast_in_dim3A_299 = vector.broadcast %broadcast_in_dim3A : f32 to vector<16xf32>
      %broadcast_in_dim3A_300 = arith.constant 0.000000e+00 : f32
      %broadcast_in_dim3A_301 = vector.broadcast %broadcast_in_dim3A_300 : f32 to vector<16xf32>
      %mul3A_302 = arith.constant 20 : i32
      %mul3A_303 = arith.muli %scan3A_298, %mul3A_302 : i32
      %add3A_304 = arith.constant 0 : i32
      %add3A_305 = arith.addi %mul3A_303, %add3A_304 : i32
      %get3A = arith.constant 0 : i32
      %get3A_306 = arith.index_cast %get3A : i32 to index
      %get3A_307 = arith.index_cast %add3A_305 : i32 to index
      %get3A_308 = arith.constant 0 : index
      %get3A_309 = tpu.vector_load %arg6[%get3A_306, %get3A_307, %get3A_308] {strides = array<i32>} : memref<2x1280x32xf32, #tpu.memory_space<vmem>>, vector<1x1x16xf32>,
      %get3A_310 = vector.shape_cast %get3A_309 : vector<1x1x16xf32> to vector<16xf32>
      %add3A_311 = arith.addf %broadcast_in_dim3A_299, %get3A_310 : vector<16xf32>
      %get3A_312 = arith.constant 0 : i32
      %get3A_313 = arith.index_cast %get3A_312 : i32 to index
      %get3A_314 = arith.index_cast %add3A_305 : i32 to index
      %get3A_315 = arith.constant 16 : index
      %get3A_316 = tpu.vector_load %arg6[%get3A_313, %get3A_314, %get3A_315] {strides = array<i32>} : memref<2x1280x32xf32, #tpu.memory_space<vmem>>, vector<1x1x16xf32>,
      %get3A_317 = vector.shape_cast %get3A_316 : vector<1x1x16xf32> to vector<16xf32>
      %add3A_318 = arith.addf %broadcast_in_dim3A_301, %get3A_317 : vector<16xf32>
      %mul3A_319 = arith.constant 20 : i32
      %mul3A_320 = arith.muli %scan3A_298, %mul3A_319 : i32
      %add3A_321 = arith.constant 1 : i32
      %add3A_322 = arith.addi %mul3A_320, %add3A_321 : i32
      %get3A_323 = arith.constant 0 : i32
      %get3A_324 = arith.index_cast %get3A_323 : i32 to index
      %get3A_325 = arith.index_cast %add3A_322 : i32 to index
      %get3A_326 = arith.constant 0 : index
      %get3A_327 = tpu.vector_load %arg6[%get3A_324, %get3A_325, %get3A_326] {strides = array<i32>} : memref<2x1280x32xf32, #tpu.memory_space<vmem>>, vector<1x1x16xf32>,
      %get3A_328 = vector.shape_cast %get3A_327 : vector<1x1x16xf32> to vector<16xf32>
      %add3A_329 = arith.addf %add3A_311, %get3A_328 : vector<16xf32>
      %get3A_330 = arith.constant 0 : i32
      %get3A_331 = arith.index_cast %get3A_330 : i32 to index
      %get3A_332 = arith.index_cast %add3A_322 : i32 to index
      %get3A_333 = arith.constant 16 : index
      %get3A_334 = tpu.vector_load %arg6[%get3A_331, %get3A_332, %get3A_333] {strides = array<i32>} : memref<2x1280x32xf32, #tpu.memory_space<vmem>>, vector<1x1x16xf32>,
      %get3A_335 = vector.shape_cast %get3A_334 : vector<1x1x16xf32> to vector<16xf32>
      %add3A_336 = arith.addf %add3A_318, %get3A_335 : vector<16xf32>
      %mul3A_337 = arith.constant 20 : i32
      %mul3A_338 = arith.muli %scan3A_298, %mul3A_337 : i32
      %add3A_339 = arith.constant 2 : i32
      %add3A_340 = arith.addi %mul3A_338, %add3A_339 : i32
      %get3A_341 = arith.constant 0 : i32
      %get3A_342 = arith.index_cast %get3A_341 : i32 to index
      %get3A_343 = arith.index_cast %add3A_340 : i32 to index
      %get3A_344 = arith.constant 0 : index
      %get3A_345 = tpu.vector_load %arg6[%get3A_342, %get3A_343, %get3A_344] {strides = array<i32>} : memref<2x1280x32xf32, #tpu.memory_space<vmem>>, vector<1x1x16xf32>,
      %get3A_346 = vector.shape_cast %get3A_345 : vector<1x1x16xf32> to vector<16xf32>
      %add3A_347 = arith.addf %add3A_329, %get3A_346 : vector<16xf32>
      %get3A_348 = arith.constant 0 : i32
      %get3A_349 = arith.index_cast %get3A_348 : i32 to index
      %get3A_350 = arith.index_cast %add3A_340 : i32 to index
      %get3A_351 = arith.constant 16 : index
      %get3A_352 = tpu.vector_load %arg6[%get3A_349, %get3A_350, %get3A_351] {strides = array<i32>} : memref<2x1280x32xf32, #tpu.memory_space<vmem>>, vector<1x1x16xf32>,
      %get3A_353 = vector.shape_cast %get3A_352 : vector<1x1x16xf32> to vector<16xf32>
      %add3A_354 = arith.addf %add3A_336, %get3A_353 : vector<16xf32>
      %mul3A_355 = arith.constant 20 : i32
      %mul3A_356 = arith.muli %scan3A_298, %mul3A_355 : i32
      %add3A_357 = arith.constant 3 : i32
      %add3A_358 = arith.addi %mul3A_356, %add3A_357 : i32
      %get3A_359 = arith.constant 0 : i32
      %get3A_360 = arith.index_cast %get3A_359 : i32 to index
      %get3A_361 = arith.index_cast %add3A_358 : i32 to index
      %get3A_362 = arith.constant 0 : index
      %get3A_363 = tpu.vector_load %arg6[%get3A_360, %get3A_361, %get3A_362] {strides = array<i32>} : memref<2x1280x32xf32, #tpu.memory_space<vmem>>, vector<1x1x16xf32>,
      %get3A_364 = vector.shape_cast %get3A_363 : vector<1x1x16xf32> to vector<16xf32>
      %add3A_365 = arith.addf %add3A_347, %get3A_364 : vector<16xf32>
      %get3A_366 = arith.constant 0 : i32
      %get3A_367 = arith.index_cast %get3A_366 : i32 to index
      %get3A_368 = arith.index_cast %add3A_358 : i32 to index
      %get3A_369 = arith.constant 16 : index
      %get3A_370 = tpu.vector_load %arg6[%get3A_367, %get3A_368, %get3A_369] {strides = array<i32>} : memref<2x1280x32xf32, #tpu.memory_space<vmem>>, vector<1x1x16xf32>,
      %get3A_371 = vector.shape_cast %get3A_370 : vector<1x1x16xf32> to vector<16xf32>
      %add3A_372 = arith.addf %add3A_354, %get3A_371 : vector<16xf32>
      %mul3A_373 = arith.constant 20 : i32
      %mul3A_374 = arith.muli %scan3A_298, %mul3A_373 : i32
      %add3A_375 = arith.constant 4 : i32
      %add3A_376 = arith.addi %mul3A_374, %add3A_375 : i32
      %get3A_377 = arith.constant 0 : i32
      %get3A_378 = arith.index_cast %get3A_377 : i32 to index
      %get3A_379 = arith.index_cast %add3A_376 : i32 to index
      %get3A_380 = arith.constant 0 : index
      %get3A_381 = tpu.vector_load %arg6[%get3A_378, %get3A_379, %get3A_380] {strides = array<i32>} : memref<2x1280x32xf32, #tpu.memory_space<vmem>>, vector<1x1x16xf32>,
      %get3A_382 = vector.shape_cast %get3A_381 : vector<1x1x16xf32> to vector<16xf32>
      %add3A_383 = arith.addf %add3A_365, %get3A_382 : vector<16xf32>
      %get3A_384 = arith.constant 0 : i32
      %get3A_385 = arith.index_cast %get3A_384 : i32 to index
      %get3A_386 = arith.index_cast %add3A_376 : i32 to index
      %get3A_387 = arith.constant 16 : index
      %get3A_388 = tpu.vector_load %arg6[%get3A_385, %get3A_386, %get3A_387] {strides = array<i32>} : memref<2x1280x32xf32, #tpu.memory_space<vmem>>, vector<1x1x16xf32>,
      %get3A_389 = vector.shape_cast %get3A_388 : vector<1x1x16xf32> to vector<16xf32>
      %add3A_390 = arith.addf %add3A_372, %get3A_389 : vector<16xf32>
      %mul3A_391 = arith.constant 20 : i32
      %mul3A_392 = arith.muli %scan3A_298, %mul3A_391 : i32
      %add3A_393 = arith.constant 5 : i32
      %add3A_394 = arith.addi %mul3A_392, %add3A_393 : i32
      %get3A_395 = arith.constant 0 : i32
      %get3A_396 = arith.index_cast %get3A_395 : i32 to index
      %get3A_397 = arith.index_cast %add3A_394 : i32 to index
      %get3A_398 = arith.constant 0 : index
      %get3A_399 = tpu.vector_load %arg6[%get3A_396, %get3A_397, %get3A_398] {strides = array<i32>} : memref<2x1280x32xf32, #tpu.memory_space<vmem>>, vector<1x1x16xf32>,
      %get3A_400 = vector.shape_cast %get3A_399 : vector<1x1x16xf32> to vector<16xf32>
      %add3A_401 = arith.addf %add3A_383, %get3A_400 : vector<16xf32>
      %get3A_402 = arith.constant 0 : i32
      %get3A_403 = arith.index_cast %get3A_402 : i32 to index
      %get3A_404 = arith.index_cast %add3A_394 : i32 to index
      %get3A_405 = arith.constant 16 : index
      %get3A_406 = tpu.vector_load %arg6[%get3A_403, %get3A_404, %get3A_405] {strides = array<i32>} : memref<2x1280x32xf32, #tpu.memory_space<vmem>>, vector<1x1x16xf32>,
      %get3A_407 = vector.shape_cast %get3A_406 : vector<1x1x16xf32> to vector<16xf32>
      %add3A_408 = arith.addf %add3A_390, %get3A_407 : vector<16xf32>
      %mul3A_409 = arith.constant 20 : i32
      %mul3A_410 = arith.muli %scan3A_298, %mul3A_409 : i32
      %add3A_411 = arith.constant 6 : i32
      %add3A_412 = arith.addi %mul3A_410, %add3A_411 : i32
      %get3A_413 = arith.constant 0 : i32
      %get3A_414 = arith.index_cast %get3A_413 : i32 to index
      %get3A_415 = arith.index_cast %add3A_412 : i32 to index
      %get3A_416 = arith.constant 0 : index
      %get3A_417 = tpu.vector_load %arg6[%get3A_414, %get3A_415, %get3A_416] {strides = array<i32>} : memref<2x1280x32xf32, #tpu.memory_space<vmem>>, vector<1x1x16xf32>,
      %get3A_418 = vector.shape_cast %get3A_417 : vector<1x1x16xf32> to vector<16xf32>
      %add3A_419 = arith.addf %add3A_401, %get3A_418 : vector<16xf32>
      %get3A_420 = arith.constant 0 : i32
      %get3A_421 = arith.index_cast %get3A_420 : i32 to index
      %get3A_422 = arith.index_cast %add3A_412 : i32 to index
      %get3A_423 = arith.constant 16 : index
      %get3A_424 = tpu.vector_load %arg6[%get3A_421, %get3A_422, %get3A_423] {strides = array<i32>} : memref<2x1280x32xf32, #tpu.memory_space<vmem>>, vector<1x1x16xf32>,
      %get3A_425 = vector.shape_cast %get3A_424 : vector<1x1x16xf32> to vector<16xf32>
      %add3A_426 = arith.addf %add3A_408, %get3A_425 : vector<16xf32>
      %mul3A_427 = arith.constant 20 : i32
      %mul3A_428 = arith.muli %scan3A_298, %mul3A_427 : i32
      %add3A_429 = arith.constant 7 : i32
      %add3A_430 = arith.addi %mul3A_428, %add3A_429 : i32
      %get3A_431 = arith.constant 0 : i32
      %get3A_432 = arith.index_cast %get3A_431 : i32 to index
      %get3A_433 = arith.index_cast %add3A_430 : i32 to index
      %get3A_434 = arith.constant 0 : index
      %get3A_435 = tpu.vector_load %arg6[%get3A_432, %get3A_433, %get3A_434] {strides = array<i32>} : memref<2x1280x32xf32, #tpu.memory_space<vmem>>, vector<1x1x16xf32>,
      %get3A_436 = vector.shape_cast %get3A_435 : vector<1x1x16xf32> to vector<16xf32>
      %add3A_437 = arith.addf %add3A_419, %get3A_436 : vector<16xf32>
      %get3A_438 = arith.constant 0 : i32
      %get3A_439 = arith.index_cast %get3A_438 : i32 to index
      %get3A_440 = arith.index_cast %add3A_430 : i32 to index
      %get3A_441 = arith.constant 16 : index
      %get3A_442 = tpu.vector_load %arg6[%get3A_439, %get3A_440, %get3A_441] {strides = array<i32>} : memref<2x1280x32xf32, #tpu.memory_space<vmem>>, vector<1x1x16xf32>,
      %get3A_443 = vector.shape_cast %get3A_442 : vector<1x1x16xf32> to vector<16xf32>
      %add3A_444 = arith.addf %add3A_426, %get3A_443 : vector<16xf32>
      %mul3A_445 = arith.constant 20 : i32
      %mul3A_446 = arith.muli %scan3A_298, %mul3A_445 : i32
      %add3A_447 = arith.constant 8 : i32
      %add3A_448 = arith.addi %mul3A_446, %add3A_447 : i32
      %get3A_449 = arith.constant 0 : i32
      %get3A_450 = arith.index_cast %get3A_449 : i32 to index
      %get3A_451 = arith.index_cast %add3A_448 : i32 to index
      %get3A_452 = arith.constant 0 : index
      %get3A_453 = tpu.vector_load %arg6[%get3A_450, %get3A_451, %get3A_452] {strides = array<i32>} : memref<2x1280x32xf32, #tpu.memory_space<vmem>>, vector<1x1x16xf32>,
      %get3A_454 = vector.shape_cast %get3A_453 : vector<1x1x16xf32> to vector<16xf32>
      %add3A_455 = arith.addf %add3A_437, %get3A_454 : vector<16xf32>
      %get3A_456 = arith.constant 0 : i32
      %get3A_457 = arith.index_cast %get3A_456 : i32 to index
      %get3A_458 = arith.index_cast %add3A_448 : i32 to index
      %get3A_459 = arith.constant 16 : index
      %get3A_460 = tpu.vector_load %arg6[%get3A_457, %get3A_458, %get3A_459] {strides = array<i32>} : memref<2x1280x32xf32, #tpu.memory_space<vmem>>, vector<1x1x16xf32>,
      %get3A_461 = vector.shape_cast %get3A_460 : vector<1x1x16xf32> to vector<16xf32>
      %add3A_462 = arith.addf %add3A_444, %get3A_461 : vector<16xf32>
      %mul3A_463 = arith.constant 20 : i32
      %mul3A_464 = arith.muli %scan3A_298, %mul3A_463 : i32
      %add3A_465 = arith.constant 9 : i32
      %add3A_466 = arith.addi %mul3A_464, %add3A_465 : i32
      %get3A_467 = arith.constant 0 : i32
      %get3A_468 = arith.index_cast %get3A_467 : i32 to index
      %get3A_469 = arith.index_cast %add3A_466 : i32 to index
      %get3A_470 = arith.constant 0 : index
      %get3A_471 = tpu.vector_load %arg6[%get3A_468, %get3A_469, %get3A_470] {strides = array<i32>} : memref<2x1280x32xf32, #tpu.memory_space<vmem>>, vector<1x1x16xf32>,
      %get3A_472 = vector.shape_cast %get3A_471 : vector<1x1x16xf32> to vector<16xf32>
      %add3A_473 = arith.addf %add3A_455, %get3A_472 : vector<16xf32>
      %get3A_474 = arith.constant 0 : i32
      %get3A_475 = arith.index_cast %get3A_474 : i32 to index
      %get3A_476 = arith.index_cast %add3A_466 : i32 to index
      %get3A_477 = arith.constant 16 : index
      %get3A_478 = tpu.vector_load %arg6[%get3A_475, %get3A_476, %get3A_477] {strides = array<i32>} : memref<2x1280x32xf32, #tpu.memory_space<vmem>>, vector<1x1x16xf32>,
      %get3A_479 = vector.shape_cast %get3A_478 : vector<1x1x16xf32> to vector<16xf32>
      %add3A_480 = arith.addf %add3A_462, %get3A_479 : vector<16xf32>
      %mul3A_481 = arith.constant 20 : i32
      %mul3A_482 = arith.muli %scan3A_298, %mul3A_481 : i32
      %add3A_483 = arith.constant 10 : i32
      %add3A_484 = arith.addi %mul3A_482, %add3A_483 : i32
      %get3A_485 = arith.constant 0 : i32
      %get3A_486 = arith.index_cast %get3A_485 : i32 to index
      %get3A_487 = arith.index_cast %add3A_484 : i32 to index
      %get3A_488 = arith.constant 0 : index
      %get3A_489 = tpu.vector_load %arg6[%get3A_486, %get3A_487, %get3A_488] {strides = array<i32>} : memref<2x1280x32xf32, #tpu.memory_space<vmem>>, vector<1x1x16xf32>,
      %get3A_490 = vector.shape_cast %get3A_489 : vector<1x1x16xf32> to vector<16xf32>
      %add3A_491 = arith.addf %add3A_473, %get3A_490 : vector<16xf32>
      %get3A_492 = arith.constant 0 : i32
      %get3A_493 = arith.index_cast %get3A_492 : i32 to index
      %get3A_494 = arith.index_cast %add3A_484 : i32 to index
      %get3A_495 = arith.constant 16 : index
      %get3A_496 = tpu.vector_load %arg6[%get3A_493, %get3A_494, %get3A_495] {strides = array<i32>} : memref<2x1280x32xf32, #tpu.memory_space<vmem>>, vector<1x1x16xf32>,
      %get3A_497 = vector.shape_cast %get3A_496 : vector<1x1x16xf32> to vector<16xf32>
      %add3A_498 = arith.addf %add3A_480, %get3A_497 : vector<16xf32>
      %mul3A_499 = arith.constant 20 : i32
      %mul3A_500 = arith.muli %scan3A_298, %mul3A_499 : i32
      %add3A_501 = arith.constant 11 : i32
      %add3A_502 = arith.addi %mul3A_500, %add3A_501 : i32
      %get3A_503 = arith.constant 0 : i32
      %get3A_504 = arith.index_cast %get3A_503 : i32 to index
      %get3A_505 = arith.index_cast %add3A_502 : i32 to index
      %get3A_506 = arith.constant 0 : index
      %get3A_507 = tpu.vector_load %arg6[%get3A_504, %get3A_505, %get3A_506] {strides = array<i32>} : memref<2x1280x32xf32, #tpu.memory_space<vmem>>, vector<1x1x16xf32>,
      %get3A_508 = vector.shape_cast %get3A_507 : vector<1x1x16xf32> to vector<16xf32>
      %add3A_509 = arith.addf %add3A_491, %get3A_508 : vector<16xf32>
      %get3A_510 = arith.constant 0 : i32
      %get3A_511 = arith.index_cast %get3A_510 : i32 to index
      %get3A_512 = arith.index_cast %add3A_502 : i32 to index
      %get3A_513 = arith.constant 16 : index
      %get3A_514 = tpu.vector_load %arg6[%get3A_511, %get3A_512, %get3A_513] {strides = array<i32>} : memref<2x1280x32xf32, #tpu.memory_space<vmem>>, vector<1x1x16xf32>,
      %get3A_515 = vector.shape_cast %get3A_514 : vector<1x1x16xf32> to vector<16xf32>
      %add3A_516 = arith.addf %add3A_498, %get3A_515 : vector<16xf32>
      %mul3A_517 = arith.constant 20 : i32
      %mul3A_518 = arith.muli %scan3A_298, %mul3A_517 : i32
      %add3A_519 = arith.constant 12 : i32
      %add3A_520 = arith.addi %mul3A_518, %add3A_519 : i32
      %get3A_521 = arith.constant 0 : i32
      %get3A_522 = arith.index_cast %get3A_521 : i32 to index
      %get3A_523 = arith.index_cast %add3A_520 : i32 to index
      %get3A_524 = arith.constant 0 : index
      %get3A_525 = tpu.vector_load %arg6[%get3A_522, %get3A_523, %get3A_524] {strides = array<i32>} : memref<2x1280x32xf32, #tpu.memory_space<vmem>>, vector<1x1x16xf32>,
      %get3A_526 = vector.shape_cast %get3A_525 : vector<1x1x16xf32> to vector<16xf32>
      %add3A_527 = arith.addf %add3A_509, %get3A_526 : vector<16xf32>
      %get3A_528 = arith.constant 0 : i32
      %get3A_529 = arith.index_cast %get3A_528 : i32 to index
      %get3A_530 = arith.index_cast %add3A_520 : i32 to index
      %get3A_531 = arith.constant 16 : index
      %get3A_532 = tpu.vector_load %arg6[%get3A_529, %get3A_530, %get3A_531] {strides = array<i32>} : memref<2x1280x32xf32, #tpu.memory_space<vmem>>, vector<1x1x16xf32>,
      %get3A_533 = vector.shape_cast %get3A_532 : vector<1x1x16xf32> to vector<16xf32>
      %add3A_534 = arith.addf %add3A_516, %get3A_533 : vector<16xf32>
      %mul3A_535 = arith.constant 20 : i32
      %mul3A_536 = arith.muli %scan3A_298, %mul3A_535 : i32
      %add3A_537 = arith.constant 13 : i32
      %add3A_538 = arith.addi %mul3A_536, %add3A_537 : i32
      %get3A_539 = arith.constant 0 : i32
      %get3A_540 = arith.index_cast %get3A_539 : i32 to index
      %get3A_541 = arith.index_cast %add3A_538 : i32 to index
      %get3A_542 = arith.constant 0 : index
      %get3A_543 = tpu.vector_load %arg6[%get3A_540, %get3A_541, %get3A_542] {strides = array<i32>} : memref<2x1280x32xf32, #tpu.memory_space<vmem>>, vector<1x1x16xf32>,
      %get3A_544 = vector.shape_cast %get3A_543 : vector<1x1x16xf32> to vector<16xf32>
      %add3A_545 = arith.addf %add3A_527, %get3A_544 : vector<16xf32>
      %get3A_546 = arith.constant 0 : i32
      %get3A_547 = arith.index_cast %get3A_546 : i32 to index
      %get3A_548 = arith.index_cast %add3A_538 : i32 to index
      %get3A_549 = arith.constant 16 : index
      %get3A_550 = tpu.vector_load %arg6[%get3A_547, %get3A_548, %get3A_549] {strides = array<i32>} : memref<2x1280x32xf32, #tpu.memory_space<vmem>>, vector<1x1x16xf32>,
      %get3A_551 = vector.shape_cast %get3A_550 : vector<1x1x16xf32> to vector<16xf32>
      %add3A_552 = arith.addf %add3A_534, %get3A_551 : vector<16xf32>
      %mul3A_553 = arith.constant 20 : i32
      %mul3A_554 = arith.muli %scan3A_298, %mul3A_553 : i32
      %add3A_555 = arith.constant 14 : i32
      %add3A_556 = arith.addi %mul3A_554, %add3A_555 : i32
      %get3A_557 = arith.constant 0 : i32
      %get3A_558 = arith.index_cast %get3A_557 : i32 to index
      %get3A_559 = arith.index_cast %add3A_556 : i32 to index
      %get3A_560 = arith.constant 0 : index
      %get3A_561 = tpu.vector_load %arg6[%get3A_558, %get3A_559, %get3A_560] {strides = array<i32>} : memref<2x1280x32xf32, #tpu.memory_space<vmem>>, vector<1x1x16xf32>,
      %get3A_562 = vector.shape_cast %get3A_561 : vector<1x1x16xf32> to vector<16xf32>
      %add3A_563 = arith.addf %add3A_545, %get3A_562 : vector<16xf32>
      %get3A_564 = arith.constant 0 : i32
      %get3A_565 = arith.index_cast %get3A_564 : i32 to index
      %get3A_566 = arith.index_cast %add3A_556 : i32 to index
      %get3A_567 = arith.constant 16 : index
      %get3A_568 = tpu.vector_load %arg6[%get3A_565, %get3A_566, %get3A_567] {strides = array<i32>} : memref<2x1280x32xf32, #tpu.memory_space<vmem>>, vector<1x1x16xf32>,
      %get3A_569 = vector.shape_cast %get3A_568 : vector<1x1x16xf32> to vector<16xf32>
      %add3A_570 = arith.addf %add3A_552, %get3A_569 : vector<16xf32>
      %mul3A_571 = arith.constant 20 : i32
      %mul3A_572 = arith.muli %scan3A_298, %mul3A_571 : i32
      %add3A_573 = arith.constant 15 : i32
      %add3A_574 = arith.addi %mul3A_572, %add3A_573 : i32
      %get3A_575 = arith.constant 0 : i32
      %get3A_576 = arith.index_cast %get3A_575 : i32 to index
      %get3A_577 = arith.index_cast %add3A_574 : i32 to index
      %get3A_578 = arith.constant 0 : index
      %get3A_579 = tpu.vector_load %arg6[%get3A_576, %get3A_577, %get3A_578] {strides = array<i32>} : memref<2x1280x32xf32, #tpu.memory_space<vmem>>, vector<1x1x16xf32>,
      %get3A_580 = vector.shape_cast %get3A_579 : vector<1x1x16xf32> to vector<16xf32>
      %add3A_581 = arith.addf %add3A_563, %get3A_580 : vector<16xf32>
      %get3A_582 = arith.constant 0 : i32
      %get3A_583 = arith.index_cast %get3A_582 : i32 to index
      %get3A_584 = arith.index_cast %add3A_574 : i32 to index
      %get3A_585 = arith.constant 16 : index
      %get3A_586 = tpu.vector_load %arg6[%get3A_583, %get3A_584, %get3A_585] {strides = array<i32>} : memref<2x1280x32xf32, #tpu.memory_space<vmem>>, vector<1x1x16xf32>,
      %get3A_587 = vector.shape_cast %get3A_586 : vector<1x1x16xf32> to vector<16xf32>
      %add3A_588 = arith.addf %add3A_570, %get3A_587 : vector<16xf32>
      %mul3A_589 = arith.constant 20 : i32
      %mul3A_590 = arith.muli %scan3A_298, %mul3A_589 : i32
      %add3A_591 = arith.constant 16 : i32
      %add3A_592 = arith.addi %mul3A_590, %add3A_591 : i32
      %get3A_593 = arith.constant 0 : i32
      %get3A_594 = arith.index_cast %get3A_593 : i32 to index
      %get3A_595 = arith.index_cast %add3A_592 : i32 to index
      %get3A_596 = arith.constant 0 : index
      %get3A_597 = tpu.vector_load %arg6[%get3A_594, %get3A_595, %get3A_596] {strides = array<i32>} : memref<2x1280x32xf32, #tpu.memory_space<vmem>>, vector<1x1x16xf32>,
      %get3A_598 = vector.shape_cast %get3A_597 : vector<1x1x16xf32> to vector<16xf32>
      %add3A_599 = arith.addf %add3A_581, %get3A_598 : vector<16xf32>
      %get3A_600 = arith.constant 0 : i32
      %get3A_601 = arith.index_cast %get3A_600 : i32 to index
      %get3A_602 = arith.index_cast %add3A_592 : i32 to index
      %get3A_603 = arith.constant 16 : index
      %get3A_604 = tpu.vector_load %arg6[%get3A_601, %get3A_602, %get3A_603] {strides = array<i32>} : memref<2x1280x32xf32, #tpu.memory_space<vmem>>, vector<1x1x16xf32>,
      %get3A_605 = vector.shape_cast %get3A_604 : vector<1x1x16xf32> to vector<16xf32>
      %add3A_606 = arith.addf %add3A_588, %get3A_605 : vector<16xf32>
      %mul3A_607 = arith.constant 20 : i32
      %mul3A_608 = arith.muli %scan3A_298, %mul3A_607 : i32
      %add3A_609 = arith.constant 17 : i32
      %add3A_610 = arith.addi %mul3A_608, %add3A_609 : i32
      %get3A_611 = arith.constant 0 : i32
      %get3A_612 = arith.index_cast %get3A_611 : i32 to index
      %get3A_613 = arith.index_cast %add3A_610 : i32 to index
      %get3A_614 = arith.constant 0 : index
      %get3A_615 = tpu.vector_load %arg6[%get3A_612, %get3A_613, %get3A_614] {strides = array<i32>} : memref<2x1280x32xf32, #tpu.memory_space<vmem>>, vector<1x1x16xf32>,
      %get3A_616 = vector.shape_cast %get3A_615 : vector<1x1x16xf32> to vector<16xf32>
      %add3A_617 = arith.addf %add3A_599, %get3A_616 : vector<16xf32>
      %get3A_618 = arith.constant 0 : i32
      %get3A_619 = arith.index_cast %get3A_618 : i32 to index
      %get3A_620 = arith.index_cast %add3A_610 : i32 to index
      %get3A_621 = arith.constant 16 : index
      %get3A_622 = tpu.vector_load %arg6[%get3A_619, %get3A_620, %get3A_621] {strides = array<i32>} : memref<2x1280x32xf32, #tpu.memory_space<vmem>>, vector<1x1x16xf32>,
      %get3A_623 = vector.shape_cast %get3A_622 : vector<1x1x16xf32> to vector<16xf32>
      %add3A_624 = arith.addf %add3A_606, %get3A_623 : vector<16xf32>
      %mul3A_625 = arith.constant 20 : i32
      %mul3A_626 = arith.muli %scan3A_298, %mul3A_625 : i32
      %add3A_627 = arith.constant 18 : i32
      %add3A_628 = arith.addi %mul3A_626, %add3A_627 : i32
      %get3A_629 = arith.constant 0 : i32
      %get3A_630 = arith.index_cast %get3A_629 : i32 to index
      %get3A_631 = arith.index_cast %add3A_628 : i32 to index
      %get3A_632 = arith.constant 0 : index
      %get3A_633 = tpu.vector_load %arg6[%get3A_630, %get3A_631, %get3A_632] {strides = array<i32>} : memref<2x1280x32xf32, #tpu.memory_space<vmem>>, vector<1x1x16xf32>,
      %get3A_634 = vector.shape_cast %get3A_633 : vector<1x1x16xf32> to vector<16xf32>
      %add3A_635 = arith.addf %add3A_617, %get3A_634 : vector<16xf32>
      %get3A_636 = arith.constant 0 : i32
      %get3A_637 = arith.index_cast %get3A_636 : i32 to index
      %get3A_638 = arith.index_cast %add3A_628 : i32 to index
      %get3A_639 = arith.constant 16 : index
      %get3A_640 = tpu.vector_load %arg6[%get3A_637, %get3A_638, %get3A_639] {strides = array<i32>} : memref<2x1280x32xf32, #tpu.memory_space<vmem>>, vector<1x1x16xf32>,
      %get3A_641 = vector.shape_cast %get3A_640 : vector<1x1x16xf32> to vector<16xf32>
      %add3A_642 = arith.addf %add3A_624, %get3A_641 : vector<16xf32>
      %mul3A_643 = arith.constant 20 : i32
      %mul3A_644 = arith.muli %scan3A_298, %mul3A_643 : i32
      %add3A_645 = arith.constant 19 : i32
      %add3A_646 = arith.addi %mul3A_644, %add3A_645 : i32
      %get3A_647 = arith.constant 0 : i32
      %get3A_648 = arith.index_cast %get3A_647 : i32 to index
      %get3A_649 = arith.index_cast %add3A_646 : i32 to index
      %get3A_650 = arith.constant 0 : index
      %get3A_651 = tpu.vector_load %arg6[%get3A_648, %get3A_649, %get3A_650] {strides = array<i32>} : memref<2x1280x32xf32, #tpu.memory_space<vmem>>, vector<1x1x16xf32>,
      %get3A_652 = vector.shape_cast %get3A_651 : vector<1x1x16xf32> to vector<16xf32>
      %add3A_653 = arith.addf %add3A_635, %get3A_652 : vector<16xf32>
      %get3A_654 = arith.constant 0 : i32
      %get3A_655 = arith.index_cast %get3A_654 : i32 to index
      %get3A_656 = arith.index_cast %add3A_646 : i32 to index
      %get3A_657 = arith.constant 16 : index
      %get3A_658 = tpu.vector_load %arg6[%get3A_655, %get3A_656, %get3A_657] {strides = array<i32>} : memref<2x1280x32xf32, #tpu.memory_space<vmem>>, vector<1x1x16xf32>,
      %get3A_659 = vector.shape_cast %get3A_658 : vector<1x1x16xf32> to vector<16xf32>
      %add3A_660 = arith.addf %add3A_642, %get3A_659 : vector<16xf32>
      %mul3A_661 = vector.broadcast %scan3A_264 : f32 to vector<16xf32>
      %mul3A_662 = arith.mulf %add3A_653, %mul3A_661 : vector<16xf32>
      %swap3A = arith.index_cast %scan3A_298 : i32 to index
      %swap3A_663 = arith.constant 0 : index
      %swap3A_664 = tpu.vector_load %arg7[%swap3A, %swap3A_663] {strides = array<i32>} : memref<64x32xf32, #tpu.memory_space<vmem>>, vector<1x16xf32>,
      %swap3A_665 = vector.shape_cast %swap3A_664 : vector<1x16xf32> to vector<16xf32>
      %swap3A_666 = vector.shape_cast %mul3A_662 : vector<16xf32> to vector<1x16xf32>
      tpu.vector_store %arg7[%swap3A, %swap3A_663], %swap3A_666 {strides = array<i32>} : memref<64x32xf32, #tpu.memory_space<vmem>>, vector<1x16xf32>,
      %mul3A_667 = vector.broadcast %scan3A_264 : f32 to vector<16xf32>
      %mul3A_668 = arith.mulf %add3A_660, %mul3A_667 : vector<16xf32>
      %swap3A_669 = arith.index_cast %scan3A_298 : i32 to index
      %swap3A_670 = arith.constant 16 : index
      %swap3A_671 = tpu.vector_load %arg7[%swap3A_669, %swap3A_670] {strides = array<i32>} : memref<64x32xf32, #tpu.memory_space<vmem>>, vector<1x16xf32>,
      %swap3A_672 = vector.shape_cast %swap3A_671 : vector<1x16xf32> to vector<16xf32>
      %swap3A_673 = vector.shape_cast %mul3A_668 : vector<16xf32> to vector<1x16xf32>
      tpu.vector_store %arg7[%swap3A_669, %swap3A_670], %swap3A_673 {strides = array<i32>} : memref<64x32xf32, #tpu.memory_space<vmem>>, vector<1x16xf32>,
    }
    %scan3A_269 = arith.constant 64 : i32
    %mul3A_270 = arith.constant 512 : i32
    %mul3A_271 = arith.muli %add3A, %mul3A_270 : i32
    %add3A_272 = arith.constant 384 : i32
    %add3A_273 = arith.addi %mul3A_271, %add3A_272 : i32
    "tpu.region"() ({
      %run_scoped3A = tpu.sem_alloc : memref<!tpu.dma_semaphore, #tpu.memory_space<semaphore_mem>>
      %dma_start3A_298 = arith.constant 0 : i32
      %dma_start3A_299 = tpu.memref_slice %arg4[%add3A_273, %dma_start3A_298] : memref<16384x32xf32, #tpu.memory_space<hbm>> -> memref<64x32xf32, #tpu.memory_space<hbm>>
      %dma_start3A_300 = arith.constant 0 : i32
      %dma_start3A_301 = tpu.memref_slice %arg4[%add3A_273, %dma_start3A_300] : memref<16384x32xf32, #tpu.memory_space<hbm>> -> memref<64x32xf32, #tpu.memory_space<hbm>>
      tpu.enqueue_dma source(%arg7 : memref<64x32xf32, #tpu.memory_space<vmem>>) target(%dma_start3A_301 : memref<64x32xf32, #tpu.memory_space<hbm>>) target_semaphore(%run_scoped3A : memref<!tpu.dma_semaphore, #tpu.memory_space<semaphore_mem>>)
      %dma_wait3A_302 = arith.constant 0 : i32
      %dma_wait3A_303 = tpu.memref_slice %arg4[%add3A_273, %dma_wait3A_302] : memref<16384x32xf32, #tpu.memory_space<hbm>> -> memref<64x32xf32, #tpu.memory_space<hbm>>
      %dma_wait3A_304 = arith.constant 0 : i32
      %dma_wait3A_305 = tpu.memref_slice %arg4[%add3A_273, %dma_wait3A_304] : memref<16384x32xf32, #tpu.memory_space<hbm>> -> memref<64x32xf32, #tpu.memory_space<hbm>>
      tpu.wait_dma2 semaphore(%run_scoped3A : memref<!tpu.dma_semaphore, #tpu.memory_space<semaphore_mem>>) src(%arg7 : memref<64x32xf32, #tpu.memory_space<vmem>>) dst(%dma_wait3A_305 : memref<64x32xf32, #tpu.memory_space<hbm>>)
      tpu.yield
    }) : () -> ()
    %dma_wait3A_274 = arith.constant 1 : i32
    %dma_wait3A_275 = arith.constant 1 : i32
    %dma_wait3A_276 = arith.constant 0 : i32
    %dma_wait3A_277 = arith.constant 0 : i32
    %dma_wait3A_278 = tpu.memref_slice %arg6[%dma_wait3A_274, %dma_wait3A_276, %dma_wait3A_277] : memref<2x1280x32xf32, #tpu.memory_space<vmem>> -> memref<1x1280x32xf32, #tpu.memory_space<vmem>>
    %dma_wait3A_279 = tpu.memref_squeeze %dma_wait3A_278 : memref<1x1280x32xf32, #tpu.memory_space<vmem>> -> memref<1280x32xf32, #tpu.memory_space<vmem>>
    %dma_wait3A_280 = arith.constant 8960 : i32
    %dma_wait3A_281 = tpu.memref_slice %arg5[%dma_wait3A_280] : memref<10240xi32, #tpu.memory_space<vmem>> -> memref<1280xi32, #tpu.memory_space<vmem>>
    %dma_wait3A_282 = arith.constant 0 : i32
    %dma_wait3A_283 = arith.constant 0 : i32
    %dma_wait3A_284 = tpu.memref_slice %arg3[%dma_wait3A_282, %dma_wait3A_283] : memref<1000000x32xf32, #tpu.memory_space<hbm>> -> memref<1000000x32xf32, #tpu.memory_space<hbm>>
    %dma_wait3A_285 = tpu.memref_slice %arg8[%dma_wait3A_275] : memref<2x!tpu.dma_semaphore, #tpu.memory_space<semaphore_mem>> -> memref<1x!tpu.dma_semaphore, #tpu.memory_space<semaphore_mem>>
    %dma_wait3A_286 = tpu.memref_squeeze %dma_wait3A_285 : memref<1x!tpu.dma_semaphore, #tpu.memory_space<semaphore_mem>> -> memref<!tpu.dma_semaphore, #tpu.memory_space<semaphore_mem>>
    tpu.wait_indirect_dma semaphore(%dma_wait3A_286 : memref<!tpu.dma_semaphore, #tpu.memory_space<semaphore_mem>>) src(%dma_wait3A_284 : memref<1000000x32xf32, #tpu.memory_space<hbm>>) dst(%dma_wait3A_279 : memref<1280x32xf32, #tpu.memory_space<vmem>>)
    %scan3A_287 = arith.constant 0 : i32
    %scan3A_288 = arith.constant 5.000000e-02 : f32
    %scan3A_289 = arith.constant 0 : i32
    %scan3A_290 = arith.constant 64 : i32
    %scan3A_291 = arith.addi %scan3A_289, %scan3A_290 : i32
    %scan3A_292 = arith.constant 1 : i32
    scf.for %scan3A_298 = %scan3A_289 to %scan3A_291 step %scan3A_292  : i32 {
      %broadcast_in_dim3A = arith.constant 0.000000e+00 : f32
      %broadcast_in_dim3A_299 = vector.broadcast %broadcast_in_dim3A : f32 to vector<16xf32>
      %broadcast_in_dim3A_300 = arith.constant 0.000000e+00 : f32
      %broadcast_in_dim3A_301 = vector.broadcast %broadcast_in_dim3A_300 : f32 to vector<16xf32>
      %mul3A_302 = arith.constant 20 : i32
      %mul3A_303 = arith.muli %scan3A_298, %mul3A_302 : i32
      %add3A_304 = arith.constant 0 : i32
      %add3A_305 = arith.addi %mul3A_303, %add3A_304 : i32
      %get3A = arith.constant 1 : i32
      %get3A_306 = arith.index_cast %get3A : i32 to index
      %get3A_307 = arith.index_cast %add3A_305 : i32 to index
      %get3A_308 = arith.constant 0 : index
      %get3A_309 = tpu.vector_load %arg6[%get3A_306, %get3A_307, %get3A_308] {strides = array<i32>} : memref<2x1280x32xf32, #tpu.memory_space<vmem>>, vector<1x1x16xf32>,
      %get3A_310 = vector.shape_cast %get3A_309 : vector<1x1x16xf32> to vector<16xf32>
      %add3A_311 = arith.addf %broadcast_in_dim3A_299, %get3A_310 : vector<16xf32>
      %get3A_312 = arith.constant 1 : i32
      %get3A_313 = arith.index_cast %get3A_312 : i32 to index
      %get3A_314 = arith.index_cast %add3A_305 : i32 to index
      %get3A_315 = arith.constant 16 : index
      %get3A_316 = tpu.vector_load %arg6[%get3A_313, %get3A_314, %get3A_315] {strides = array<i32>} : memref<2x1280x32xf32, #tpu.memory_space<vmem>>, vector<1x1x16xf32>,
      %get3A_317 = vector.shape_cast %get3A_316 : vector<1x1x16xf32> to vector<16xf32>
      %add3A_318 = arith.addf %broadcast_in_dim3A_301, %get3A_317 : vector<16xf32>
      %mul3A_319 = arith.constant 20 : i32
      %mul3A_320 = arith.muli %scan3A_298, %mul3A_319 : i32
      %add3A_321 = arith.constant 1 : i32
      %add3A_322 = arith.addi %mul3A_320, %add3A_321 : i32
      %get3A_323 = arith.constant 1 : i32
      %get3A_324 = arith.index_cast %get3A_323 : i32 to index
      %get3A_325 = arith.index_cast %add3A_322 : i32 to index
      %get3A_326 = arith.constant 0 : index
      %get3A_327 = tpu.vector_load %arg6[%get3A_324, %get3A_325, %get3A_326] {strides = array<i32>} : memref<2x1280x32xf32, #tpu.memory_space<vmem>>, vector<1x1x16xf32>,
      %get3A_328 = vector.shape_cast %get3A_327 : vector<1x1x16xf32> to vector<16xf32>
      %add3A_329 = arith.addf %add3A_311, %get3A_328 : vector<16xf32>
      %get3A_330 = arith.constant 1 : i32
      %get3A_331 = arith.index_cast %get3A_330 : i32 to index
      %get3A_332 = arith.index_cast %add3A_322 : i32 to index
      %get3A_333 = arith.constant 16 : index
      %get3A_334 = tpu.vector_load %arg6[%get3A_331, %get3A_332, %get3A_333] {strides = array<i32>} : memref<2x1280x32xf32, #tpu.memory_space<vmem>>, vector<1x1x16xf32>,
      %get3A_335 = vector.shape_cast %get3A_334 : vector<1x1x16xf32> to vector<16xf32>
      %add3A_336 = arith.addf %add3A_318, %get3A_335 : vector<16xf32>
      %mul3A_337 = arith.constant 20 : i32
      %mul3A_338 = arith.muli %scan3A_298, %mul3A_337 : i32
      %add3A_339 = arith.constant 2 : i32
      %add3A_340 = arith.addi %mul3A_338, %add3A_339 : i32
      %get3A_341 = arith.constant 1 : i32
      %get3A_342 = arith.index_cast %get3A_341 : i32 to index
      %get3A_343 = arith.index_cast %add3A_340 : i32 to index
      %get3A_344 = arith.constant 0 : index
      %get3A_345 = tpu.vector_load %arg6[%get3A_342, %get3A_343, %get3A_344] {strides = array<i32>} : memref<2x1280x32xf32, #tpu.memory_space<vmem>>, vector<1x1x16xf32>,
      %get3A_346 = vector.shape_cast %get3A_345 : vector<1x1x16xf32> to vector<16xf32>
      %add3A_347 = arith.addf %add3A_329, %get3A_346 : vector<16xf32>
      %get3A_348 = arith.constant 1 : i32
      %get3A_349 = arith.index_cast %get3A_348 : i32 to index
      %get3A_350 = arith.index_cast %add3A_340 : i32 to index
      %get3A_351 = arith.constant 16 : index
      %get3A_352 = tpu.vector_load %arg6[%get3A_349, %get3A_350, %get3A_351] {strides = array<i32>} : memref<2x1280x32xf32, #tpu.memory_space<vmem>>, vector<1x1x16xf32>,
      %get3A_353 = vector.shape_cast %get3A_352 : vector<1x1x16xf32> to vector<16xf32>
      %add3A_354 = arith.addf %add3A_336, %get3A_353 : vector<16xf32>
      %mul3A_355 = arith.constant 20 : i32
      %mul3A_356 = arith.muli %scan3A_298, %mul3A_355 : i32
      %add3A_357 = arith.constant 3 : i32
      %add3A_358 = arith.addi %mul3A_356, %add3A_357 : i32
      %get3A_359 = arith.constant 1 : i32
      %get3A_360 = arith.index_cast %get3A_359 : i32 to index
      %get3A_361 = arith.index_cast %add3A_358 : i32 to index
      %get3A_362 = arith.constant 0 : index
      %get3A_363 = tpu.vector_load %arg6[%get3A_360, %get3A_361, %get3A_362] {strides = array<i32>} : memref<2x1280x32xf32, #tpu.memory_space<vmem>>, vector<1x1x16xf32>,
      %get3A_364 = vector.shape_cast %get3A_363 : vector<1x1x16xf32> to vector<16xf32>
      %add3A_365 = arith.addf %add3A_347, %get3A_364 : vector<16xf32>
      %get3A_366 = arith.constant 1 : i32
      %get3A_367 = arith.index_cast %get3A_366 : i32 to index
      %get3A_368 = arith.index_cast %add3A_358 : i32 to index
      %get3A_369 = arith.constant 16 : index
      %get3A_370 = tpu.vector_load %arg6[%get3A_367, %get3A_368, %get3A_369] {strides = array<i32>} : memref<2x1280x32xf32, #tpu.memory_space<vmem>>, vector<1x1x16xf32>,
      %get3A_371 = vector.shape_cast %get3A_370 : vector<1x1x16xf32> to vector<16xf32>
      %add3A_372 = arith.addf %add3A_354, %get3A_371 : vector<16xf32>
      %mul3A_373 = arith.constant 20 : i32
      %mul3A_374 = arith.muli %scan3A_298, %mul3A_373 : i32
      %add3A_375 = arith.constant 4 : i32
      %add3A_376 = arith.addi %mul3A_374, %add3A_375 : i32
      %get3A_377 = arith.constant 1 : i32
      %get3A_378 = arith.index_cast %get3A_377 : i32 to index
      %get3A_379 = arith.index_cast %add3A_376 : i32 to index
      %get3A_380 = arith.constant 0 : index
      %get3A_381 = tpu.vector_load %arg6[%get3A_378, %get3A_379, %get3A_380] {strides = array<i32>} : memref<2x1280x32xf32, #tpu.memory_space<vmem>>, vector<1x1x16xf32>,
      %get3A_382 = vector.shape_cast %get3A_381 : vector<1x1x16xf32> to vector<16xf32>
      %add3A_383 = arith.addf %add3A_365, %get3A_382 : vector<16xf32>
      %get3A_384 = arith.constant 1 : i32
      %get3A_385 = arith.index_cast %get3A_384 : i32 to index
      %get3A_386 = arith.index_cast %add3A_376 : i32 to index
      %get3A_387 = arith.constant 16 : index
      %get3A_388 = tpu.vector_load %arg6[%get3A_385, %get3A_386, %get3A_387] {strides = array<i32>} : memref<2x1280x32xf32, #tpu.memory_space<vmem>>, vector<1x1x16xf32>,
      %get3A_389 = vector.shape_cast %get3A_388 : vector<1x1x16xf32> to vector<16xf32>
      %add3A_390 = arith.addf %add3A_372, %get3A_389 : vector<16xf32>
      %mul3A_391 = arith.constant 20 : i32
      %mul3A_392 = arith.muli %scan3A_298, %mul3A_391 : i32
      %add3A_393 = arith.constant 5 : i32
      %add3A_394 = arith.addi %mul3A_392, %add3A_393 : i32
      %get3A_395 = arith.constant 1 : i32
      %get3A_396 = arith.index_cast %get3A_395 : i32 to index
      %get3A_397 = arith.index_cast %add3A_394 : i32 to index
      %get3A_398 = arith.constant 0 : index
      %get3A_399 = tpu.vector_load %arg6[%get3A_396, %get3A_397, %get3A_398] {strides = array<i32>} : memref<2x1280x32xf32, #tpu.memory_space<vmem>>, vector<1x1x16xf32>,
      %get3A_400 = vector.shape_cast %get3A_399 : vector<1x1x16xf32> to vector<16xf32>
      %add3A_401 = arith.addf %add3A_383, %get3A_400 : vector<16xf32>
      %get3A_402 = arith.constant 1 : i32
      %get3A_403 = arith.index_cast %get3A_402 : i32 to index
      %get3A_404 = arith.index_cast %add3A_394 : i32 to index
      %get3A_405 = arith.constant 16 : index
      %get3A_406 = tpu.vector_load %arg6[%get3A_403, %get3A_404, %get3A_405] {strides = array<i32>} : memref<2x1280x32xf32, #tpu.memory_space<vmem>>, vector<1x1x16xf32>,
      %get3A_407 = vector.shape_cast %get3A_406 : vector<1x1x16xf32> to vector<16xf32>
      %add3A_408 = arith.addf %add3A_390, %get3A_407 : vector<16xf32>
      %mul3A_409 = arith.constant 20 : i32
      %mul3A_410 = arith.muli %scan3A_298, %mul3A_409 : i32
      %add3A_411 = arith.constant 6 : i32
      %add3A_412 = arith.addi %mul3A_410, %add3A_411 : i32
      %get3A_413 = arith.constant 1 : i32
      %get3A_414 = arith.index_cast %get3A_413 : i32 to index
      %get3A_415 = arith.index_cast %add3A_412 : i32 to index
      %get3A_416 = arith.constant 0 : index
      %get3A_417 = tpu.vector_load %arg6[%get3A_414, %get3A_415, %get3A_416] {strides = array<i32>} : memref<2x1280x32xf32, #tpu.memory_space<vmem>>, vector<1x1x16xf32>,
      %get3A_418 = vector.shape_cast %get3A_417 : vector<1x1x16xf32> to vector<16xf32>
      %add3A_419 = arith.addf %add3A_401, %get3A_418 : vector<16xf32>
      %get3A_420 = arith.constant 1 : i32
      %get3A_421 = arith.index_cast %get3A_420 : i32 to index
      %get3A_422 = arith.index_cast %add3A_412 : i32 to index
      %get3A_423 = arith.constant 16 : index
      %get3A_424 = tpu.vector_load %arg6[%get3A_421, %get3A_422, %get3A_423] {strides = array<i32>} : memref<2x1280x32xf32, #tpu.memory_space<vmem>>, vector<1x1x16xf32>,
      %get3A_425 = vector.shape_cast %get3A_424 : vector<1x1x16xf32> to vector<16xf32>
      %add3A_426 = arith.addf %add3A_408, %get3A_425 : vector<16xf32>
      %mul3A_427 = arith.constant 20 : i32
      %mul3A_428 = arith.muli %scan3A_298, %mul3A_427 : i32
      %add3A_429 = arith.constant 7 : i32
      %add3A_430 = arith.addi %mul3A_428, %add3A_429 : i32
      %get3A_431 = arith.constant 1 : i32
      %get3A_432 = arith.index_cast %get3A_431 : i32 to index
      %get3A_433 = arith.index_cast %add3A_430 : i32 to index
      %get3A_434 = arith.constant 0 : index
      %get3A_435 = tpu.vector_load %arg6[%get3A_432, %get3A_433, %get3A_434] {strides = array<i32>} : memref<2x1280x32xf32, #tpu.memory_space<vmem>>, vector<1x1x16xf32>,
      %get3A_436 = vector.shape_cast %get3A_435 : vector<1x1x16xf32> to vector<16xf32>
      %add3A_437 = arith.addf %add3A_419, %get3A_436 : vector<16xf32>
      %get3A_438 = arith.constant 1 : i32
      %get3A_439 = arith.index_cast %get3A_438 : i32 to index
      %get3A_440 = arith.index_cast %add3A_430 : i32 to index
      %get3A_441 = arith.constant 16 : index
      %get3A_442 = tpu.vector_load %arg6[%get3A_439, %get3A_440, %get3A_441] {strides = array<i32>} : memref<2x1280x32xf32, #tpu.memory_space<vmem>>, vector<1x1x16xf32>,
      %get3A_443 = vector.shape_cast %get3A_442 : vector<1x1x16xf32> to vector<16xf32>
      %add3A_444 = arith.addf %add3A_426, %get3A_443 : vector<16xf32>
      %mul3A_445 = arith.constant 20 : i32
      %mul3A_446 = arith.muli %scan3A_298, %mul3A_445 : i32
      %add3A_447 = arith.constant 8 : i32
      %add3A_448 = arith.addi %mul3A_446, %add3A_447 : i32
      %get3A_449 = arith.constant 1 : i32
      %get3A_450 = arith.index_cast %get3A_449 : i32 to index
      %get3A_451 = arith.index_cast %add3A_448 : i32 to index
      %get3A_452 = arith.constant 0 : index
      %get3A_453 = tpu.vector_load %arg6[%get3A_450, %get3A_451, %get3A_452] {strides = array<i32>} : memref<2x1280x32xf32, #tpu.memory_space<vmem>>, vector<1x1x16xf32>,
      %get3A_454 = vector.shape_cast %get3A_453 : vector<1x1x16xf32> to vector<16xf32>
      %add3A_455 = arith.addf %add3A_437, %get3A_454 : vector<16xf32>
      %get3A_456 = arith.constant 1 : i32
      %get3A_457 = arith.index_cast %get3A_456 : i32 to index
      %get3A_458 = arith.index_cast %add3A_448 : i32 to index
      %get3A_459 = arith.constant 16 : index
      %get3A_460 = tpu.vector_load %arg6[%get3A_457, %get3A_458, %get3A_459] {strides = array<i32>} : memref<2x1280x32xf32, #tpu.memory_space<vmem>>, vector<1x1x16xf32>,
      %get3A_461 = vector.shape_cast %get3A_460 : vector<1x1x16xf32> to vector<16xf32>
      %add3A_462 = arith.addf %add3A_444, %get3A_461 : vector<16xf32>
      %mul3A_463 = arith.constant 20 : i32
      %mul3A_464 = arith.muli %scan3A_298, %mul3A_463 : i32
      %add3A_465 = arith.constant 9 : i32
      %add3A_466 = arith.addi %mul3A_464, %add3A_465 : i32
      %get3A_467 = arith.constant 1 : i32
      %get3A_468 = arith.index_cast %get3A_467 : i32 to index
      %get3A_469 = arith.index_cast %add3A_466 : i32 to index
      %get3A_470 = arith.constant 0 : index
      %get3A_471 = tpu.vector_load %arg6[%get3A_468, %get3A_469, %get3A_470] {strides = array<i32>} : memref<2x1280x32xf32, #tpu.memory_space<vmem>>, vector<1x1x16xf32>,
      %get3A_472 = vector.shape_cast %get3A_471 : vector<1x1x16xf32> to vector<16xf32>
      %add3A_473 = arith.addf %add3A_455, %get3A_472 : vector<16xf32>
      %get3A_474 = arith.constant 1 : i32
      %get3A_475 = arith.index_cast %get3A_474 : i32 to index
      %get3A_476 = arith.index_cast %add3A_466 : i32 to index
      %get3A_477 = arith.constant 16 : index
      %get3A_478 = tpu.vector_load %arg6[%get3A_475, %get3A_476, %get3A_477] {strides = array<i32>} : memref<2x1280x32xf32, #tpu.memory_space<vmem>>, vector<1x1x16xf32>,
      %get3A_479 = vector.shape_cast %get3A_478 : vector<1x1x16xf32> to vector<16xf32>
      %add3A_480 = arith.addf %add3A_462, %get3A_479 : vector<16xf32>
      %mul3A_481 = arith.constant 20 : i32
      %mul3A_482 = arith.muli %scan3A_298, %mul3A_481 : i32
      %add3A_483 = arith.constant 10 : i32
      %add3A_484 = arith.addi %mul3A_482, %add3A_483 : i32
      %get3A_485 = arith.constant 1 : i32
      %get3A_486 = arith.index_cast %get3A_485 : i32 to index
      %get3A_487 = arith.index_cast %add3A_484 : i32 to index
      %get3A_488 = arith.constant 0 : index
      %get3A_489 = tpu.vector_load %arg6[%get3A_486, %get3A_487, %get3A_488] {strides = array<i32>} : memref<2x1280x32xf32, #tpu.memory_space<vmem>>, vector<1x1x16xf32>,
      %get3A_490 = vector.shape_cast %get3A_489 : vector<1x1x16xf32> to vector<16xf32>
      %add3A_491 = arith.addf %add3A_473, %get3A_490 : vector<16xf32>
      %get3A_492 = arith.constant 1 : i32
      %get3A_493 = arith.index_cast %get3A_492 : i32 to index
      %get3A_494 = arith.index_cast %add3A_484 : i32 to index
      %get3A_495 = arith.constant 16 : index
      %get3A_496 = tpu.vector_load %arg6[%get3A_493, %get3A_494, %get3A_495] {strides = array<i32>} : memref<2x1280x32xf32, #tpu.memory_space<vmem>>, vector<1x1x16xf32>,
      %get3A_497 = vector.shape_cast %get3A_496 : vector<1x1x16xf32> to vector<16xf32>
      %add3A_498 = arith.addf %add3A_480, %get3A_497 : vector<16xf32>
      %mul3A_499 = arith.constant 20 : i32
      %mul3A_500 = arith.muli %scan3A_298, %mul3A_499 : i32
      %add3A_501 = arith.constant 11 : i32
      %add3A_502 = arith.addi %mul3A_500, %add3A_501 : i32
      %get3A_503 = arith.constant 1 : i32
      %get3A_504 = arith.index_cast %get3A_503 : i32 to index
      %get3A_505 = arith.index_cast %add3A_502 : i32 to index
      %get3A_506 = arith.constant 0 : index
      %get3A_507 = tpu.vector_load %arg6[%get3A_504, %get3A_505, %get3A_506] {strides = array<i32>} : memref<2x1280x32xf32, #tpu.memory_space<vmem>>, vector<1x1x16xf32>,
      %get3A_508 = vector.shape_cast %get3A_507 : vector<1x1x16xf32> to vector<16xf32>
      %add3A_509 = arith.addf %add3A_491, %get3A_508 : vector<16xf32>
      %get3A_510 = arith.constant 1 : i32
      %get3A_511 = arith.index_cast %get3A_510 : i32 to index
      %get3A_512 = arith.index_cast %add3A_502 : i32 to index
      %get3A_513 = arith.constant 16 : index
      %get3A_514 = tpu.vector_load %arg6[%get3A_511, %get3A_512, %get3A_513] {strides = array<i32>} : memref<2x1280x32xf32, #tpu.memory_space<vmem>>, vector<1x1x16xf32>,
      %get3A_515 = vector.shape_cast %get3A_514 : vector<1x1x16xf32> to vector<16xf32>
      %add3A_516 = arith.addf %add3A_498, %get3A_515 : vector<16xf32>
      %mul3A_517 = arith.constant 20 : i32
      %mul3A_518 = arith.muli %scan3A_298, %mul3A_517 : i32
      %add3A_519 = arith.constant 12 : i32
      %add3A_520 = arith.addi %mul3A_518, %add3A_519 : i32
      %get3A_521 = arith.constant 1 : i32
      %get3A_522 = arith.index_cast %get3A_521 : i32 to index
      %get3A_523 = arith.index_cast %add3A_520 : i32 to index
      %get3A_524 = arith.constant 0 : index
      %get3A_525 = tpu.vector_load %arg6[%get3A_522, %get3A_523, %get3A_524] {strides = array<i32>} : memref<2x1280x32xf32, #tpu.memory_space<vmem>>, vector<1x1x16xf32>,
      %get3A_526 = vector.shape_cast %get3A_525 : vector<1x1x16xf32> to vector<16xf32>
      %add3A_527 = arith.addf %add3A_509, %get3A_526 : vector<16xf32>
      %get3A_528 = arith.constant 1 : i32
      %get3A_529 = arith.index_cast %get3A_528 : i32 to index
      %get3A_530 = arith.index_cast %add3A_520 : i32 to index
      %get3A_531 = arith.constant 16 : index
      %get3A_532 = tpu.vector_load %arg6[%get3A_529, %get3A_530, %get3A_531] {strides = array<i32>} : memref<2x1280x32xf32, #tpu.memory_space<vmem>>, vector<1x1x16xf32>,
      %get3A_533 = vector.shape_cast %get3A_532 : vector<1x1x16xf32> to vector<16xf32>
      %add3A_534 = arith.addf %add3A_516, %get3A_533 : vector<16xf32>
      %mul3A_535 = arith.constant 20 : i32
      %mul3A_536 = arith.muli %scan3A_298, %mul3A_535 : i32
      %add3A_537 = arith.constant 13 : i32
      %add3A_538 = arith.addi %mul3A_536, %add3A_537 : i32
      %get3A_539 = arith.constant 1 : i32
      %get3A_540 = arith.index_cast %get3A_539 : i32 to index
      %get3A_541 = arith.index_cast %add3A_538 : i32 to index
      %get3A_542 = arith.constant 0 : index
      %get3A_543 = tpu.vector_load %arg6[%get3A_540, %get3A_541, %get3A_542] {strides = array<i32>} : memref<2x1280x32xf32, #tpu.memory_space<vmem>>, vector<1x1x16xf32>,
      %get3A_544 = vector.shape_cast %get3A_543 : vector<1x1x16xf32> to vector<16xf32>
      %add3A_545 = arith.addf %add3A_527, %get3A_544 : vector<16xf32>
      %get3A_546 = arith.constant 1 : i32
      %get3A_547 = arith.index_cast %get3A_546 : i32 to index
      %get3A_548 = arith.index_cast %add3A_538 : i32 to index
      %get3A_549 = arith.constant 16 : index
      %get3A_550 = tpu.vector_load %arg6[%get3A_547, %get3A_548, %get3A_549] {strides = array<i32>} : memref<2x1280x32xf32, #tpu.memory_space<vmem>>, vector<1x1x16xf32>,
      %get3A_551 = vector.shape_cast %get3A_550 : vector<1x1x16xf32> to vector<16xf32>
      %add3A_552 = arith.addf %add3A_534, %get3A_551 : vector<16xf32>
      %mul3A_553 = arith.constant 20 : i32
      %mul3A_554 = arith.muli %scan3A_298, %mul3A_553 : i32
      %add3A_555 = arith.constant 14 : i32
      %add3A_556 = arith.addi %mul3A_554, %add3A_555 : i32
      %get3A_557 = arith.constant 1 : i32
      %get3A_558 = arith.index_cast %get3A_557 : i32 to index
      %get3A_559 = arith.index_cast %add3A_556 : i32 to index
      %get3A_560 = arith.constant 0 : index
      %get3A_561 = tpu.vector_load %arg6[%get3A_558, %get3A_559, %get3A_560] {strides = array<i32>} : memref<2x1280x32xf32, #tpu.memory_space<vmem>>, vector<1x1x16xf32>,
      %get3A_562 = vector.shape_cast %get3A_561 : vector<1x1x16xf32> to vector<16xf32>
      %add3A_563 = arith.addf %add3A_545, %get3A_562 : vector<16xf32>
      %get3A_564 = arith.constant 1 : i32
      %get3A_565 = arith.index_cast %get3A_564 : i32 to index
      %get3A_566 = arith.index_cast %add3A_556 : i32 to index
      %get3A_567 = arith.constant 16 : index
      %get3A_568 = tpu.vector_load %arg6[%get3A_565, %get3A_566, %get3A_567] {strides = array<i32>} : memref<2x1280x32xf32, #tpu.memory_space<vmem>>, vector<1x1x16xf32>,
      %get3A_569 = vector.shape_cast %get3A_568 : vector<1x1x16xf32> to vector<16xf32>
      %add3A_570 = arith.addf %add3A_552, %get3A_569 : vector<16xf32>
      %mul3A_571 = arith.constant 20 : i32
      %mul3A_572 = arith.muli %scan3A_298, %mul3A_571 : i32
      %add3A_573 = arith.constant 15 : i32
      %add3A_574 = arith.addi %mul3A_572, %add3A_573 : i32
      %get3A_575 = arith.constant 1 : i32
      %get3A_576 = arith.index_cast %get3A_575 : i32 to index
      %get3A_577 = arith.index_cast %add3A_574 : i32 to index
      %get3A_578 = arith.constant 0 : index
      %get3A_579 = tpu.vector_load %arg6[%get3A_576, %get3A_577, %get3A_578] {strides = array<i32>} : memref<2x1280x32xf32, #tpu.memory_space<vmem>>, vector<1x1x16xf32>,
      %get3A_580 = vector.shape_cast %get3A_579 : vector<1x1x16xf32> to vector<16xf32>
      %add3A_581 = arith.addf %add3A_563, %get3A_580 : vector<16xf32>
      %get3A_582 = arith.constant 1 : i32
      %get3A_583 = arith.index_cast %get3A_582 : i32 to index
      %get3A_584 = arith.index_cast %add3A_574 : i32 to index
      %get3A_585 = arith.constant 16 : index
      %get3A_586 = tpu.vector_load %arg6[%get3A_583, %get3A_584, %get3A_585] {strides = array<i32>} : memref<2x1280x32xf32, #tpu.memory_space<vmem>>, vector<1x1x16xf32>,
      %get3A_587 = vector.shape_cast %get3A_586 : vector<1x1x16xf32> to vector<16xf32>
      %add3A_588 = arith.addf %add3A_570, %get3A_587 : vector<16xf32>
      %mul3A_589 = arith.constant 20 : i32
      %mul3A_590 = arith.muli %scan3A_298, %mul3A_589 : i32
      %add3A_591 = arith.constant 16 : i32
      %add3A_592 = arith.addi %mul3A_590, %add3A_591 : i32
      %get3A_593 = arith.constant 1 : i32
      %get3A_594 = arith.index_cast %get3A_593 : i32 to index
      %get3A_595 = arith.index_cast %add3A_592 : i32 to index
      %get3A_596 = arith.constant 0 : index
      %get3A_597 = tpu.vector_load %arg6[%get3A_594, %get3A_595, %get3A_596] {strides = array<i32>} : memref<2x1280x32xf32, #tpu.memory_space<vmem>>, vector<1x1x16xf32>,
      %get3A_598 = vector.shape_cast %get3A_597 : vector<1x1x16xf32> to vector<16xf32>
      %add3A_599 = arith.addf %add3A_581, %get3A_598 : vector<16xf32>
      %get3A_600 = arith.constant 1 : i32
      %get3A_601 = arith.index_cast %get3A_600 : i32 to index
      %get3A_602 = arith.index_cast %add3A_592 : i32 to index
      %get3A_603 = arith.constant 16 : index
      %get3A_604 = tpu.vector_load %arg6[%get3A_601, %get3A_602, %get3A_603] {strides = array<i32>} : memref<2x1280x32xf32, #tpu.memory_space<vmem>>, vector<1x1x16xf32>,
      %get3A_605 = vector.shape_cast %get3A_604 : vector<1x1x16xf32> to vector<16xf32>
      %add3A_606 = arith.addf %add3A_588, %get3A_605 : vector<16xf32>
      %mul3A_607 = arith.constant 20 : i32
      %mul3A_608 = arith.muli %scan3A_298, %mul3A_607 : i32
      %add3A_609 = arith.constant 17 : i32
      %add3A_610 = arith.addi %mul3A_608, %add3A_609 : i32
      %get3A_611 = arith.constant 1 : i32
      %get3A_612 = arith.index_cast %get3A_611 : i32 to index
      %get3A_613 = arith.index_cast %add3A_610 : i32 to index
      %get3A_614 = arith.constant 0 : index
      %get3A_615 = tpu.vector_load %arg6[%get3A_612, %get3A_613, %get3A_614] {strides = array<i32>} : memref<2x1280x32xf32, #tpu.memory_space<vmem>>, vector<1x1x16xf32>,
      %get3A_616 = vector.shape_cast %get3A_615 : vector<1x1x16xf32> to vector<16xf32>
      %add3A_617 = arith.addf %add3A_599, %get3A_616 : vector<16xf32>
      %get3A_618 = arith.constant 1 : i32
      %get3A_619 = arith.index_cast %get3A_618 : i32 to index
      %get3A_620 = arith.index_cast %add3A_610 : i32 to index
      %get3A_621 = arith.constant 16 : index
      %get3A_622 = tpu.vector_load %arg6[%get3A_619, %get3A_620, %get3A_621] {strides = array<i32>} : memref<2x1280x32xf32, #tpu.memory_space<vmem>>, vector<1x1x16xf32>,
      %get3A_623 = vector.shape_cast %get3A_622 : vector<1x1x16xf32> to vector<16xf32>
      %add3A_624 = arith.addf %add3A_606, %get3A_623 : vector<16xf32>
      %mul3A_625 = arith.constant 20 : i32
      %mul3A_626 = arith.muli %scan3A_298, %mul3A_625 : i32
      %add3A_627 = arith.constant 18 : i32
      %add3A_628 = arith.addi %mul3A_626, %add3A_627 : i32
      %get3A_629 = arith.constant 1 : i32
      %get3A_630 = arith.index_cast %get3A_629 : i32 to index
      %get3A_631 = arith.index_cast %add3A_628 : i32 to index
      %get3A_632 = arith.constant 0 : index
      %get3A_633 = tpu.vector_load %arg6[%get3A_630, %get3A_631, %get3A_632] {strides = array<i32>} : memref<2x1280x32xf32, #tpu.memory_space<vmem>>, vector<1x1x16xf32>,
      %get3A_634 = vector.shape_cast %get3A_633 : vector<1x1x16xf32> to vector<16xf32>
      %add3A_635 = arith.addf %add3A_617, %get3A_634 : vector<16xf32>
      %get3A_636 = arith.constant 1 : i32
      %get3A_637 = arith.index_cast %get3A_636 : i32 to index
      %get3A_638 = arith.index_cast %add3A_628 : i32 to index
      %get3A_639 = arith.constant 16 : index
      %get3A_640 = tpu.vector_load %arg6[%get3A_637, %get3A_638, %get3A_639] {strides = array<i32>} : memref<2x1280x32xf32, #tpu.memory_space<vmem>>, vector<1x1x16xf32>,
      %get3A_641 = vector.shape_cast %get3A_640 : vector<1x1x16xf32> to vector<16xf32>
      %add3A_642 = arith.addf %add3A_624, %get3A_641 : vector<16xf32>
      %mul3A_643 = arith.constant 20 : i32
      %mul3A_644 = arith.muli %scan3A_298, %mul3A_643 : i32
      %add3A_645 = arith.constant 19 : i32
      %add3A_646 = arith.addi %mul3A_644, %add3A_645 : i32
      %get3A_647 = arith.constant 1 : i32
      %get3A_648 = arith.index_cast %get3A_647 : i32 to index
      %get3A_649 = arith.index_cast %add3A_646 : i32 to index
      %get3A_650 = arith.constant 0 : index
      %get3A_651 = tpu.vector_load %arg6[%get3A_648, %get3A_649, %get3A_650] {strides = array<i32>} : memref<2x1280x32xf32, #tpu.memory_space<vmem>>, vector<1x1x16xf32>,
      %get3A_652 = vector.shape_cast %get3A_651 : vector<1x1x16xf32> to vector<16xf32>
      %add3A_653 = arith.addf %add3A_635, %get3A_652 : vector<16xf32>
      %get3A_654 = arith.constant 1 : i32
      %get3A_655 = arith.index_cast %get3A_654 : i32 to index
      %get3A_656 = arith.index_cast %add3A_646 : i32 to index
      %get3A_657 = arith.constant 16 : index
      %get3A_658 = tpu.vector_load %arg6[%get3A_655, %get3A_656, %get3A_657] {strides = array<i32>} : memref<2x1280x32xf32, #tpu.memory_space<vmem>>, vector<1x1x16xf32>,
      %get3A_659 = vector.shape_cast %get3A_658 : vector<1x1x16xf32> to vector<16xf32>
      %add3A_660 = arith.addf %add3A_642, %get3A_659 : vector<16xf32>
      %mul3A_661 = vector.broadcast %scan3A_288 : f32 to vector<16xf32>
      %mul3A_662 = arith.mulf %add3A_653, %mul3A_661 : vector<16xf32>
      %swap3A = arith.index_cast %scan3A_298 : i32 to index
      %swap3A_663 = arith.constant 0 : index
      %swap3A_664 = tpu.vector_load %arg7[%swap3A, %swap3A_663] {strides = array<i32>} : memref<64x32xf32, #tpu.memory_space<vmem>>, vector<1x16xf32>,
      %swap3A_665 = vector.shape_cast %swap3A_664 : vector<1x16xf32> to vector<16xf32>
      %swap3A_666 = vector.shape_cast %mul3A_662 : vector<16xf32> to vector<1x16xf32>
      tpu.vector_store %arg7[%swap3A, %swap3A_663], %swap3A_666 {strides = array<i32>} : memref<64x32xf32, #tpu.memory_space<vmem>>, vector<1x16xf32>,
      %mul3A_667 = vector.broadcast %scan3A_288 : f32 to vector<16xf32>
      %mul3A_668 = arith.mulf %add3A_660, %mul3A_667 : vector<16xf32>
      %swap3A_669 = arith.index_cast %scan3A_298 : i32 to index
      %swap3A_670 = arith.constant 16 : index
      %swap3A_671 = tpu.vector_load %arg7[%swap3A_669, %swap3A_670] {strides = array<i32>} : memref<64x32xf32, #tpu.memory_space<vmem>>, vector<1x16xf32>,
      %swap3A_672 = vector.shape_cast %swap3A_671 : vector<1x16xf32> to vector<16xf32>
      %swap3A_673 = vector.shape_cast %mul3A_668 : vector<16xf32> to vector<1x16xf32>
      tpu.vector_store %arg7[%swap3A_669, %swap3A_670], %swap3A_673 {strides = array<i32>} : memref<64x32xf32, #tpu.memory_space<vmem>>, vector<1x16xf32>,
    }
    %scan3A_293 = arith.constant 64 : i32
    %mul3A_294 = arith.constant 512 : i32
    %mul3A_295 = arith.muli %add3A, %mul3A_294 : i32
    %add3A_296 = arith.constant 448 : i32
    %add3A_297 = arith.addi %mul3A_295, %add3A_296 : i32
    "tpu.region"() ({
      %run_scoped3A = tpu.sem_alloc : memref<!tpu.dma_semaphore, #tpu.memory_space<semaphore_mem>>
      %dma_start3A_298 = arith.constant 0 : i32
      %dma_start3A_299 = tpu.memref_slice %arg4[%add3A_297, %dma_start3A_298] : memref<16384x32xf32, #tpu.memory_space<hbm>> -> memref<64x32xf32, #tpu.memory_space<hbm>>
      %dma_start3A_300 = arith.constant 0 : i32
      %dma_start3A_301 = tpu.memref_slice %arg4[%add3A_297, %dma_start3A_300] : memref<16384x32xf32, #tpu.memory_space<hbm>> -> memref<64x32xf32, #tpu.memory_space<hbm>>
      tpu.enqueue_dma source(%arg7 : memref<64x32xf32, #tpu.memory_space<vmem>>) target(%dma_start3A_301 : memref<64x32xf32, #tpu.memory_space<hbm>>) target_semaphore(%run_scoped3A : memref<!tpu.dma_semaphore, #tpu.memory_space<semaphore_mem>>)
      %dma_wait3A_302 = arith.constant 0 : i32
      %dma_wait3A_303 = tpu.memref_slice %arg4[%add3A_297, %dma_wait3A_302] : memref<16384x32xf32, #tpu.memory_space<hbm>> -> memref<64x32xf32, #tpu.memory_space<hbm>>
      %dma_wait3A_304 = arith.constant 0 : i32
      %dma_wait3A_305 = tpu.memref_slice %arg4[%add3A_297, %dma_wait3A_304] : memref<16384x32xf32, #tpu.memory_space<hbm>> -> memref<64x32xf32, #tpu.memory_space<hbm>>
      tpu.wait_dma2 semaphore(%run_scoped3A : memref<!tpu.dma_semaphore, #tpu.memory_space<semaphore_mem>>) src(%arg7 : memref<64x32xf32, #tpu.memory_space<vmem>>) dst(%dma_wait3A_305 : memref<64x32xf32, #tpu.memory_space<hbm>>)
      tpu.yield
    }) : () -> ()
    return
  }
}

</mosaic_0001>

<sc_bundles>
// kernel: kernel.3.cloned.1.call-start
scs
__scs_entry_jumppad:
0x0: {  	(pc) =	sbr.rel $0x88, $3  }
0x1: {  	(tag) =	ssettag $0x0;
	lr =	simm.s32 $0x1  }
0x2: {  	[smem:$0x3F9F] =	sst lr;
	_ =	strace $0xD0000000  }
0x3: {  	_ = 	snop  }
0x4: {  	_ = 	snop  }
0x5: {  	_ = 	snop  }
0x6: {  	_ = 	snop  }
0x7: {  	_ = 	snop  }
__scs_overlays_trampoline_lowered:
0x8: {  	[smem:$0x3FAE] =	sst s0  }
0x9: {  	[smem:$0x3FAF] =	sst s1  }
0xa: {  	[smem:$0x3FB0] =	sst s2  }
0xb: {  	[smem:$0x3FB1] =	sst s3  }
0xc: {  	[smem:$0x3FB2] =	sst s4  }
0xd: {  	[smem:$0x3FB3] =	sst s5  }
0xe: {  	[smem:$0x3FB4] =	sst s6  }
0xf: {  	[smem:$0x3FB5] =	sst s7  }
0x10: {  	[smem:$0x3FB6] =	sst s8  }
0x11: {  	[smem:$0x3FB7] =	sst s9;
	s0 =	simm.s32 @!p0 $0x0  }
0x12: {  	s1 =	sld [smem:$0x3F9D];
	s0 =	simm.s32 @p0 $0x1  }
0x13: {  	[smem:$0x3FB8] =	sst s0;
	s0 =	simm.s32 @!p1 $0x0  }
0x14: {  	s2 =	sld [smem:$0x3F9C];
	s0 =	simm.s32 @p1 $0x1  }
0x15: {  	[smem:$0x3FB9] =	sst s0;
	s0 =	simm.s32 @!p2 $0x0  }
0x16: {  	s3 =	sld [smem:$0x3FDB];
	s0 =	simm.s32 @p2 $0x1  }
0x17: {  	s4 =	simm.s32 $0x1BF5;
	[smem:$0x3FBB] =	sst s0  }
0x18: {  	s0 =	sld [smem:$0x3F9E];
	_ =	swait.ge [sflag:s4], $0x0  }
0x19: {  	s7 =	sld [smem:$0x3F9F]  }
0x1a: {  	s8 =	sadd.s32 $0xFFFFE003, lr  }
0x1b: {  	s9 =	sadd.s32 $0xFFFFFEF7, lr;
	s5 =	simm.s32 $0xFFFFFFFF;
	p2 =	slt.u32 s8, $0xFFFFF086  }
0x1c: {  	p1 =	slt.u32 s9, $0xF7A;
	s5 =	simm.s32 @!p2 $0x0  }
0x1d: {  	s5 =	simm.s32 @p1 $0x1;
	p0 =	seq.s32 s7, s2  }
0x1e: {  	s7 =	smul.u32 @!p0 $0xF7A, s2;
	p2 =	seq.s32 @!p0 s5, $0x0  }
0x1f: {  	s9 =	smul.u32 $0xF7A, s1;
	s8 =	simm.s32 @!p0 $0x1BF5;
	p2 =	por !p2, p0  }
0x20: {  	[sflag:s8] =	ssyncset.s32 @!p0 $0xFFFFF086;
	s6 =	sadd.s32 @!p0 s3, s7;
	s7 =	simm.s32 @!p0 $0x108  }
0x21: {  	s3 =	sadd.s32 s3, s9;
	s6 =	sadd.s32 @!p0 $0x88, s6;
	s7 =	simm.s32 @p2 $0x1082  }
0x22: {  	[simem:s7], [sflag:s8] =	dma.local @!p0 [hbm:s6], $0xF7A  }
0x23: {  	s9 =	sor.u32 $0xD0000000, s2;
	s6 =	simm.s32 $0x108;
	_ =	swait.ge @!p0 [sflag:s8], $0x0  }
0x24: {  	s3 =	sadd.s32 $0x88, s3;
	s6 =	simm.s32 @!p1 $0x1082;
	[sflag:s4] =	ssyncset.s32 $0xFFFFF086  }
0x25: {  	[simem:s6], [sflag:s4] =	dma.local [hbm:s3], $0xF7A  }
0x26: {  	[smem:$0x3F9F] =	sst s1;
	(tag) =	ssettag s2;
	_ =	strace s9  }
0x27: {  	s1 =	sld [smem:$0x3FAF]  }
0x28: {  	s2 =	sld [smem:$0x3FB0]  }
0x29: {  	s4 =	sld [smem:$0x3FB2]  }
0x2a: {  	p0 =	seq.s32 s5, $0x0;
	s5 =	sld [smem:$0x3FB3]  }
0x2b: {  	s6 =	sld [smem:$0x3FB4]  }
0x2c: {  	s7 =	sld [smem:$0x3FB5]  }
0x2d: {  	s3 =	simm.s32 $0x108;
	s8 =	sld [smem:$0x3FB6]  }
0x2e: {  	s3 =	simm.s32 @!p0 $0x1082;
	s9 =	sld [smem:$0x3FB7]  }
0x2f: {  	lr =	sadd.s32 s0, s3;
	s0 =	sld [smem:$0x3FAE]  }
0x30: {  	s3 =	sld [smem:$0x3FB1]  }
0x31: {  	[smem:$0x3FBA] =	sst s10  }
0x32: {  	s10 =	sld [smem:$0x3FB8];
	_ =	sdelay $0x3  }
0x33: {  	p0 =	seq.s32 s10, $0x1;
	s10 =	sld [smem:$0x3FBA];
	_ =	sdelay $0x3  }
0x34: {  	[smem:$0x3FBA] =	sst s10  }
0x35: {  	s10 =	sld [smem:$0x3FB9];
	_ =	sdelay $0x3  }
0x36: {  	p1 =	seq.s32 s10, $0x1;
	s10 =	sld [smem:$0x3FBA];
	_ =	sdelay $0x3  }
0x37: {  	[smem:$0x3FBA] =	sst s10  }
0x38: {  	s10 =	sld [smem:$0x3FBB]  }
0x39: {  	_ = 	snop;
	(pc) =	sbr.ind lr, $3  }
0x3a: {  	_ = 	snop  }
0x3b: {  	_ = 	snop  }
0x3c: {  	p2 =	seq.s32 s10, $0x1;
	s10 =	sld [smem:$0x3FBA]  }
0x3d: {  	_ =	shalt  }
0x3e: {  	_ =	shalt  }
0x3f: {  	_ =	shalt  }
0x40: {  	_ =	shalt  }
0x41: {  	_ =	shalt  }
0x42: {  	_ =	shalt  }
0x43: {  	_ =	shalt  }
0x44: {  	_ =	shalt  }
0x45: {  	_ =	shalt  }
0x46: {  	_ =	shalt  }
0x47: {  	_ =	shalt  }
0x48: {  	_ =	shalt  }
0x49: {  	_ =	shalt  }
0x4a: {  	_ =	shalt  }
0x4b: {  	_ =	shalt  }
0x4c: {  	_ =	shalt  }
0x4d: {  	_ =	shalt  }
0x4e: {  	_ =	shalt  }
0x4f: {  	_ =	shalt  }
0x50: {  	_ =	shalt  }
0x51: {  	_ =	shalt  }
0x52: {  	_ =	shalt  }
0x53: {  	_ =	shalt  }
0x54: {  	_ =	shalt  }
0x55: {  	_ =	shalt  }
0x56: {  	_ =	shalt  }
0x57: {  	_ =	shalt  }
0x58: {  	_ =	shalt  }
0x59: {  	_ =	shalt  }
0x5a: {  	_ =	shalt  }
0x5b: {  	_ =	shalt  }
0x5c: {  	_ =	shalt  }
0x5d: {  	_ =	shalt  }
0x5e: {  	_ =	shalt  }
0x5f: {  	_ =	shalt  }
0x60: {  	_ =	shalt  }
0x61: {  	_ =	shalt  }
0x62: {  	_ =	shalt  }
0x63: {  	_ =	shalt  }
0x64: {  	_ =	shalt  }
0x65: {  	_ =	shalt  }
0x66: {  	_ =	shalt  }
0x67: {  	_ =	shalt  }
0x68: {  	_ =	shalt  }
0x69: {  	_ =	shalt  }
0x6a: {  	_ =	shalt  }
0x6b: {  	_ =	shalt  }
0x6c: {  	_ =	shalt  }
0x6d: {  	_ =	shalt  }
0x6e: {  	_ =	shalt  }
0x6f: {  	_ =	shalt  }
0x70: {  	_ =	shalt  }
0x71: {  	_ =	shalt  }
0x72: {  	_ =	shalt  }
0x73: {  	_ =	shalt  }
0x74: {  	_ =	shalt  }
0x75: {  	_ =	shalt  }
0x76: {  	_ =	shalt  }
0x77: {  	_ =	shalt  }
0x78: {  	_ =	shalt  }
0x79: {  	_ =	shalt  }
0x7a: {  	_ =	shalt  }
0x7b: {  	_ =	shalt  }
0x7c: {  	_ =	shalt  }
0x7d: {  	_ =	shalt  }
0x7e: {  	_ =	shalt  }
0x7f: {  	_ =	shalt  }
0x80: {  	_ =	shalt  }
0x81: {  	_ =	shalt  }
0x82: {  	_ =	shalt  }
0x83: {  	_ =	shalt  }
0x84: {  	_ =	shalt  }
0x85: {  	_ =	shalt  }
0x86: {  	_ =	shalt  }
0x87: {  	_ =	shalt  }
.Lfunc_end0:
.L_simem_size_0:
called_computation_lowered:
.L_overlay_start_0:
0x88: {  	s2 =	sld [smem:$0x3FD9]  }
0x89: {  	s3 =	sld [smem:$0x3FFE];
	_ =	sdelay $0x1  }
0x8a: {  	s1 =	srdreg.scid  }
0x8b: {  	s0 =	sand.u32 $0x1, s1  }
0x8c: {  	s17 =	sshll.u32 s0, $0xA;
	s2 =	sadd.s32 s3, s2  }
0x8d: {  	s2 =	sadd.s32 s2, s17  }
0x8e: {  	[smem:$0x3FC6] =	sst s2  }
0x8f: {  	_ = 	snop  }
0x90: {  	s2 =	sld [smem:$0x3FD0];
	(tm) =	ssettm $0x1  }
0x91: {  	s18 =	sld [smem:$0x3FFB];
	_ =	sdelay $0x3  }
0x92: {  	_ =	strace s18  }
0x93: {  	s3 =	sld [smem:$0x3FFC];
	_ =	sdelay $0x3  }
0x94: {  	_ =	strace s3  }
0x95: {  	s3 =	sld [smem:$0x3FFD];
	_ =	sdelay $0x3  }
0x96: {  	_ =	strace s3  }
0x97: {  	_ =	strace $0x8FFFFFFF  }
0x98: {  	s19 =	sld [smem:$0x3FDB];
	_ =	sdelay $0x1  }
0x99: {  	s4 =	simm.s32 $_scs_section_size  }
0x9a: {  	s5 =	simm.s32 $_size__tile_overlayer_lowered;
	s6 =	simm.s32 $_tile_overlayer_lowered  }
0x9b: {  	s22 =	simm.s32 $0x1BFF;
	s21 =	sshll.u32 s6, $0x1;
	s3 =	sadd.s32 s4, s19  }
0x9c: {  	s7 =	simm.s32 $0x0;
	s20 =	sshll.u32 s5, $0x1;
	s5 =	sadd.s32 s21, s3  }
0x9d: {  	[timem:s7], [sflag:s22] =	dma.local [hbm:s5], s20  }
0x9e: {  	_ =	swait.ge [sflag:s22], s20  }
0x9f: {  	s4 =	ssub.s32 $0x0, s20;
	[sflag:s22] =	ssyncset.done $0x0  }
0xa0: {  	[sflag:s22] =	ssyncadd.s32 s4;
	_ =	sdelay $0x1  }
0xa1: {  	s23 =	simm.s32 $0x1B8B  }
0xa2: {  	_ =	swait.ge [sflag:s23], $0x1  }
0xa3: {  	[sflag:s23] =	ssyncset.done $0x0  }
0xa4: {  	s25 =	simm.s32 $0x1B8E;
	s24 =	sld [smem:$0x3FFE];
	[sflag:s23] =	ssyncadd.s32 $0xFFFFFFFF  }
0xa5: {  	s26 =	simm.s32 $execute0_lowered;
	[smem:$0x3FD2] =	sst s25  }
0xa6: {  	s5 =	sshll.u32 s26, $0x1;
	_ =	strace $0x80000046;
	[dreg:$0x1] =	wrdreg $0xFFFFFFFF  }
0xa7: {  	s28 =	simm.s32 $_size_execute0_lowered;
	s3 =	sadd.s32 s3, s5;
	[dreg:$0x0] =	wrdreg $0x0  }
0xa8: {  	s5 =	sshll.u32 s28, $0x1;
	[dreg:$0x2] =	wrdreg s3  }
0xa9: {  	[dreg:$0x3] =	wrdreg s5  }
0xaa: {  	[dreg:$0x4] =	wrdreg $0xC0  }
0xab: {  	_ =	task [dreg:s7], $0x5FFFF  }
0xac: {  	[dreg:$0x1] =	wrdreg $0xFFFFFFFF  }
0xad: {  	[dreg:$0x0] =	wrdreg $0x60  }
0xae: {  	[dreg:$0x2] =	wrdreg s24  }
0xaf: {  	[dreg:$0x3] =	wrdreg s2  }
0xb0: {  	[dreg:$0x4] =	wrdreg $0x9  }
0xb1: {  	_ =	task.clear_ibuf [dreg:s7], $0x5FFFF;
	_ =	strace $0x90000046  }
0xb2: {  	s29 =	simm.s32 $0x9;
	_ =	strace $0x80000048  }
0xb3: {  	_ =	swait.ge [sflag:s29], $0x1  }
0xb4: {  	[sflag:s29] =	ssyncadd.s32 $0xFFFFFFFF  }
0xb5: {  	_ =	strace $0x90000048  }
0xb6: {  	_ =	sfence  }
0xb7: {  	s30 =	sld [smem:$0x0];
	_ =	sdelay $0x2  }
0xb8: {  	s31 =	sshll.u32 s1, $0xD;
	s1 =	sshrl.u32 s1, $0x2  }
0xb9: {  	s3 =	sand.u32 $0x4000, s31;
	s1 =	sadd.s32 s1, s30  }
0xba: {  	s0 =	sor.u32 s3, s0;
	s1 =	sshll.u32 s1, $0x11  }
0xbb: {  	s0 =	sor.u32 s1, s0  }
0xbc: {  	s0 =	sadd.s32 $0x8F2B, s0  }
0xbd: {  	[sflag:s0] =	ssyncadd.remote.s32 $0x1  }
0xbe: {  	_ =	sfence.sel $0xFFFF  }
0xbf: {  	[dreg:$0x0] =	wrdreg $0xFFFFFFFF;
	(pc) =	sbr.abs _section_cstart, $3  }
0xc0: {  	[dreg:$0x1] =	wrdreg $0xFFFFFFFF  }
0xc1: {  	_ =	task.clear_ibuf [dreg:s7], $0x2FFFF;
	_ =	strace $0x9FFFFFFF  }
0xc2: {  	(tm) =	ssettm $0x7FFFFFFF  }
0xc3: {  	_ =	shalt  }
tec
execute0_lowered:
.L_overlay_start_1:
0x0: {  	(tag) =	ssettag $0x1  }
0x1: {  	s1 =	rddreg [dreg:$0x0];
	s2 =	srdreg.scid  }
0x2: {  	s0 =	stileid.u32;
	s4 =	rddreg [dreg:$0x1];
	s14 =	simm.s32 $0x3  }
0x3: {  	s15 =	simm.s32 $0x500;
	s16 =	simm.s32 $0x2800;
	s17 =	simm.s32 $0xC800  }
0x4: {  	s18 =	simm.s32 $0x1;
	s19 =	simm.s32 $0x16800;
	s20 =	simm.s32 $0xA00  }
0x5: {  	s21 =	simm.s32 $0x2;
	s22 =	simm.s32 $0xF00;
	s23 =	simm.s32 $0x1400  }
0x6: {  	s24 =	simm.s32 $0x1900;
	s25 =	simm.s32 $0x1E00;
	s26 =	simm.s32 $0x2300  }
0x7: {  	s3 =	sand.u32 $0x1, s2;
	s5 =	sshll.u32 s0, $0x1;
	s2 =	simm.s32 $0x0  }
0x8: {  	s28 =	simm.s32 $0x0;
	s5 =	sor.u32 s3, s5;
	[smem:$0x7FF] =	sst s2  }
0x9: {  	s7 =	ssub.s32 $0x2, s3;
	s3 =	sadd.s32 $0xF42A00, s1;
	s6 =	smul.u32 $0x500, s5  }
0xa: {  	_ =	strace $0x80000047;
	s5 =	sshll.u32 s5, $0xB;
	s31 =	sshrl.u32 s7, $0x1  }
0xb: {  	s4 =	sadd.s32 s4, s5;
	s6 =	sadd.s32 s6, s1;
	s1 =	ssub.s32 s7, s31  }
0xc: {  	s7 =	sadd.s32 $0x200, s4;
	s8 =	sadd.s32 $0x300, s4;
	s9 =	sadd.s32 $0x400, s4  }
0xd: {  	s10 =	sadd.s32 $0x500, s4;
	s11 =	sadd.s32 $0x600, s4;
	s12 =	sadd.s32 $0x700, s4  }
0xe: {  	s5 =	sadd.s32 $0x600, s6;
	s6 =	sadd.s32 $0x100, s4;
	s13 =	smax.u32 s1, $0x1  }
.LBB2_1:
0xf: {  	[tilespmem:s2], [sflag:$0x3] =	stream.linear.gather [hbm4b:s5+s2], $0x2800, $0x38;
	[tilespmem:$0x17000] =	vst v63  }
0x10: {  	_ =	swait.ge [sflag:s14], $0x2800  }
0x11: {  	[sflag:s14] =	ssyncset.done $0x0  }
0x12: {  	[sflag:s14] =	ssyncadd.s32 $0xFFFFD800  }
0x13: {  	[tilespmem:s16], [sflag:$0x1] =	stream.indirect.gather [hbm4b:s3+s15], $0x20, s2, s15, $0xb8;
	[tilespmem:$0x17000] =	vst v63  }
0x14: {  	_ = 	snop  }
0x15: {  	[tilespmem:s17], [sflag:$0x2] =	stream.indirect.gather [hbm4b:s3+s15], $0x20, s15, s15, $0xb8;
	[tilespmem:$0x17000] =	vst v63  }
0x16: {  	_ =	swait.ge [sflag:s18], $0xA000  }
0x17: {  	[sflag:s18] =	ssyncset.done $0x0  }
0x18: {  	s29 =	simm.s32 $0x2940;
	[sflag:s18] =	ssyncadd.s32 $0xFFFF6000  }
0x19: {  	v0 =	vld [tilespmem:s29+$0xFFFFFEC0]  }
0x1a: {  	v1 =	vld [tilespmem:s29+$0xFFFFFED0]  }
0x1b: {  	v2 =	vld [tilespmem:s29+$0xFFFFFEE0]  }
0x1c: {  	v3 =	vld [tilespmem:s29+$0xFFFFFEF0]  }
0x1d: {  	v4 =	vld [tilespmem:s29+$0xFFFFFF00]  }
0x1e: {  	v5 =	vld [tilespmem:s29+$0xFFFFFF10];
	v0 =	vadd.f32 $0.0e+00, v0  }
0x1f: {  	v6 =	vld [tilespmem:s29+$0xFFFFFF20]  }
0x20: {  	v7 =	vld [tilespmem:s29+$0xFFFFFF40];
	v1 =	vadd.f32 $0.0e+00, v1;
	v0 =	vadd.f32 v2, v0  }
0x21: {  	v2 =	vld [tilespmem:s29+$0xFFFFFF30]  }
0x22: {  	v44 =	vld [tilespmem:s29+$0xFFFFFF60];
	v1 =	vadd.f32 v3, v1;
	v0 =	vadd.f32 v4, v0  }
0x23: {  	v3 =	vld [tilespmem:s29+$0xFFFFFF50]  }
0x24: {  	v45 =	vld [tilespmem:s29+$0xFFFFFF70];
	v1 =	vadd.f32 v5, v1;
	v0 =	vadd.f32 v6, v0  }
0x25: {  	v46 =	vld [tilespmem:s29+$0xFFFFFF80]  }
0x26: {  	v47 =	vld [tilespmem:s29+$0xFFFFFFA0];
	v1 =	vadd.f32 v2, v1;
	v0 =	vadd.f32 v7, v0  }
0x27: {  	v2 =	vld [tilespmem:s29+$0xFFFFFF90]  }
0x28: {  	v48 =	vld [tilespmem:s29+$0xFFFFFFC0];
	v1 =	vadd.f32 v3, v1;
	v0 =	vadd.f32 v44, v0  }
0x29: {  	v3 =	vld [tilespmem:s29+$0xFFFFFFB0]  }
0x2a: {  	v49 =	vld [tilespmem:s29+$0xFFFFFFD0];
	v1 =	vadd.f32 v45, v1;
	v0 =	vadd.f32 v46, v0  }
0x2b: {  	v50 =	vld [tilespmem:s29+$0xFFFFFFE0]  }
0x2c: {  	v51 =	vld [tilespmem:s29+$0x0];
	v1 =	vadd.f32 v2, v1;
	v0 =	vadd.f32 v47, v0  }
0x2d: {  	v2 =	vld [tilespmem:s29+$0xFFFFFFF0]  }
0x2e: {  	v52 =	vld [tilespmem:s29+$0x20];
	v1 =	vadd.f32 v3, v1;
	v0 =	vadd.f32 v48, v0  }
0x2f: {  	v3 =	vld [tilespmem:s29+$0x10]  }
0x30: {  	v53 =	vld [tilespmem:s29+$0x30];
	v1 =	vadd.f32 v49, v1;
	v0 =	vadd.f32 v50, v0  }
0x31: {  	v54 =	vld [tilespmem:s29+$0x40]  }
0x32: {  	v55 =	vld [tilespmem:s29+$0x60];
	v1 =	vadd.f32 v2, v1;
	v0 =	vadd.f32 v51, v0  }
0x33: {  	v2 =	vld [tilespmem:s29+$0x50]  }
0x34: {  	v56 =	vld [tilespmem:s29+$0x80];
	v1 =	vadd.f32 v3, v1;
	v0 =	vadd.f32 v52, v0  }
0x35: {  	v3 =	vld [tilespmem:s29+$0x70]  }
0x36: {  	v57 =	vld [tilespmem:s29+$0x90];
	v1 =	vadd.f32 v53, v1;
	v0 =	vadd.f32 v54, v0  }
0x37: {  	v58 =	vld [tilespmem:s29+$0xA0]  }
0x38: {  	v59 =	vld [tilespmem:s29+$0xC0];
	v1 =	vadd.f32 v2, v1;
	v0 =	vadd.f32 v55, v0  }
0x39: {  	v2 =	vld [tilespmem:s29+$0xB0]  }
0x3a: {  	v60 =	vld [tilespmem:s29+$0xE0];
	v1 =	vadd.f32 v3, v1;
	v0 =	vadd.f32 v56, v0  }
0x3b: {  	v3 =	vld [tilespmem:s29+$0xD0]  }
0x3c: {  	v61 =	vld [tilespmem:s29+$0xF0];
	v1 =	vadd.f32 v57, v1;
	v0 =	vadd.f32 v58, v0  }
0x3d: {  	v62 =	vld [tilespmem:s29+$0x100]  }
0x3e: {  	v63 =	vld [tilespmem:s29+$0x120];
	v1 =	vadd.f32 v2, v1;
	v0 =	vadd.f32 v59, v0  }
0x3f: {  	v2 =	vld [tilespmem:s29+$0x110]  }
0x40: {  	v1 =	vadd.f32 v3, v1;
	v0 =	vadd.f32 v60, v0  }
0x41: {  	v3 =	vld [tilespmem:s29+$0x130]  }
0x42: {  	v1 =	vadd.f32 v61, v1;
	v0 =	vadd.f32 v62, v0;
	_ =	sdelay $0x1  }
0x43: {  	v1 =	vadd.f32 v2, v1;
	v0 =	vadd.f32 v63, v0;
	_ =	sdelay $0x1  }
0x44: {  	v1 =	vadd.f32 v3, v1;
	v2 =	vmul.f32 $5.000000070e-02, v0  }
0x45: {  	s1 =	simm.s32 $0x0  }
0x46: {  	s30 =	simm.s32 $0x80;
	v0 =	vmul.f32 $5.000000070e-02, v1;
	[tilespmem:s1+$0x16800] =	vst v2  }
.LBB2_2:
0x47: {  	p0 =	sne.s32 s30, $0x1F80  }
0x48: {  	[tilespmem:s1+$0x16810] =	vst v0;
	s29 =	sadd.s32 $0x280, s29;
	s31 =	smov.u32 s30;
	s30 =	sadd.s32 $0x80, s30  }
0x49: {  	v0 =	vld [tilespmem:s29+$0xFFFFFEC0]  }
0x4a: {  	v1 =	vld [tilespmem:s29+$0xFFFFFED0]  }
0x4b: {  	v2 =	vld [tilespmem:s29+$0xFFFFFEE0]  }
0x4c: {  	v3 =	vld [tilespmem:s29+$0xFFFFFEF0]  }
0x4d: {  	v4 =	vld [tilespmem:s29+$0xFFFFFF00]  }
0x4e: {  	v0 =	vadd.f32 $0.0e+00, v0;
	v5 =	vld [tilespmem:s29+$0xFFFFFF10]  }
0x4f: {  	v1 =	vadd.f32 $0.0e+00, v1;
	v6 =	vld [tilespmem:s29+$0xFFFFFF20]  }
0x50: {  	v0 =	vadd.f32 v2, v0;
	v2 =	vld [tilespmem:s29+$0xFFFFFF30]  }
0x51: {  	v1 =	vadd.f32 v3, v1;
	v3 =	vld [tilespmem:s29+$0xFFFFFF40]  }
0x52: {  	v0 =	vadd.f32 v4, v0;
	v4 =	vld [tilespmem:s29+$0xFFFFFF50]  }
0x53: {  	v1 =	vadd.f32 v5, v1;
	v5 =	vld [tilespmem:s29+$0xFFFFFF60]  }
0x54: {  	v0 =	vadd.f32 v6, v0;
	v6 =	vld [tilespmem:s29+$0xFFFFFF70]  }
0x55: {  	v1 =	vadd.f32 v2, v1;
	v2 =	vld [tilespmem:s29+$0xFFFFFF80]  }
0x56: {  	v0 =	vadd.f32 v3, v0;
	v3 =	vld [tilespmem:s29+$0xFFFFFF90]  }
0x57: {  	v1 =	vadd.f32 v4, v1;
	v4 =	vld [tilespmem:s29+$0xFFFFFFA0]  }
0x58: {  	v0 =	vadd.f32 v5, v0;
	v5 =	vld [tilespmem:s29+$0xFFFFFFB0]  }
0x59: {  	v1 =	vadd.f32 v6, v1;
	v6 =	vld [tilespmem:s29+$0xFFFFFFC0]  }
0x5a: {  	v0 =	vadd.f32 v2, v0;
	v2 =	vld [tilespmem:s29+$0xFFFFFFD0]  }
0x5b: {  	v1 =	vadd.f32 v3, v1;
	v3 =	vld [tilespmem:s29+$0xFFFFFFE0]  }
0x5c: {  	v0 =	vadd.f32 v4, v0;
	v4 =	vld [tilespmem:s29+$0xFFFFFFF0]  }
0x5d: {  	v1 =	vadd.f32 v5, v1;
	v5 =	vld [tilespmem:s29+$0x0]  }
0x5e: {  	v0 =	vadd.f32 v6, v0;
	v6 =	vld [tilespmem:s29+$0x10]  }
0x5f: {  	v1 =	vadd.f32 v2, v1;
	v2 =	vld [tilespmem:s29+$0x20]  }
0x60: {  	v0 =	vadd.f32 v3, v0;
	v3 =	vld [tilespmem:s29+$0x30]  }
0x61: {  	v1 =	vadd.f32 v4, v1;
	v4 =	vld [tilespmem:s29+$0x40]  }
0x62: {  	v0 =	vadd.f32 v5, v0;
	v5 =	vld [tilespmem:s29+$0x50]  }
0x63: {  	v1 =	vadd.f32 v6, v1;
	v6 =	vld [tilespmem:s29+$0x60]  }
0x64: {  	v0 =	vadd.f32 v2, v0;
	v2 =	vld [tilespmem:s29+$0x70]  }
0x65: {  	v1 =	vadd.f32 v3, v1;
	v3 =	vld [tilespmem:s29+$0x80]  }
0x66: {  	v0 =	vadd.f32 v4, v0;
	v4 =	vld [tilespmem:s29+$0x90]  }
0x67: {  	v1 =	vadd.f32 v5, v1;
	v5 =	vld [tilespmem:s29+$0xA0]  }
0x68: {  	v0 =	vadd.f32 v6, v0;
	v6 =	vld [tilespmem:s29+$0xB0]  }
0x69: {  	v1 =	vadd.f32 v2, v1;
	v2 =	vld [tilespmem:s29+$0xC0]  }
0x6a: {  	v0 =	vadd.f32 v3, v0;
	v3 =	vld [tilespmem:s29+$0xD0]  }
0x6b: {  	v1 =	vadd.f32 v4, v1;
	v4 =	vld [tilespmem:s29+$0xE0]  }
0x6c: {  	v0 =	vadd.f32 v5, v0;
	v5 =	vld [tilespmem:s29+$0xF0]  }
0x6d: {  	v1 =	vadd.f32 v6, v1;
	v6 =	vld [tilespmem:s29+$0x100]  }
0x6e: {  	v0 =	vadd.f32 v2, v0;
	v2 =	vld [tilespmem:s29+$0x110]  }
0x6f: {  	v1 =	vadd.f32 v3, v1;
	v3 =	vld [tilespmem:s29+$0x120]  }
0x70: {  	v0 =	vadd.f32 v4, v0;
	v4 =	vld [tilespmem:s29+$0x130]  }
0x71: {  	v1 =	vadd.f32 v5, v1  }
0x72: {  	v0 =	vadd.f32 v6, v0  }
0x73: {  	v1 =	vadd.f32 v2, v1  }
.Ltmp0:
0x74: {  	v0 =	vadd.f32 v3, v0;
	(pc) =	sbr.rel @p0 .LBB2_2-.Ltmp0, $4  }
0x75: {  	v1 =	vadd.f32 v4, v1  }
0x76: {  	v2 =	vmul.f32 $5.000000070e-02, v0  }
0x77: {  	s1 =	sshra.s32 s31, $0x2;
	v0 =	vmul.f32 $5.000000070e-02, v1  }
0x78: {  	[tilespmem:s1+$0x16800] =	vst v2  }
0x79: {  	[tilespmem:s1+$0x16810] =	vst v0;
	s1 =	simm.s32 $0x0  }
0x7a: {  	[hbm4b:s4+s1] =	stream.linear.scatter [tilespmem:s19], [sflag:$0x3], $0x800, $0x38;
	[tilespmem:$0x17000] =	vst v63  }
0x7b: {  	_ =	swait.ge [sflag:s14], $0x800  }
0x7c: {  	[sflag:s14] =	ssyncset.done $0x0  }
0x7d: {  	[sflag:s14] =	ssyncadd.s32 $0xFFFFF800  }
0x7e: {  	[tilespmem:s16], [sflag:$0x1] =	stream.indirect.gather [hbm4b:s3+s15], $0x20, s20, s15, $0xb8;
	[tilespmem:$0x17000] =	vst v63  }
0x7f: {  	_ =	swait.ge [sflag:s21], $0xA000  }
0x80: {  	[sflag:s21] =	ssyncset.done $0x0  }
0x81: {  	s1 =	simm.s32 $0x0;
	[sflag:s21] =	ssyncadd.s32 $0xFFFF6000  }
0x82: {  	v0 =	vld [tilespmem:s1+$0xC800]  }
0x83: {  	v1 =	vld [tilespmem:s1+$0xC810]  }
0x84: {  	v2 =	vld [tilespmem:s1+$0xC820]  }
0x85: {  	v3 =	vld [tilespmem:s1+$0xC830]  }
0x86: {  	v4 =	vld [tilespmem:s1+$0xC840]  }
0x87: {  	v5 =	vld [tilespmem:s1+$0xC850];
	v0 =	vadd.f32 $0.0e+00, v0  }
0x88: {  	v6 =	vld [tilespmem:s1+$0xC860]  }
0x89: {  	v7 =	vld [tilespmem:s1+$0xC870];
	v1 =	vadd.f32 $0.0e+00, v1;
	v0 =	vadd.f32 v2, v0  }
0x8a: {  	v2 =	vld [tilespmem:s1+$0xC880]  }
0x8b: {  	v44 =	vld [tilespmem:s1+$0xC8A0];
	v1 =	vadd.f32 v3, v1;
	v0 =	vadd.f32 v4, v0  }
0x8c: {  	v3 =	vld [tilespmem:s1+$0xC890]  }
0x8d: {  	v45 =	vld [tilespmem:s1+$0xC8B0];
	v1 =	vadd.f32 v5, v1;
	v0 =	vadd.f32 v6, v0  }
0x8e: {  	v46 =	vld [tilespmem:s1+$0xC8C0]  }
0x8f: {  	v47 =	vld [tilespmem:s1+$0xC8D0];
	v1 =	vadd.f32 v7, v1;
	v0 =	vadd.f32 v2, v0  }
0x90: {  	v2 =	vld [tilespmem:s1+$0xC8E0]  }
0x91: {  	v48 =	vld [tilespmem:s1+$0xC900];
	v1 =	vadd.f32 v3, v1;
	v0 =	vadd.f32 v44, v0  }
0x92: {  	v3 =	vld [tilespmem:s1+$0xC8F0]  }
0x93: {  	v49 =	vld [tilespmem:s1+$0xC910];
	v1 =	vadd.f32 v45, v1;
	v0 =	vadd.f32 v46, v0  }
0x94: {  	v50 =	vld [tilespmem:s1+$0xC920]  }
0x95: {  	v51 =	vld [tilespmem:s1+$0xC930];
	v1 =	vadd.f32 v47, v1;
	v0 =	vadd.f32 v2, v0  }
0x96: {  	v2 =	vld [tilespmem:s1+$0xC940]  }
0x97: {  	v52 =	vld [tilespmem:s1+$0xC960];
	v1 =	vadd.f32 v3, v1;
	v0 =	vadd.f32 v48, v0  }
0x98: {  	v3 =	vld [tilespmem:s1+$0xC950]  }
0x99: {  	v53 =	vld [tilespmem:s1+$0xC970];
	v1 =	vadd.f32 v49, v1;
	v0 =	vadd.f32 v50, v0  }
0x9a: {  	v54 =	vld [tilespmem:s1+$0xC980]  }
0x9b: {  	v55 =	vld [tilespmem:s1+$0xC990];
	v1 =	vadd.f32 v51, v1;
	v0 =	vadd.f32 v2, v0  }
0x9c: {  	v2 =	vld [tilespmem:s1+$0xC9A0]  }
0x9d: {  	v56 =	vld [tilespmem:s1+$0xC9C0];
	v1 =	vadd.f32 v3, v1;
	v0 =	vadd.f32 v52, v0  }
0x9e: {  	v3 =	vld [tilespmem:s1+$0xC9B0]  }
0x9f: {  	v57 =	vld [tilespmem:s1+$0xC9D0];
	v1 =	vadd.f32 v53, v1;
	v0 =	vadd.f32 v54, v0  }
0xa0: {  	v58 =	vld [tilespmem:s1+$0xC9E0]  }
0xa1: {  	v59 =	vld [tilespmem:s1+$0xC9F0];
	v1 =	vadd.f32 v55, v1;
	v0 =	vadd.f32 v2, v0  }
0xa2: {  	v2 =	vld [tilespmem:s1+$0xCA00]  }
0xa3: {  	v60 =	vld [tilespmem:s1+$0xCA20];
	v1 =	vadd.f32 v3, v1;
	v0 =	vadd.f32 v56, v0  }
0xa4: {  	v3 =	vld [tilespmem:s1+$0xCA10]  }
0xa5: {  	v61 =	vld [tilespmem:s1+$0xCA30];
	v1 =	vadd.f32 v57, v1;
	v0 =	vadd.f32 v58, v0  }
0xa6: {  	v62 =	vld [tilespmem:s1+$0xCA40]  }
0xa7: {  	v63 =	vld [tilespmem:s1+$0xCA50];
	v1 =	vadd.f32 v59, v1;
	v0 =	vadd.f32 v2, v0  }
0xa8: {  	v2 =	vld [tilespmem:s1+$0xCA60]  }
0xa9: {  	v1 =	vadd.f32 v3, v1;
	v0 =	vadd.f32 v60, v0  }
0xaa: {  	v3 =	vld [tilespmem:s1+$0xCA70]  }
0xab: {  	v1 =	vadd.f32 v61, v1;
	v0 =	vadd.f32 v62, v0;
	_ =	sdelay $0x1  }
0xac: {  	v1 =	vadd.f32 v63, v1;
	v0 =	vadd.f32 v2, v0;
	_ =	sdelay $0x1  }
0xad: {  	s29 =	simm.s32 $0x16810;
	s30 =	simm.s32 $0xA00;
	s31 =	simm.s32 $0x16810;
	v1 =	vadd.f32 v3, v1;
	v0 =	vmul.f32 $5.000000070e-02, v0  }
.LBB2_4:
0xae: {  	p0 =	sne.s32 s30, $0x27600  }
0xaf: {  	v1 =	vmul.f32 $5.000000070e-02, v1;
	s29 =	sadd.s32 $0x20, s29;
	s1 =	smov.u32 s30;
	s30 =	sadd.s32 $0xA00, s30  }
0xb0: {  	[tilespmem:s31+$0xFFFFFFF0] =	vst v0  }
0xb1: {  	s1 =	sshra.s32 s1, $0x2;
	[tilespmem:s31+$0x0] =	vst v1;
	s31 =	smov.u32 s29  }
0xb2: {  	v0 =	vld [tilespmem:s1+$0xC830]  }
0xb3: {  	v1 =	vld [tilespmem:s1+$0xC800]  }
0xb4: {  	v2 =	vld [tilespmem:s1+$0xC810]  }
0xb5: {  	v3 =	vld [tilespmem:s1+$0xC820]  }
0xb6: {  	v4 =	vld [tilespmem:s1+$0xC850]  }
0xb7: {  	v5 =	vld [tilespmem:s1+$0xC840]  }
0xb8: {  	v1 =	vadd.f32 $0.0e+00, v1;
	v6 =	vld [tilespmem:s1+$0xC870]  }
0xb9: {  	v2 =	vadd.f32 $0.0e+00, v2;
	v7 =	vld [tilespmem:s1+$0xC860]  }
0xba: {  	v1 =	vadd.f32 v3, v1;
	v3 =	vld [tilespmem:s1+$0xC890]  }
0xbb: {  	v0 =	vadd.f32 v0, v2;
	v2 =	vld [tilespmem:s1+$0xC880]  }
0xbc: {  	v1 =	vadd.f32 v5, v1;
	v5 =	vld [tilespmem:s1+$0xC8B0]  }
0xbd: {  	v0 =	vadd.f32 v4, v0;
	v4 =	vld [tilespmem:s1+$0xC8A0]  }
0xbe: {  	v1 =	vadd.f32 v7, v1;
	v7 =	vld [tilespmem:s1+$0xC8D0]  }
0xbf: {  	v0 =	vadd.f32 v6, v0;
	v6 =	vld [tilespmem:s1+$0xC8C0]  }
0xc0: {  	v1 =	vadd.f32 v2, v1;
	v2 =	vld [tilespmem:s1+$0xC8F0]  }
0xc1: {  	v0 =	vadd.f32 v3, v0;
	v3 =	vld [tilespmem:s1+$0xC8E0]  }
0xc2: {  	v1 =	vadd.f32 v4, v1;
	v4 =	vld [tilespmem:s1+$0xC910]  }
0xc3: {  	v0 =	vadd.f32 v5, v0;
	v5 =	vld [tilespmem:s1+$0xC900]  }
0xc4: {  	v1 =	vadd.f32 v6, v1;
	v6 =	vld [tilespmem:s1+$0xC930]  }
0xc5: {  	v0 =	vadd.f32 v7, v0;
	v7 =	vld [tilespmem:s1+$0xC920]  }
0xc6: {  	v1 =	vadd.f32 v3, v1;
	v3 =	vld [tilespmem:s1+$0xC950]  }
0xc7: {  	v0 =	vadd.f32 v2, v0;
	v2 =	vld [tilespmem:s1+$0xC940]  }
0xc8: {  	v1 =	vadd.f32 v5, v1;
	v5 =	vld [tilespmem:s1+$0xC970]  }
0xc9: {  	v0 =	vadd.f32 v4, v0;
	v4 =	vld [tilespmem:s1+$0xC960]  }
0xca: {  	v1 =	vadd.f32 v7, v1;
	v7 =	vld [tilespmem:s1+$0xC990]  }
0xcb: {  	v0 =	vadd.f32 v6, v0;
	v6 =	vld [tilespmem:s1+$0xC980]  }
0xcc: {  	v1 =	vadd.f32 v2, v1;
	v2 =	vld [tilespmem:s1+$0xC9B0]  }
0xcd: {  	v0 =	vadd.f32 v3, v0;
	v3 =	vld [tilespmem:s1+$0xC9A0]  }
0xce: {  	v1 =	vadd.f32 v4, v1;
	v4 =	vld [tilespmem:s1+$0xC9D0]  }
0xcf: {  	v0 =	vadd.f32 v5, v0;
	v5 =	vld [tilespmem:s1+$0xC9C0]  }
0xd0: {  	v1 =	vadd.f32 v6, v1;
	v6 =	vld [tilespmem:s1+$0xC9F0]  }
0xd1: {  	v0 =	vadd.f32 v7, v0;
	v7 =	vld [tilespmem:s1+$0xC9E0]  }
0xd2: {  	v1 =	vadd.f32 v3, v1;
	v3 =	vld [tilespmem:s1+$0xCA10]  }
0xd3: {  	v0 =	vadd.f32 v2, v0;
	v2 =	vld [tilespmem:s1+$0xCA00]  }
0xd4: {  	v1 =	vadd.f32 v5, v1;
	v5 =	vld [tilespmem:s1+$0xCA30]  }
0xd5: {  	v0 =	vadd.f32 v4, v0;
	v4 =	vld [tilespmem:s1+$0xCA20]  }
0xd6: {  	v1 =	vadd.f32 v7, v1;
	v7 =	vld [tilespmem:s1+$0xCA50]  }
0xd7: {  	v0 =	vadd.f32 v6, v0;
	v6 =	vld [tilespmem:s1+$0xCA40]  }
0xd8: {  	v1 =	vadd.f32 v2, v1;
	v2 =	vld [tilespmem:s1+$0xCA70]  }
0xd9: {  	v0 =	vadd.f32 v3, v0;
	v3 =	vld [tilespmem:s1+$0xCA60]  }
0xda: {  	v1 =	vadd.f32 v4, v1  }
0xdb: {  	v0 =	vadd.f32 v5, v0  }
.Ltmp1:
0xdc: {  	v1 =	vadd.f32 v6, v1;
	(pc) =	sbr.rel @p0 .LBB2_4-.Ltmp1, $4  }
0xdd: {  	v0 =	vadd.f32 v7, v0  }
0xde: {  	v3 =	vadd.f32 v3, v1  }
0xdf: {  	v1 =	vadd.f32 v2, v0  }
0xe0: {  	v0 =	vmul.f32 $5.000000070e-02, v3  }
0xe1: {  	v1 =	vmul.f32 $5.000000070e-02, v1  }
0xe2: {  	[tilespmem:s31+$0xFFFFFFF0] =	vst v0  }
0xe3: {  	s1 =	simm.s32 $0x0;
	[tilespmem:s31+$0x0] =	vst v1  }
0xe4: {  	[hbm4b:s6+s1] =	stream.linear.scatter [tilespmem:s19], [sflag:$0x3], $0x800, $0x38;
	[tilespmem:$0x17000] =	vst v63  }
0xe5: {  	_ =	swait.ge [sflag:s14], $0x800  }
0xe6: {  	[sflag:s14] =	ssyncset.done $0x0  }
0xe7: {  	[sflag:s14] =	ssyncadd.s32 $0xFFFFF800  }
0xe8: {  	[tilespmem:s17], [sflag:$0x2] =	stream.indirect.gather [hbm4b:s3+s15], $0x20, s22, s15, $0xb8;
	[tilespmem:$0x17000] =	vst v63  }
0xe9: {  	_ =	swait.ge [sflag:s18], $0xA000  }
0xea: {  	[sflag:s18] =	ssyncset.done $0x0  }
0xeb: {  	s29 =	simm.s32 $0x2940;
	[sflag:s18] =	ssyncadd.s32 $0xFFFF6000  }
0xec: {  	v0 =	vld [tilespmem:s29+$0xFFFFFEC0]  }
0xed: {  	v1 =	vld [tilespmem:s29+$0xFFFFFED0]  }
0xee: {  	v2 =	vld [tilespmem:s29+$0xFFFFFEE0]  }
0xef: {  	v3 =	vld [tilespmem:s29+$0xFFFFFEF0]  }
0xf0: {  	v4 =	vld [tilespmem:s29+$0xFFFFFF00]  }
0xf1: {  	v5 =	vld [tilespmem:s29+$0xFFFFFF10];
	v0 =	vadd.f32 $0.0e+00, v0  }
0xf2: {  	v6 =	vld [tilespmem:s29+$0xFFFFFF20]  }
0xf3: {  	v7 =	vld [tilespmem:s29+$0xFFFFFF40];
	v1 =	vadd.f32 $0.0e+00, v1;
	v0 =	vadd.f32 v2, v0  }
0xf4: {  	v2 =	vld [tilespmem:s29+$0xFFFFFF30]  }
0xf5: {  	v44 =	vld [tilespmem:s29+$0xFFFFFF60];
	v1 =	vadd.f32 v3, v1;
	v0 =	vadd.f32 v4, v0  }
0xf6: {  	v3 =	vld [tilespmem:s29+$0xFFFFFF50]  }
0xf7: {  	v45 =	vld [tilespmem:s29+$0xFFFFFF70];
	v1 =	vadd.f32 v5, v1;
	v0 =	vadd.f32 v6, v0  }
0xf8: {  	v46 =	vld [tilespmem:s29+$0xFFFFFF80]  }
0xf9: {  	v47 =	vld [tilespmem:s29+$0xFFFFFFA0];
	v1 =	vadd.f32 v2, v1;
	v0 =	vadd.f32 v7, v0  }
0xfa: {  	v2 =	vld [tilespmem:s29+$0xFFFFFF90]  }
0xfb: {  	v48 =	vld [tilespmem:s29+$0xFFFFFFC0];
	v1 =	vadd.f32 v3, v1;
	v0 =	vadd.f32 v44, v0  }
0xfc: {  	v3 =	vld [tilespmem:s29+$0xFFFFFFB0]  }
0xfd: {  	v49 =	vld [tilespmem:s29+$0xFFFFFFD0];
	v1 =	vadd.f32 v45, v1;
	v0 =	vadd.f32 v46, v0  }
0xfe: {  	v50 =	vld [tilespmem:s29+$0xFFFFFFE0]  }
0xff: {  	v51 =	vld [tilespmem:s29+$0x0];
	v1 =	vadd.f32 v2, v1;
	v0 =	vadd.f32 v47, v0  }
0x100: {  	v2 =	vld [tilespmem:s29+$0xFFFFFFF0]  }
0x101: {  	v52 =	vld [tilespmem:s29+$0x20];
	v1 =	vadd.f32 v3, v1;
	v0 =	vadd.f32 v48, v0  }
0x102: {  	v3 =	vld [tilespmem:s29+$0x10]  }
0x103: {  	v53 =	vld [tilespmem:s29+$0x30];
	v1 =	vadd.f32 v49, v1;
	v0 =	vadd.f32 v50, v0  }
0x104: {  	v54 =	vld [tilespmem:s29+$0x40]  }
0x105: {  	v55 =	vld [tilespmem:s29+$0x60];
	v1 =	vadd.f32 v2, v1;
	v0 =	vadd.f32 v51, v0  }
0x106: {  	v2 =	vld [tilespmem:s29+$0x50]  }
0x107: {  	v56 =	vld [tilespmem:s29+$0x80];
	v1 =	vadd.f32 v3, v1;
	v0 =	vadd.f32 v52, v0  }
0x108: {  	v3 =	vld [tilespmem:s29+$0x70]  }
0x109: {  	v57 =	vld [tilespmem:s29+$0x90];
	v1 =	vadd.f32 v53, v1;
	v0 =	vadd.f32 v54, v0  }
0x10a: {  	v58 =	vld [tilespmem:s29+$0xA0]  }
0x10b: {  	v59 =	vld [tilespmem:s29+$0xC0];
	v1 =	vadd.f32 v2, v1;
	v0 =	vadd.f32 v55, v0  }
0x10c: {  	v2 =	vld [tilespmem:s29+$0xB0]  }
0x10d: {  	v60 =	vld [tilespmem:s29+$0xE0];
	v1 =	vadd.f32 v3, v1;
	v0 =	vadd.f32 v56, v0  }
0x10e: {  	v3 =	vld [tilespmem:s29+$0xD0]  }
0x10f: {  	v61 =	vld [tilespmem:s29+$0xF0];
	v1 =	vadd.f32 v57, v1;
	v0 =	vadd.f32 v58, v0  }
0x110: {  	v62 =	vld [tilespmem:s29+$0x100]  }
0x111: {  	v63 =	vld [tilespmem:s29+$0x120];
	v1 =	vadd.f32 v2, v1;
	v0 =	vadd.f32 v59, v0  }
0x112: {  	v2 =	vld [tilespmem:s29+$0x110]  }
0x113: {  	v1 =	vadd.f32 v3, v1;
	v0 =	vadd.f32 v60, v0  }
0x114: {  	v3 =	vld [tilespmem:s29+$0x130]  }
0x115: {  	v1 =	vadd.f32 v61, v1;
	v0 =	vadd.f32 v62, v0;
	_ =	sdelay $0x1  }
0x116: {  	v1 =	vadd.f32 v2, v1;
	v0 =	vadd.f32 v63, v0;
	_ =	sdelay $0x1  }
0x117: {  	v1 =	vadd.f32 v3, v1;
	v2 =	vmul.f32 $5.000000070e-02, v0  }
0x118: {  	s1 =	simm.s32 $0x0  }
0x119: {  	s30 =	simm.s32 $0x80;
	v0 =	vmul.f32 $5.000000070e-02, v1;
	[tilespmem:s1+$0x16800] =	vst v2  }
.LBB2_6:
0x11a: {  	p0 =	sne.s32 s30, $0x1F80  }
0x11b: {  	[tilespmem:s1+$0x16810] =	vst v0;
	s29 =	sadd.s32 $0x280, s29;
	s31 =	smov.u32 s30;
	s30 =	sadd.s32 $0x80, s30  }
0x11c: {  	v0 =	vld [tilespmem:s29+$0xFFFFFEC0]  }
0x11d: {  	v1 =	vld [tilespmem:s29+$0xFFFFFED0]  }
0x11e: {  	v2 =	vld [tilespmem:s29+$0xFFFFFEE0]  }
0x11f: {  	v3 =	vld [tilespmem:s29+$0xFFFFFEF0]  }
0x120: {  	v4 =	vld [tilespmem:s29+$0xFFFFFF00]  }
0x121: {  	v0 =	vadd.f32 $0.0e+00, v0;
	v5 =	vld [tilespmem:s29+$0xFFFFFF10]  }
0x122: {  	v1 =	vadd.f32 $0.0e+00, v1;
	v6 =	vld [tilespmem:s29+$0xFFFFFF20]  }
0x123: {  	v0 =	vadd.f32 v2, v0;
	v2 =	vld [tilespmem:s29+$0xFFFFFF30]  }
0x124: {  	v1 =	vadd.f32 v3, v1;
	v3 =	vld [tilespmem:s29+$0xFFFFFF40]  }
0x125: {  	v0 =	vadd.f32 v4, v0;
	v4 =	vld [tilespmem:s29+$0xFFFFFF50]  }
0x126: {  	v1 =	vadd.f32 v5, v1;
	v5 =	vld [tilespmem:s29+$0xFFFFFF60]  }
0x127: {  	v0 =	vadd.f32 v6, v0;
	v6 =	vld [tilespmem:s29+$0xFFFFFF70]  }
0x128: {  	v1 =	vadd.f32 v2, v1;
	v2 =	vld [tilespmem:s29+$0xFFFFFF80]  }
0x129: {  	v0 =	vadd.f32 v3, v0;
	v3 =	vld [tilespmem:s29+$0xFFFFFF90]  }
0x12a: {  	v1 =	vadd.f32 v4, v1;
	v4 =	vld [tilespmem:s29+$0xFFFFFFA0]  }
0x12b: {  	v0 =	vadd.f32 v5, v0;
	v5 =	vld [tilespmem:s29+$0xFFFFFFB0]  }
0x12c: {  	v1 =	vadd.f32 v6, v1;
	v6 =	vld [tilespmem:s29+$0xFFFFFFC0]  }
0x12d: {  	v0 =	vadd.f32 v2, v0;
	v2 =	vld [tilespmem:s29+$0xFFFFFFD0]  }
0x12e: {  	v1 =	vadd.f32 v3, v1;
	v3 =	vld [tilespmem:s29+$0xFFFFFFE0]  }
0x12f: {  	v0 =	vadd.f32 v4, v0;
	v4 =	vld [tilespmem:s29+$0xFFFFFFF0]  }
0x130: {  	v1 =	vadd.f32 v5, v1;
	v5 =	vld [tilespmem:s29+$0x0]  }
0x131: {  	v0 =	vadd.f32 v6, v0;
	v6 =	vld [tilespmem:s29+$0x10]  }
0x132: {  	v1 =	vadd.f32 v2, v1;
	v2 =	vld [tilespmem:s29+$0x20]  }
0x133: {  	v0 =	vadd.f32 v3, v0;
	v3 =	vld [tilespmem:s29+$0x30]  }
0x134: {  	v1 =	vadd.f32 v4, v1;
	v4 =	vld [tilespmem:s29+$0x40]  }
0x135: {  	v0 =	vadd.f32 v5, v0;
	v5 =	vld [tilespmem:s29+$0x50]  }
0x136: {  	v1 =	vadd.f32 v6, v1;
	v6 =	vld [tilespmem:s29+$0x60]  }
0x137: {  	v0 =	vadd.f32 v2, v0;
	v2 =	vld [tilespmem:s29+$0x70]  }
0x138: {  	v1 =	vadd.f32 v3, v1;
	v3 =	vld [tilespmem:s29+$0x80]  }
0x139: {  	v0 =	vadd.f32 v4, v0;
	v4 =	vld [tilespmem:s29+$0x90]  }
0x13a: {  	v1 =	vadd.f32 v5, v1;
	v5 =	vld [tilespmem:s29+$0xA0]  }
0x13b: {  	v0 =	vadd.f32 v6, v0;
	v6 =	vld [tilespmem:s29+$0xB0]  }
0x13c: {  	v1 =	vadd.f32 v2, v1;
	v2 =	vld [tilespmem:s29+$0xC0]  }
0x13d: {  	v0 =	vadd.f32 v3, v0;
	v3 =	vld [tilespmem:s29+$0xD0]  }
0x13e: {  	v1 =	vadd.f32 v4, v1;
	v4 =	vld [tilespmem:s29+$0xE0]  }
0x13f: {  	v0 =	vadd.f32 v5, v0;
	v5 =	vld [tilespmem:s29+$0xF0]  }
0x140: {  	v1 =	vadd.f32 v6, v1;
	v6 =	vld [tilespmem:s29+$0x100]  }
0x141: {  	v0 =	vadd.f32 v2, v0;
	v2 =	vld [tilespmem:s29+$0x110]  }
0x142: {  	v1 =	vadd.f32 v3, v1;
	v3 =	vld [tilespmem:s29+$0x120]  }
0x143: {  	v0 =	vadd.f32 v4, v0;
	v4 =	vld [tilespmem:s29+$0x130]  }
0x144: {  	v1 =	vadd.f32 v5, v1  }
0x145: {  	v0 =	vadd.f32 v6, v0  }
0x146: {  	v1 =	vadd.f32 v2, v1  }
.Ltmp2:
0x147: {  	v0 =	vadd.f32 v3, v0;
	(pc) =	sbr.rel @p0 .LBB2_6-.Ltmp2, $4  }
0x148: {  	v1 =	vadd.f32 v4, v1  }
0x149: {  	v2 =	vmul.f32 $5.000000070e-02, v0  }
0x14a: {  	s1 =	sshra.s32 s31, $0x2;
	v0 =	vmul.f32 $5.000000070e-02, v1  }
0x14b: {  	[tilespmem:s1+$0x16800] =	vst v2  }
0x14c: {  	[tilespmem:s1+$0x16810] =	vst v0;
	s1 =	simm.s32 $0x0  }
0x14d: {  	[hbm4b:s7+s1] =	stream.linear.scatter [tilespmem:s19], [sflag:$0x3], $0x800, $0x38;
	[tilespmem:$0x17000] =	vst v63  }
0x14e: {  	_ =	swait.ge [sflag:s14], $0x800  }
0x14f: {  	[sflag:s14] =	ssyncset.done $0x0  }
0x150: {  	[sflag:s14] =	ssyncadd.s32 $0xFFFFF800  }
0x151: {  	[tilespmem:s16], [sflag:$0x1] =	stream.indirect.gather [hbm4b:s3+s15], $0x20, s23, s15, $0xb8;
	[tilespmem:$0x17000] =	vst v63  }
0x152: {  	_ =	swait.ge [sflag:s21], $0xA000  }
0x153: {  	[sflag:s21] =	ssyncset.done $0x0  }
0x154: {  	s1 =	simm.s32 $0x0;
	[sflag:s21] =	ssyncadd.s32 $0xFFFF6000  }
0x155: {  	v0 =	vld [tilespmem:s1+$0xC800]  }
0x156: {  	v1 =	vld [tilespmem:s1+$0xC810]  }
0x157: {  	v2 =	vld [tilespmem:s1+$0xC820]  }
0x158: {  	v3 =	vld [tilespmem:s1+$0xC830]  }
0x159: {  	v4 =	vld [tilespmem:s1+$0xC840]  }
0x15a: {  	v5 =	vld [tilespmem:s1+$0xC850];
	v0 =	vadd.f32 $0.0e+00, v0  }
0x15b: {  	v6 =	vld [tilespmem:s1+$0xC860]  }
0x15c: {  	v7 =	vld [tilespmem:s1+$0xC870];
	v1 =	vadd.f32 $0.0e+00, v1;
	v0 =	vadd.f32 v2, v0  }
0x15d: {  	v2 =	vld [tilespmem:s1+$0xC880]  }
0x15e: {  	v44 =	vld [tilespmem:s1+$0xC8A0];
	v1 =	vadd.f32 v3, v1;
	v0 =	vadd.f32 v4, v0  }
0x15f: {  	v3 =	vld [tilespmem:s1+$0xC890]  }
0x160: {  	v45 =	vld [tilespmem:s1+$0xC8B0];
	v1 =	vadd.f32 v5, v1;
	v0 =	vadd.f32 v6, v0  }
0x161: {  	v46 =	vld [tilespmem:s1+$0xC8C0]  }
0x162: {  	v47 =	vld [tilespmem:s1+$0xC8D0];
	v1 =	vadd.f32 v7, v1;
	v0 =	vadd.f32 v2, v0  }
0x163: {  	v2 =	vld [tilespmem:s1+$0xC8E0]  }
0x164: {  	v48 =	vld [tilespmem:s1+$0xC900];
	v1 =	vadd.f32 v3, v1;
	v0 =	vadd.f32 v44, v0  }
0x165: {  	v3 =	vld [tilespmem:s1+$0xC8F0]  }
0x166: {  	v49 =	vld [tilespmem:s1+$0xC910];
	v1 =	vadd.f32 v45, v1;
	v0 =	vadd.f32 v46, v0  }
0x167: {  	v50 =	vld [tilespmem:s1+$0xC920]  }
0x168: {  	v51 =	vld [tilespmem:s1+$0xC930];
	v1 =	vadd.f32 v47, v1;
	v0 =	vadd.f32 v2, v0  }
0x169: {  	v2 =	vld [tilespmem:s1+$0xC940]  }
0x16a: {  	v52 =	vld [tilespmem:s1+$0xC960];
	v1 =	vadd.f32 v3, v1;
	v0 =	vadd.f32 v48, v0  }
0x16b: {  	v3 =	vld [tilespmem:s1+$0xC950]  }
0x16c: {  	v53 =	vld [tilespmem:s1+$0xC970];
	v1 =	vadd.f32 v49, v1;
	v0 =	vadd.f32 v50, v0  }
0x16d: {  	v54 =	vld [tilespmem:s1+$0xC980]  }
0x16e: {  	v55 =	vld [tilespmem:s1+$0xC990];
	v1 =	vadd.f32 v51, v1;
	v0 =	vadd.f32 v2, v0  }
0x16f: {  	v2 =	vld [tilespmem:s1+$0xC9A0]  }
0x170: {  	v56 =	vld [tilespmem:s1+$0xC9C0];
	v1 =	vadd.f32 v3, v1;
	v0 =	vadd.f32 v52, v0  }
0x171: {  	v3 =	vld [tilespmem:s1+$0xC9B0]  }
0x172: {  	v57 =	vld [tilespmem:s1+$0xC9D0];
	v1 =	vadd.f32 v53, v1;
	v0 =	vadd.f32 v54, v0  }
0x173: {  	v58 =	vld [tilespmem:s1+$0xC9E0]  }
0x174: {  	v59 =	vld [tilespmem:s1+$0xC9F0];
	v1 =	vadd.f32 v55, v1;
	v0 =	vadd.f32 v2, v0  }
0x175: {  	v2 =	vld [tilespmem:s1+$0xCA00]  }
0x176: {  	v60 =	vld [tilespmem:s1+$0xCA20];
	v1 =	vadd.f32 v3, v1;
	v0 =	vadd.f32 v56, v0  }
0x177: {  	v3 =	vld [tilespmem:s1+$0xCA10]  }
0x178: {  	v61 =	vld [tilespmem:s1+$0xCA30];
	v1 =	vadd.f32 v57, v1;
	v0 =	vadd.f32 v58, v0  }
0x179: {  	v62 =	vld [tilespmem:s1+$0xCA40]  }
0x17a: {  	v63 =	vld [tilespmem:s1+$0xCA50];
	v1 =	vadd.f32 v59, v1;
	v0 =	vadd.f32 v2, v0  }
0x17b: {  	v2 =	vld [tilespmem:s1+$0xCA60]  }
0x17c: {  	v1 =	vadd.f32 v3, v1;
	v0 =	vadd.f32 v60, v0  }
0x17d: {  	v3 =	vld [tilespmem:s1+$0xCA70]  }
0x17e: {  	v1 =	vadd.f32 v61, v1;
	v0 =	vadd.f32 v62, v0;
	_ =	sdelay $0x1  }
0x17f: {  	v1 =	vadd.f32 v63, v1;
	v0 =	vadd.f32 v2, v0;
	_ =	sdelay $0x1  }
0x180: {  	s29 =	simm.s32 $0x16810;
	s30 =	simm.s32 $0xA00;
	s31 =	simm.s32 $0x16810;
	v1 =	vadd.f32 v3, v1;
	v0 =	vmul.f32 $5.000000070e-02, v0  }
.LBB2_8:
0x181: {  	p0 =	sne.s32 s30, $0x27600  }
0x182: {  	v1 =	vmul.f32 $5.000000070e-02, v1;
	s29 =	sadd.s32 $0x20, s29;
	s1 =	smov.u32 s30;
	s30 =	sadd.s32 $0xA00, s30  }
0x183: {  	[tilespmem:s31+$0xFFFFFFF0] =	vst v0  }
0x184: {  	s1 =	sshra.s32 s1, $0x2;
	[tilespmem:s31+$0x0] =	vst v1;
	s31 =	smov.u32 s29  }
0x185: {  	v0 =	vld [tilespmem:s1+$0xC830]  }
0x186: {  	v1 =	vld [tilespmem:s1+$0xC800]  }
0x187: {  	v2 =	vld [tilespmem:s1+$0xC810]  }
0x188: {  	v3 =	vld [tilespmem:s1+$0xC820]  }
0x189: {  	v4 =	vld [tilespmem:s1+$0xC850]  }
0x18a: {  	v5 =	vld [tilespmem:s1+$0xC840]  }
0x18b: {  	v1 =	vadd.f32 $0.0e+00, v1;
	v6 =	vld [tilespmem:s1+$0xC870]  }
0x18c: {  	v2 =	vadd.f32 $0.0e+00, v2;
	v7 =	vld [tilespmem:s1+$0xC860]  }
0x18d: {  	v1 =	vadd.f32 v3, v1;
	v3 =	vld [tilespmem:s1+$0xC890]  }
0x18e: {  	v0 =	vadd.f32 v0, v2;
	v2 =	vld [tilespmem:s1+$0xC880]  }
0x18f: {  	v1 =	vadd.f32 v5, v1;
	v5 =	vld [tilespmem:s1+$0xC8B0]  }
0x190: {  	v0 =	vadd.f32 v4, v0;
	v4 =	vld [tilespmem:s1+$0xC8A0]  }
0x191: {  	v1 =	vadd.f32 v7, v1;
	v7 =	vld [tilespmem:s1+$0xC8D0]  }
0x192: {  	v0 =	vadd.f32 v6, v0;
	v6 =	vld [tilespmem:s1+$0xC8C0]  }
0x193: {  	v1 =	vadd.f32 v2, v1;
	v2 =	vld [tilespmem:s1+$0xC8F0]  }
0x194: {  	v0 =	vadd.f32 v3, v0;
	v3 =	vld [tilespmem:s1+$0xC8E0]  }
0x195: {  	v1 =	vadd.f32 v4, v1;
	v4 =	vld [tilespmem:s1+$0xC910]  }
0x196: {  	v0 =	vadd.f32 v5, v0;
	v5 =	vld [tilespmem:s1+$0xC900]  }
0x197: {  	v1 =	vadd.f32 v6, v1;
	v6 =	vld [tilespmem:s1+$0xC930]  }
0x198: {  	v0 =	vadd.f32 v7, v0;
	v7 =	vld [tilespmem:s1+$0xC920]  }
0x199: {  	v1 =	vadd.f32 v3, v1;
	v3 =	vld [tilespmem:s1+$0xC950]  }
0x19a: {  	v0 =	vadd.f32 v2, v0;
	v2 =	vld [tilespmem:s1+$0xC940]  }
0x19b: {  	v1 =	vadd.f32 v5, v1;
	v5 =	vld [tilespmem:s1+$0xC970]  }
0x19c: {  	v0 =	vadd.f32 v4, v0;
	v4 =	vld [tilespmem:s1+$0xC960]  }
0x19d: {  	v1 =	vadd.f32 v7, v1;
	v7 =	vld [tilespmem:s1+$0xC990]  }
0x19e: {  	v0 =	vadd.f32 v6, v0;
	v6 =	vld [tilespmem:s1+$0xC980]  }
0x19f: {  	v1 =	vadd.f32 v2, v1;
	v2 =	vld [tilespmem:s1+$0xC9B0]  }
0x1a0: {  	v0 =	vadd.f32 v3, v0;
	v3 =	vld [tilespmem:s1+$0xC9A0]  }
0x1a1: {  	v1 =	vadd.f32 v4, v1;
	v4 =	vld [tilespmem:s1+$0xC9D0]  }
0x1a2: {  	v0 =	vadd.f32 v5, v0;
	v5 =	vld [tilespmem:s1+$0xC9C0]  }
0x1a3: {  	v1 =	vadd.f32 v6, v1;
	v6 =	vld [tilespmem:s1+$0xC9F0]  }
0x1a4: {  	v0 =	vadd.f32 v7, v0;
	v7 =	vld [tilespmem:s1+$0xC9E0]  }
0x1a5: {  	v1 =	vadd.f32 v3, v1;
	v3 =	vld [tilespmem:s1+$0xCA10]  }
0x1a6: {  	v0 =	vadd.f32 v2, v0;
	v2 =	vld [tilespmem:s1+$0xCA00]  }
0x1a7: {  	v1 =	vadd.f32 v5, v1;
	v5 =	vld [tilespmem:s1+$0xCA30]  }
0x1a8: {  	v0 =	vadd.f32 v4, v0;
	v4 =	vld [tilespmem:s1+$0xCA20]  }
0x1a9: {  	v1 =	vadd.f32 v7, v1;
	v7 =	vld [tilespmem:s1+$0xCA50]  }
0x1aa: {  	v0 =	vadd.f32 v6, v0;
	v6 =	vld [tilespmem:s1+$0xCA40]  }
0x1ab: {  	v1 =	vadd.f32 v2, v1;
	v2 =	vld [tilespmem:s1+$0xCA70]  }
0x1ac: {  	v0 =	vadd.f32 v3, v0;
	v3 =	vld [tilespmem:s1+$0xCA60]  }
0x1ad: {  	v1 =	vadd.f32 v4, v1  }
0x1ae: {  	v0 =	vadd.f32 v5, v0  }
.Ltmp3:
0x1af: {  	v1 =	vadd.f32 v6, v1;
	(pc) =	sbr.rel @p0 .LBB2_8-.Ltmp3, $4  }
0x1b0: {  	v0 =	vadd.f32 v7, v0  }
0x1b1: {  	v3 =	vadd.f32 v3, v1  }
0x1b2: {  	v1 =	vadd.f32 v2, v0  }
0x1b3: {  	v0 =	vmul.f32 $5.000000070e-02, v3  }
0x1b4: {  	v1 =	vmul.f32 $5.000000070e-02, v1  }
0x1b5: {  	[tilespmem:s31+$0xFFFFFFF0] =	vst v0  }
0x1b6: {  	s1 =	simm.s32 $0x0;
	[tilespmem:s31+$0x0] =	vst v1  }
0x1b7: {  	[hbm4b:s8+s1] =	stream.linear.scatter [tilespmem:s19], [sflag:$0x3], $0x800, $0x38;
	[tilespmem:$0x17000] =	vst v63  }
0x1b8: {  	_ =	swait.ge [sflag:s14], $0x800  }
0x1b9: {  	[sflag:s14] =	ssyncset.done $0x0  }
0x1ba: {  	[sflag:s14] =	ssyncadd.s32 $0xFFFFF800  }
0x1bb: {  	[tilespmem:s17], [sflag:$0x2] =	stream.indirect.gather [hbm4b:s3+s15], $0x20, s24, s15, $0xb8;
	[tilespmem:$0x17000] =	vst v63  }
0x1bc: {  	_ =	swait.ge [sflag:s18], $0xA000  }
0x1bd: {  	[sflag:s18] =	ssyncset.done $0x0  }
0x1be: {  	s29 =	simm.s32 $0x2940;
	[sflag:s18] =	ssyncadd.s32 $0xFFFF6000  }
0x1bf: {  	v0 =	vld [tilespmem:s29+$0xFFFFFEC0]  }
0x1c0: {  	v1 =	vld [tilespmem:s29+$0xFFFFFED0]  }
0x1c1: {  	v2 =	vld [tilespmem:s29+$0xFFFFFEE0]  }
0x1c2: {  	v3 =	vld [tilespmem:s29+$0xFFFFFEF0]  }
0x1c3: {  	v4 =	vld [tilespmem:s29+$0xFFFFFF00]  }
0x1c4: {  	v5 =	vld [tilespmem:s29+$0xFFFFFF10];
	v0 =	vadd.f32 $0.0e+00, v0  }
0x1c5: {  	v6 =	vld [tilespmem:s29+$0xFFFFFF20]  }
0x1c6: {  	v7 =	vld [tilespmem:s29+$0xFFFFFF40];
	v1 =	vadd.f32 $0.0e+00, v1;
	v0 =	vadd.f32 v2, v0  }
0x1c7: {  	v2 =	vld [tilespmem:s29+$0xFFFFFF30]  }
0x1c8: {  	v44 =	vld [tilespmem:s29+$0xFFFFFF60];
	v1 =	vadd.f32 v3, v1;
	v0 =	vadd.f32 v4, v0  }
0x1c9: {  	v3 =	vld [tilespmem:s29+$0xFFFFFF50]  }
0x1ca: {  	v45 =	vld [tilespmem:s29+$0xFFFFFF70];
	v1 =	vadd.f32 v5, v1;
	v0 =	vadd.f32 v6, v0  }
0x1cb: {  	v46 =	vld [tilespmem:s29+$0xFFFFFF80]  }
0x1cc: {  	v47 =	vld [tilespmem:s29+$0xFFFFFFA0];
	v1 =	vadd.f32 v2, v1;
	v0 =	vadd.f32 v7, v0  }
0x1cd: {  	v2 =	vld [tilespmem:s29+$0xFFFFFF90]  }
0x1ce: {  	v48 =	vld [tilespmem:s29+$0xFFFFFFC0];
	v1 =	vadd.f32 v3, v1;
	v0 =	vadd.f32 v44, v0  }
0x1cf: {  	v3 =	vld [tilespmem:s29+$0xFFFFFFB0]  }
0x1d0: {  	v49 =	vld [tilespmem:s29+$0xFFFFFFD0];
	v1 =	vadd.f32 v45, v1;
	v0 =	vadd.f32 v46, v0  }
0x1d1: {  	v50 =	vld [tilespmem:s29+$0xFFFFFFE0]  }
0x1d2: {  	v51 =	vld [tilespmem:s29+$0x0];
	v1 =	vadd.f32 v2, v1;
	v0 =	vadd.f32 v47, v0  }
0x1d3: {  	v2 =	vld [tilespmem:s29+$0xFFFFFFF0]  }
0x1d4: {  	v52 =	vld [tilespmem:s29+$0x20];
	v1 =	vadd.f32 v3, v1;
	v0 =	vadd.f32 v48, v0  }
0x1d5: {  	v3 =	vld [tilespmem:s29+$0x10]  }
0x1d6: {  	v53 =	vld [tilespmem:s29+$0x30];
	v1 =	vadd.f32 v49, v1;
	v0 =	vadd.f32 v50, v0  }
0x1d7: {  	v54 =	vld [tilespmem:s29+$0x40]  }
0x1d8: {  	v55 =	vld [tilespmem:s29+$0x60];
	v1 =	vadd.f32 v2, v1;
	v0 =	vadd.f32 v51, v0  }
0x1d9: {  	v2 =	vld [tilespmem:s29+$0x50]  }
0x1da: {  	v56 =	vld [tilespmem:s29+$0x80];
	v1 =	vadd.f32 v3, v1;
	v0 =	vadd.f32 v52, v0  }
0x1db: {  	v3 =	vld [tilespmem:s29+$0x70]  }
0x1dc: {  	v57 =	vld [tilespmem:s29+$0x90];
	v1 =	vadd.f32 v53, v1;
	v0 =	vadd.f32 v54, v0  }
0x1dd: {  	v58 =	vld [tilespmem:s29+$0xA0]  }
0x1de: {  	v59 =	vld [tilespmem:s29+$0xC0];
	v1 =	vadd.f32 v2, v1;
	v0 =	vadd.f32 v55, v0  }
0x1df: {  	v2 =	vld [tilespmem:s29+$0xB0]  }
0x1e0: {  	v60 =	vld [tilespmem:s29+$0xE0];
	v1 =	vadd.f32 v3, v1;
	v0 =	vadd.f32 v56, v0  }
0x1e1: {  	v3 =	vld [tilespmem:s29+$0xD0]  }
0x1e2: {  	v61 =	vld [tilespmem:s29+$0xF0];
	v1 =	vadd.f32 v57, v1;
	v0 =	vadd.f32 v58, v0  }
0x1e3: {  	v62 =	vld [tilespmem:s29+$0x100]  }
0x1e4: {  	v63 =	vld [tilespmem:s29+$0x120];
	v1 =	vadd.f32 v2, v1;
	v0 =	vadd.f32 v59, v0  }
0x1e5: {  	v2 =	vld [tilespmem:s29+$0x110]  }
0x1e6: {  	v1 =	vadd.f32 v3, v1;
	v0 =	vadd.f32 v60, v0  }
0x1e7: {  	v3 =	vld [tilespmem:s29+$0x130]  }
0x1e8: {  	v1 =	vadd.f32 v61, v1;
	v0 =	vadd.f32 v62, v0;
	_ =	sdelay $0x1  }
0x1e9: {  	v1 =	vadd.f32 v2, v1;
	v0 =	vadd.f32 v63, v0;
	_ =	sdelay $0x1  }
0x1ea: {  	v1 =	vadd.f32 v3, v1;
	v2 =	vmul.f32 $5.000000070e-02, v0  }
0x1eb: {  	s1 =	simm.s32 $0x0  }
0x1ec: {  	s30 =	simm.s32 $0x80;
	v0 =	vmul.f32 $5.000000070e-02, v1;
	[tilespmem:s1+$0x16800] =	vst v2  }
.LBB2_10:
0x1ed: {  	p0 =	sne.s32 s30, $0x1F80  }
0x1ee: {  	[tilespmem:s1+$0x16810] =	vst v0;
	s29 =	sadd.s32 $0x280, s29;
	s31 =	smov.u32 s30;
	s30 =	sadd.s32 $0x80, s30  }
0x1ef: {  	v0 =	vld [tilespmem:s29+$0xFFFFFEC0]  }
0x1f0: {  	v1 =	vld [tilespmem:s29+$0xFFFFFED0]  }
0x1f1: {  	v2 =	vld [tilespmem:s29+$0xFFFFFEE0]  }
0x1f2: {  	v3 =	vld [tilespmem:s29+$0xFFFFFEF0]  }
0x1f3: {  	v4 =	vld [tilespmem:s29+$0xFFFFFF00]  }
0x1f4: {  	v0 =	vadd.f32 $0.0e+00, v0;
	v5 =	vld [tilespmem:s29+$0xFFFFFF10]  }
0x1f5: {  	v1 =	vadd.f32 $0.0e+00, v1;
	v6 =	vld [tilespmem:s29+$0xFFFFFF20]  }
0x1f6: {  	v0 =	vadd.f32 v2, v0;
	v2 =	vld [tilespmem:s29+$0xFFFFFF30]  }
0x1f7: {  	v1 =	vadd.f32 v3, v1;
	v3 =	vld [tilespmem:s29+$0xFFFFFF40]  }
0x1f8: {  	v0 =	vadd.f32 v4, v0;
	v4 =	vld [tilespmem:s29+$0xFFFFFF50]  }
0x1f9: {  	v1 =	vadd.f32 v5, v1;
	v5 =	vld [tilespmem:s29+$0xFFFFFF60]  }
0x1fa: {  	v0 =	vadd.f32 v6, v0;
	v6 =	vld [tilespmem:s29+$0xFFFFFF70]  }
0x1fb: {  	v1 =	vadd.f32 v2, v1;
	v2 =	vld [tilespmem:s29+$0xFFFFFF80]  }
0x1fc: {  	v0 =	vadd.f32 v3, v0;
	v3 =	vld [tilespmem:s29+$0xFFFFFF90]  }
0x1fd: {  	v1 =	vadd.f32 v4, v1;
	v4 =	vld [tilespmem:s29+$0xFFFFFFA0]  }
0x1fe: {  	v0 =	vadd.f32 v5, v0;
	v5 =	vld [tilespmem:s29+$0xFFFFFFB0]  }
0x1ff: {  	v1 =	vadd.f32 v6, v1;
	v6 =	vld [tilespmem:s29+$0xFFFFFFC0]  }
0x200: {  	v0 =	vadd.f32 v2, v0;
	v2 =	vld [tilespmem:s29+$0xFFFFFFD0]  }
0x201: {  	v1 =	vadd.f32 v3, v1;
	v3 =	vld [tilespmem:s29+$0xFFFFFFE0]  }
0x202: {  	v0 =	vadd.f32 v4, v0;
	v4 =	vld [tilespmem:s29+$0xFFFFFFF0]  }
0x203: {  	v1 =	vadd.f32 v5, v1;
	v5 =	vld [tilespmem:s29+$0x0]  }
0x204: {  	v0 =	vadd.f32 v6, v0;
	v6 =	vld [tilespmem:s29+$0x10]  }
0x205: {  	v1 =	vadd.f32 v2, v1;
	v2 =	vld [tilespmem:s29+$0x20]  }
0x206: {  	v0 =	vadd.f32 v3, v0;
	v3 =	vld [tilespmem:s29+$0x30]  }
0x207: {  	v1 =	vadd.f32 v4, v1;
	v4 =	vld [tilespmem:s29+$0x40]  }
0x208: {  	v0 =	vadd.f32 v5, v0;
	v5 =	vld [tilespmem:s29+$0x50]  }
0x209: {  	v1 =	vadd.f32 v6, v1;
	v6 =	vld [tilespmem:s29+$0x60]  }
0x20a: {  	v0 =	vadd.f32 v2, v0;
	v2 =	vld [tilespmem:s29+$0x70]  }
0x20b: {  	v1 =	vadd.f32 v3, v1;
	v3 =	vld [tilespmem:s29+$0x80]  }
0x20c: {  	v0 =	vadd.f32 v4, v0;
	v4 =	vld [tilespmem:s29+$0x90]  }
0x20d: {  	v1 =	vadd.f32 v5, v1;
	v5 =	vld [tilespmem:s29+$0xA0]  }
0x20e: {  	v0 =	vadd.f32 v6, v0;
	v6 =	vld [tilespmem:s29+$0xB0]  }
0x20f: {  	v1 =	vadd.f32 v2, v1;
	v2 =	vld [tilespmem:s29+$0xC0]  }
0x210: {  	v0 =	vadd.f32 v3, v0;
	v3 =	vld [tilespmem:s29+$0xD0]  }
0x211: {  	v1 =	vadd.f32 v4, v1;
	v4 =	vld [tilespmem:s29+$0xE0]  }
0x212: {  	v0 =	vadd.f32 v5, v0;
	v5 =	vld [tilespmem:s29+$0xF0]  }
0x213: {  	v1 =	vadd.f32 v6, v1;
	v6 =	vld [tilespmem:s29+$0x100]  }
0x214: {  	v0 =	vadd.f32 v2, v0;
	v2 =	vld [tilespmem:s29+$0x110]  }
0x215: {  	v1 =	vadd.f32 v3, v1;
	v3 =	vld [tilespmem:s29+$0x120]  }
0x216: {  	v0 =	vadd.f32 v4, v0;
	v4 =	vld [tilespmem:s29+$0x130]  }
0x217: {  	v1 =	vadd.f32 v5, v1  }
0x218: {  	v0 =	vadd.f32 v6, v0  }
0x219: {  	v1 =	vadd.f32 v2, v1  }
.Ltmp4:
0x21a: {  	v0 =	vadd.f32 v3, v0;
	(pc) =	sbr.rel @p0 .LBB2_10-.Ltmp4, $4  }
0x21b: {  	v1 =	vadd.f32 v4, v1  }
0x21c: {  	v2 =	vmul.f32 $5.000000070e-02, v0  }
0x21d: {  	s1 =	sshra.s32 s31, $0x2;
	v0 =	vmul.f32 $5.000000070e-02, v1  }
0x21e: {  	[tilespmem:s1+$0x16800] =	vst v2  }
0x21f: {  	[tilespmem:s1+$0x16810] =	vst v0;
	s1 =	simm.s32 $0x0  }
0x220: {  	[hbm4b:s9+s1] =	stream.linear.scatter [tilespmem:s19], [sflag:$0x3], $0x800, $0x38;
	[tilespmem:$0x17000] =	vst v63  }
0x221: {  	_ =	swait.ge [sflag:s14], $0x800  }
0x222: {  	[sflag:s14] =	ssyncset.done $0x0  }
0x223: {  	[sflag:s14] =	ssyncadd.s32 $0xFFFFF800  }
0x224: {  	[tilespmem:s16], [sflag:$0x1] =	stream.indirect.gather [hbm4b:s3+s15], $0x20, s25, s15, $0xb8;
	[tilespmem:$0x17000] =	vst v63  }
0x225: {  	_ =	swait.ge [sflag:s21], $0xA000  }
0x226: {  	[sflag:s21] =	ssyncset.done $0x0  }
0x227: {  	s1 =	simm.s32 $0x0;
	[sflag:s21] =	ssyncadd.s32 $0xFFFF6000  }
0x228: {  	v0 =	vld [tilespmem:s1+$0xC800]  }
0x229: {  	v1 =	vld [tilespmem:s1+$0xC810]  }
0x22a: {  	v2 =	vld [tilespmem:s1+$0xC820]  }
0x22b: {  	v3 =	vld [tilespmem:s1+$0xC830]  }
0x22c: {  	v4 =	vld [tilespmem:s1+$0xC840]  }
0x22d: {  	v5 =	vld [tilespmem:s1+$0xC850];
	v0 =	vadd.f32 $0.0e+00, v0  }
0x22e: {  	v6 =	vld [tilespmem:s1+$0xC860]  }
0x22f: {  	v7 =	vld [tilespmem:s1+$0xC870];
	v1 =	vadd.f32 $0.0e+00, v1;
	v0 =	vadd.f32 v2, v0  }
0x230: {  	v2 =	vld [tilespmem:s1+$0xC880]  }
0x231: {  	v44 =	vld [tilespmem:s1+$0xC8A0];
	v1 =	vadd.f32 v3, v1;
	v0 =	vadd.f32 v4, v0  }
0x232: {  	v3 =	vld [tilespmem:s1+$0xC890]  }
0x233: {  	v45 =	vld [tilespmem:s1+$0xC8B0];
	v1 =	vadd.f32 v5, v1;
	v0 =	vadd.f32 v6, v0  }
0x234: {  	v46 =	vld [tilespmem:s1+$0xC8C0]  }
0x235: {  	v47 =	vld [tilespmem:s1+$0xC8D0];
	v1 =	vadd.f32 v7, v1;
	v0 =	vadd.f32 v2, v0  }
0x236: {  	v2 =	vld [tilespmem:s1+$0xC8E0]  }
0x237: {  	v48 =	vld [tilespmem:s1+$0xC900];
	v1 =	vadd.f32 v3, v1;
	v0 =	vadd.f32 v44, v0  }
0x238: {  	v3 =	vld [tilespmem:s1+$0xC8F0]  }
0x239: {  	v49 =	vld [tilespmem:s1+$0xC910];
	v1 =	vadd.f32 v45, v1;
	v0 =	vadd.f32 v46, v0  }
0x23a: {  	v50 =	vld [tilespmem:s1+$0xC920]  }
0x23b: {  	v51 =	vld [tilespmem:s1+$0xC930];
	v1 =	vadd.f32 v47, v1;
	v0 =	vadd.f32 v2, v0  }
0x23c: {  	v2 =	vld [tilespmem:s1+$0xC940]  }
0x23d: {  	v52 =	vld [tilespmem:s1+$0xC960];
	v1 =	vadd.f32 v3, v1;
	v0 =	vadd.f32 v48, v0  }
0x23e: {  	v3 =	vld [tilespmem:s1+$0xC950]  }
0x23f: {  	v53 =	vld [tilespmem:s1+$0xC970];
	v1 =	vadd.f32 v49, v1;
	v0 =	vadd.f32 v50, v0  }
0x240: {  	v54 =	vld [tilespmem:s1+$0xC980]  }
0x241: {  	v55 =	vld [tilespmem:s1+$0xC990];
	v1 =	vadd.f32 v51, v1;
	v0 =	vadd.f32 v2, v0  }
0x242: {  	v2 =	vld [tilespmem:s1+$0xC9A0]  }
0x243: {  	v56 =	vld [tilespmem:s1+$0xC9C0];
	v1 =	vadd.f32 v3, v1;
	v0 =	vadd.f32 v52, v0  }
0x244: {  	v3 =	vld [tilespmem:s1+$0xC9B0]  }
0x245: {  	v57 =	vld [tilespmem:s1+$0xC9D0];
	v1 =	vadd.f32 v53, v1;
	v0 =	vadd.f32 v54, v0  }
0x246: {  	v58 =	vld [tilespmem:s1+$0xC9E0]  }
0x247: {  	v59 =	vld [tilespmem:s1+$0xC9F0];
	v1 =	vadd.f32 v55, v1;
	v0 =	vadd.f32 v2, v0  }
0x248: {  	v2 =	vld [tilespmem:s1+$0xCA00]  }
0x249: {  	v60 =	vld [tilespmem:s1+$0xCA20];
	v1 =	vadd.f32 v3, v1;
	v0 =	vadd.f32 v56, v0  }
0x24a: {  	v3 =	vld [tilespmem:s1+$0xCA10]  }
0x24b: {  	v61 =	vld [tilespmem:s1+$0xCA30];
	v1 =	vadd.f32 v57, v1;
	v0 =	vadd.f32 v58, v0  }
0x24c: {  	v62 =	vld [tilespmem:s1+$0xCA40]  }
0x24d: {  	v63 =	vld [tilespmem:s1+$0xCA50];
	v1 =	vadd.f32 v59, v1;
	v0 =	vadd.f32 v2, v0  }
0x24e: {  	v2 =	vld [tilespmem:s1+$0xCA60]  }
0x24f: {  	v1 =	vadd.f32 v3, v1;
	v0 =	vadd.f32 v60, v0  }
0x250: {  	v3 =	vld [tilespmem:s1+$0xCA70]  }
0x251: {  	v1 =	vadd.f32 v61, v1;
	v0 =	vadd.f32 v62, v0;
	_ =	sdelay $0x1  }
0x252: {  	v1 =	vadd.f32 v63, v1;
	v0 =	vadd.f32 v2, v0;
	_ =	sdelay $0x1  }
0x253: {  	s29 =	simm.s32 $0x16810;
	s30 =	simm.s32 $0xA00;
	s31 =	simm.s32 $0x16810;
	v1 =	vadd.f32 v3, v1;
	v0 =	vmul.f32 $5.000000070e-02, v0  }
.LBB2_12:
0x254: {  	p0 =	sne.s32 s30, $0x27600  }
0x255: {  	v1 =	vmul.f32 $5.000000070e-02, v1;
	s29 =	sadd.s32 $0x20, s29;
	s1 =	smov.u32 s30;
	s30 =	sadd.s32 $0xA00, s30  }
0x256: {  	[tilespmem:s31+$0xFFFFFFF0] =	vst v0  }
0x257: {  	s1 =	sshra.s32 s1, $0x2;
	[tilespmem:s31+$0x0] =	vst v1;
	s31 =	smov.u32 s29  }
0x258: {  	v0 =	vld [tilespmem:s1+$0xC830]  }
0x259: {  	v1 =	vld [tilespmem:s1+$0xC800]  }
0x25a: {  	v2 =	vld [tilespmem:s1+$0xC810]  }
0x25b: {  	v3 =	vld [tilespmem:s1+$0xC820]  }
0x25c: {  	v4 =	vld [tilespmem:s1+$0xC850]  }
0x25d: {  	v5 =	vld [tilespmem:s1+$0xC840]  }
0x25e: {  	v1 =	vadd.f32 $0.0e+00, v1;
	v6 =	vld [tilespmem:s1+$0xC870]  }
0x25f: {  	v2 =	vadd.f32 $0.0e+00, v2;
	v7 =	vld [tilespmem:s1+$0xC860]  }
0x260: {  	v1 =	vadd.f32 v3, v1;
	v3 =	vld [tilespmem:s1+$0xC890]  }
0x261: {  	v0 =	vadd.f32 v0, v2;
	v2 =	vld [tilespmem:s1+$0xC880]  }
0x262: {  	v1 =	vadd.f32 v5, v1;
	v5 =	vld [tilespmem:s1+$0xC8B0]  }
0x263: {  	v0 =	vadd.f32 v4, v0;
	v4 =	vld [tilespmem:s1+$0xC8A0]  }
0x264: {  	v1 =	vadd.f32 v7, v1;
	v7 =	vld [tilespmem:s1+$0xC8D0]  }
0x265: {  	v0 =	vadd.f32 v6, v0;
	v6 =	vld [tilespmem:s1+$0xC8C0]  }
0x266: {  	v1 =	vadd.f32 v2, v1;
	v2 =	vld [tilespmem:s1+$0xC8F0]  }
0x267: {  	v0 =	vadd.f32 v3, v0;
	v3 =	vld [tilespmem:s1+$0xC8E0]  }
0x268: {  	v1 =	vadd.f32 v4, v1;
	v4 =	vld [tilespmem:s1+$0xC910]  }
0x269: {  	v0 =	vadd.f32 v5, v0;
	v5 =	vld [tilespmem:s1+$0xC900]  }
0x26a: {  	v1 =	vadd.f32 v6, v1;
	v6 =	vld [tilespmem:s1+$0xC930]  }
0x26b: {  	v0 =	vadd.f32 v7, v0;
	v7 =	vld [tilespmem:s1+$0xC920]  }
0x26c: {  	v1 =	vadd.f32 v3, v1;
	v3 =	vld [tilespmem:s1+$0xC950]  }
0x26d: {  	v0 =	vadd.f32 v2, v0;
	v2 =	vld [tilespmem:s1+$0xC940]  }
0x26e: {  	v1 =	vadd.f32 v5, v1;
	v5 =	vld [tilespmem:s1+$0xC970]  }
0x26f: {  	v0 =	vadd.f32 v4, v0;
	v4 =	vld [tilespmem:s1+$0xC960]  }
0x270: {  	v1 =	vadd.f32 v7, v1;
	v7 =	vld [tilespmem:s1+$0xC990]  }
0x271: {  	v0 =	vadd.f32 v6, v0;
	v6 =	vld [tilespmem:s1+$0xC980]  }
0x272: {  	v1 =	vadd.f32 v2, v1;
	v2 =	vld [tilespmem:s1+$0xC9B0]  }
0x273: {  	v0 =	vadd.f32 v3, v0;
	v3 =	vld [tilespmem:s1+$0xC9A0]  }
0x274: {  	v1 =	vadd.f32 v4, v1;
	v4 =	vld [tilespmem:s1+$0xC9D0]  }
0x275: {  	v0 =	vadd.f32 v5, v0;
	v5 =	vld [tilespmem:s1+$0xC9C0]  }
0x276: {  	v1 =	vadd.f32 v6, v1;
	v6 =	vld [tilespmem:s1+$0xC9F0]  }
0x277: {  	v0 =	vadd.f32 v7, v0;
	v7 =	vld [tilespmem:s1+$0xC9E0]  }
0x278: {  	v1 =	vadd.f32 v3, v1;
	v3 =	vld [tilespmem:s1+$0xCA10]  }
0x279: {  	v0 =	vadd.f32 v2, v0;
	v2 =	vld [tilespmem:s1+$0xCA00]  }
0x27a: {  	v1 =	vadd.f32 v5, v1;
	v5 =	vld [tilespmem:s1+$0xCA30]  }
0x27b: {  	v0 =	vadd.f32 v4, v0;
	v4 =	vld [tilespmem:s1+$0xCA20]  }
0x27c: {  	v1 =	vadd.f32 v7, v1;
	v7 =	vld [tilespmem:s1+$0xCA50]  }
0x27d: {  	v0 =	vadd.f32 v6, v0;
	v6 =	vld [tilespmem:s1+$0xCA40]  }
0x27e: {  	v1 =	vadd.f32 v2, v1;
	v2 =	vld [tilespmem:s1+$0xCA70]  }
0x27f: {  	v0 =	vadd.f32 v3, v0;
	v3 =	vld [tilespmem:s1+$0xCA60]  }
0x280: {  	v1 =	vadd.f32 v4, v1  }
0x281: {  	v0 =	vadd.f32 v5, v0  }
.Ltmp5:
0x282: {  	v1 =	vadd.f32 v6, v1;
	(pc) =	sbr.rel @p0 .LBB2_12-.Ltmp5, $4  }
0x283: {  	v0 =	vadd.f32 v7, v0  }
0x284: {  	v3 =	vadd.f32 v3, v1  }
0x285: {  	v1 =	vadd.f32 v2, v0  }
0x286: {  	v0 =	vmul.f32 $5.000000070e-02, v3  }
0x287: {  	v1 =	vmul.f32 $5.000000070e-02, v1  }
0x288: {  	[tilespmem:s31+$0xFFFFFFF0] =	vst v0  }
0x289: {  	s1 =	simm.s32 $0x0;
	[tilespmem:s31+$0x0] =	vst v1  }
0x28a: {  	[hbm4b:s10+s1] =	stream.linear.scatter [tilespmem:s19], [sflag:$0x3], $0x800, $0x38;
	[tilespmem:$0x17000] =	vst v63  }
0x28b: {  	_ =	swait.ge [sflag:s14], $0x800  }
0x28c: {  	[sflag:s14] =	ssyncset.done $0x0  }
0x28d: {  	[sflag:s14] =	ssyncadd.s32 $0xFFFFF800  }
0x28e: {  	[tilespmem:s17], [sflag:$0x2] =	stream.indirect.gather [hbm4b:s3+s15], $0x20, s26, s15, $0xb8;
	[tilespmem:$0x17000] =	vst v63  }
0x28f: {  	_ =	swait.ge [sflag:s18], $0xA000  }
0x290: {  	[sflag:s18] =	ssyncset.done $0x0  }
0x291: {  	s29 =	simm.s32 $0x2940;
	[sflag:s18] =	ssyncadd.s32 $0xFFFF6000  }
0x292: {  	v0 =	vld [tilespmem:s29+$0xFFFFFEC0]  }
0x293: {  	v1 =	vld [tilespmem:s29+$0xFFFFFED0]  }
0x294: {  	v2 =	vld [tilespmem:s29+$0xFFFFFEE0]  }
0x295: {  	v3 =	vld [tilespmem:s29+$0xFFFFFEF0]  }
0x296: {  	v4 =	vld [tilespmem:s29+$0xFFFFFF00]  }
0x297: {  	v5 =	vld [tilespmem:s29+$0xFFFFFF10];
	v0 =	vadd.f32 $0.0e+00, v0  }
0x298: {  	v6 =	vld [tilespmem:s29+$0xFFFFFF20]  }
0x299: {  	v7 =	vld [tilespmem:s29+$0xFFFFFF40];
	v1 =	vadd.f32 $0.0e+00, v1;
	v0 =	vadd.f32 v2, v0  }
0x29a: {  	v2 =	vld [tilespmem:s29+$0xFFFFFF30]  }
0x29b: {  	v44 =	vld [tilespmem:s29+$0xFFFFFF60];
	v1 =	vadd.f32 v3, v1;
	v0 =	vadd.f32 v4, v0  }
0x29c: {  	v3 =	vld [tilespmem:s29+$0xFFFFFF50]  }
0x29d: {  	v45 =	vld [tilespmem:s29+$0xFFFFFF70];
	v1 =	vadd.f32 v5, v1;
	v0 =	vadd.f32 v6, v0  }
0x29e: {  	v46 =	vld [tilespmem:s29+$0xFFFFFF80]  }
0x29f: {  	v47 =	vld [tilespmem:s29+$0xFFFFFFA0];
	v1 =	vadd.f32 v2, v1;
	v0 =	vadd.f32 v7, v0  }
0x2a0: {  	v2 =	vld [tilespmem:s29+$0xFFFFFF90]  }
0x2a1: {  	v48 =	vld [tilespmem:s29+$0xFFFFFFC0];
	v1 =	vadd.f32 v3, v1;
	v0 =	vadd.f32 v44, v0  }
0x2a2: {  	v3 =	vld [tilespmem:s29+$0xFFFFFFB0]  }
0x2a3: {  	v49 =	vld [tilespmem:s29+$0xFFFFFFD0];
	v1 =	vadd.f32 v45, v1;
	v0 =	vadd.f32 v46, v0  }
0x2a4: {  	v50 =	vld [tilespmem:s29+$0xFFFFFFE0]  }
0x2a5: {  	v51 =	vld [tilespmem:s29+$0x0];
	v1 =	vadd.f32 v2, v1;
	v0 =	vadd.f32 v47, v0  }
0x2a6: {  	v2 =	vld [tilespmem:s29+$0xFFFFFFF0]  }
0x2a7: {  	v52 =	vld [tilespmem:s29+$0x20];
	v1 =	vadd.f32 v3, v1;
	v0 =	vadd.f32 v48, v0  }
0x2a8: {  	v3 =	vld [tilespmem:s29+$0x10]  }
0x2a9: {  	v53 =	vld [tilespmem:s29+$0x30];
	v1 =	vadd.f32 v49, v1;
	v0 =	vadd.f32 v50, v0  }
0x2aa: {  	v54 =	vld [tilespmem:s29+$0x40]  }
0x2ab: {  	v55 =	vld [tilespmem:s29+$0x60];
	v1 =	vadd.f32 v2, v1;
	v0 =	vadd.f32 v51, v0  }
0x2ac: {  	v2 =	vld [tilespmem:s29+$0x50]  }
0x2ad: {  	v56 =	vld [tilespmem:s29+$0x80];
	v1 =	vadd.f32 v3, v1;
	v0 =	vadd.f32 v52, v0  }
0x2ae: {  	v3 =	vld [tilespmem:s29+$0x70]  }
0x2af: {  	v57 =	vld [tilespmem:s29+$0x90];
	v1 =	vadd.f32 v53, v1;
	v0 =	vadd.f32 v54, v0  }
0x2b0: {  	v58 =	vld [tilespmem:s29+$0xA0]  }
0x2b1: {  	v59 =	vld [tilespmem:s29+$0xC0];
	v1 =	vadd.f32 v2, v1;
	v0 =	vadd.f32 v55, v0  }
0x2b2: {  	v2 =	vld [tilespmem:s29+$0xB0]  }
0x2b3: {  	v60 =	vld [tilespmem:s29+$0xE0];
	v1 =	vadd.f32 v3, v1;
	v0 =	vadd.f32 v56, v0  }
0x2b4: {  	v3 =	vld [tilespmem:s29+$0xD0]  }
0x2b5: {  	v61 =	vld [tilespmem:s29+$0xF0];
	v1 =	vadd.f32 v57, v1;
	v0 =	vadd.f32 v58, v0  }
0x2b6: {  	v62 =	vld [tilespmem:s29+$0x100]  }
0x2b7: {  	v63 =	vld [tilespmem:s29+$0x120];
	v1 =	vadd.f32 v2, v1;
	v0 =	vadd.f32 v59, v0  }
0x2b8: {  	v2 =	vld [tilespmem:s29+$0x110]  }
0x2b9: {  	v1 =	vadd.f32 v3, v1;
	v0 =	vadd.f32 v60, v0  }
0x2ba: {  	v3 =	vld [tilespmem:s29+$0x130]  }
0x2bb: {  	v1 =	vadd.f32 v61, v1;
	v0 =	vadd.f32 v62, v0;
	_ =	sdelay $0x1  }
0x2bc: {  	v1 =	vadd.f32 v2, v1;
	v0 =	vadd.f32 v63, v0;
	_ =	sdelay $0x1  }
0x2bd: {  	v1 =	vadd.f32 v3, v1;
	v2 =	vmul.f32 $5.000000070e-02, v0  }
0x2be: {  	s1 =	simm.s32 $0x0  }
0x2bf: {  	s30 =	simm.s32 $0x80;
	v0 =	vmul.f32 $5.000000070e-02, v1;
	[tilespmem:s1+$0x16800] =	vst v2  }
.LBB2_14:
0x2c0: {  	p0 =	sne.s32 s30, $0x1F80  }
0x2c1: {  	[tilespmem:s1+$0x16810] =	vst v0;
	s29 =	sadd.s32 $0x280, s29;
	s31 =	smov.u32 s30;
	s30 =	sadd.s32 $0x80, s30  }
0x2c2: {  	v0 =	vld [tilespmem:s29+$0xFFFFFEC0]  }
0x2c3: {  	v1 =	vld [tilespmem:s29+$0xFFFFFED0]  }
0x2c4: {  	v2 =	vld [tilespmem:s29+$0xFFFFFEE0]  }
0x2c5: {  	v3 =	vld [tilespmem:s29+$0xFFFFFEF0]  }
0x2c6: {  	v4 =	vld [tilespmem:s29+$0xFFFFFF00]  }
0x2c7: {  	v0 =	vadd.f32 $0.0e+00, v0;
	v5 =	vld [tilespmem:s29+$0xFFFFFF10]  }
0x2c8: {  	v1 =	vadd.f32 $0.0e+00, v1;
	v6 =	vld [tilespmem:s29+$0xFFFFFF20]  }
0x2c9: {  	v0 =	vadd.f32 v2, v0;
	v2 =	vld [tilespmem:s29+$0xFFFFFF30]  }
0x2ca: {  	v1 =	vadd.f32 v3, v1;
	v3 =	vld [tilespmem:s29+$0xFFFFFF40]  }
0x2cb: {  	v0 =	vadd.f32 v4, v0;
	v4 =	vld [tilespmem:s29+$0xFFFFFF50]  }
0x2cc: {  	v1 =	vadd.f32 v5, v1;
	v5 =	vld [tilespmem:s29+$0xFFFFFF60]  }
0x2cd: {  	v0 =	vadd.f32 v6, v0;
	v6 =	vld [tilespmem:s29+$0xFFFFFF70]  }
0x2ce: {  	v1 =	vadd.f32 v2, v1;
	v2 =	vld [tilespmem:s29+$0xFFFFFF80]  }
0x2cf: {  	v0 =	vadd.f32 v3, v0;
	v3 =	vld [tilespmem:s29+$0xFFFFFF90]  }
0x2d0: {  	v1 =	vadd.f32 v4, v1;
	v4 =	vld [tilespmem:s29+$0xFFFFFFA0]  }
0x2d1: {  	v0 =	vadd.f32 v5, v0;
	v5 =	vld [tilespmem:s29+$0xFFFFFFB0]  }
0x2d2: {  	v1 =	vadd.f32 v6, v1;
	v6 =	vld [tilespmem:s29+$0xFFFFFFC0]  }
0x2d3: {  	v0 =	vadd.f32 v2, v0;
	v2 =	vld [tilespmem:s29+$0xFFFFFFD0]  }
0x2d4: {  	v1 =	vadd.f32 v3, v1;
	v3 =	vld [tilespmem:s29+$0xFFFFFFE0]  }
0x2d5: {  	v0 =	vadd.f32 v4, v0;
	v4 =	vld [tilespmem:s29+$0xFFFFFFF0]  }
0x2d6: {  	v1 =	vadd.f32 v5, v1;
	v5 =	vld [tilespmem:s29+$0x0]  }
0x2d7: {  	v0 =	vadd.f32 v6, v0;
	v6 =	vld [tilespmem:s29+$0x10]  }
0x2d8: {  	v1 =	vadd.f32 v2, v1;
	v2 =	vld [tilespmem:s29+$0x20]  }
0x2d9: {  	v0 =	vadd.f32 v3, v0;
	v3 =	vld [tilespmem:s29+$0x30]  }
0x2da: {  	v1 =	vadd.f32 v4, v1;
	v4 =	vld [tilespmem:s29+$0x40]  }
0x2db: {  	v0 =	vadd.f32 v5, v0;
	v5 =	vld [tilespmem:s29+$0x50]  }
0x2dc: {  	v1 =	vadd.f32 v6, v1;
	v6 =	vld [tilespmem:s29+$0x60]  }
0x2dd: {  	v0 =	vadd.f32 v2, v0;
	v2 =	vld [tilespmem:s29+$0x70]  }
0x2de: {  	v1 =	vadd.f32 v3, v1;
	v3 =	vld [tilespmem:s29+$0x80]  }
0x2df: {  	v0 =	vadd.f32 v4, v0;
	v4 =	vld [tilespmem:s29+$0x90]  }
0x2e0: {  	v1 =	vadd.f32 v5, v1;
	v5 =	vld [tilespmem:s29+$0xA0]  }
0x2e1: {  	v0 =	vadd.f32 v6, v0;
	v6 =	vld [tilespmem:s29+$0xB0]  }
0x2e2: {  	v1 =	vadd.f32 v2, v1;
	v2 =	vld [tilespmem:s29+$0xC0]  }
0x2e3: {  	v0 =	vadd.f32 v3, v0;
	v3 =	vld [tilespmem:s29+$0xD0]  }
0x2e4: {  	v1 =	vadd.f32 v4, v1;
	v4 =	vld [tilespmem:s29+$0xE0]  }
0x2e5: {  	v0 =	vadd.f32 v5, v0;
	v5 =	vld [tilespmem:s29+$0xF0]  }
0x2e6: {  	v1 =	vadd.f32 v6, v1;
	v6 =	vld [tilespmem:s29+$0x100]  }
0x2e7: {  	v0 =	vadd.f32 v2, v0;
	v2 =	vld [tilespmem:s29+$0x110]  }
0x2e8: {  	v1 =	vadd.f32 v3, v1;
	v3 =	vld [tilespmem:s29+$0x120]  }
0x2e9: {  	v0 =	vadd.f32 v4, v0;
	v4 =	vld [tilespmem:s29+$0x130]  }
0x2ea: {  	v1 =	vadd.f32 v5, v1  }
0x2eb: {  	v0 =	vadd.f32 v6, v0  }
0x2ec: {  	v1 =	vadd.f32 v2, v1  }
.Ltmp6:
0x2ed: {  	v0 =	vadd.f32 v3, v0;
	(pc) =	sbr.rel @p0 .LBB2_14-.Ltmp6, $4  }
0x2ee: {  	v1 =	vadd.f32 v4, v1  }
0x2ef: {  	v2 =	vmul.f32 $5.000000070e-02, v0  }
0x2f0: {  	s1 =	sshra.s32 s31, $0x2;
	v0 =	vmul.f32 $5.000000070e-02, v1  }
0x2f1: {  	[tilespmem:s1+$0x16800] =	vst v2  }
0x2f2: {  	[tilespmem:s1+$0x16810] =	vst v0;
	s1 =	simm.s32 $0x0  }
0x2f3: {  	[hbm4b:s11+s1] =	stream.linear.scatter [tilespmem:s19], [sflag:$0x3], $0x800, $0x38;
	[tilespmem:$0x17000] =	vst v63  }
0x2f4: {  	_ =	swait.ge [sflag:s14], $0x800  }
0x2f5: {  	[sflag:s14] =	ssyncset.done $0x0  }
0x2f6: {  	[sflag:s14] =	ssyncadd.s32 $0xFFFFF800  }
0x2f7: {  	_ =	swait.ge [sflag:s21], $0xA000  }
0x2f8: {  	[sflag:s21] =	ssyncset.done $0x0  }
0x2f9: {  	s1 =	simm.s32 $0x0;
	[sflag:s21] =	ssyncadd.s32 $0xFFFF6000  }
0x2fa: {  	v0 =	vld [tilespmem:s1+$0xC800]  }
0x2fb: {  	v1 =	vld [tilespmem:s1+$0xC810]  }
0x2fc: {  	v2 =	vld [tilespmem:s1+$0xC820]  }
0x2fd: {  	v3 =	vld [tilespmem:s1+$0xC830]  }
0x2fe: {  	v4 =	vld [tilespmem:s1+$0xC840]  }
0x2ff: {  	v5 =	vld [tilespmem:s1+$0xC850];
	v0 =	vadd.f32 $0.0e+00, v0  }
0x300: {  	v6 =	vld [tilespmem:s1+$0xC860]  }
0x301: {  	v7 =	vld [tilespmem:s1+$0xC870];
	v1 =	vadd.f32 $0.0e+00, v1;
	v0 =	vadd.f32 v2, v0  }
0x302: {  	v2 =	vld [tilespmem:s1+$0xC880]  }
0x303: {  	v44 =	vld [tilespmem:s1+$0xC8A0];
	v1 =	vadd.f32 v3, v1;
	v0 =	vadd.f32 v4, v0  }
0x304: {  	v3 =	vld [tilespmem:s1+$0xC890]  }
0x305: {  	v45 =	vld [tilespmem:s1+$0xC8B0];
	v1 =	vadd.f32 v5, v1;
	v0 =	vadd.f32 v6, v0  }
0x306: {  	v46 =	vld [tilespmem:s1+$0xC8C0]  }
0x307: {  	v47 =	vld [tilespmem:s1+$0xC8D0];
	v1 =	vadd.f32 v7, v1;
	v0 =	vadd.f32 v2, v0  }
0x308: {  	v2 =	vld [tilespmem:s1+$0xC8E0]  }
0x309: {  	v48 =	vld [tilespmem:s1+$0xC900];
	v1 =	vadd.f32 v3, v1;
	v0 =	vadd.f32 v44, v0  }
0x30a: {  	v3 =	vld [tilespmem:s1+$0xC8F0]  }
0x30b: {  	v49 =	vld [tilespmem:s1+$0xC910];
	v1 =	vadd.f32 v45, v1;
	v0 =	vadd.f32 v46, v0  }
0x30c: {  	v50 =	vld [tilespmem:s1+$0xC920]  }
0x30d: {  	v51 =	vld [tilespmem:s1+$0xC930];
	v1 =	vadd.f32 v47, v1;
	v0 =	vadd.f32 v2, v0  }
0x30e: {  	v2 =	vld [tilespmem:s1+$0xC940]  }
0x30f: {  	v52 =	vld [tilespmem:s1+$0xC960];
	v1 =	vadd.f32 v3, v1;
	v0 =	vadd.f32 v48, v0  }
0x310: {  	v3 =	vld [tilespmem:s1+$0xC950]  }
0x311: {  	v53 =	vld [tilespmem:s1+$0xC970];
	v1 =	vadd.f32 v49, v1;
	v0 =	vadd.f32 v50, v0  }
0x312: {  	v54 =	vld [tilespmem:s1+$0xC980]  }
0x313: {  	v55 =	vld [tilespmem:s1+$0xC990];
	v1 =	vadd.f32 v51, v1;
	v0 =	vadd.f32 v2, v0  }
0x314: {  	v2 =	vld [tilespmem:s1+$0xC9A0]  }
0x315: {  	v56 =	vld [tilespmem:s1+$0xC9C0];
	v1 =	vadd.f32 v3, v1;
	v0 =	vadd.f32 v52, v0  }
0x316: {  	v3 =	vld [tilespmem:s1+$0xC9B0]  }
0x317: {  	v57 =	vld [tilespmem:s1+$0xC9D0];
	v1 =	vadd.f32 v53, v1;
	v0 =	vadd.f32 v54, v0  }
0x318: {  	v58 =	vld [tilespmem:s1+$0xC9E0]  }
0x319: {  	v59 =	vld [tilespmem:s1+$0xC9F0];
	v1 =	vadd.f32 v55, v1;
	v0 =	vadd.f32 v2, v0  }
0x31a: {  	v2 =	vld [tilespmem:s1+$0xCA00]  }
0x31b: {  	v60 =	vld [tilespmem:s1+$0xCA20];
	v1 =	vadd.f32 v3, v1;
	v0 =	vadd.f32 v56, v0  }
0x31c: {  	v3 =	vld [tilespmem:s1+$0xCA10]  }
0x31d: {  	v61 =	vld [tilespmem:s1+$0xCA30];
	v1 =	vadd.f32 v57, v1;
	v0 =	vadd.f32 v58, v0  }
0x31e: {  	v62 =	vld [tilespmem:s1+$0xCA40]  }
0x31f: {  	v63 =	vld [tilespmem:s1+$0xCA50];
	v1 =	vadd.f32 v59, v1;
	v0 =	vadd.f32 v2, v0  }
0x320: {  	v2 =	vld [tilespmem:s1+$0xCA60]  }
0x321: {  	v1 =	vadd.f32 v3, v1;
	v0 =	vadd.f32 v60, v0  }
0x322: {  	v3 =	vld [tilespmem:s1+$0xCA70]  }
0x323: {  	v1 =	vadd.f32 v61, v1;
	v0 =	vadd.f32 v62, v0;
	_ =	sdelay $0x1  }
0x324: {  	v1 =	vadd.f32 v63, v1;
	v0 =	vadd.f32 v2, v0;
	_ =	sdelay $0x1  }
0x325: {  	s29 =	simm.s32 $0x16810;
	s30 =	simm.s32 $0xA00;
	s31 =	simm.s32 $0x16810;
	v1 =	vadd.f32 v3, v1;
	v0 =	vmul.f32 $5.000000070e-02, v0  }
.LBB2_16:
0x326: {  	p0 =	sne.s32 s30, $0x27600  }
0x327: {  	v1 =	vmul.f32 $5.000000070e-02, v1;
	s29 =	sadd.s32 $0x20, s29;
	s1 =	smov.u32 s30;
	s30 =	sadd.s32 $0xA00, s30  }
0x328: {  	[tilespmem:s31+$0xFFFFFFF0] =	vst v0  }
0x329: {  	s1 =	sshra.s32 s1, $0x2;
	[tilespmem:s31+$0x0] =	vst v1;
	s31 =	smov.u32 s29  }
0x32a: {  	v0 =	vld [tilespmem:s1+$0xC830]  }
0x32b: {  	v1 =	vld [tilespmem:s1+$0xC800]  }
0x32c: {  	v2 =	vld [tilespmem:s1+$0xC810]  }
0x32d: {  	v3 =	vld [tilespmem:s1+$0xC820]  }
0x32e: {  	v4 =	vld [tilespmem:s1+$0xC850]  }
0x32f: {  	v5 =	vld [tilespmem:s1+$0xC840]  }
0x330: {  	v1 =	vadd.f32 $0.0e+00, v1;
	v6 =	vld [tilespmem:s1+$0xC870]  }
0x331: {  	v2 =	vadd.f32 $0.0e+00, v2;
	v7 =	vld [tilespmem:s1+$0xC860]  }
0x332: {  	v1 =	vadd.f32 v3, v1;
	v3 =	vld [tilespmem:s1+$0xC890]  }
0x333: {  	v0 =	vadd.f32 v0, v2;
	v2 =	vld [tilespmem:s1+$0xC880]  }
0x334: {  	v1 =	vadd.f32 v5, v1;
	v5 =	vld [tilespmem:s1+$0xC8B0]  }
0x335: {  	v0 =	vadd.f32 v4, v0;
	v4 =	vld [tilespmem:s1+$0xC8A0]  }
0x336: {  	v1 =	vadd.f32 v7, v1;
	v7 =	vld [tilespmem:s1+$0xC8D0]  }
0x337: {  	v0 =	vadd.f32 v6, v0;
	v6 =	vld [tilespmem:s1+$0xC8C0]  }
0x338: {  	v1 =	vadd.f32 v2, v1;
	v2 =	vld [tilespmem:s1+$0xC8F0]  }
0x339: {  	v0 =	vadd.f32 v3, v0;
	v3 =	vld [tilespmem:s1+$0xC8E0]  }
0x33a: {  	v1 =	vadd.f32 v4, v1;
	v4 =	vld [tilespmem:s1+$0xC910]  }
0x33b: {  	v0 =	vadd.f32 v5, v0;
	v5 =	vld [tilespmem:s1+$0xC900]  }
0x33c: {  	v1 =	vadd.f32 v6, v1;
	v6 =	vld [tilespmem:s1+$0xC930]  }
0x33d: {  	v0 =	vadd.f32 v7, v0;
	v7 =	vld [tilespmem:s1+$0xC920]  }
0x33e: {  	v1 =	vadd.f32 v3, v1;
	v3 =	vld [tilespmem:s1+$0xC950]  }
0x33f: {  	v0 =	vadd.f32 v2, v0;
	v2 =	vld [tilespmem:s1+$0xC940]  }
0x340: {  	v1 =	vadd.f32 v5, v1;
	v5 =	vld [tilespmem:s1+$0xC970]  }
0x341: {  	v0 =	vadd.f32 v4, v0;
	v4 =	vld [tilespmem:s1+$0xC960]  }
0x342: {  	v1 =	vadd.f32 v7, v1;
	v7 =	vld [tilespmem:s1+$0xC990]  }
0x343: {  	v0 =	vadd.f32 v6, v0;
	v6 =	vld [tilespmem:s1+$0xC980]  }
0x344: {  	v1 =	vadd.f32 v2, v1;
	v2 =	vld [tilespmem:s1+$0xC9B0]  }
0x345: {  	v0 =	vadd.f32 v3, v0;
	v3 =	vld [tilespmem:s1+$0xC9A0]  }
0x346: {  	v1 =	vadd.f32 v4, v1;
	v4 =	vld [tilespmem:s1+$0xC9D0]  }
0x347: {  	v0 =	vadd.f32 v5, v0;
	v5 =	vld [tilespmem:s1+$0xC9C0]  }
0x348: {  	v1 =	vadd.f32 v6, v1;
	v6 =	vld [tilespmem:s1+$0xC9F0]  }
0x349: {  	v0 =	vadd.f32 v7, v0;
	v7 =	vld [tilespmem:s1+$0xC9E0]  }
0x34a: {  	v1 =	vadd.f32 v3, v1;
	v3 =	vld [tilespmem:s1+$0xCA10]  }
0x34b: {  	v0 =	vadd.f32 v2, v0;
	v2 =	vld [tilespmem:s1+$0xCA00]  }
0x34c: {  	v1 =	vadd.f32 v5, v1;
	v5 =	vld [tilespmem:s1+$0xCA30]  }
0x34d: {  	v0 =	vadd.f32 v4, v0;
	v4 =	vld [tilespmem:s1+$0xCA20]  }
0x34e: {  	v1 =	vadd.f32 v7, v1;
	v7 =	vld [tilespmem:s1+$0xCA50]  }
0x34f: {  	v0 =	vadd.f32 v6, v0;
	v6 =	vld [tilespmem:s1+$0xCA40]  }
0x350: {  	v1 =	vadd.f32 v2, v1;
	v2 =	vld [tilespmem:s1+$0xCA70]  }
0x351: {  	v0 =	vadd.f32 v3, v0;
	v3 =	vld [tilespmem:s1+$0xCA60]  }
0x352: {  	v1 =	vadd.f32 v4, v1  }
0x353: {  	v0 =	vadd.f32 v5, v0  }
.Ltmp7:
0x354: {  	v1 =	vadd.f32 v6, v1;
	(pc) =	sbr.rel @p0 .LBB2_16-.Ltmp7, $4  }
0x355: {  	v0 =	vadd.f32 v7, v0  }
0x356: {  	v3 =	vadd.f32 v3, v1  }
0x357: {  	v1 =	vadd.f32 v2, v0  }
0x358: {  	v0 =	vmul.f32 $5.000000070e-02, v3  }
0x359: {  	v1 =	vmul.f32 $5.000000070e-02, v1;
	s28 =	sadd.s32 $0x1, s28  }
0x35a: {  	[tilespmem:s31+$0xFFFFFFF0] =	vst v0;
	p0 =	sne.s32 s28, s13  }
.Ltmp8:
0x35b: {  	[tilespmem:s31+$0x0] =	vst v1;
	(pc) =	sbr.rel @p0 .LBB2_1-.Ltmp8, $4  }
0x35c: {  	[hbm4b:s12+s2] =	stream.linear.scatter [tilespmem:s19], [sflag:$0x3], $0x800, $0x38;
	[tilespmem:$0x17000] =	vst v63  }
0x35d: {  	_ =	swait.ge [sflag:s14], $0x800  }
0x35e: {  	[sflag:s14] =	ssyncset.done $0x0  }
0x35f: {  	[sflag:s14] =	ssyncadd.s32 $0xFFFFF800  }
0x360: {  	_ =	sfence.sel $0x180000  }
0x361: {  	[bflag:$0x0] =	sbarrier.arrive $0xFFFF  }
0x362: {  	_ =	strace $0x90000047  }
0x363: {  	[bflag:$0x2] =	sbarrier.arrive $0xFFFF  }
0x364: {  	p0 =	sne.s32 s0, $0x0;
	s0 =	rddreg [dreg:$0x2]  }
0x365: {  	s0 =	sadd.s32 @!p0 $0x100000, s0  }
0x366: {  	[sflag:s0] =	ssyncadd.tile.s32 @!p0 $0x1;
	_ =	shalt  }
.Lfunc_end2:
_tile_overlayer_lowered:
.L_overlay_start_2:
0x367: {  	(tag) =	ssettag $0x2  }
0x368: {  	s0 =	rddreg [dreg:$0x0];
	s2 =	stileid.u32  }
0x369: {  	s1 =	rddreg [dreg:$0x1];
	p0 =	sne.s32 s2, $0x0  }
0x36a: {  	s3 =	rddreg [dreg:$0x2];
	[bflag:$0x3] =	sbarrier.arrive $0xFFFF;
	s2 =	simm.s32 @!p0 $0x1C03  }
0x36b: {  	[timem:s3], [sflag:s2] =	dma.local @!p0 [hbm:s0], s1  }
0x36c: {  	s0 =	simm.s32 @!p0 $0x3  }
0x36d: {  	_ =	swait.ge @!p0 [sflag:s0], s1  }
0x36e: {  	s1 =	ssub.s32 @!p0 $0x0, s1;
	[sflag:s0] =	ssyncset.done @!p0 $0x0  }
0x36f: {  	[sflag:s0] =	ssyncadd.s32 @!p0 s1  }
0x370: {  	[bflag:$0x3] =	sbarrier.arrive $0xFFFF  }
0x371: {  	_ =	shalt  }

</sc_bundles>
